<compile_context>
chip_gen: v7x
topology: tpu7x:2x2x1
jax: 0.10.2.dev20260603
libtpu: 0.0.44.dev20260713+nightly
codegen_flags: <defaults>
</compile_context>

<pallas_src>
import functools
import math

import jax
import jax.numpy as jnp
from jax import lax
from jax.experimental import pallas as pl
from jax.experimental.pallas import tpu as pltpu
from jax.experimental.pallas import tpu_sc as plsc

ALPHA = 0.5
TAU_C = 0.0
TAU_E = 0.0
KC = 8.0
KE = 8.0
TOPK_RATIO = 0.2
EPS = 1e-06
R_PERCENT = 0.2

_L = 16


def _iota16():
    return lax.iota(jnp.int32, 16)


def _lane(v, i):
    return jnp.sum(jnp.where(_iota16() == i, v, jnp.zeros_like(v)))


def _sigv(x):
    return 1.0 / (1.0 + jnp.exp(-x))


def _inv_s(x):
    return _lane(1.0 / jnp.full((_L,), x), 0)


def _vsqrt(x):
    xc = jnp.maximum(x, 1e-30)
    i = plsc.bitcast(xc, jnp.int32)
    i = jnp.int32(0x5F3759DF) - (i >> 1)
    y = plsc.bitcast(i, jnp.float32)
    for _ in range(4):
        y = y * (1.5 - 0.5 * xc * y * y)
    return x * y


def _sc_score(k_tok, B, H, K,
              a_hbm, c_hbm, e_hbm, aw_hbm, mf_hbm,
              w_hbm, hidx_hbm, factor_hbm,
              arow, crow, mfrow, srow, wrow, awrow, sfrow, t16f, t16i,
              sfull_sh, spos_sh, tk_sh):
    nchunk = K // _L
    kf = jnp.float32(k_tok)
    b = lax.axis_index("c")
    s = lax.axis_index("s")
    z16 = jnp.zeros((_L,), jnp.float32)

    def _rsum(ref):
        def body(i, acc):
            return acc + ref[pl.ds(i * _L, _L)]
        return jnp.sum(lax.fori_loop(0, nchunk, body, z16))

    def _stats(ref):
        def body(i, carry):
            sm, s2 = carry
            v = ref[pl.ds(i * _L, _L)]
            return sm + v, s2 + v * v
        sm, s2 = lax.fori_loop(0, nchunk, body, (z16, z16))
        rn = jnp.float32(1.0 / K)
        mu = jnp.sum(sm) * rn
        var = jnp.maximum(jnp.sum(s2) * rn - mu * mu, 0.0)
        sd = _lane(_vsqrt(jnp.full((_L,), var)), 0)
        return mu, sd

    @pl.when(s == 0)
    def _():
        pltpu.sync_copy(a_hbm.at[b], arow)
        pltpu.sync_copy(c_hbm.at[b], crow)
        pltpu.sync_copy(mf_hbm.at[b], mfrow)
        mu_a, sd_a = _stats(arow)
        mu_c, sd_c = _stats(crow)
        inv_a = _inv_s(sd_a + EPS)
        inv_c = _inv_s(sd_c + EPS)

        def sbody(i, acc):
            sl = pl.ds(i * _L, _L)
            za = (arow[sl] - mu_a) * inv_a
            zc = (crow[sl] - mu_c) * inv_c
            sv = jnp.maximum(zc, 0.0) * _sigv(za) * mfrow[sl]
            srow[sl] = sv
            return acc + sv
        ssum = jnp.sum(lax.fori_loop(0, nchunk, sbody, z16))
        inv_ssum = _inv_s(ssum + EPS)

        def wbody(i, _):
            sl = pl.ds(i * _L, _L)
            wrow[sl] = srow[sl] * inv_ssum
            return 0
        lax.fori_loop(0, nchunk, wbody, 0)
        pltpu.sync_copy(wrow, w_hbm.at[b])
        pltpu.sync_copy(srow, sfull_sh)

    @pl.when((s == 1) | (s == 2))
    def _():
        @pl.when(s == 1)
        def _():
            pltpu.sync_copy(c_hbm.at[b], arow)

        @pl.when(s == 2)
        def _():
            pltpu.sync_copy(e_hbm.at[b], arow)

        mu, sd = _stats(arow)

        def mmbody(i, carry):
            mn, mx = carry
            v = arow[pl.ds(i * _L, _L)]
            return jnp.minimum(mn, v), jnp.maximum(mx, v)
        big = jnp.full((_L,), 3.0e38, jnp.float32)
        mnv, mxv = lax.fori_loop(0, nchunk, mmbody, (big, -big))
        lo0 = jnp.min(mnv)
        hi0 = jnp.max(mxv) + 1.0

        def bis(_, carry):
            lo, hi = carry
            mid = 0.5 * (lo + hi)

            def cbody(i, acc):
                for u in range(4):
                    v = arow[pl.ds((i * 4 + u) * _L, _L)]
                    acc = acc + jnp.where(v >= mid, 1.0, 0.0)
                return acc
            cnt = jnp.sum(lax.fori_loop(0, nchunk // 4, cbody, z16))
            pred = cnt >= kf
            return (jnp.where(pred, mid, lo), jnp.where(pred, hi, mid))
        t, _hi = lax.fori_loop(0, 24, bis, (lo0, hi0))

        def gtbody(i, carry):
            sg, cg = carry
            v = arow[pl.ds(i * _L, _L)]
            m = v > t
            return sg + jnp.where(m, v, 0.0), cg + jnp.where(m, 1.0, 0.0)
        sgv, cgv = lax.fori_loop(0, nchunk, gtbody, (z16, z16))
        top_sum = jnp.sum(sgv) + (kf - jnp.sum(cgv)) * t
        tk_z = (top_sum * jnp.float32(1.0 / k_tok) - mu) * _inv_s(sd + EPS)
        t16f[...] = jnp.full((_L,), tk_z)
        pltpu.sync_copy(t16f, tk_sh.at[s - 1])

    plsc.subcore_barrier()

    @pl.when(s != 0)
    def _():
        pltpu.sync_copy(mf_hbm.at[b], mfrow)
    pltpu.sync_copy(sfull_sh, sfrow)

    spvec = z16
    for hh in range(2):
        h = s * 2 + hh
        pltpu.sync_copy(aw_hbm.at[b, h], awrow)

        def hbody(i, carry):
            nv, dv = carry
            sl = pl.ds(i * _L, _L)
            av = awrow[sl]
            return nv + av * sfrow[sl], dv + av * mfrow[sl]
        nv, dv = lax.fori_loop(0, nchunk, hbody, (z16, z16))
        sp = jnp.sum(nv) * _inv_s(jnp.sum(dv) + EPS)
        spvec = jnp.where(_iota16() == hh, sp, spvec)
    t16f[...] = spvec
    pltpu.sync_copy(t16f, spos_sh.at[s])

    plsc.subcore_barrier()

    @pl.when(s == 0)
    def _():
        io = _iota16()
        s0 = z16
        s1 = z16
        for si in range(16):
            pltpu.sync_copy(spos_sh.at[si], t16f)
            v = t16f[...]
            a0 = _lane(v, 0)
            a1 = _lane(v, 1)
            h0 = 2 * si
            if h0 < 16:
                s0 = jnp.where(io == h0, a0, s0)
            else:
                s1 = jnp.where(io == h0 - 16, a0, s1)
            h1 = 2 * si + 1
            if h1 < 16:
                s0 = jnp.where(io == h1, a1, s0)
            else:
                s1 = jnp.where(io == h1 - 16, a1, s1)

        pltpu.sync_copy(tk_sh.at[0], t16f)
        tkc = _lane(t16f[...], 0)
        pltpu.sync_copy(tk_sh.at[1], t16f)
        tke = _lane(t16f[...], 0)
        gv = _sigv(jnp.full((_L,), KC * (TAU_C - tkc))) * \
            _sigv(jnp.full((_L,), KE * (TAU_E - tke)))
        g = _lane(gv, 0)

        zi = jnp.zeros((_L,), jnp.int32)
        one = jnp.ones((_L,), jnp.int32)
        i0 = io
        i1 = io + 16
        rank0 = zi
        rank1 = zi
        for j in range(H):
            sj = _lane(s0, j) if j < 16 else _lane(s1, j - 16)
            rank0 = rank0 + jnp.where(
                (sj > s0) | ((sj == s0) & (j < i0)), one, zi)
            rank1 = rank1 + jnp.where(
                (sj > s1) | ((sj == s1) & (j < i1)), one, zi)

        hvec = zi
        fvec = z16
        for j in range(7):
            e0 = rank0 == j
            e1 = rank1 == j
            hj = jnp.sum(jnp.where(e0, i0, zi)) + \
                jnp.sum(jnp.where(e1, i1, zi))
            spj = jnp.sum(jnp.where(e0, s0, z16)) + \
                jnp.sum(jnp.where(e1, s1, z16))
            fj = jnp.float32(ALPHA) * g * jnp.where(spj > 0.0, 1.0, 0.0)
            hvec = jnp.where(io == j, hj, hvec)
            fvec = jnp.where(io == j, fj, fvec)
        t16i[...] = hvec
        pltpu.sync_copy(t16i, hidx_hbm.at[b])
        t16f[...] = fvec
        pltpu.sync_copy(t16f, factor_hbm.at[b])


def kernel(attn_output, value_states, A, C, E, D, attn_weights_last,
           image_mask):
    del D
    B, H, Q, DH = attn_output.shape
    K = value_states.shape[2]
    k_tok = min(max(1, int(math.ceil(TOPK_RATIO * K))), K)
    k_heads = min(max(1, int(math.ceil(R_PERCENT * H))), H)

    mf = image_mask.astype(jnp.float32)

    mesh = plsc.VectorSubcoreMesh(core_axis_name="c", subcore_axis_name="s")
    w, hidx, factor = pl.kernel(
        functools.partial(_sc_score, k_tok, B, H, K),
        out_type=[
            jax.ShapeDtypeStruct((B, K), jnp.float32),
            jax.ShapeDtypeStruct((B, _L), jnp.int32),
            jax.ShapeDtypeStruct((B, _L), jnp.float32),
        ],
        mesh=mesh,
        compiler_params=pltpu.CompilerParams(needs_layout_passes=False),
        scratch_types=[
            pltpu.VMEM((K,), jnp.float32),
            pltpu.VMEM((K,), jnp.float32),
            pltpu.VMEM((K,), jnp.float32),
            pltpu.VMEM((K,), jnp.float32),
            pltpu.VMEM((K,), jnp.float32),
            pltpu.VMEM((K,), jnp.float32),
            pltpu.VMEM((K,), jnp.float32),
            pltpu.VMEM((_L,), jnp.float32),
            pltpu.VMEM((_L,), jnp.int32),
            pltpu.VMEM_SHARED((K,), jnp.float32),
            pltpu.VMEM_SHARED((16, _L), jnp.float32),
            pltpu.VMEM_SHARED((2, _L), jnp.float32),
        ],
    )(A, C, E, attn_weights_last, mf)

    def _copy(src_ref, dst_ref):
        dst_ref[...] = src_ref[...]

    rows = B * H * Q
    blk = 16384
    flat = attn_output.reshape(rows, DH)
    attn_copy = pl.pallas_call(
        _copy,
        grid=(rows // blk,),
        in_specs=[pl.BlockSpec((blk, DH), lambda i: (i, 0))],
        out_specs=pl.BlockSpec((blk, DH), lambda i: (i, 0)),
        out_shape=jax.ShapeDtypeStruct((rows, DH), jnp.float32),
    )(flat).reshape(B, H, Q, DH)

    def _upd(hidx_sm, factor_sm, v_ref, w_ref, attn_ref, out_ref):
        b = pl.program_id(0)
        j = pl.program_id(1)

        @pl.when(j == 0)
        def _():
            out_ref[...] = attn_ref[...]

        wv = jax.lax.dot_general(
            w_ref[0], v_ref[0, 0], (((1,), (0,)), ((), ())),
            preferred_element_type=jnp.float32)
        f = factor_sm[b, j]
        h = hidx_sm[b, j]
        out_ref[0, pl.ds(h, 1), 7, :] += f * wv

    grid_spec = pltpu.PrefetchScalarGridSpec(
        num_scalar_prefetch=2,
        grid=(B, k_heads),
        in_specs=[
            pl.BlockSpec((1, 1, K, DH),
                         lambda b, j, hidx, factor: (b, hidx[b, j], 0, 0)),
            pl.BlockSpec((1, 1, K), lambda b, j, hidx, factor: (b, 0, 0)),
            pl.BlockSpec((1, H, 8, DH),
                         lambda b, j, hidx, factor: (b, 0, Q // 8 - 1, 0)),
        ],
        out_specs=pl.BlockSpec((1, H, 8, DH),
                               lambda b, j, hidx, factor: (b, 0, Q // 8 - 1, 0)),
    )

    out = pl.pallas_call(
        _upd,
        grid_spec=grid_spec,
        out_shape=jax.ShapeDtypeStruct((B, H, Q, DH), jnp.float32),
        input_output_aliases={4: 0},
    )(hidx, factor, value_states, w.reshape(B, 1, K), attn_copy)
    return out

# --- scband reference (transcript-rebuilt; emitter-appended) ---
"""Pipeline reference for scband-frrs-74053826117641 (READ-ONLY COPY).

The authoritative reference and input builder live on the scoring server;
editing this copy changes nothing except your own understanding.
"""

import jax, jax.numpy as jnp
import numpy as np
import math

ALPHA = 0.5; BETA = 0.5; TAU_C = 0.0; TAU_E = 0.0; KC = 8.0; KE = 8.0
TOPK_RATIO = 0.2; EPS = 1e-06; R_PERCENT = 0.2
B, H, Q, DH, K = 2, 32, 2048, 128, 2048


def _zscore(x):
    mu = x.mean(axis=-1, keepdims=True)
    sd = x.std(axis=-1, keepdims=True)  # population std, matches torch unbiased=False
    return (x - mu) / (sd + EPS)


def _topk_mean(x):
    k = min(max(1, int(math.ceil(TOPK_RATIO * x.shape[-1]))), x.shape[-1])
    vals = jax.lax.top_k(x, k)[0]
    return vals.mean(axis=-1)


def _topk_binary(scores, k):
    vals, idx = jax.lax.top_k(scores, k)
    out = jnp.zeros_like(scores)
    rows = jnp.arange(scores.shape[0])[:, None]
    return out.at[rows, idx].set((vals > 0).astype(scores.dtype))


def setup_inputs(seed: int = 0):
    key = jax.random.key(seed)
    ks = jax.random.split(key, 8)
    return {
        "attn_output": jax.random.normal(ks[0], (B, H, Q, DH), dtype=jnp.float32),
        "value_states": jax.random.normal(ks[1], (B, H, K, DH), dtype=jnp.float32),
        "A": jax.random.normal(ks[2], (B, K), dtype=jnp.float32),
        "C": jax.random.normal(ks[3], (B, K), dtype=jnp.float32),
        "E": jax.random.normal(ks[4], (B, K), dtype=jnp.float32),
        "D": jax.random.normal(ks[5], (B, K), dtype=jnp.float32),
        "attn_weights_last": jax.random.uniform(ks[6], (B, H, K), dtype=jnp.float32),
        "image_mask": jnp.ones((B, K), dtype=bool),
    }


def reference(attn_output, value_states, A, C, E, D, attn_weights_last, image_mask):
    # token scores (recomputed each forward)
    zA = _zscore(A); zC = _zscore(C); zE = _zscore(E); zD = _zscore(D)
    S = jax.nn.relu(zC) * jax.nn.sigmoid(zA)
    M = jax.nn.sigmoid(zD) * jax.nn.sigmoid(zA) / (1.0 + jax.nn.relu(zC))
    g = jax.nn.sigmoid(KC * (TAU_C - _topk_mean(zC))) * jax.nn.sigmoid(KE * (TAU_E - _topk_mean(zE)))
    # align image-token scores to full K (mask is all-ones here so K_img == K; identity alignment)
    mf = image_mask.astype(jnp.float32)
    s_full = S * mf
    m_full = M * mf
    sbar = s_full / (s_full.sum(axis=-1, keepdims=True) + EPS)
    mbar = m_full / (m_full.sum(axis=-1, keepdims=True) + EPS)
    # visual summaries per head
    u_pos = jnp.einsum('bk,bhkd->bhd', sbar, value_states)
    u_neg = jnp.einsum('bk,bhkd->bhd', mbar, value_states)
    # dynamic head routing from image-only normalized attention
    attn_img = attn_weights_last * mf[:, None, :]
    attn_img_norm = attn_img / (attn_img.sum(axis=-1, keepdims=True) + EPS)
    s_pos = (attn_img_norm * s_full[:, None, :]).sum(axis=-1)
    s_neg = (attn_img_norm * m_full[:, None, :]).sum(axis=-1)
    k_heads = min(max(1, int(math.ceil(R_PERCENT * H))), H)
    m_pos = _topk_binary(s_pos, k_heads)
    neg_scores = jnp.where(m_pos > 0, jnp.float32(-jnp.inf), s_neg)
    m_neg = _topk_binary(neg_scores, k_heads) * (m_pos == 0).astype(jnp.float32)
    # supportive arm: steer last query row only
    delta = g[:, None, None] * ALPHA * (m_pos[:, :, None] * u_pos)
    out = attn_output.at[:, :, -1, :].add(delta)
    return out

if __name__ == "__main__":
    import jax
    _d = setup_inputs()
    print(jax.jit(kernel)(*tuple(_d.values())))

</pallas_src>

<mosaic_0001>
#map = affine_map<(d0, d1) -> (0, 0)>
#map1 = affine_map<(d0, d1) -> (0, 0, 0)>
module attributes {stable_mosaic.version = 14 : i64} {
  func.func @_sc_score(%arg0: i32, %arg1: i32, %arg2: memref<2x2048xf32, #tpu.memory_space<hbm>>, %arg3: memref<2x2048xf32, #tpu.memory_space<hbm>>, %arg4: memref<2x2048xf32, #tpu.memory_space<hbm>>, %arg5: memref<2x32x2048xf32, #tpu.memory_space<hbm>>, %arg6: memref<2x2048xf32, #tpu.memory_space<hbm>>, %arg7: memref<2x2048xf32, #tpu.memory_space<hbm>>, %arg8: memref<2x16xi32, #tpu.memory_space<hbm>>, %arg9: memref<2x16xf32, #tpu.memory_space<hbm>>, %arg10: memref<2048xf32, #tpu.memory_space<vmem>>, %arg11: memref<2048xf32, #tpu.memory_space<vmem>>, %arg12: memref<2048xf32, #tpu.memory_space<vmem>>, %arg13: memref<2048xf32, #tpu.memory_space<vmem>>, %arg14: memref<2048xf32, #tpu.memory_space<vmem>>, %arg15: memref<2048xf32, #tpu.memory_space<vmem>>, %arg16: memref<2048xf32, #tpu.memory_space<vmem>>, %arg17: memref<16xf32, #tpu.memory_space<vmem>>, %arg18: memref<16xi32, #tpu.memory_space<vmem>>, %arg19: memref<2048xf32, #tpu.memory_space<vmem_shared>>, %arg20: memref<16x16xf32, #tpu.memory_space<vmem_shared>>, %arg21: memref<2x16xf32, #tpu.memory_space<vmem_shared>>) attributes {dimension_semantics = [#tpu.dimension_semantics<core_parallel>, #tpu.dimension_semantics<subcore_parallel>], iteration_bounds = array<i64: 2, 16>, scalar_prefetch = 0 : i64, scratch_operands = 12 : i64, tpu.core_type = #tpu.core_type<sc_vector_subcore>, window_params = [{transform_indices = #map}, {transform_indices = #map}, {transform_indices = #map}, {transform_indices = #map1}, {transform_indices = #map}, {transform_indices = #map}, {transform_indices = #map}, {transform_indices = #map}]} {
    %broadcast_in_dim3A = arith.constant 0.000000e+00 : f32
    %broadcast_in_dim3A_0 = vector.broadcast %broadcast_in_dim3A : f32 to vector<16xf32>
    %eq3A = arith.constant 0 : i32
    %eq3A_1 = arith.cmpi eq, %arg1, %eq3A : i32
    %convert_element_type3A = arith.extui %eq3A_1 : i1 to i32
    %cond3A = arith.constant 0 : i32
    %cond3A_2 = arith.cmpi ne, %convert_element_type3A, %cond3A : i32
    scf.if %cond3A_2 {
      "tpu.region"() ({
        %run_scoped3A = tpu.sem_alloc : memref<!tpu.dma_semaphore, #tpu.memory_space<semaphore_mem>>
        %dma_start3A = arith.constant 0 : i32
        %dma_start3A_327 = tpu.memref_slice %arg2[%arg0, %dma_start3A] : memref<2x2048xf32, #tpu.memory_space<hbm>> -> memref<1x2048xf32, #tpu.memory_space<hbm>>
        %dma_start3A_328 = tpu.memref_squeeze %dma_start3A_327 : memref<1x2048xf32, #tpu.memory_space<hbm>> -> memref<2048xf32, #tpu.memory_space<hbm>>
        %dma_start3A_329 = arith.constant 0 : i32
        %dma_start3A_330 = tpu.memref_slice %arg2[%arg0, %dma_start3A_329] : memref<2x2048xf32, #tpu.memory_space<hbm>> -> memref<1x2048xf32, #tpu.memory_space<hbm>>
        %dma_start3A_331 = tpu.memref_squeeze %dma_start3A_330 : memref<1x2048xf32, #tpu.memory_space<hbm>> -> memref<2048xf32, #tpu.memory_space<hbm>>
        tpu.enqueue_dma source(%dma_start3A_331 : memref<2048xf32, #tpu.memory_space<hbm>>) target(%arg10 : memref<2048xf32, #tpu.memory_space<vmem>>) target_semaphore(%run_scoped3A : memref<!tpu.dma_semaphore, #tpu.memory_space<semaphore_mem>>)
        %dma_wait3A = arith.constant 0 : i32
        %dma_wait3A_332 = tpu.memref_slice %arg2[%arg0, %dma_wait3A] : memref<2x2048xf32, #tpu.memory_space<hbm>> -> memref<1x2048xf32, #tpu.memory_space<hbm>>
        %dma_wait3A_333 = tpu.memref_squeeze %dma_wait3A_332 : memref<1x2048xf32, #tpu.memory_space<hbm>> -> memref<2048xf32, #tpu.memory_space<hbm>>
        %dma_wait3A_334 = arith.constant 0 : i32
        %dma_wait3A_335 = tpu.memref_slice %arg2[%arg0, %dma_wait3A_334] : memref<2x2048xf32, #tpu.memory_space<hbm>> -> memref<1x2048xf32, #tpu.memory_space<hbm>>
        %dma_wait3A_336 = tpu.memref_squeeze %dma_wait3A_335 : memref<1x2048xf32, #tpu.memory_space<hbm>> -> memref<2048xf32, #tpu.memory_space<hbm>>
        tpu.wait_dma2 semaphore(%run_scoped3A : memref<!tpu.dma_semaphore, #tpu.memory_space<semaphore_mem>>) src(%dma_wait3A_336 : memref<2048xf32, #tpu.memory_space<hbm>>) dst(%arg10 : memref<2048xf32, #tpu.memory_space<vmem>>)
        tpu.yield
      }) : () -> ()
      "tpu.region"() ({
        %run_scoped3A = tpu.sem_alloc : memref<!tpu.dma_semaphore, #tpu.memory_space<semaphore_mem>>
        %dma_start3A = arith.constant 0 : i32
        %dma_start3A_327 = tpu.memref_slice %arg3[%arg0, %dma_start3A] : memref<2x2048xf32, #tpu.memory_space<hbm>> -> memref<1x2048xf32, #tpu.memory_space<hbm>>
        %dma_start3A_328 = tpu.memref_squeeze %dma_start3A_327 : memref<1x2048xf32, #tpu.memory_space<hbm>> -> memref<2048xf32, #tpu.memory_space<hbm>>
        %dma_start3A_329 = arith.constant 0 : i32
        %dma_start3A_330 = tpu.memref_slice %arg3[%arg0, %dma_start3A_329] : memref<2x2048xf32, #tpu.memory_space<hbm>> -> memref<1x2048xf32, #tpu.memory_space<hbm>>
        %dma_start3A_331 = tpu.memref_squeeze %dma_start3A_330 : memref<1x2048xf32, #tpu.memory_space<hbm>> -> memref<2048xf32, #tpu.memory_space<hbm>>
        tpu.enqueue_dma source(%dma_start3A_331 : memref<2048xf32, #tpu.memory_space<hbm>>) target(%arg11 : memref<2048xf32, #tpu.memory_space<vmem>>) target_semaphore(%run_scoped3A : memref<!tpu.dma_semaphore, #tpu.memory_space<semaphore_mem>>)
        %dma_wait3A = arith.constant 0 : i32
        %dma_wait3A_332 = tpu.memref_slice %arg3[%arg0, %dma_wait3A] : memref<2x2048xf32, #tpu.memory_space<hbm>> -> memref<1x2048xf32, #tpu.memory_space<hbm>>
        %dma_wait3A_333 = tpu.memref_squeeze %dma_wait3A_332 : memref<1x2048xf32, #tpu.memory_space<hbm>> -> memref<2048xf32, #tpu.memory_space<hbm>>
        %dma_wait3A_334 = arith.constant 0 : i32
        %dma_wait3A_335 = tpu.memref_slice %arg3[%arg0, %dma_wait3A_334] : memref<2x2048xf32, #tpu.memory_space<hbm>> -> memref<1x2048xf32, #tpu.memory_space<hbm>>
        %dma_wait3A_336 = tpu.memref_squeeze %dma_wait3A_335 : memref<1x2048xf32, #tpu.memory_space<hbm>> -> memref<2048xf32, #tpu.memory_space<hbm>>
        tpu.wait_dma2 semaphore(%run_scoped3A : memref<!tpu.dma_semaphore, #tpu.memory_space<semaphore_mem>>) src(%dma_wait3A_336 : memref<2048xf32, #tpu.memory_space<hbm>>) dst(%arg11 : memref<2048xf32, #tpu.memory_space<vmem>>)
        tpu.yield
      }) : () -> ()
      "tpu.region"() ({
        %run_scoped3A = tpu.sem_alloc : memref<!tpu.dma_semaphore, #tpu.memory_space<semaphore_mem>>
        %dma_start3A = arith.constant 0 : i32
        %dma_start3A_327 = tpu.memref_slice %arg6[%arg0, %dma_start3A] : memref<2x2048xf32, #tpu.memory_space<hbm>> -> memref<1x2048xf32, #tpu.memory_space<hbm>>
        %dma_start3A_328 = tpu.memref_squeeze %dma_start3A_327 : memref<1x2048xf32, #tpu.memory_space<hbm>> -> memref<2048xf32, #tpu.memory_space<hbm>>
        %dma_start3A_329 = arith.constant 0 : i32
        %dma_start3A_330 = tpu.memref_slice %arg6[%arg0, %dma_start3A_329] : memref<2x2048xf32, #tpu.memory_space<hbm>> -> memref<1x2048xf32, #tpu.memory_space<hbm>>
        %dma_start3A_331 = tpu.memref_squeeze %dma_start3A_330 : memref<1x2048xf32, #tpu.memory_space<hbm>> -> memref<2048xf32, #tpu.memory_space<hbm>>
        tpu.enqueue_dma source(%dma_start3A_331 : memref<2048xf32, #tpu.memory_space<hbm>>) target(%arg12 : memref<2048xf32, #tpu.memory_space<vmem>>) target_semaphore(%run_scoped3A : memref<!tpu.dma_semaphore, #tpu.memory_space<semaphore_mem>>)
        %dma_wait3A = arith.constant 0 : i32
        %dma_wait3A_332 = tpu.memref_slice %arg6[%arg0, %dma_wait3A] : memref<2x2048xf32, #tpu.memory_space<hbm>> -> memref<1x2048xf32, #tpu.memory_space<hbm>>
        %dma_wait3A_333 = tpu.memref_squeeze %dma_wait3A_332 : memref<1x2048xf32, #tpu.memory_space<hbm>> -> memref<2048xf32, #tpu.memory_space<hbm>>
        %dma_wait3A_334 = arith.constant 0 : i32
        %dma_wait3A_335 = tpu.memref_slice %arg6[%arg0, %dma_wait3A_334] : memref<2x2048xf32, #tpu.memory_space<hbm>> -> memref<1x2048xf32, #tpu.memory_space<hbm>>
        %dma_wait3A_336 = tpu.memref_squeeze %dma_wait3A_335 : memref<1x2048xf32, #tpu.memory_space<hbm>> -> memref<2048xf32, #tpu.memory_space<hbm>>
        tpu.wait_dma2 semaphore(%run_scoped3A : memref<!tpu.dma_semaphore, #tpu.memory_space<semaphore_mem>>) src(%dma_wait3A_336 : memref<2048xf32, #tpu.memory_space<hbm>>) dst(%arg12 : memref<2048xf32, #tpu.memory_space<vmem>>)
        tpu.yield
      }) : () -> ()
      %scan3A_99 = arith.constant 0 : i32
      %scan3A_100 = arith.constant 128 : i32
      %scan3A_101 = arith.addi %scan3A_99, %scan3A_100 : i32
      %scan3A_102 = arith.constant 1 : i32
      %scan3A_103:2 = scf.for %scan3A_327 = %scan3A_99 to %scan3A_101 step %scan3A_102 iter_args(%scan3A_328 = %broadcast_in_dim3A_0, %scan3A_329 = %broadcast_in_dim3A_0) -> (vector<16xf32>, vector<16xf32>)  : i32 {
        %mul3A_330 = arith.constant 16 : i32
        %mul3A_331 = arith.muli %scan3A_327, %mul3A_330 : i32
        %get3A = arith.index_cast %mul3A_331 : i32 to index
        %get3A_332 = tpu.vector_load %arg10[%get3A] {strides = array<i32>} : memref<2048xf32, #tpu.memory_space<vmem>>, vector<16xf32>,
        %add3A_333 = arith.addf %scan3A_328, %get3A_332 : vector<16xf32>
        %mul3A_334 = arith.mulf %get3A_332, %get3A_332 : vector<16xf32>
        %add3A_335 = arith.addf %scan3A_329, %mul3A_334 : vector<16xf32>
        scf.yield %add3A_333, %add3A_335 : vector<16xf32>, vector<16xf32>
      }
      %scan3A_104 = arith.constant 128 : i32
      %reduce_sum3A_105 = arith.constant true
      %reduce_sum3A_106 = vector.broadcast %reduce_sum3A_105 : i1 to vector<16xi1>
      %reduce_sum3A_107 = tpu.scan <sum>, %scan3A_103#0 masked %reduce_sum3A_106 : vector<16xf32>, vector<16xi1> -> vector<16xf32>
      %reduce_sum3A_108 = vector.extract %reduce_sum3A_107[15] : f32 from vector<16xf32>
      %mul3A_109 = arith.constant 4.8828125E-4 : f32
      %mul3A_110 = arith.mulf %reduce_sum3A_108, %mul3A_109 : f32
      %reduce_sum3A_111 = arith.constant true
      %reduce_sum3A_112 = vector.broadcast %reduce_sum3A_111 : i1 to vector<16xi1>
      %reduce_sum3A_113 = tpu.scan <sum>, %scan3A_103#1 masked %reduce_sum3A_112 : vector<16xf32>, vector<16xi1> -> vector<16xf32>
      %reduce_sum3A_114 = vector.extract %reduce_sum3A_113[15] : f32 from vector<16xf32>
      %mul3A_115 = arith.constant 4.8828125E-4 : f32
      %mul3A_116 = arith.mulf %reduce_sum3A_114, %mul3A_115 : f32
      %mul3A_117 = arith.mulf %mul3A_110, %mul3A_110 : f32
      %sub3A = arith.subf %mul3A_116, %mul3A_117 : f32
      %max3A = arith.constant 0.000000e+00 : f32
      %max3A_118 = arith.maximumf %sub3A, %max3A : f32
      %broadcast_in_dim3A_119 = vector.broadcast %max3A_118 : f32 to vector<16xf32>
      %max3A_120 = arith.constant 1.000000e-30 : f32
      %max3A_121 = vector.broadcast %max3A_120 : f32 to vector<16xf32>
      %max3A_122 = arith.maximumf %broadcast_in_dim3A_119, %max3A_121 : vector<16xf32>
      %bitcast3A = vector.bitcast %max3A_122 : vector<16xf32> to vector<16xi32>
      %shift_right_arithmetic3A = arith.constant 1 : i32
      %shift_right_arithmetic3A_123 = vector.broadcast %shift_right_arithmetic3A : i32 to vector<16xi32>
      %shift_right_arithmetic3A_124 = arith.shrsi %bitcast3A, %shift_right_arithmetic3A_123 : vector<16xi32>
      %sub3A_125 = arith.constant 1597463007 : i32
      %sub3A_126 = vector.broadcast %sub3A_125 : i32 to vector<16xi32>
      %sub3A_127 = arith.subi %sub3A_126, %shift_right_arithmetic3A_124 : vector<16xi32>
      %bitcast3A_128 = vector.bitcast %sub3A_127 : vector<16xi32> to vector<16xf32>
      %mul3A_129 = arith.constant 5.000000e-01 : f32
      %mul3A_130 = vector.broadcast %mul3A_129 : f32 to vector<16xf32>
      %mul3A_131 = arith.mulf %mul3A_130, %max3A_122 : vector<16xf32>
      %mul3A_132 = arith.mulf %mul3A_131, %bitcast3A_128 : vector<16xf32>
      %mul3A_133 = arith.mulf %mul3A_132, %bitcast3A_128 : vector<16xf32>
      %sub3A_134 = arith.constant 1.500000e+00 : f32
      %sub3A_135 = vector.broadcast %sub3A_134 : f32 to vector<16xf32>
      %sub3A_136 = arith.subf %sub3A_135, %mul3A_133 : vector<16xf32>
      %mul3A_137 = arith.mulf %bitcast3A_128, %sub3A_136 : vector<16xf32>
      %mul3A_138 = arith.constant 5.000000e-01 : f32
      %mul3A_139 = vector.broadcast %mul3A_138 : f32 to vector<16xf32>
      %mul3A_140 = arith.mulf %mul3A_139, %max3A_122 : vector<16xf32>
      %mul3A_141 = arith.mulf %mul3A_140, %mul3A_137 : vector<16xf32>
      %mul3A_142 = arith.mulf %mul3A_141, %mul3A_137 : vector<16xf32>
      %sub3A_143 = arith.constant 1.500000e+00 : f32
      %sub3A_144 = vector.broadcast %sub3A_143 : f32 to vector<16xf32>
      %sub3A_145 = arith.subf %sub3A_144, %mul3A_142 : vector<16xf32>
      %mul3A_146 = arith.mulf %mul3A_137, %sub3A_145 : vector<16xf32>
      %mul3A_147 = arith.constant 5.000000e-01 : f32
      %mul3A_148 = vector.broadcast %mul3A_147 : f32 to vector<16xf32>
      %mul3A_149 = arith.mulf %mul3A_148, %max3A_122 : vector<16xf32>
      %mul3A_150 = arith.mulf %mul3A_149, %mul3A_146 : vector<16xf32>
      %mul3A_151 = arith.mulf %mul3A_150, %mul3A_146 : vector<16xf32>
      %sub3A_152 = arith.constant 1.500000e+00 : f32
      %sub3A_153 = vector.broadcast %sub3A_152 : f32 to vector<16xf32>
      %sub3A_154 = arith.subf %sub3A_153, %mul3A_151 : vector<16xf32>
      %mul3A_155 = arith.mulf %mul3A_146, %sub3A_154 : vector<16xf32>
      %mul3A_156 = arith.constant 5.000000e-01 : f32
      %mul3A_157 = vector.broadcast %mul3A_156 : f32 to vector<16xf32>
      %mul3A_158 = arith.mulf %mul3A_157, %max3A_122 : vector<16xf32>
      %mul3A_159 = arith.mulf %mul3A_158, %mul3A_155 : vector<16xf32>
      %mul3A_160 = arith.mulf %mul3A_159, %mul3A_155 : vector<16xf32>
      %sub3A_161 = arith.constant 1.500000e+00 : f32
      %sub3A_162 = vector.broadcast %sub3A_161 : f32 to vector<16xf32>
      %sub3A_163 = arith.subf %sub3A_162, %mul3A_160 : vector<16xf32>
      %mul3A_164 = arith.mulf %mul3A_155, %sub3A_163 : vector<16xf32>
      %mul3A_165 = arith.mulf %broadcast_in_dim3A_119, %mul3A_164 : vector<16xf32>
      %iota3A_166 = tpu.iota {dimensions = array<i32: 0>} : vector<16xi32>
      %eq3A_167 = arith.constant 0 : i32
      %eq3A_168 = vector.broadcast %eq3A_167 : i32 to vector<16xi32>
      %eq3A_169 = arith.cmpi eq, %iota3A_166, %eq3A_168 : vector<16xi32>
      %broadcast_in_dim3A_170 = arith.constant 0.000000e+00 : f32
      %broadcast_in_dim3A_171 = vector.broadcast %broadcast_in_dim3A_170 : f32 to vector<16xf32>
      %select_n3A_172 = arith.select %eq3A_169, %mul3A_165, %broadcast_in_dim3A_171 : vector<16xi1>, vector<16xf32>
      %reduce_sum3A_173 = arith.constant true
      %reduce_sum3A_174 = vector.broadcast %reduce_sum3A_173 : i1 to vector<16xi1>
      %reduce_sum3A_175 = tpu.scan <sum>, %select_n3A_172 masked %reduce_sum3A_174 : vector<16xf32>, vector<16xi1> -> vector<16xf32>
      %reduce_sum3A_176 = vector.extract %reduce_sum3A_175[15] : f32 from vector<16xf32>
      %scan3A_177 = arith.constant 0 : i32
      %scan3A_178 = arith.constant 128 : i32
      %scan3A_179 = arith.addi %scan3A_177, %scan3A_178 : i32
      %scan3A_180 = arith.constant 1 : i32
      %scan3A_181:2 = scf.for %scan3A_327 = %scan3A_177 to %scan3A_179 step %scan3A_180 iter_args(%scan3A_328 = %broadcast_in_dim3A_0, %scan3A_329 = %broadcast_in_dim3A_0) -> (vector<16xf32>, vector<16xf32>)  : i32 {
        %mul3A_330 = arith.constant 16 : i32
        %mul3A_331 = arith.muli %scan3A_327, %mul3A_330 : i32
        %get3A = arith.index_cast %mul3A_331 : i32 to index
        %get3A_332 = tpu.vector_load %arg11[%get3A] {strides = array<i32>} : memref<2048xf32, #tpu.memory_space<vmem>>, vector<16xf32>,
        %add3A_333 = arith.addf %scan3A_328, %get3A_332 : vector<16xf32>
        %mul3A_334 = arith.mulf %get3A_332, %get3A_332 : vector<16xf32>
        %add3A_335 = arith.addf %scan3A_329, %mul3A_334 : vector<16xf32>
        scf.yield %add3A_333, %add3A_335 : vector<16xf32>, vector<16xf32>
      }
      %scan3A_182 = arith.constant 128 : i32
      %reduce_sum3A_183 = arith.constant true
      %reduce_sum3A_184 = vector.broadcast %reduce_sum3A_183 : i1 to vector<16xi1>
      %reduce_sum3A_185 = tpu.scan <sum>, %scan3A_181#0 masked %reduce_sum3A_184 : vector<16xf32>, vector<16xi1> -> vector<16xf32>
      %reduce_sum3A_186 = vector.extract %reduce_sum3A_185[15] : f32 from vector<16xf32>
      %mul3A_187 = arith.constant 4.8828125E-4 : f32
      %mul3A_188 = arith.mulf %reduce_sum3A_186, %mul3A_187 : f32
      %reduce_sum3A_189 = arith.constant true
      %reduce_sum3A_190 = vector.broadcast %reduce_sum3A_189 : i1 to vector<16xi1>
      %reduce_sum3A_191 = tpu.scan <sum>, %scan3A_181#1 masked %reduce_sum3A_190 : vector<16xf32>, vector<16xi1> -> vector<16xf32>
      %reduce_sum3A_192 = vector.extract %reduce_sum3A_191[15] : f32 from vector<16xf32>
      %mul3A_193 = arith.constant 4.8828125E-4 : f32
      %mul3A_194 = arith.mulf %reduce_sum3A_192, %mul3A_193 : f32
      %mul3A_195 = arith.mulf %mul3A_188, %mul3A_188 : f32
      %sub3A_196 = arith.subf %mul3A_194, %mul3A_195 : f32
      %max3A_197 = arith.constant 0.000000e+00 : f32
      %max3A_198 = arith.maximumf %sub3A_196, %max3A_197 : f32
      %broadcast_in_dim3A_199 = vector.broadcast %max3A_198 : f32 to vector<16xf32>
      %max3A_200 = arith.constant 1.000000e-30 : f32
      %max3A_201 = vector.broadcast %max3A_200 : f32 to vector<16xf32>
      %max3A_202 = arith.maximumf %broadcast_in_dim3A_199, %max3A_201 : vector<16xf32>
      %bitcast3A_203 = vector.bitcast %max3A_202 : vector<16xf32> to vector<16xi32>
      %shift_right_arithmetic3A_204 = arith.constant 1 : i32
      %shift_right_arithmetic3A_205 = vector.broadcast %shift_right_arithmetic3A_204 : i32 to vector<16xi32>
      %shift_right_arithmetic3A_206 = arith.shrsi %bitcast3A_203, %shift_right_arithmetic3A_205 : vector<16xi32>
      %sub3A_207 = arith.constant 1597463007 : i32
      %sub3A_208 = vector.broadcast %sub3A_207 : i32 to vector<16xi32>
      %sub3A_209 = arith.subi %sub3A_208, %shift_right_arithmetic3A_206 : vector<16xi32>
      %bitcast3A_210 = vector.bitcast %sub3A_209 : vector<16xi32> to vector<16xf32>
      %mul3A_211 = arith.constant 5.000000e-01 : f32
      %mul3A_212 = vector.broadcast %mul3A_211 : f32 to vector<16xf32>
      %mul3A_213 = arith.mulf %mul3A_212, %max3A_202 : vector<16xf32>
      %mul3A_214 = arith.mulf %mul3A_213, %bitcast3A_210 : vector<16xf32>
      %mul3A_215 = arith.mulf %mul3A_214, %bitcast3A_210 : vector<16xf32>
      %sub3A_216 = arith.constant 1.500000e+00 : f32
      %sub3A_217 = vector.broadcast %sub3A_216 : f32 to vector<16xf32>
      %sub3A_218 = arith.subf %sub3A_217, %mul3A_215 : vector<16xf32>
      %mul3A_219 = arith.mulf %bitcast3A_210, %sub3A_218 : vector<16xf32>
      %mul3A_220 = arith.constant 5.000000e-01 : f32
      %mul3A_221 = vector.broadcast %mul3A_220 : f32 to vector<16xf32>
      %mul3A_222 = arith.mulf %mul3A_221, %max3A_202 : vector<16xf32>
      %mul3A_223 = arith.mulf %mul3A_222, %mul3A_219 : vector<16xf32>
      %mul3A_224 = arith.mulf %mul3A_223, %mul3A_219 : vector<16xf32>
      %sub3A_225 = arith.constant 1.500000e+00 : f32
      %sub3A_226 = vector.broadcast %sub3A_225 : f32 to vector<16xf32>
      %sub3A_227 = arith.subf %sub3A_226, %mul3A_224 : vector<16xf32>
      %mul3A_228 = arith.mulf %mul3A_219, %sub3A_227 : vector<16xf32>
      %mul3A_229 = arith.constant 5.000000e-01 : f32
      %mul3A_230 = vector.broadcast %mul3A_229 : f32 to vector<16xf32>
      %mul3A_231 = arith.mulf %mul3A_230, %max3A_202 : vector<16xf32>
      %mul3A_232 = arith.mulf %mul3A_231, %mul3A_228 : vector<16xf32>
      %mul3A_233 = arith.mulf %mul3A_232, %mul3A_228 : vector<16xf32>
      %sub3A_234 = arith.constant 1.500000e+00 : f32
      %sub3A_235 = vector.broadcast %sub3A_234 : f32 to vector<16xf32>
      %sub3A_236 = arith.subf %sub3A_235, %mul3A_233 : vector<16xf32>
      %mul3A_237 = arith.mulf %mul3A_228, %sub3A_236 : vector<16xf32>
      %mul3A_238 = arith.constant 5.000000e-01 : f32
      %mul3A_239 = vector.broadcast %mul3A_238 : f32 to vector<16xf32>
      %mul3A_240 = arith.mulf %mul3A_239, %max3A_202 : vector<16xf32>
      %mul3A_241 = arith.mulf %mul3A_240, %mul3A_237 : vector<16xf32>
      %mul3A_242 = arith.mulf %mul3A_241, %mul3A_237 : vector<16xf32>
      %sub3A_243 = arith.constant 1.500000e+00 : f32
      %sub3A_244 = vector.broadcast %sub3A_243 : f32 to vector<16xf32>
      %sub3A_245 = arith.subf %sub3A_244, %mul3A_242 : vector<16xf32>
      %mul3A_246 = arith.mulf %mul3A_237, %sub3A_245 : vector<16xf32>
      %mul3A_247 = arith.mulf %broadcast_in_dim3A_199, %mul3A_246 : vector<16xf32>
      %iota3A_248 = tpu.iota {dimensions = array<i32: 0>} : vector<16xi32>
      %eq3A_249 = arith.constant 0 : i32
      %eq3A_250 = vector.broadcast %eq3A_249 : i32 to vector<16xi32>
      %eq3A_251 = arith.cmpi eq, %iota3A_248, %eq3A_250 : vector<16xi32>
      %broadcast_in_dim3A_252 = arith.constant 0.000000e+00 : f32
      %broadcast_in_dim3A_253 = vector.broadcast %broadcast_in_dim3A_252 : f32 to vector<16xf32>
      %select_n3A_254 = arith.select %eq3A_251, %mul3A_247, %broadcast_in_dim3A_253 : vector<16xi1>, vector<16xf32>
      %reduce_sum3A_255 = arith.constant true
      %reduce_sum3A_256 = vector.broadcast %reduce_sum3A_255 : i1 to vector<16xi1>
      %reduce_sum3A_257 = tpu.scan <sum>, %select_n3A_254 masked %reduce_sum3A_256 : vector<16xf32>, vector<16xi1> -> vector<16xf32>
      %reduce_sum3A_258 = vector.extract %reduce_sum3A_257[15] : f32 from vector<16xf32>
      %add3A_259 = arith.constant 9.99999997E-7 : f32
      %add3A_260 = arith.addf %reduce_sum3A_176, %add3A_259 : f32
      %broadcast_in_dim3A_261 = vector.broadcast %add3A_260 : f32 to vector<16xf32>
      %div3A_262 = arith.constant 1.000000e+00 : f32
      %div3A_263 = vector.broadcast %div3A_262 : f32 to vector<16xf32>
      %div3A_264 = arith.divf %div3A_263, %broadcast_in_dim3A_261 : vector<16xf32>
      %iota3A_265 = tpu.iota {dimensions = array<i32: 0>} : vector<16xi32>
      %eq3A_266 = arith.constant 0 : i32
      %eq3A_267 = vector.broadcast %eq3A_266 : i32 to vector<16xi32>
      %eq3A_268 = arith.cmpi eq, %iota3A_265, %eq3A_267 : vector<16xi32>
      %broadcast_in_dim3A_269 = arith.constant 0.000000e+00 : f32
      %broadcast_in_dim3A_270 = vector.broadcast %broadcast_in_dim3A_269 : f32 to vector<16xf32>
      %select_n3A_271 = arith.select %eq3A_268, %div3A_264, %broadcast_in_dim3A_270 : vector<16xi1>, vector<16xf32>
      %reduce_sum3A_272 = arith.constant true
      %reduce_sum3A_273 = vector.broadcast %reduce_sum3A_272 : i1 to vector<16xi1>
      %reduce_sum3A_274 = tpu.scan <sum>, %select_n3A_271 masked %reduce_sum3A_273 : vector<16xf32>, vector<16xi1> -> vector<16xf32>
      %reduce_sum3A_275 = vector.extract %reduce_sum3A_274[15] : f32 from vector<16xf32>
      %add3A_276 = arith.constant 9.99999997E-7 : f32
      %add3A_277 = arith.addf %reduce_sum3A_258, %add3A_276 : f32
      %broadcast_in_dim3A_278 = vector.broadcast %add3A_277 : f32 to vector<16xf32>
      %div3A_279 = arith.constant 1.000000e+00 : f32
      %div3A_280 = vector.broadcast %div3A_279 : f32 to vector<16xf32>
      %div3A_281 = arith.divf %div3A_280, %broadcast_in_dim3A_278 : vector<16xf32>
      %iota3A_282 = tpu.iota {dimensions = array<i32: 0>} : vector<16xi32>
      %eq3A_283 = arith.constant 0 : i32
      %eq3A_284 = vector.broadcast %eq3A_283 : i32 to vector<16xi32>
      %eq3A_285 = arith.cmpi eq, %iota3A_282, %eq3A_284 : vector<16xi32>
      %broadcast_in_dim3A_286 = arith.constant 0.000000e+00 : f32
      %broadcast_in_dim3A_287 = vector.broadcast %broadcast_in_dim3A_286 : f32 to vector<16xf32>
      %select_n3A_288 = arith.select %eq3A_285, %div3A_281, %broadcast_in_dim3A_287 : vector<16xi1>, vector<16xf32>
      %reduce_sum3A_289 = arith.constant true
      %reduce_sum3A_290 = vector.broadcast %reduce_sum3A_289 : i1 to vector<16xi1>
      %reduce_sum3A_291 = tpu.scan <sum>, %select_n3A_288 masked %reduce_sum3A_290 : vector<16xf32>, vector<16xi1> -> vector<16xf32>
      %reduce_sum3A_292 = vector.extract %reduce_sum3A_291[15] : f32 from vector<16xf32>
      %scan3A_293 = arith.constant 0 : i32
      %scan3A_294 = arith.constant 128 : i32
      %scan3A_295 = arith.addi %scan3A_293, %scan3A_294 : i32
      %scan3A_296 = arith.constant 1 : i32
      %scan3A_297 = scf.for %scan3A_327 = %scan3A_293 to %scan3A_295 step %scan3A_296 iter_args(%scan3A_328 = %broadcast_in_dim3A_0) -> (vector<16xf32>)  : i32 {
        %mul3A_329 = arith.constant 16 : i32
        %mul3A_330 = arith.muli %scan3A_327, %mul3A_329 : i32
        %get3A = arith.index_cast %mul3A_330 : i32 to index
        %get3A_331 = tpu.vector_load %arg10[%get3A] {strides = array<i32>} : memref<2048xf32, #tpu.memory_space<vmem>>, vector<16xf32>,
        %sub3A_332 = vector.broadcast %mul3A_110 : f32 to vector<16xf32>
        %sub3A_333 = arith.subf %get3A_331, %sub3A_332 : vector<16xf32>
        %mul3A_334 = vector.broadcast %reduce_sum3A_275 : f32 to vector<16xf32>
        %mul3A_335 = arith.mulf %sub3A_333, %mul3A_334 : vector<16xf32>
        %get3A_336 = arith.index_cast %mul3A_330 : i32 to index
        %get3A_337 = tpu.vector_load %arg11[%get3A_336] {strides = array<i32>} : memref<2048xf32, #tpu.memory_space<vmem>>, vector<16xf32>,
        %sub3A_338 = vector.broadcast %mul3A_188 : f32 to vector<16xf32>
        %sub3A_339 = arith.subf %get3A_337, %sub3A_338 : vector<16xf32>
        %mul3A_340 = vector.broadcast %reduce_sum3A_292 : f32 to vector<16xf32>
        %mul3A_341 = arith.mulf %sub3A_339, %mul3A_340 : vector<16xf32>
        %max3A_342 = arith.constant 0.000000e+00 : f32
        %max3A_343 = vector.broadcast %max3A_342 : f32 to vector<16xf32>
        %max3A_344 = arith.maximumf %mul3A_341, %max3A_343 : vector<16xf32>
        %neg3A = arith.constant 0.000000e+00 : f32
        %neg3A_345 = vector.broadcast %neg3A : f32 to vector<16xf32>
        %neg3A_346 = arith.subf %neg3A_345, %mul3A_335 : vector<16xf32>
        %exp3A = math.exp %neg3A_346 : vector<16xf32>
        %add3A_347 = arith.constant 1.000000e+00 : f32
        %add3A_348 = vector.broadcast %add3A_347 : f32 to vector<16xf32>
        %add3A_349 = arith.addf %add3A_348, %exp3A : vector<16xf32>
        %div3A_350 = arith.constant 1.000000e+00 : f32
        %div3A_351 = vector.broadcast %div3A_350 : f32 to vector<16xf32>
        %div3A_352 = arith.divf %div3A_351, %add3A_349 : vector<16xf32>
        %mul3A_353 = arith.mulf %max3A_344, %div3A_352 : vector<16xf32>
        %get3A_354 = arith.index_cast %mul3A_330 : i32 to index
        %get3A_355 = tpu.vector_load %arg12[%get3A_354] {strides = array<i32>} : memref<2048xf32, #tpu.memory_space<vmem>>, vector<16xf32>,
        %mul3A_356 = arith.mulf %mul3A_353, %get3A_355 : vector<16xf32>
        %swap3A_357 = arith.index_cast %mul3A_330 : i32 to index
        %swap3A_358 = tpu.vector_load %arg13[%swap3A_357] {strides = array<i32>} : memref<2048xf32, #tpu.memory_space<vmem>>, vector<16xf32>,
        tpu.vector_store %arg13[%swap3A_357], %mul3A_356 {strides = array<i32>} : memref<2048xf32, #tpu.memory_space<vmem>>, vector<16xf32>,
        %add3A_359 = arith.addf %scan3A_328, %mul3A_356 : vector<16xf32>
        scf.yield %add3A_359 : vector<16xf32>
      }
      %scan3A_298 = arith.constant 128 : i32
      %reduce_sum3A_299 = arith.constant true
      %reduce_sum3A_300 = vector.broadcast %reduce_sum3A_299 : i1 to vector<16xi1>
      %reduce_sum3A_301 = tpu.scan <sum>, %scan3A_297 masked %reduce_sum3A_300 : vector<16xf32>, vector<16xi1> -> vector<16xf32>
      %reduce_sum3A_302 = vector.extract %reduce_sum3A_301[15] : f32 from vector<16xf32>
      %add3A_303 = arith.constant 9.99999997E-7 : f32
      %add3A_304 = arith.addf %reduce_sum3A_302, %add3A_303 : f32
      %broadcast_in_dim3A_305 = vector.broadcast %add3A_304 : f32 to vector<16xf32>
      %div3A_306 = arith.constant 1.000000e+00 : f32
      %div3A_307 = vector.broadcast %div3A_306 : f32 to vector<16xf32>
      %div3A_308 = arith.divf %div3A_307, %broadcast_in_dim3A_305 : vector<16xf32>
      %iota3A_309 = tpu.iota {dimensions = array<i32: 0>} : vector<16xi32>
      %eq3A_310 = arith.constant 0 : i32
      %eq3A_311 = vector.broadcast %eq3A_310 : i32 to vector<16xi32>
      %eq3A_312 = arith.cmpi eq, %iota3A_309, %eq3A_311 : vector<16xi32>
      %broadcast_in_dim3A_313 = arith.constant 0.000000e+00 : f32
      %broadcast_in_dim3A_314 = vector.broadcast %broadcast_in_dim3A_313 : f32 to vector<16xf32>
      %select_n3A_315 = arith.select %eq3A_312, %div3A_308, %broadcast_in_dim3A_314 : vector<16xi1>, vector<16xf32>
      %reduce_sum3A_316 = arith.constant true
      %reduce_sum3A_317 = vector.broadcast %reduce_sum3A_316 : i1 to vector<16xi1>
      %reduce_sum3A_318 = tpu.scan <sum>, %select_n3A_315 masked %reduce_sum3A_317 : vector<16xf32>, vector<16xi1> -> vector<16xf32>
      %reduce_sum3A_319 = vector.extract %reduce_sum3A_318[15] : f32 from vector<16xf32>
      %scan3A_320 = arith.constant 0 : i32
      %scan3A_321 = arith.constant 0 : i32
      %scan3A_322 = arith.constant 128 : i32
      %scan3A_323 = arith.addi %scan3A_321, %scan3A_322 : i32
      %scan3A_324 = arith.constant 1 : i32
      %scan3A_325 = scf.for %scan3A_327 = %scan3A_321 to %scan3A_323 step %scan3A_324 iter_args(%scan3A_328 = %scan3A_320) -> (i32)  : i32 {
        %mul3A_329 = arith.constant 16 : i32
        %mul3A_330 = arith.muli %scan3A_327, %mul3A_329 : i32
        %get3A = arith.index_cast %mul3A_330 : i32 to index
        %get3A_331 = tpu.vector_load %arg13[%get3A] {strides = array<i32>} : memref<2048xf32, #tpu.memory_space<vmem>>, vector<16xf32>,
        %mul3A_332 = vector.broadcast %reduce_sum3A_319 : f32 to vector<16xf32>
        %mul3A_333 = arith.mulf %get3A_331, %mul3A_332 : vector<16xf32>
        %swap3A_334 = arith.index_cast %mul3A_330 : i32 to index
        %swap3A_335 = tpu.vector_load %arg14[%swap3A_334] {strides = array<i32>} : memref<2048xf32, #tpu.memory_space<vmem>>, vector<16xf32>,
        tpu.vector_store %arg14[%swap3A_334], %mul3A_333 {strides = array<i32>} : memref<2048xf32, #tpu.memory_space<vmem>>, vector<16xf32>,
        %scan3A_336 = arith.constant 0 : i32
        scf.yield %scan3A_336 : i32
      }
      %scan3A_326 = arith.constant 128 : i32
      "tpu.region"() ({
        %run_scoped3A = tpu.sem_alloc : memref<!tpu.dma_semaphore, #tpu.memory_space<semaphore_mem>>
        %dma_start3A = arith.constant 0 : i32
        %dma_start3A_327 = tpu.memref_slice %arg7[%arg0, %dma_start3A] : memref<2x2048xf32, #tpu.memory_space<hbm>> -> memref<1x2048xf32, #tpu.memory_space<hbm>>
        %dma_start3A_328 = tpu.memref_squeeze %dma_start3A_327 : memref<1x2048xf32, #tpu.memory_space<hbm>> -> memref<2048xf32, #tpu.memory_space<hbm>>
        %dma_start3A_329 = arith.constant 0 : i32
        %dma_start3A_330 = tpu.memref_slice %arg7[%arg0, %dma_start3A_329] : memref<2x2048xf32, #tpu.memory_space<hbm>> -> memref<1x2048xf32, #tpu.memory_space<hbm>>
        %dma_start3A_331 = tpu.memref_squeeze %dma_start3A_330 : memref<1x2048xf32, #tpu.memory_space<hbm>> -> memref<2048xf32, #tpu.memory_space<hbm>>
        tpu.enqueue_dma source(%arg14 : memref<2048xf32, #tpu.memory_space<vmem>>) target(%dma_start3A_331 : memref<2048xf32, #tpu.memory_space<hbm>>) target_semaphore(%run_scoped3A : memref<!tpu.dma_semaphore, #tpu.memory_space<semaphore_mem>>)
        %dma_wait3A = arith.constant 0 : i32
        %dma_wait3A_332 = tpu.memref_slice %arg7[%arg0, %dma_wait3A] : memref<2x2048xf32, #tpu.memory_space<hbm>> -> memref<1x2048xf32, #tpu.memory_space<hbm>>
        %dma_wait3A_333 = tpu.memref_squeeze %dma_wait3A_332 : memref<1x2048xf32, #tpu.memory_space<hbm>> -> memref<2048xf32, #tpu.memory_space<hbm>>
        %dma_wait3A_334 = arith.constant 0 : i32
        %dma_wait3A_335 = tpu.memref_slice %arg7[%arg0, %dma_wait3A_334] : memref<2x2048xf32, #tpu.memory_space<hbm>> -> memref<1x2048xf32, #tpu.memory_space<hbm>>
        %dma_wait3A_336 = tpu.memref_squeeze %dma_wait3A_335 : memref<1x2048xf32, #tpu.memory_space<hbm>> -> memref<2048xf32, #tpu.memory_space<hbm>>
        tpu.wait_dma2 semaphore(%run_scoped3A : memref<!tpu.dma_semaphore, #tpu.memory_space<semaphore_mem>>) src(%arg14 : memref<2048xf32, #tpu.memory_space<vmem>>) dst(%dma_wait3A_336 : memref<2048xf32, #tpu.memory_space<hbm>>)
        tpu.yield
      }) : () -> ()
      "tpu.region"() ({
        %run_scoped3A = tpu.sem_alloc : memref<!tpu.dma_semaphore, #tpu.memory_space<semaphore_mem>>
        tpu.enqueue_dma source(%arg13 : memref<2048xf32, #tpu.memory_space<vmem>>) target(%arg19 : memref<2048xf32, #tpu.memory_space<vmem_shared>>) target_semaphore(%run_scoped3A : memref<!tpu.dma_semaphore, #tpu.memory_space<semaphore_mem>>)
        tpu.wait_dma2 semaphore(%run_scoped3A : memref<!tpu.dma_semaphore, #tpu.memory_space<semaphore_mem>>) src(%arg13 : memref<2048xf32, #tpu.memory_space<vmem>>) dst(%arg19 : memref<2048xf32, #tpu.memory_space<vmem_shared>>)
        tpu.yield
      }) : () -> ()
    } else {
    }
    %eq3A_3 = arith.constant 1 : i32
    %eq3A_4 = arith.cmpi eq, %arg1, %eq3A_3 : i32
    %eq3A_5 = arith.constant 2 : i32
    %eq3A_6 = arith.cmpi eq, %arg1, %eq3A_5 : i32
    %or3A = arith.ori %eq3A_4, %eq3A_6 : i1
    %convert_element_type3A_7 = arith.extui %or3A : i1 to i32
    %cond3A_8 = arith.constant 4.100000e+02 : f32
    %cond3A_9 = arith.constant 0 : i32
    %cond3A_10 = arith.cmpi ne, %convert_element_type3A_7, %cond3A_9 : i32
    scf.if %cond3A_10 {
      %eq3A_99 = arith.constant 1 : i32
      %eq3A_100 = arith.cmpi eq, %arg1, %eq3A_99 : i32
      %convert_element_type3A_101 = arith.extui %eq3A_100 : i1 to i32
      %cond3A_102 = arith.constant 0 : i32
      %cond3A_103 = arith.cmpi ne, %convert_element_type3A_101, %cond3A_102 : i32
      scf.if %cond3A_103 {
        "tpu.region"() ({
          %run_scoped3A = tpu.sem_alloc : memref<!tpu.dma_semaphore, #tpu.memory_space<semaphore_mem>>
          %dma_start3A = arith.constant 0 : i32
          %dma_start3A_254 = tpu.memref_slice %arg3[%arg0, %dma_start3A] : memref<2x2048xf32, #tpu.memory_space<hbm>> -> memref<1x2048xf32, #tpu.memory_space<hbm>>
          %dma_start3A_255 = tpu.memref_squeeze %dma_start3A_254 : memref<1x2048xf32, #tpu.memory_space<hbm>> -> memref<2048xf32, #tpu.memory_space<hbm>>
          %dma_start3A_256 = arith.constant 0 : i32
          %dma_start3A_257 = tpu.memref_slice %arg3[%arg0, %dma_start3A_256] : memref<2x2048xf32, #tpu.memory_space<hbm>> -> memref<1x2048xf32, #tpu.memory_space<hbm>>
          %dma_start3A_258 = tpu.memref_squeeze %dma_start3A_257 : memref<1x2048xf32, #tpu.memory_space<hbm>> -> memref<2048xf32, #tpu.memory_space<hbm>>
          tpu.enqueue_dma source(%dma_start3A_258 : memref<2048xf32, #tpu.memory_space<hbm>>) target(%arg10 : memref<2048xf32, #tpu.memory_space<vmem>>) target_semaphore(%run_scoped3A : memref<!tpu.dma_semaphore, #tpu.memory_space<semaphore_mem>>)
          %dma_wait3A = arith.constant 0 : i32
          %dma_wait3A_259 = tpu.memref_slice %arg3[%arg0, %dma_wait3A] : memref<2x2048xf32, #tpu.memory_space<hbm>> -> memref<1x2048xf32, #tpu.memory_space<hbm>>
          %dma_wait3A_260 = tpu.memref_squeeze %dma_wait3A_259 : memref<1x2048xf32, #tpu.memory_space<hbm>> -> memref<2048xf32, #tpu.memory_space<hbm>>
          %dma_wait3A_261 = arith.constant 0 : i32
          %dma_wait3A_262 = tpu.memref_slice %arg3[%arg0, %dma_wait3A_261] : memref<2x2048xf32, #tpu.memory_space<hbm>> -> memref<1x2048xf32, #tpu.memory_space<hbm>>
          %dma_wait3A_263 = tpu.memref_squeeze %dma_wait3A_262 : memref<1x2048xf32, #tpu.memory_space<hbm>> -> memref<2048xf32, #tpu.memory_space<hbm>>
          tpu.wait_dma2 semaphore(%run_scoped3A : memref<!tpu.dma_semaphore, #tpu.memory_space<semaphore_mem>>) src(%dma_wait3A_263 : memref<2048xf32, #tpu.memory_space<hbm>>) dst(%arg10 : memref<2048xf32, #tpu.memory_space<vmem>>)
          tpu.yield
        }) : () -> ()
      } else {
      }
      %eq3A_104 = arith.constant 2 : i32
      %eq3A_105 = arith.cmpi eq, %arg1, %eq3A_104 : i32
      %convert_element_type3A_106 = arith.extui %eq3A_105 : i1 to i32
      %cond3A_107 = arith.constant 0 : i32
      %cond3A_108 = arith.cmpi ne, %convert_element_type3A_106, %cond3A_107 : i32
      scf.if %cond3A_108 {
        "tpu.region"() ({
          %run_scoped3A = tpu.sem_alloc : memref<!tpu.dma_semaphore, #tpu.memory_space<semaphore_mem>>
          %dma_start3A = arith.constant 0 : i32
          %dma_start3A_254 = tpu.memref_slice %arg4[%arg0, %dma_start3A] : memref<2x2048xf32, #tpu.memory_space<hbm>> -> memref<1x2048xf32, #tpu.memory_space<hbm>>
          %dma_start3A_255 = tpu.memref_squeeze %dma_start3A_254 : memref<1x2048xf32, #tpu.memory_space<hbm>> -> memref<2048xf32, #tpu.memory_space<hbm>>
          %dma_start3A_256 = arith.constant 0 : i32
          %dma_start3A_257 = tpu.memref_slice %arg4[%arg0, %dma_start3A_256] : memref<2x2048xf32, #tpu.memory_space<hbm>> -> memref<1x2048xf32, #tpu.memory_space<hbm>>
          %dma_start3A_258 = tpu.memref_squeeze %dma_start3A_257 : memref<1x2048xf32, #tpu.memory_space<hbm>> -> memref<2048xf32, #tpu.memory_space<hbm>>
          tpu.enqueue_dma source(%dma_start3A_258 : memref<2048xf32, #tpu.memory_space<hbm>>) target(%arg10 : memref<2048xf32, #tpu.memory_space<vmem>>) target_semaphore(%run_scoped3A : memref<!tpu.dma_semaphore, #tpu.memory_space<semaphore_mem>>)
          %dma_wait3A = arith.constant 0 : i32
          %dma_wait3A_259 = tpu.memref_slice %arg4[%arg0, %dma_wait3A] : memref<2x2048xf32, #tpu.memory_space<hbm>> -> memref<1x2048xf32, #tpu.memory_space<hbm>>
          %dma_wait3A_260 = tpu.memref_squeeze %dma_wait3A_259 : memref<1x2048xf32, #tpu.memory_space<hbm>> -> memref<2048xf32, #tpu.memory_space<hbm>>
          %dma_wait3A_261 = arith.constant 0 : i32
          %dma_wait3A_262 = tpu.memref_slice %arg4[%arg0, %dma_wait3A_261] : memref<2x2048xf32, #tpu.memory_space<hbm>> -> memref<1x2048xf32, #tpu.memory_space<hbm>>
          %dma_wait3A_263 = tpu.memref_squeeze %dma_wait3A_262 : memref<1x2048xf32, #tpu.memory_space<hbm>> -> memref<2048xf32, #tpu.memory_space<hbm>>
          tpu.wait_dma2 semaphore(%run_scoped3A : memref<!tpu.dma_semaphore, #tpu.memory_space<semaphore_mem>>) src(%dma_wait3A_263 : memref<2048xf32, #tpu.memory_space<hbm>>) dst(%arg10 : memref<2048xf32, #tpu.memory_space<vmem>>)
          tpu.yield
        }) : () -> ()
      } else {
      }
      %scan3A_109 = arith.constant 0 : i32
      %scan3A_110 = arith.constant 128 : i32
      %scan3A_111 = arith.addi %scan3A_109, %scan3A_110 : i32
      %scan3A_112 = arith.constant 1 : i32
      %scan3A_113:2 = scf.for %scan3A_254 = %scan3A_109 to %scan3A_111 step %scan3A_112 iter_args(%scan3A_255 = %broadcast_in_dim3A_0, %scan3A_256 = %broadcast_in_dim3A_0) -> (vector<16xf32>, vector<16xf32>)  : i32 {
        %mul3A_257 = arith.constant 16 : i32
        %mul3A_258 = arith.muli %scan3A_254, %mul3A_257 : i32
        %get3A = arith.index_cast %mul3A_258 : i32 to index
        %get3A_259 = tpu.vector_load %arg10[%get3A] {strides = array<i32>} : memref<2048xf32, #tpu.memory_space<vmem>>, vector<16xf32>,
        %add3A_260 = arith.addf %scan3A_255, %get3A_259 : vector<16xf32>
        %mul3A_261 = arith.mulf %get3A_259, %get3A_259 : vector<16xf32>
        %add3A_262 = arith.addf %scan3A_256, %mul3A_261 : vector<16xf32>
        scf.yield %add3A_260, %add3A_262 : vector<16xf32>, vector<16xf32>
      }
      %scan3A_114 = arith.constant 128 : i32
      %reduce_sum3A_115 = arith.constant true
      %reduce_sum3A_116 = vector.broadcast %reduce_sum3A_115 : i1 to vector<16xi1>
      %reduce_sum3A_117 = tpu.scan <sum>, %scan3A_113#0 masked %reduce_sum3A_116 : vector<16xf32>, vector<16xi1> -> vector<16xf32>
      %reduce_sum3A_118 = vector.extract %reduce_sum3A_117[15] : f32 from vector<16xf32>
      %mul3A_119 = arith.constant 4.8828125E-4 : f32
      %mul3A_120 = arith.mulf %reduce_sum3A_118, %mul3A_119 : f32
      %reduce_sum3A_121 = arith.constant true
      %reduce_sum3A_122 = vector.broadcast %reduce_sum3A_121 : i1 to vector<16xi1>
      %reduce_sum3A_123 = tpu.scan <sum>, %scan3A_113#1 masked %reduce_sum3A_122 : vector<16xf32>, vector<16xi1> -> vector<16xf32>
      %reduce_sum3A_124 = vector.extract %reduce_sum3A_123[15] : f32 from vector<16xf32>
      %mul3A_125 = arith.constant 4.8828125E-4 : f32
      %mul3A_126 = arith.mulf %reduce_sum3A_124, %mul3A_125 : f32
      %mul3A_127 = arith.mulf %mul3A_120, %mul3A_120 : f32
      %sub3A = arith.subf %mul3A_126, %mul3A_127 : f32
      %max3A = arith.constant 0.000000e+00 : f32
      %max3A_128 = arith.maximumf %sub3A, %max3A : f32
      %broadcast_in_dim3A_129 = vector.broadcast %max3A_128 : f32 to vector<16xf32>
      %max3A_130 = arith.constant 1.000000e-30 : f32
      %max3A_131 = vector.broadcast %max3A_130 : f32 to vector<16xf32>
      %max3A_132 = arith.maximumf %broadcast_in_dim3A_129, %max3A_131 : vector<16xf32>
      %bitcast3A = vector.bitcast %max3A_132 : vector<16xf32> to vector<16xi32>
      %shift_right_arithmetic3A = arith.constant 1 : i32
      %shift_right_arithmetic3A_133 = vector.broadcast %shift_right_arithmetic3A : i32 to vector<16xi32>
      %shift_right_arithmetic3A_134 = arith.shrsi %bitcast3A, %shift_right_arithmetic3A_133 : vector<16xi32>
      %sub3A_135 = arith.constant 1597463007 : i32
      %sub3A_136 = vector.broadcast %sub3A_135 : i32 to vector<16xi32>
      %sub3A_137 = arith.subi %sub3A_136, %shift_right_arithmetic3A_134 : vector<16xi32>
      %bitcast3A_138 = vector.bitcast %sub3A_137 : vector<16xi32> to vector<16xf32>
      %mul3A_139 = arith.constant 5.000000e-01 : f32
      %mul3A_140 = vector.broadcast %mul3A_139 : f32 to vector<16xf32>
      %mul3A_141 = arith.mulf %mul3A_140, %max3A_132 : vector<16xf32>
      %mul3A_142 = arith.mulf %mul3A_141, %bitcast3A_138 : vector<16xf32>
      %mul3A_143 = arith.mulf %mul3A_142, %bitcast3A_138 : vector<16xf32>
      %sub3A_144 = arith.constant 1.500000e+00 : f32
      %sub3A_145 = vector.broadcast %sub3A_144 : f32 to vector<16xf32>
      %sub3A_146 = arith.subf %sub3A_145, %mul3A_143 : vector<16xf32>
      %mul3A_147 = arith.mulf %bitcast3A_138, %sub3A_146 : vector<16xf32>
      %mul3A_148 = arith.constant 5.000000e-01 : f32
      %mul3A_149 = vector.broadcast %mul3A_148 : f32 to vector<16xf32>
      %mul3A_150 = arith.mulf %mul3A_149, %max3A_132 : vector<16xf32>
      %mul3A_151 = arith.mulf %mul3A_150, %mul3A_147 : vector<16xf32>
      %mul3A_152 = arith.mulf %mul3A_151, %mul3A_147 : vector<16xf32>
      %sub3A_153 = arith.constant 1.500000e+00 : f32
      %sub3A_154 = vector.broadcast %sub3A_153 : f32 to vector<16xf32>
      %sub3A_155 = arith.subf %sub3A_154, %mul3A_152 : vector<16xf32>
      %mul3A_156 = arith.mulf %mul3A_147, %sub3A_155 : vector<16xf32>
      %mul3A_157 = arith.constant 5.000000e-01 : f32
      %mul3A_158 = vector.broadcast %mul3A_157 : f32 to vector<16xf32>
      %mul3A_159 = arith.mulf %mul3A_158, %max3A_132 : vector<16xf32>
      %mul3A_160 = arith.mulf %mul3A_159, %mul3A_156 : vector<16xf32>
      %mul3A_161 = arith.mulf %mul3A_160, %mul3A_156 : vector<16xf32>
      %sub3A_162 = arith.constant 1.500000e+00 : f32
      %sub3A_163 = vector.broadcast %sub3A_162 : f32 to vector<16xf32>
      %sub3A_164 = arith.subf %sub3A_163, %mul3A_161 : vector<16xf32>
      %mul3A_165 = arith.mulf %mul3A_156, %sub3A_164 : vector<16xf32>
      %mul3A_166 = arith.constant 5.000000e-01 : f32
      %mul3A_167 = vector.broadcast %mul3A_166 : f32 to vector<16xf32>
      %mul3A_168 = arith.mulf %mul3A_167, %max3A_132 : vector<16xf32>
      %mul3A_169 = arith.mulf %mul3A_168, %mul3A_165 : vector<16xf32>
      %mul3A_170 = arith.mulf %mul3A_169, %mul3A_165 : vector<16xf32>
      %sub3A_171 = arith.constant 1.500000e+00 : f32
      %sub3A_172 = vector.broadcast %sub3A_171 : f32 to vector<16xf32>
      %sub3A_173 = arith.subf %sub3A_172, %mul3A_170 : vector<16xf32>
      %mul3A_174 = arith.mulf %mul3A_165, %sub3A_173 : vector<16xf32>
      %mul3A_175 = arith.mulf %broadcast_in_dim3A_129, %mul3A_174 : vector<16xf32>
      %iota3A_176 = tpu.iota {dimensions = array<i32: 0>} : vector<16xi32>
      %eq3A_177 = arith.constant 0 : i32
      %eq3A_178 = vector.broadcast %eq3A_177 : i32 to vector<16xi32>
      %eq3A_179 = arith.cmpi eq, %iota3A_176, %eq3A_178 : vector<16xi32>
      %broadcast_in_dim3A_180 = arith.constant 0.000000e+00 : f32
      %broadcast_in_dim3A_181 = vector.broadcast %broadcast_in_dim3A_180 : f32 to vector<16xf32>
      %select_n3A_182 = arith.select %eq3A_179, %mul3A_175, %broadcast_in_dim3A_181 : vector<16xi1>, vector<16xf32>
      %reduce_sum3A_183 = arith.constant true
      %reduce_sum3A_184 = vector.broadcast %reduce_sum3A_183 : i1 to vector<16xi1>
      %reduce_sum3A_185 = tpu.scan <sum>, %select_n3A_182 masked %reduce_sum3A_184 : vector<16xf32>, vector<16xi1> -> vector<16xf32>
      %reduce_sum3A_186 = vector.extract %reduce_sum3A_185[15] : f32 from vector<16xf32>
      %broadcast_in_dim3A_187 = arith.constant 3.000000e+38 : f32
      %broadcast_in_dim3A_188 = vector.broadcast %broadcast_in_dim3A_187 : f32 to vector<16xf32>
      %neg3A = arith.constant 0.000000e+00 : f32
      %neg3A_189 = vector.broadcast %neg3A : f32 to vector<16xf32>
      %neg3A_190 = arith.subf %neg3A_189, %broadcast_in_dim3A_188 : vector<16xf32>
      %scan3A_191 = arith.constant 0 : i32
      %scan3A_192 = arith.constant 128 : i32
      %scan3A_193 = arith.addi %scan3A_191, %scan3A_192 : i32
      %scan3A_194 = arith.constant 1 : i32
      %scan3A_195:2 = scf.for %scan3A_254 = %scan3A_191 to %scan3A_193 step %scan3A_194 iter_args(%scan3A_255 = %broadcast_in_dim3A_188, %scan3A_256 = %neg3A_190) -> (vector<16xf32>, vector<16xf32>)  : i32 {
        %mul3A_257 = arith.constant 16 : i32
        %mul3A_258 = arith.muli %scan3A_254, %mul3A_257 : i32
        %get3A = arith.index_cast %mul3A_258 : i32 to index
        %get3A_259 = tpu.vector_load %arg10[%get3A] {strides = array<i32>} : memref<2048xf32, #tpu.memory_space<vmem>>, vector<16xf32>,
        %min3A = arith.minimumf %scan3A_255, %get3A_259 : vector<16xf32>
        %max3A_260 = arith.maximumf %scan3A_256, %get3A_259 : vector<16xf32>
        scf.yield %min3A, %max3A_260 : vector<16xf32>, vector<16xf32>
      }
      %scan3A_196 = arith.constant 128 : i32
      %reduce_min3A = arith.constant true
      %reduce_min3A_197 = vector.broadcast %reduce_min3A : i1 to vector<16xi1>
      %reduce_min3A_198 = tpu.scan <min>, %scan3A_195#0 masked %reduce_min3A_197 : vector<16xf32>, vector<16xi1> -> vector<16xf32>
      %reduce_min3A_199 = vector.extract %reduce_min3A_198[15] : f32 from vector<16xf32>
      %reduce_max3A = arith.constant true
      %reduce_max3A_200 = vector.broadcast %reduce_max3A : i1 to vector<16xi1>
      %reduce_max3A_201 = tpu.scan <max>, %scan3A_195#1 masked %reduce_max3A_200 : vector<16xf32>, vector<16xi1> -> vector<16xf32>
      %reduce_max3A_202 = vector.extract %reduce_max3A_201[15] : f32 from vector<16xf32>
      %add3A_203 = arith.constant 1.000000e+00 : f32
      %add3A_204 = arith.addf %reduce_max3A_202, %add3A_203 : f32
      %scan3A_205 = arith.constant 0 : i32
      %scan3A_206 = arith.constant 24 : i32
      %scan3A_207 = arith.addi %scan3A_205, %scan3A_206 : i32
      %scan3A_208 = arith.constant 1 : i32
      %scan3A_209:2 = scf.for %scan3A_254 = %scan3A_205 to %scan3A_207 step %scan3A_208 iter_args(%scan3A_255 = %reduce_min3A_199, %scan3A_256 = %add3A_204) -> (f32, f32)  : i32 {
        %add3A_257 = arith.addf %scan3A_255, %scan3A_256 : f32
        %mul3A_258 = arith.constant 5.000000e-01 : f32
        %mul3A_259 = arith.mulf %mul3A_258, %add3A_257 : f32
        %scan3A_260 = arith.constant 0 : i32
        %scan3A_261 = arith.constant 32 : i32
        %scan3A_262 = arith.addi %scan3A_260, %scan3A_261 : i32
        %scan3A_263 = arith.constant 1 : i32
        %scan3A_264 = scf.for %scan3A_272 = %scan3A_260 to %scan3A_262 step %scan3A_263 iter_args(%scan3A_273 = %broadcast_in_dim3A_0) -> (vector<16xf32>)  : i32 {
          %mul3A_274 = arith.constant 4 : i32
          %mul3A_275 = arith.muli %scan3A_272, %mul3A_274 : i32
          %add3A_276 = arith.constant 0 : i32
          %add3A_277 = arith.addi %mul3A_275, %add3A_276 : i32
          %mul3A_278 = arith.constant 16 : i32
          %mul3A_279 = arith.muli %add3A_277, %mul3A_278 : i32
          %get3A = arith.index_cast %mul3A_279 : i32 to index
          %get3A_280 = tpu.vector_load %arg10[%get3A] {strides = array<i32>} : memref<2048xf32, #tpu.memory_space<vmem>>, vector<16xf32>,
          %ge3A_281 = vector.broadcast %mul3A_259 : f32 to vector<16xf32>
          %ge3A_282 = arith.cmpf oge, %get3A_280, %ge3A_281 : vector<16xf32>
          %jit3A = arith.constant 1.000000e+00 : f32
          %jit3A_283 = arith.constant 0.000000e+00 : f32
          %broadcast_in_dim3A_284 = vector.broadcast %jit3A : f32 to vector<16xf32>
          %broadcast_in_dim3A_285 = vector.broadcast %jit3A_283 : f32 to vector<16xf32>
          %select_n3A_286 = arith.select %ge3A_282, %broadcast_in_dim3A_284, %broadcast_in_dim3A_285 : vector<16xi1>, vector<16xf32>
          %add3A_287 = arith.addf %scan3A_273, %select_n3A_286 : vector<16xf32>
          %mul3A_288 = arith.constant 4 : i32
          %mul3A_289 = arith.muli %scan3A_272, %mul3A_288 : i32
          %add3A_290 = arith.constant 1 : i32
          %add3A_291 = arith.addi %mul3A_289, %add3A_290 : i32
          %mul3A_292 = arith.constant 16 : i32
          %mul3A_293 = arith.muli %add3A_291, %mul3A_292 : i32
          %get3A_294 = arith.index_cast %mul3A_293 : i32 to index
          %get3A_295 = tpu.vector_load %arg10[%get3A_294] {strides = array<i32>} : memref<2048xf32, #tpu.memory_space<vmem>>, vector<16xf32>,
          %ge3A_296 = vector.broadcast %mul3A_259 : f32 to vector<16xf32>
          %ge3A_297 = arith.cmpf oge, %get3A_295, %ge3A_296 : vector<16xf32>
          %jit3A_298 = arith.constant 1.000000e+00 : f32
          %jit3A_299 = arith.constant 0.000000e+00 : f32
          %broadcast_in_dim3A_300 = vector.broadcast %jit3A_298 : f32 to vector<16xf32>
          %broadcast_in_dim3A_301 = vector.broadcast %jit3A_299 : f32 to vector<16xf32>
          %select_n3A_302 = arith.select %ge3A_297, %broadcast_in_dim3A_300, %broadcast_in_dim3A_301 : vector<16xi1>, vector<16xf32>
          %add3A_303 = arith.addf %add3A_287, %select_n3A_302 : vector<16xf32>
          %mul3A_304 = arith.constant 4 : i32
          %mul3A_305 = arith.muli %scan3A_272, %mul3A_304 : i32
          %add3A_306 = arith.constant 2 : i32
          %add3A_307 = arith.addi %mul3A_305, %add3A_306 : i32
          %mul3A_308 = arith.constant 16 : i32
          %mul3A_309 = arith.muli %add3A_307, %mul3A_308 : i32
          %get3A_310 = arith.index_cast %mul3A_309 : i32 to index
          %get3A_311 = tpu.vector_load %arg10[%get3A_310] {strides = array<i32>} : memref<2048xf32, #tpu.memory_space<vmem>>, vector<16xf32>,
          %ge3A_312 = vector.broadcast %mul3A_259 : f32 to vector<16xf32>
          %ge3A_313 = arith.cmpf oge, %get3A_311, %ge3A_312 : vector<16xf32>
          %jit3A_314 = arith.constant 1.000000e+00 : f32
          %jit3A_315 = arith.constant 0.000000e+00 : f32
          %broadcast_in_dim3A_316 = vector.broadcast %jit3A_314 : f32 to vector<16xf32>
          %broadcast_in_dim3A_317 = vector.broadcast %jit3A_315 : f32 to vector<16xf32>
          %select_n3A_318 = arith.select %ge3A_313, %broadcast_in_dim3A_316, %broadcast_in_dim3A_317 : vector<16xi1>, vector<16xf32>
          %add3A_319 = arith.addf %add3A_303, %select_n3A_318 : vector<16xf32>
          %mul3A_320 = arith.constant 4 : i32
          %mul3A_321 = arith.muli %scan3A_272, %mul3A_320 : i32
          %add3A_322 = arith.constant 3 : i32
          %add3A_323 = arith.addi %mul3A_321, %add3A_322 : i32
          %mul3A_324 = arith.constant 16 : i32
          %mul3A_325 = arith.muli %add3A_323, %mul3A_324 : i32
          %get3A_326 = arith.index_cast %mul3A_325 : i32 to index
          %get3A_327 = tpu.vector_load %arg10[%get3A_326] {strides = array<i32>} : memref<2048xf32, #tpu.memory_space<vmem>>, vector<16xf32>,
          %ge3A_328 = vector.broadcast %mul3A_259 : f32 to vector<16xf32>
          %ge3A_329 = arith.cmpf oge, %get3A_327, %ge3A_328 : vector<16xf32>
          %jit3A_330 = arith.constant 1.000000e+00 : f32
          %jit3A_331 = arith.constant 0.000000e+00 : f32
          %broadcast_in_dim3A_332 = vector.broadcast %jit3A_330 : f32 to vector<16xf32>
          %broadcast_in_dim3A_333 = vector.broadcast %jit3A_331 : f32 to vector<16xf32>
          %select_n3A_334 = arith.select %ge3A_329, %broadcast_in_dim3A_332, %broadcast_in_dim3A_333 : vector<16xi1>, vector<16xf32>
          %add3A_335 = arith.addf %add3A_319, %select_n3A_334 : vector<16xf32>
          scf.yield %add3A_335 : vector<16xf32>
        }
        %scan3A_265 = arith.constant 32 : i32
        %reduce_sum3A_266 = arith.constant true
        %reduce_sum3A_267 = vector.broadcast %reduce_sum3A_266 : i1 to vector<16xi1>
        %reduce_sum3A_268 = tpu.scan <sum>, %scan3A_264 masked %reduce_sum3A_267 : vector<16xf32>, vector<16xi1> -> vector<16xf32>
        %reduce_sum3A_269 = vector.extract %reduce_sum3A_268[15] : f32 from vector<16xf32>
        %ge3A = arith.cmpf oge, %reduce_sum3A_269, %cond3A_8 : f32
        %select_n3A_270 = arith.select %ge3A, %mul3A_259, %scan3A_255 : f32
        %select_n3A_271 = arith.select %ge3A, %scan3A_256, %mul3A_259 : f32
        scf.yield %select_n3A_270, %select_n3A_271 : f32, f32
      }
      %scan3A_210 = arith.constant 24 : i32
      %scan3A_211 = arith.constant 0 : i32
      %scan3A_212 = arith.constant 128 : i32
      %scan3A_213 = arith.addi %scan3A_211, %scan3A_212 : i32
      %scan3A_214 = arith.constant 1 : i32
      %scan3A_215:2 = scf.for %scan3A_254 = %scan3A_211 to %scan3A_213 step %scan3A_214 iter_args(%scan3A_255 = %broadcast_in_dim3A_0, %scan3A_256 = %broadcast_in_dim3A_0) -> (vector<16xf32>, vector<16xf32>)  : i32 {
        %mul3A_257 = arith.constant 16 : i32
        %mul3A_258 = arith.muli %scan3A_254, %mul3A_257 : i32
        %get3A = arith.index_cast %mul3A_258 : i32 to index
        %get3A_259 = tpu.vector_load %arg10[%get3A] {strides = array<i32>} : memref<2048xf32, #tpu.memory_space<vmem>>, vector<16xf32>,
        %gt3A = vector.broadcast %scan3A_209#0 : f32 to vector<16xf32>
        %gt3A_260 = arith.cmpf ogt, %get3A_259, %gt3A : vector<16xf32>
        %jit3A = arith.constant 0.000000e+00 : f32
        %broadcast_in_dim3A_261 = vector.broadcast %jit3A : f32 to vector<16xf32>
        %select_n3A_262 = arith.select %gt3A_260, %get3A_259, %broadcast_in_dim3A_261 : vector<16xi1>, vector<16xf32>
        %add3A_263 = arith.addf %scan3A_255, %select_n3A_262 : vector<16xf32>
        %jit3A_264 = arith.constant 1.000000e+00 : f32
        %jit3A_265 = arith.constant 0.000000e+00 : f32
        %broadcast_in_dim3A_266 = vector.broadcast %jit3A_264 : f32 to vector<16xf32>
        %broadcast_in_dim3A_267 = vector.broadcast %jit3A_265 : f32 to vector<16xf32>
        %select_n3A_268 = arith.select %gt3A_260, %broadcast_in_dim3A_266, %broadcast_in_dim3A_267 : vector<16xi1>, vector<16xf32>
        %add3A_269 = arith.addf %scan3A_256, %select_n3A_268 : vector<16xf32>
        scf.yield %add3A_263, %add3A_269 : vector<16xf32>, vector<16xf32>
      }
      %scan3A_216 = arith.constant 128 : i32
      %reduce_sum3A_217 = arith.constant true
      %reduce_sum3A_218 = vector.broadcast %reduce_sum3A_217 : i1 to vector<16xi1>
      %reduce_sum3A_219 = tpu.scan <sum>, %scan3A_215#0 masked %reduce_sum3A_218 : vector<16xf32>, vector<16xi1> -> vector<16xf32>
      %reduce_sum3A_220 = vector.extract %reduce_sum3A_219[15] : f32 from vector<16xf32>
      %reduce_sum3A_221 = arith.constant true
      %reduce_sum3A_222 = vector.broadcast %reduce_sum3A_221 : i1 to vector<16xi1>
      %reduce_sum3A_223 = tpu.scan <sum>, %scan3A_215#1 masked %reduce_sum3A_222 : vector<16xf32>, vector<16xi1> -> vector<16xf32>
      %reduce_sum3A_224 = vector.extract %reduce_sum3A_223[15] : f32 from vector<16xf32>
      %sub3A_225 = arith.subf %cond3A_8, %reduce_sum3A_224 : f32
      %mul3A_226 = arith.mulf %sub3A_225, %scan3A_209#0 : f32
      %add3A_227 = arith.addf %reduce_sum3A_220, %mul3A_226 : f32
      %mul3A_228 = arith.constant 0.00243902439 : f32
      %mul3A_229 = arith.mulf %add3A_227, %mul3A_228 : f32
      %sub3A_230 = arith.subf %mul3A_229, %mul3A_120 : f32
      %add3A_231 = arith.constant 9.99999997E-7 : f32
      %add3A_232 = arith.addf %reduce_sum3A_186, %add3A_231 : f32
      %broadcast_in_dim3A_233 = vector.broadcast %add3A_232 : f32 to vector<16xf32>
      %div3A_234 = arith.constant 1.000000e+00 : f32
      %div3A_235 = vector.broadcast %div3A_234 : f32 to vector<16xf32>
      %div3A_236 = arith.divf %div3A_235, %broadcast_in_dim3A_233 : vector<16xf32>
      %iota3A_237 = tpu.iota {dimensions = array<i32: 0>} : vector<16xi32>
      %eq3A_238 = arith.constant 0 : i32
      %eq3A_239 = vector.broadcast %eq3A_238 : i32 to vector<16xi32>
      %eq3A_240 = arith.cmpi eq, %iota3A_237, %eq3A_239 : vector<16xi32>
      %broadcast_in_dim3A_241 = arith.constant 0.000000e+00 : f32
      %broadcast_in_dim3A_242 = vector.broadcast %broadcast_in_dim3A_241 : f32 to vector<16xf32>
      %select_n3A_243 = arith.select %eq3A_240, %div3A_236, %broadcast_in_dim3A_242 : vector<16xi1>, vector<16xf32>
      %reduce_sum3A_244 = arith.constant true
      %reduce_sum3A_245 = vector.broadcast %reduce_sum3A_244 : i1 to vector<16xi1>
      %reduce_sum3A_246 = tpu.scan <sum>, %select_n3A_243 masked %reduce_sum3A_245 : vector<16xf32>, vector<16xi1> -> vector<16xf32>
      %reduce_sum3A_247 = vector.extract %reduce_sum3A_246[15] : f32 from vector<16xf32>
      %mul3A_248 = arith.mulf %sub3A_230, %reduce_sum3A_247 : f32
      %broadcast_in_dim3A_249 = vector.broadcast %mul3A_248 : f32 to vector<16xf32>
      %swap3A_250 = arith.constant 0 : index
      %swap3A_251 = tpu.vector_load %arg17[%swap3A_250] {strides = array<i32>} : memref<16xf32, #tpu.memory_space<vmem>>, vector<16xf32>,
      tpu.vector_store %arg17[%swap3A_250], %broadcast_in_dim3A_249 {strides = array<i32>} : memref<16xf32, #tpu.memory_space<vmem>>, vector<16xf32>,
      %sub3A_252 = arith.constant 1 : i32
      %sub3A_253 = arith.subi %arg1, %sub3A_252 : i32
      "tpu.region"() ({
        %run_scoped3A = tpu.sem_alloc : memref<!tpu.dma_semaphore, #tpu.memory_space<semaphore_mem>>
        %dma_start3A = arith.constant 0 : i32
        %dma_start3A_254 = tpu.memref_slice %arg21[%sub3A_253, %dma_start3A] : memref<2x16xf32, #tpu.memory_space<vmem_shared>> -> memref<1x16xf32, #tpu.memory_space<vmem_shared>>
        %dma_start3A_255 = tpu.memref_squeeze %dma_start3A_254 : memref<1x16xf32, #tpu.memory_space<vmem_shared>> -> memref<16xf32, #tpu.memory_space<vmem_shared>>
        %dma_start3A_256 = arith.constant 0 : i32
        %dma_start3A_257 = tpu.memref_slice %arg21[%sub3A_253, %dma_start3A_256] : memref<2x16xf32, #tpu.memory_space<vmem_shared>> -> memref<1x16xf32, #tpu.memory_space<vmem_shared>>
        %dma_start3A_258 = tpu.memref_squeeze %dma_start3A_257 : memref<1x16xf32, #tpu.memory_space<vmem_shared>> -> memref<16xf32, #tpu.memory_space<vmem_shared>>
        tpu.enqueue_dma source(%arg17 : memref<16xf32, #tpu.memory_space<vmem>>) target(%dma_start3A_258 : memref<16xf32, #tpu.memory_space<vmem_shared>>) target_semaphore(%run_scoped3A : memref<!tpu.dma_semaphore, #tpu.memory_space<semaphore_mem>>)
        %dma_wait3A = arith.constant 0 : i32
        %dma_wait3A_259 = tpu.memref_slice %arg21[%sub3A_253, %dma_wait3A] : memref<2x16xf32, #tpu.memory_space<vmem_shared>> -> memref<1x16xf32, #tpu.memory_space<vmem_shared>>
        %dma_wait3A_260 = tpu.memref_squeeze %dma_wait3A_259 : memref<1x16xf32, #tpu.memory_space<vmem_shared>> -> memref<16xf32, #tpu.memory_space<vmem_shared>>
        %dma_wait3A_261 = arith.constant 0 : i32
        %dma_wait3A_262 = tpu.memref_slice %arg21[%sub3A_253, %dma_wait3A_261] : memref<2x16xf32, #tpu.memory_space<vmem_shared>> -> memref<1x16xf32, #tpu.memory_space<vmem_shared>>
        %dma_wait3A_263 = tpu.memref_squeeze %dma_wait3A_262 : memref<1x16xf32, #tpu.memory_space<vmem_shared>> -> memref<16xf32, #tpu.memory_space<vmem_shared>>
        tpu.wait_dma2 semaphore(%run_scoped3A : memref<!tpu.dma_semaphore, #tpu.memory_space<semaphore_mem>>) src(%arg17 : memref<16xf32, #tpu.memory_space<vmem>>) dst(%dma_wait3A_263 : memref<16xf32, #tpu.memory_space<vmem_shared>>)
        tpu.yield
      }) : () -> ()
    } else {
    }
    %barrier3A = arith.constant 0 : index
    tpu.barrier barrier_id(%barrier3A)
    %ne3A = arith.constant 0 : i32
    %ne3A_11 = arith.cmpi ne, %arg1, %ne3A : i32
    %convert_element_type3A_12 = arith.extui %ne3A_11 : i1 to i32
    %cond3A_13 = arith.constant 0 : i32
    %cond3A_14 = arith.cmpi ne, %convert_element_type3A_12, %cond3A_13 : i32
    scf.if %cond3A_14 {
      "tpu.region"() ({
        %run_scoped3A = tpu.sem_alloc : memref<!tpu.dma_semaphore, #tpu.memory_space<semaphore_mem>>
        %dma_start3A = arith.constant 0 : i32
        %dma_start3A_99 = tpu.memref_slice %arg6[%arg0, %dma_start3A] : memref<2x2048xf32, #tpu.memory_space<hbm>> -> memref<1x2048xf32, #tpu.memory_space<hbm>>
        %dma_start3A_100 = tpu.memref_squeeze %dma_start3A_99 : memref<1x2048xf32, #tpu.memory_space<hbm>> -> memref<2048xf32, #tpu.memory_space<hbm>>
        %dma_start3A_101 = arith.constant 0 : i32
        %dma_start3A_102 = tpu.memref_slice %arg6[%arg0, %dma_start3A_101] : memref<2x2048xf32, #tpu.memory_space<hbm>> -> memref<1x2048xf32, #tpu.memory_space<hbm>>
        %dma_start3A_103 = tpu.memref_squeeze %dma_start3A_102 : memref<1x2048xf32, #tpu.memory_space<hbm>> -> memref<2048xf32, #tpu.memory_space<hbm>>
        tpu.enqueue_dma source(%dma_start3A_103 : memref<2048xf32, #tpu.memory_space<hbm>>) target(%arg12 : memref<2048xf32, #tpu.memory_space<vmem>>) target_semaphore(%run_scoped3A : memref<!tpu.dma_semaphore, #tpu.memory_space<semaphore_mem>>)
        %dma_wait3A = arith.constant 0 : i32
        %dma_wait3A_104 = tpu.memref_slice %arg6[%arg0, %dma_wait3A] : memref<2x2048xf32, #tpu.memory_space<hbm>> -> memref<1x2048xf32, #tpu.memory_space<hbm>>
        %dma_wait3A_105 = tpu.memref_squeeze %dma_wait3A_104 : memref<1x2048xf32, #tpu.memory_space<hbm>> -> memref<2048xf32, #tpu.memory_space<hbm>>
        %dma_wait3A_106 = arith.constant 0 : i32
        %dma_wait3A_107 = tpu.memref_slice %arg6[%arg0, %dma_wait3A_106] : memref<2x2048xf32, #tpu.memory_space<hbm>> -> memref<1x2048xf32, #tpu.memory_space<hbm>>
        %dma_wait3A_108 = tpu.memref_squeeze %dma_wait3A_107 : memref<1x2048xf32, #tpu.memory_space<hbm>> -> memref<2048xf32, #tpu.memory_space<hbm>>
        tpu.wait_dma2 semaphore(%run_scoped3A : memref<!tpu.dma_semaphore, #tpu.memory_space<semaphore_mem>>) src(%dma_wait3A_108 : memref<2048xf32, #tpu.memory_space<hbm>>) dst(%arg12 : memref<2048xf32, #tpu.memory_space<vmem>>)
        tpu.yield
      }) : () -> ()
    } else {
    }
    "tpu.region"() ({
      %run_scoped3A = tpu.sem_alloc : memref<!tpu.dma_semaphore, #tpu.memory_space<semaphore_mem>>
      tpu.enqueue_dma source(%arg19 : memref<2048xf32, #tpu.memory_space<vmem_shared>>) target(%arg16 : memref<2048xf32, #tpu.memory_space<vmem>>) target_semaphore(%run_scoped3A : memref<!tpu.dma_semaphore, #tpu.memory_space<semaphore_mem>>)
      tpu.wait_dma2 semaphore(%run_scoped3A : memref<!tpu.dma_semaphore, #tpu.memory_space<semaphore_mem>>) src(%arg19 : memref<2048xf32, #tpu.memory_space<vmem_shared>>) dst(%arg16 : memref<2048xf32, #tpu.memory_space<vmem>>)
      tpu.yield
    }) : () -> ()
    %mul3A = arith.constant 2 : i32
    %mul3A_15 = arith.muli %arg1, %mul3A : i32
    %add3A = arith.constant 0 : i32
    %add3A_16 = arith.addi %mul3A_15, %add3A : i32
    "tpu.region"() ({
      %run_scoped3A = tpu.sem_alloc : memref<!tpu.dma_semaphore, #tpu.memory_space<semaphore_mem>>
      %dma_start3A = arith.constant 0 : i32
      %dma_start3A_99 = tpu.memref_slice %arg5[%arg0, %add3A_16, %dma_start3A] : memref<2x32x2048xf32, #tpu.memory_space<hbm>> -> memref<1x1x2048xf32, #tpu.memory_space<hbm>>
      %dma_start3A_100 = tpu.memref_squeeze %dma_start3A_99 : memref<1x1x2048xf32, #tpu.memory_space<hbm>> -> memref<2048xf32, #tpu.memory_space<hbm>>
      %dma_start3A_101 = arith.constant 0 : i32
      %dma_start3A_102 = tpu.memref_slice %arg5[%arg0, %add3A_16, %dma_start3A_101] : memref<2x32x2048xf32, #tpu.memory_space<hbm>> -> memref<1x1x2048xf32, #tpu.memory_space<hbm>>
      %dma_start3A_103 = tpu.memref_squeeze %dma_start3A_102 : memref<1x1x2048xf32, #tpu.memory_space<hbm>> -> memref<2048xf32, #tpu.memory_space<hbm>>
      tpu.enqueue_dma source(%dma_start3A_103 : memref<2048xf32, #tpu.memory_space<hbm>>) target(%arg15 : memref<2048xf32, #tpu.memory_space<vmem>>) target_semaphore(%run_scoped3A : memref<!tpu.dma_semaphore, #tpu.memory_space<semaphore_mem>>)
      %dma_wait3A = arith.constant 0 : i32
      %dma_wait3A_104 = tpu.memref_slice %arg5[%arg0, %add3A_16, %dma_wait3A] : memref<2x32x2048xf32, #tpu.memory_space<hbm>> -> memref<1x1x2048xf32, #tpu.memory_space<hbm>>
      %dma_wait3A_105 = tpu.memref_squeeze %dma_wait3A_104 : memref<1x1x2048xf32, #tpu.memory_space<hbm>> -> memref<2048xf32, #tpu.memory_space<hbm>>
      %dma_wait3A_106 = arith.constant 0 : i32
      %dma_wait3A_107 = tpu.memref_slice %arg5[%arg0, %add3A_16, %dma_wait3A_106] : memref<2x32x2048xf32, #tpu.memory_space<hbm>> -> memref<1x1x2048xf32, #tpu.memory_space<hbm>>
      %dma_wait3A_108 = tpu.memref_squeeze %dma_wait3A_107 : memref<1x1x2048xf32, #tpu.memory_space<hbm>> -> memref<2048xf32, #tpu.memory_space<hbm>>
      tpu.wait_dma2 semaphore(%run_scoped3A : memref<!tpu.dma_semaphore, #tpu.memory_space<semaphore_mem>>) src(%dma_wait3A_108 : memref<2048xf32, #tpu.memory_space<hbm>>) dst(%arg15 : memref<2048xf32, #tpu.memory_space<vmem>>)
      tpu.yield
    }) : () -> ()
    %scan3A = arith.constant 0 : i32
    %scan3A_17 = arith.constant 128 : i32
    %scan3A_18 = arith.addi %scan3A, %scan3A_17 : i32
    %scan3A_19 = arith.constant 1 : i32
    %scan3A_20:2 = scf.for %scan3A_99 = %scan3A to %scan3A_18 step %scan3A_19 iter_args(%scan3A_100 = %broadcast_in_dim3A_0, %scan3A_101 = %broadcast_in_dim3A_0) -> (vector<16xf32>, vector<16xf32>)  : i32 {
      %mul3A_102 = arith.constant 16 : i32
      %mul3A_103 = arith.muli %scan3A_99, %mul3A_102 : i32
      %get3A = arith.index_cast %mul3A_103 : i32 to index
      %get3A_104 = tpu.vector_load %arg15[%get3A] {strides = array<i32>} : memref<2048xf32, #tpu.memory_space<vmem>>, vector<16xf32>,
      %get3A_105 = arith.index_cast %mul3A_103 : i32 to index
      %get3A_106 = tpu.vector_load %arg16[%get3A_105] {strides = array<i32>} : memref<2048xf32, #tpu.memory_space<vmem>>, vector<16xf32>,
      %mul3A_107 = arith.mulf %get3A_104, %get3A_106 : vector<16xf32>
      %add3A_108 = arith.addf %scan3A_100, %mul3A_107 : vector<16xf32>
      %get3A_109 = arith.index_cast %mul3A_103 : i32 to index
      %get3A_110 = tpu.vector_load %arg12[%get3A_109] {strides = array<i32>} : memref<2048xf32, #tpu.memory_space<vmem>>, vector<16xf32>,
      %mul3A_111 = arith.mulf %get3A_104, %get3A_110 : vector<16xf32>
      %add3A_112 = arith.addf %scan3A_101, %mul3A_111 : vector<16xf32>
      scf.yield %add3A_108, %add3A_112 : vector<16xf32>, vector<16xf32>
    }
    %scan3A_21 = arith.constant 128 : i32
    %reduce_sum3A = arith.constant true
    %reduce_sum3A_22 = vector.broadcast %reduce_sum3A : i1 to vector<16xi1>
    %reduce_sum3A_23 = tpu.scan <sum>, %scan3A_20#0 masked %reduce_sum3A_22 : vector<16xf32>, vector<16xi1> -> vector<16xf32>
    %reduce_sum3A_24 = vector.extract %reduce_sum3A_23[15] : f32 from vector<16xf32>
    %reduce_sum3A_25 = arith.constant true
    %reduce_sum3A_26 = vector.broadcast %reduce_sum3A_25 : i1 to vector<16xi1>
    %reduce_sum3A_27 = tpu.scan <sum>, %scan3A_20#1 masked %reduce_sum3A_26 : vector<16xf32>, vector<16xi1> -> vector<16xf32>
    %reduce_sum3A_28 = vector.extract %reduce_sum3A_27[15] : f32 from vector<16xf32>
    %add3A_29 = arith.constant 9.99999997E-7 : f32
    %add3A_30 = arith.addf %reduce_sum3A_28, %add3A_29 : f32
    %broadcast_in_dim3A_31 = vector.broadcast %add3A_30 : f32 to vector<16xf32>
    %div3A = arith.constant 1.000000e+00 : f32
    %div3A_32 = vector.broadcast %div3A : f32 to vector<16xf32>
    %div3A_33 = arith.divf %div3A_32, %broadcast_in_dim3A_31 : vector<16xf32>
    %iota3A = tpu.iota {dimensions = array<i32: 0>} : vector<16xi32>
    %eq3A_34 = arith.constant 0 : i32
    %eq3A_35 = vector.broadcast %eq3A_34 : i32 to vector<16xi32>
    %eq3A_36 = arith.cmpi eq, %iota3A, %eq3A_35 : vector<16xi32>
    %broadcast_in_dim3A_37 = arith.constant 0.000000e+00 : f32
    %broadcast_in_dim3A_38 = vector.broadcast %broadcast_in_dim3A_37 : f32 to vector<16xf32>
    %select_n3A = arith.select %eq3A_36, %div3A_33, %broadcast_in_dim3A_38 : vector<16xi1>, vector<16xf32>
    %reduce_sum3A_39 = arith.constant true
    %reduce_sum3A_40 = vector.broadcast %reduce_sum3A_39 : i1 to vector<16xi1>
    %reduce_sum3A_41 = tpu.scan <sum>, %select_n3A masked %reduce_sum3A_40 : vector<16xf32>, vector<16xi1> -> vector<16xf32>
    %reduce_sum3A_42 = vector.extract %reduce_sum3A_41[15] : f32 from vector<16xf32>
    %mul3A_43 = arith.mulf %reduce_sum3A_24, %reduce_sum3A_42 : f32
    %iota3A_44 = tpu.iota {dimensions = array<i32: 0>} : vector<16xi32>
    %eq3A_45 = arith.constant 0 : i32
    %eq3A_46 = vector.broadcast %eq3A_45 : i32 to vector<16xi32>
    %eq3A_47 = arith.cmpi eq, %iota3A_44, %eq3A_46 : vector<16xi32>
    %broadcast_in_dim3A_48 = vector.broadcast %mul3A_43 : f32 to vector<16xf32>
    %select_n3A_49 = arith.select %eq3A_47, %broadcast_in_dim3A_48, %broadcast_in_dim3A_0 : vector<16xi1>, vector<16xf32>
    %mul3A_50 = arith.constant 2 : i32
    %mul3A_51 = arith.muli %arg1, %mul3A_50 : i32
    %add3A_52 = arith.constant 1 : i32
    %add3A_53 = arith.addi %mul3A_51, %add3A_52 : i32
    "tpu.region"() ({
      %run_scoped3A = tpu.sem_alloc : memref<!tpu.dma_semaphore, #tpu.memory_space<semaphore_mem>>
      %dma_start3A = arith.constant 0 : i32
      %dma_start3A_99 = tpu.memref_slice %arg5[%arg0, %add3A_53, %dma_start3A] : memref<2x32x2048xf32, #tpu.memory_space<hbm>> -> memref<1x1x2048xf32, #tpu.memory_space<hbm>>
      %dma_start3A_100 = tpu.memref_squeeze %dma_start3A_99 : memref<1x1x2048xf32, #tpu.memory_space<hbm>> -> memref<2048xf32, #tpu.memory_space<hbm>>
      %dma_start3A_101 = arith.constant 0 : i32
      %dma_start3A_102 = tpu.memref_slice %arg5[%arg0, %add3A_53, %dma_start3A_101] : memref<2x32x2048xf32, #tpu.memory_space<hbm>> -> memref<1x1x2048xf32, #tpu.memory_space<hbm>>
      %dma_start3A_103 = tpu.memref_squeeze %dma_start3A_102 : memref<1x1x2048xf32, #tpu.memory_space<hbm>> -> memref<2048xf32, #tpu.memory_space<hbm>>
      tpu.enqueue_dma source(%dma_start3A_103 : memref<2048xf32, #tpu.memory_space<hbm>>) target(%arg15 : memref<2048xf32, #tpu.memory_space<vmem>>) target_semaphore(%run_scoped3A : memref<!tpu.dma_semaphore, #tpu.memory_space<semaphore_mem>>)
      %dma_wait3A = arith.constant 0 : i32
      %dma_wait3A_104 = tpu.memref_slice %arg5[%arg0, %add3A_53, %dma_wait3A] : memref<2x32x2048xf32, #tpu.memory_space<hbm>> -> memref<1x1x2048xf32, #tpu.memory_space<hbm>>
      %dma_wait3A_105 = tpu.memref_squeeze %dma_wait3A_104 : memref<1x1x2048xf32, #tpu.memory_space<hbm>> -> memref<2048xf32, #tpu.memory_space<hbm>>
      %dma_wait3A_106 = arith.constant 0 : i32
      %dma_wait3A_107 = tpu.memref_slice %arg5[%arg0, %add3A_53, %dma_wait3A_106] : memref<2x32x2048xf32, #tpu.memory_space<hbm>> -> memref<1x1x2048xf32, #tpu.memory_space<hbm>>
      %dma_wait3A_108 = tpu.memref_squeeze %dma_wait3A_107 : memref<1x1x2048xf32, #tpu.memory_space<hbm>> -> memref<2048xf32, #tpu.memory_space<hbm>>
      tpu.wait_dma2 semaphore(%run_scoped3A : memref<!tpu.dma_semaphore, #tpu.memory_space<semaphore_mem>>) src(%dma_wait3A_108 : memref<2048xf32, #tpu.memory_space<hbm>>) dst(%arg15 : memref<2048xf32, #tpu.memory_space<vmem>>)
      tpu.yield
    }) : () -> ()
    %scan3A_54 = arith.constant 0 : i32
    %scan3A_55 = arith.constant 128 : i32
    %scan3A_56 = arith.addi %scan3A_54, %scan3A_55 : i32
    %scan3A_57 = arith.constant 1 : i32
    %scan3A_58:2 = scf.for %scan3A_99 = %scan3A_54 to %scan3A_56 step %scan3A_57 iter_args(%scan3A_100 = %broadcast_in_dim3A_0, %scan3A_101 = %broadcast_in_dim3A_0) -> (vector<16xf32>, vector<16xf32>)  : i32 {
      %mul3A_102 = arith.constant 16 : i32
      %mul3A_103 = arith.muli %scan3A_99, %mul3A_102 : i32
      %get3A = arith.index_cast %mul3A_103 : i32 to index
      %get3A_104 = tpu.vector_load %arg15[%get3A] {strides = array<i32>} : memref<2048xf32, #tpu.memory_space<vmem>>, vector<16xf32>,
      %get3A_105 = arith.index_cast %mul3A_103 : i32 to index
      %get3A_106 = tpu.vector_load %arg16[%get3A_105] {strides = array<i32>} : memref<2048xf32, #tpu.memory_space<vmem>>, vector<16xf32>,
      %mul3A_107 = arith.mulf %get3A_104, %get3A_106 : vector<16xf32>
      %add3A_108 = arith.addf %scan3A_100, %mul3A_107 : vector<16xf32>
      %get3A_109 = arith.index_cast %mul3A_103 : i32 to index
      %get3A_110 = tpu.vector_load %arg12[%get3A_109] {strides = array<i32>} : memref<2048xf32, #tpu.memory_space<vmem>>, vector<16xf32>,
      %mul3A_111 = arith.mulf %get3A_104, %get3A_110 : vector<16xf32>
      %add3A_112 = arith.addf %scan3A_101, %mul3A_111 : vector<16xf32>
      scf.yield %add3A_108, %add3A_112 : vector<16xf32>, vector<16xf32>
    }
    %scan3A_59 = arith.constant 128 : i32
    %reduce_sum3A_60 = arith.constant true
    %reduce_sum3A_61 = vector.broadcast %reduce_sum3A_60 : i1 to vector<16xi1>
    %reduce_sum3A_62 = tpu.scan <sum>, %scan3A_58#0 masked %reduce_sum3A_61 : vector<16xf32>, vector<16xi1> -> vector<16xf32>
    %reduce_sum3A_63 = vector.extract %reduce_sum3A_62[15] : f32 from vector<16xf32>
    %reduce_sum3A_64 = arith.constant true
    %reduce_sum3A_65 = vector.broadcast %reduce_sum3A_64 : i1 to vector<16xi1>
    %reduce_sum3A_66 = tpu.scan <sum>, %scan3A_58#1 masked %reduce_sum3A_65 : vector<16xf32>, vector<16xi1> -> vector<16xf32>
    %reduce_sum3A_67 = vector.extract %reduce_sum3A_66[15] : f32 from vector<16xf32>
    %add3A_68 = arith.constant 9.99999997E-7 : f32
    %add3A_69 = arith.addf %reduce_sum3A_67, %add3A_68 : f32
    %broadcast_in_dim3A_70 = vector.broadcast %add3A_69 : f32 to vector<16xf32>
    %div3A_71 = arith.constant 1.000000e+00 : f32
    %div3A_72 = vector.broadcast %div3A_71 : f32 to vector<16xf32>
    %div3A_73 = arith.divf %div3A_72, %broadcast_in_dim3A_70 : vector<16xf32>
    %iota3A_74 = tpu.iota {dimensions = array<i32: 0>} : vector<16xi32>
    %eq3A_75 = arith.constant 0 : i32
    %eq3A_76 = vector.broadcast %eq3A_75 : i32 to vector<16xi32>
    %eq3A_77 = arith.cmpi eq, %iota3A_74, %eq3A_76 : vector<16xi32>
    %broadcast_in_dim3A_78 = arith.constant 0.000000e+00 : f32
    %broadcast_in_dim3A_79 = vector.broadcast %broadcast_in_dim3A_78 : f32 to vector<16xf32>
    %select_n3A_80 = arith.select %eq3A_77, %div3A_73, %broadcast_in_dim3A_79 : vector<16xi1>, vector<16xf32>
    %reduce_sum3A_81 = arith.constant true
    %reduce_sum3A_82 = vector.broadcast %reduce_sum3A_81 : i1 to vector<16xi1>
    %reduce_sum3A_83 = tpu.scan <sum>, %select_n3A_80 masked %reduce_sum3A_82 : vector<16xf32>, vector<16xi1> -> vector<16xf32>
    %reduce_sum3A_84 = vector.extract %reduce_sum3A_83[15] : f32 from vector<16xf32>
    %mul3A_85 = arith.mulf %reduce_sum3A_63, %reduce_sum3A_84 : f32
    %iota3A_86 = tpu.iota {dimensions = array<i32: 0>} : vector<16xi32>
    %eq3A_87 = arith.constant 1 : i32
    %eq3A_88 = vector.broadcast %eq3A_87 : i32 to vector<16xi32>
    %eq3A_89 = arith.cmpi eq, %iota3A_86, %eq3A_88 : vector<16xi32>
    %broadcast_in_dim3A_90 = vector.broadcast %mul3A_85 : f32 to vector<16xf32>
    %select_n3A_91 = arith.select %eq3A_89, %broadcast_in_dim3A_90, %select_n3A_49 : vector<16xi1>, vector<16xf32>
    %swap3A = arith.constant 0 : index
    %swap3A_92 = tpu.vector_load %arg17[%swap3A] {strides = array<i32>} : memref<16xf32, #tpu.memory_space<vmem>>, vector<16xf32>,
    tpu.vector_store %arg17[%swap3A], %select_n3A_91 {strides = array<i32>} : memref<16xf32, #tpu.memory_space<vmem>>, vector<16xf32>,
    "tpu.region"() ({
      %run_scoped3A = tpu.sem_alloc : memref<!tpu.dma_semaphore, #tpu.memory_space<semaphore_mem>>
      %dma_start3A = arith.constant 0 : i32
      %dma_start3A_99 = tpu.memref_slice %arg20[%arg1, %dma_start3A] : memref<16x16xf32, #tpu.memory_space<vmem_shared>> -> memref<1x16xf32, #tpu.memory_space<vmem_shared>>
      %dma_start3A_100 = tpu.memref_squeeze %dma_start3A_99 : memref<1x16xf32, #tpu.memory_space<vmem_shared>> -> memref<16xf32, #tpu.memory_space<vmem_shared>>
      %dma_start3A_101 = arith.constant 0 : i32
      %dma_start3A_102 = tpu.memref_slice %arg20[%arg1, %dma_start3A_101] : memref<16x16xf32, #tpu.memory_space<vmem_shared>> -> memref<1x16xf32, #tpu.memory_space<vmem_shared>>
      %dma_start3A_103 = tpu.memref_squeeze %dma_start3A_102 : memref<1x16xf32, #tpu.memory_space<vmem_shared>> -> memref<16xf32, #tpu.memory_space<vmem_shared>>
      tpu.enqueue_dma source(%arg17 : memref<16xf32, #tpu.memory_space<vmem>>) target(%dma_start3A_103 : memref<16xf32, #tpu.memory_space<vmem_shared>>) target_semaphore(%run_scoped3A : memref<!tpu.dma_semaphore, #tpu.memory_space<semaphore_mem>>)
      %dma_wait3A = arith.constant 0 : i32
      %dma_wait3A_104 = tpu.memref_slice %arg20[%arg1, %dma_wait3A] : memref<16x16xf32, #tpu.memory_space<vmem_shared>> -> memref<1x16xf32, #tpu.memory_space<vmem_shared>>
      %dma_wait3A_105 = tpu.memref_squeeze %dma_wait3A_104 : memref<1x16xf32, #tpu.memory_space<vmem_shared>> -> memref<16xf32, #tpu.memory_space<vmem_shared>>
      %dma_wait3A_106 = arith.constant 0 : i32
      %dma_wait3A_107 = tpu.memref_slice %arg20[%arg1, %dma_wait3A_106] : memref<16x16xf32, #tpu.memory_space<vmem_shared>> -> memref<1x16xf32, #tpu.memory_space<vmem_shared>>
      %dma_wait3A_108 = tpu.memref_squeeze %dma_wait3A_107 : memref<1x16xf32, #tpu.memory_space<vmem_shared>> -> memref<16xf32, #tpu.memory_space<vmem_shared>>
      tpu.wait_dma2 semaphore(%run_scoped3A : memref<!tpu.dma_semaphore, #tpu.memory_space<semaphore_mem>>) src(%arg17 : memref<16xf32, #tpu.memory_space<vmem>>) dst(%dma_wait3A_108 : memref<16xf32, #tpu.memory_space<vmem_shared>>)
      tpu.yield
    }) : () -> ()
    %barrier3A_93 = arith.constant 0 : index
    tpu.barrier barrier_id(%barrier3A_93)
    %eq3A_94 = arith.constant 0 : i32
    %eq3A_95 = arith.cmpi eq, %arg1, %eq3A_94 : i32
    %convert_element_type3A_96 = arith.extui %eq3A_95 : i1 to i32
    %cond3A_97 = arith.constant 0 : i32
    %cond3A_98 = arith.cmpi ne, %convert_element_type3A_96, %cond3A_97 : i32
    scf.if %cond3A_98 {
      %iota3A_99 = tpu.iota {dimensions = array<i32: 0>} : vector<16xi32>
      %run_scoped3A = arith.constant 0 : i32
      "tpu.region"() ({
        %run_scoped3A_2111 = tpu.sem_alloc : memref<!tpu.dma_semaphore, #tpu.memory_space<semaphore_mem>>
        %dma_start3A = arith.constant 0 : i32
        %dma_start3A_2112 = tpu.memref_slice %arg20[%run_scoped3A, %dma_start3A] : memref<16x16xf32, #tpu.memory_space<vmem_shared>> -> memref<1x16xf32, #tpu.memory_space<vmem_shared>>
        %dma_start3A_2113 = tpu.memref_squeeze %dma_start3A_2112 : memref<1x16xf32, #tpu.memory_space<vmem_shared>> -> memref<16xf32, #tpu.memory_space<vmem_shared>>
        %dma_start3A_2114 = arith.constant 0 : i32
        %dma_start3A_2115 = tpu.memref_slice %arg20[%run_scoped3A, %dma_start3A_2114] : memref<16x16xf32, #tpu.memory_space<vmem_shared>> -> memref<1x16xf32, #tpu.memory_space<vmem_shared>>
        %dma_start3A_2116 = tpu.memref_squeeze %dma_start3A_2115 : memref<1x16xf32, #tpu.memory_space<vmem_shared>> -> memref<16xf32, #tpu.memory_space<vmem_shared>>
        tpu.enqueue_dma source(%dma_start3A_2116 : memref<16xf32, #tpu.memory_space<vmem_shared>>) target(%arg17 : memref<16xf32, #tpu.memory_space<vmem>>) target_semaphore(%run_scoped3A_2111 : memref<!tpu.dma_semaphore, #tpu.memory_space<semaphore_mem>>)
        %dma_wait3A = arith.constant 0 : i32
        %dma_wait3A_2117 = tpu.memref_slice %arg20[%run_scoped3A, %dma_wait3A] : memref<16x16xf32, #tpu.memory_space<vmem_shared>> -> memref<1x16xf32, #tpu.memory_space<vmem_shared>>
        %dma_wait3A_2118 = tpu.memref_squeeze %dma_wait3A_2117 : memref<1x16xf32, #tpu.memory_space<vmem_shared>> -> memref<16xf32, #tpu.memory_space<vmem_shared>>
        %dma_wait3A_2119 = arith.constant 0 : i32
        %dma_wait3A_2120 = tpu.memref_slice %arg20[%run_scoped3A, %dma_wait3A_2119] : memref<16x16xf32, #tpu.memory_space<vmem_shared>> -> memref<1x16xf32, #tpu.memory_space<vmem_shared>>
        %dma_wait3A_2121 = tpu.memref_squeeze %dma_wait3A_2120 : memref<1x16xf32, #tpu.memory_space<vmem_shared>> -> memref<16xf32, #tpu.memory_space<vmem_shared>>
        tpu.wait_dma2 semaphore(%run_scoped3A_2111 : memref<!tpu.dma_semaphore, #tpu.memory_space<semaphore_mem>>) src(%dma_wait3A_2121 : memref<16xf32, #tpu.memory_space<vmem_shared>>) dst(%arg17 : memref<16xf32, #tpu.memory_space<vmem>>)
        tpu.yield
      }) : () -> ()
      %get3A = arith.constant 0 : index
      %get3A_100 = tpu.vector_load %arg17[%get3A] {strides = array<i32>} : memref<16xf32, #tpu.memory_space<vmem>>, vector<16xf32>,
      %iota3A_101 = tpu.iota {dimensions = array<i32: 0>} : vector<16xi32>
      %eq3A_102 = arith.constant 0 : i32
      %eq3A_103 = vector.broadcast %eq3A_102 : i32 to vector<16xi32>
      %eq3A_104 = arith.cmpi eq, %iota3A_101, %eq3A_103 : vector<16xi32>
      %broadcast_in_dim3A_105 = arith.constant 0.000000e+00 : f32
      %broadcast_in_dim3A_106 = vector.broadcast %broadcast_in_dim3A_105 : f32 to vector<16xf32>
      %select_n3A_107 = arith.select %eq3A_104, %get3A_100, %broadcast_in_dim3A_106 : vector<16xi1>, vector<16xf32>
      %reduce_sum3A_108 = arith.constant true
      %reduce_sum3A_109 = vector.broadcast %reduce_sum3A_108 : i1 to vector<16xi1>
      %reduce_sum3A_110 = tpu.scan <sum>, %select_n3A_107 masked %reduce_sum3A_109 : vector<16xf32>, vector<16xi1> -> vector<16xf32>
      %reduce_sum3A_111 = vector.extract %reduce_sum3A_110[15] : f32 from vector<16xf32>
      %iota3A_112 = tpu.iota {dimensions = array<i32: 0>} : vector<16xi32>
      %eq3A_113 = arith.constant 1 : i32
      %eq3A_114 = vector.broadcast %eq3A_113 : i32 to vector<16xi32>
      %eq3A_115 = arith.cmpi eq, %iota3A_112, %eq3A_114 : vector<16xi32>
      %broadcast_in_dim3A_116 = arith.constant 0.000000e+00 : f32
      %broadcast_in_dim3A_117 = vector.broadcast %broadcast_in_dim3A_116 : f32 to vector<16xf32>
      %select_n3A_118 = arith.select %eq3A_115, %get3A_100, %broadcast_in_dim3A_117 : vector<16xi1>, vector<16xf32>
      %reduce_sum3A_119 = arith.constant true
      %reduce_sum3A_120 = vector.broadcast %reduce_sum3A_119 : i1 to vector<16xi1>
      %reduce_sum3A_121 = tpu.scan <sum>, %select_n3A_118 masked %reduce_sum3A_120 : vector<16xf32>, vector<16xi1> -> vector<16xf32>
      %reduce_sum3A_122 = vector.extract %reduce_sum3A_121[15] : f32 from vector<16xf32>
      %eq3A_123 = arith.constant 0 : i32
      %eq3A_124 = vector.broadcast %eq3A_123 : i32 to vector<16xi32>
      %eq3A_125 = arith.cmpi eq, %iota3A_99, %eq3A_124 : vector<16xi32>
      %broadcast_in_dim3A_126 = vector.broadcast %reduce_sum3A_111 : f32 to vector<16xf32>
      %select_n3A_127 = arith.select %eq3A_125, %broadcast_in_dim3A_126, %broadcast_in_dim3A_0 : vector<16xi1>, vector<16xf32>
      %eq3A_128 = arith.constant 1 : i32
      %eq3A_129 = vector.broadcast %eq3A_128 : i32 to vector<16xi32>
      %eq3A_130 = arith.cmpi eq, %iota3A_99, %eq3A_129 : vector<16xi32>
      %broadcast_in_dim3A_131 = vector.broadcast %reduce_sum3A_122 : f32 to vector<16xf32>
      %select_n3A_132 = arith.select %eq3A_130, %broadcast_in_dim3A_131, %select_n3A_127 : vector<16xi1>, vector<16xf32>
      %run_scoped3A_133 = arith.constant 1 : i32
      "tpu.region"() ({
        %run_scoped3A_2111 = tpu.sem_alloc : memref<!tpu.dma_semaphore, #tpu.memory_space<semaphore_mem>>
        %dma_start3A = arith.constant 0 : i32
        %dma_start3A_2112 = tpu.memref_slice %arg20[%run_scoped3A_133, %dma_start3A] : memref<16x16xf32, #tpu.memory_space<vmem_shared>> -> memref<1x16xf32, #tpu.memory_space<vmem_shared>>
        %dma_start3A_2113 = tpu.memref_squeeze %dma_start3A_2112 : memref<1x16xf32, #tpu.memory_space<vmem_shared>> -> memref<16xf32, #tpu.memory_space<vmem_shared>>
        %dma_start3A_2114 = arith.constant 0 : i32
        %dma_start3A_2115 = tpu.memref_slice %arg20[%run_scoped3A_133, %dma_start3A_2114] : memref<16x16xf32, #tpu.memory_space<vmem_shared>> -> memref<1x16xf32, #tpu.memory_space<vmem_shared>>
        %dma_start3A_2116 = tpu.memref_squeeze %dma_start3A_2115 : memref<1x16xf32, #tpu.memory_space<vmem_shared>> -> memref<16xf32, #tpu.memory_space<vmem_shared>>
        tpu.enqueue_dma source(%dma_start3A_2116 : memref<16xf32, #tpu.memory_space<vmem_shared>>) target(%arg17 : memref<16xf32, #tpu.memory_space<vmem>>) target_semaphore(%run_scoped3A_2111 : memref<!tpu.dma_semaphore, #tpu.memory_space<semaphore_mem>>)
        %dma_wait3A = arith.constant 0 : i32
        %dma_wait3A_2117 = tpu.memref_slice %arg20[%run_scoped3A_133, %dma_wait3A] : memref<16x16xf32, #tpu.memory_space<vmem_shared>> -> memref<1x16xf32, #tpu.memory_space<vmem_shared>>
        %dma_wait3A_2118 = tpu.memref_squeeze %dma_wait3A_2117 : memref<1x16xf32, #tpu.memory_space<vmem_shared>> -> memref<16xf32, #tpu.memory_space<vmem_shared>>
        %dma_wait3A_2119 = arith.constant 0 : i32
        %dma_wait3A_2120 = tpu.memref_slice %arg20[%run_scoped3A_133, %dma_wait3A_2119] : memref<16x16xf32, #tpu.memory_space<vmem_shared>> -> memref<1x16xf32, #tpu.memory_space<vmem_shared>>
        %dma_wait3A_2121 = tpu.memref_squeeze %dma_wait3A_2120 : memref<1x16xf32, #tpu.memory_space<vmem_shared>> -> memref<16xf32, #tpu.memory_space<vmem_shared>>
        tpu.wait_dma2 semaphore(%run_scoped3A_2111 : memref<!tpu.dma_semaphore, #tpu.memory_space<semaphore_mem>>) src(%dma_wait3A_2121 : memref<16xf32, #tpu.memory_space<vmem_shared>>) dst(%arg17 : memref<16xf32, #tpu.memory_space<vmem>>)
        tpu.yield
      }) : () -> ()
      %get3A_134 = arith.constant 0 : index
      %get3A_135 = tpu.vector_load %arg17[%get3A_134] {strides = array<i32>} : memref<16xf32, #tpu.memory_space<vmem>>, vector<16xf32>,
      %iota3A_136 = tpu.iota {dimensions = array<i32: 0>} : vector<16xi32>
      %eq3A_137 = arith.constant 0 : i32
      %eq3A_138 = vector.broadcast %eq3A_137 : i32 to vector<16xi32>
      %eq3A_139 = arith.cmpi eq, %iota3A_136, %eq3A_138 : vector<16xi32>
      %broadcast_in_dim3A_140 = arith.constant 0.000000e+00 : f32
      %broadcast_in_dim3A_141 = vector.broadcast %broadcast_in_dim3A_140 : f32 to vector<16xf32>
      %select_n3A_142 = arith.select %eq3A_139, %get3A_135, %broadcast_in_dim3A_141 : vector<16xi1>, vector<16xf32>
      %reduce_sum3A_143 = arith.constant true
      %reduce_sum3A_144 = vector.broadcast %reduce_sum3A_143 : i1 to vector<16xi1>
      %reduce_sum3A_145 = tpu.scan <sum>, %select_n3A_142 masked %reduce_sum3A_144 : vector<16xf32>, vector<16xi1> -> vector<16xf32>
      %reduce_sum3A_146 = vector.extract %reduce_sum3A_145[15] : f32 from vector<16xf32>
      %iota3A_147 = tpu.iota {dimensions = array<i32: 0>} : vector<16xi32>
      %eq3A_148 = arith.constant 1 : i32
      %eq3A_149 = vector.broadcast %eq3A_148 : i32 to vector<16xi32>
      %eq3A_150 = arith.cmpi eq, %iota3A_147, %eq3A_149 : vector<16xi32>
      %broadcast_in_dim3A_151 = arith.constant 0.000000e+00 : f32
      %broadcast_in_dim3A_152 = vector.broadcast %broadcast_in_dim3A_151 : f32 to vector<16xf32>
      %select_n3A_153 = arith.select %eq3A_150, %get3A_135, %broadcast_in_dim3A_152 : vector<16xi1>, vector<16xf32>
      %reduce_sum3A_154 = arith.constant true
      %reduce_sum3A_155 = vector.broadcast %reduce_sum3A_154 : i1 to vector<16xi1>
      %reduce_sum3A_156 = tpu.scan <sum>, %select_n3A_153 masked %reduce_sum3A_155 : vector<16xf32>, vector<16xi1> -> vector<16xf32>
      %reduce_sum3A_157 = vector.extract %reduce_sum3A_156[15] : f32 from vector<16xf32>
      %eq3A_158 = arith.constant 2 : i32
      %eq3A_159 = vector.broadcast %eq3A_158 : i32 to vector<16xi32>
      %eq3A_160 = arith.cmpi eq, %iota3A_99, %eq3A_159 : vector<16xi32>
      %broadcast_in_dim3A_161 = vector.broadcast %reduce_sum3A_146 : f32 to vector<16xf32>
      %select_n3A_162 = arith.select %eq3A_160, %broadcast_in_dim3A_161, %select_n3A_132 : vector<16xi1>, vector<16xf32>
      %eq3A_163 = arith.constant 3 : i32
      %eq3A_164 = vector.broadcast %eq3A_163 : i32 to vector<16xi32>
      %eq3A_165 = arith.cmpi eq, %iota3A_99, %eq3A_164 : vector<16xi32>
      %broadcast_in_dim3A_166 = vector.broadcast %reduce_sum3A_157 : f32 to vector<16xf32>
      %select_n3A_167 = arith.select %eq3A_165, %broadcast_in_dim3A_166, %select_n3A_162 : vector<16xi1>, vector<16xf32>
      %run_scoped3A_168 = arith.constant 2 : i32
      "tpu.region"() ({
        %run_scoped3A_2111 = tpu.sem_alloc : memref<!tpu.dma_semaphore, #tpu.memory_space<semaphore_mem>>
        %dma_start3A = arith.constant 0 : i32
        %dma_start3A_2112 = tpu.memref_slice %arg20[%run_scoped3A_168, %dma_start3A] : memref<16x16xf32, #tpu.memory_space<vmem_shared>> -> memref<1x16xf32, #tpu.memory_space<vmem_shared>>
        %dma_start3A_2113 = tpu.memref_squeeze %dma_start3A_2112 : memref<1x16xf32, #tpu.memory_space<vmem_shared>> -> memref<16xf32, #tpu.memory_space<vmem_shared>>
        %dma_start3A_2114 = arith.constant 0 : i32
        %dma_start3A_2115 = tpu.memref_slice %arg20[%run_scoped3A_168, %dma_start3A_2114] : memref<16x16xf32, #tpu.memory_space<vmem_shared>> -> memref<1x16xf32, #tpu.memory_space<vmem_shared>>
        %dma_start3A_2116 = tpu.memref_squeeze %dma_start3A_2115 : memref<1x16xf32, #tpu.memory_space<vmem_shared>> -> memref<16xf32, #tpu.memory_space<vmem_shared>>
        tpu.enqueue_dma source(%dma_start3A_2116 : memref<16xf32, #tpu.memory_space<vmem_shared>>) target(%arg17 : memref<16xf32, #tpu.memory_space<vmem>>) target_semaphore(%run_scoped3A_2111 : memref<!tpu.dma_semaphore, #tpu.memory_space<semaphore_mem>>)
        %dma_wait3A = arith.constant 0 : i32
        %dma_wait3A_2117 = tpu.memref_slice %arg20[%run_scoped3A_168, %dma_wait3A] : memref<16x16xf32, #tpu.memory_space<vmem_shared>> -> memref<1x16xf32, #tpu.memory_space<vmem_shared>>
        %dma_wait3A_2118 = tpu.memref_squeeze %dma_wait3A_2117 : memref<1x16xf32, #tpu.memory_space<vmem_shared>> -> memref<16xf32, #tpu.memory_space<vmem_shared>>
        %dma_wait3A_2119 = arith.constant 0 : i32
        %dma_wait3A_2120 = tpu.memref_slice %arg20[%run_scoped3A_168, %dma_wait3A_2119] : memref<16x16xf32, #tpu.memory_space<vmem_shared>> -> memref<1x16xf32, #tpu.memory_space<vmem_shared>>
        %dma_wait3A_2121 = tpu.memref_squeeze %dma_wait3A_2120 : memref<1x16xf32, #tpu.memory_space<vmem_shared>> -> memref<16xf32, #tpu.memory_space<vmem_shared>>
        tpu.wait_dma2 semaphore(%run_scoped3A_2111 : memref<!tpu.dma_semaphore, #tpu.memory_space<semaphore_mem>>) src(%dma_wait3A_2121 : memref<16xf32, #tpu.memory_space<vmem_shared>>) dst(%arg17 : memref<16xf32, #tpu.memory_space<vmem>>)
        tpu.yield
      }) : () -> ()
      %get3A_169 = arith.constant 0 : index
      %get3A_170 = tpu.vector_load %arg17[%get3A_169] {strides = array<i32>} : memref<16xf32, #tpu.memory_space<vmem>>, vector<16xf32>,
      %iota3A_171 = tpu.iota {dimensions = array<i32: 0>} : vector<16xi32>
      %eq3A_172 = arith.constant 0 : i32
      %eq3A_173 = vector.broadcast %eq3A_172 : i32 to vector<16xi32>
      %eq3A_174 = arith.cmpi eq, %iota3A_171, %eq3A_173 : vector<16xi32>
      %broadcast_in_dim3A_175 = arith.constant 0.000000e+00 : f32
      %broadcast_in_dim3A_176 = vector.broadcast %broadcast_in_dim3A_175 : f32 to vector<16xf32>
      %select_n3A_177 = arith.select %eq3A_174, %get3A_170, %broadcast_in_dim3A_176 : vector<16xi1>, vector<16xf32>
      %reduce_sum3A_178 = arith.constant true
      %reduce_sum3A_179 = vector.broadcast %reduce_sum3A_178 : i1 to vector<16xi1>
      %reduce_sum3A_180 = tpu.scan <sum>, %select_n3A_177 masked %reduce_sum3A_179 : vector<16xf32>, vector<16xi1> -> vector<16xf32>
      %reduce_sum3A_181 = vector.extract %reduce_sum3A_180[15] : f32 from vector<16xf32>
      %iota3A_182 = tpu.iota {dimensions = array<i32: 0>} : vector<16xi32>
      %eq3A_183 = arith.constant 1 : i32
      %eq3A_184 = vector.broadcast %eq3A_183 : i32 to vector<16xi32>
      %eq3A_185 = arith.cmpi eq, %iota3A_182, %eq3A_184 : vector<16xi32>
      %broadcast_in_dim3A_186 = arith.constant 0.000000e+00 : f32
      %broadcast_in_dim3A_187 = vector.broadcast %broadcast_in_dim3A_186 : f32 to vector<16xf32>
      %select_n3A_188 = arith.select %eq3A_185, %get3A_170, %broadcast_in_dim3A_187 : vector<16xi1>, vector<16xf32>
      %reduce_sum3A_189 = arith.constant true
      %reduce_sum3A_190 = vector.broadcast %reduce_sum3A_189 : i1 to vector<16xi1>
      %reduce_sum3A_191 = tpu.scan <sum>, %select_n3A_188 masked %reduce_sum3A_190 : vector<16xf32>, vector<16xi1> -> vector<16xf32>
      %reduce_sum3A_192 = vector.extract %reduce_sum3A_191[15] : f32 from vector<16xf32>
      %eq3A_193 = arith.constant 4 : i32
      %eq3A_194 = vector.broadcast %eq3A_193 : i32 to vector<16xi32>
      %eq3A_195 = arith.cmpi eq, %iota3A_99, %eq3A_194 : vector<16xi32>
      %broadcast_in_dim3A_196 = vector.broadcast %reduce_sum3A_181 : f32 to vector<16xf32>
      %select_n3A_197 = arith.select %eq3A_195, %broadcast_in_dim3A_196, %select_n3A_167 : vector<16xi1>, vector<16xf32>
      %eq3A_198 = arith.constant 5 : i32
      %eq3A_199 = vector.broadcast %eq3A_198 : i32 to vector<16xi32>
      %eq3A_200 = arith.cmpi eq, %iota3A_99, %eq3A_199 : vector<16xi32>
      %broadcast_in_dim3A_201 = vector.broadcast %reduce_sum3A_192 : f32 to vector<16xf32>
      %select_n3A_202 = arith.select %eq3A_200, %broadcast_in_dim3A_201, %select_n3A_197 : vector<16xi1>, vector<16xf32>
      %run_scoped3A_203 = arith.constant 3 : i32
      "tpu.region"() ({
        %run_scoped3A_2111 = tpu.sem_alloc : memref<!tpu.dma_semaphore, #tpu.memory_space<semaphore_mem>>
        %dma_start3A = arith.constant 0 : i32
        %dma_start3A_2112 = tpu.memref_slice %arg20[%run_scoped3A_203, %dma_start3A] : memref<16x16xf32, #tpu.memory_space<vmem_shared>> -> memref<1x16xf32, #tpu.memory_space<vmem_shared>>
        %dma_start3A_2113 = tpu.memref_squeeze %dma_start3A_2112 : memref<1x16xf32, #tpu.memory_space<vmem_shared>> -> memref<16xf32, #tpu.memory_space<vmem_shared>>
        %dma_start3A_2114 = arith.constant 0 : i32
        %dma_start3A_2115 = tpu.memref_slice %arg20[%run_scoped3A_203, %dma_start3A_2114] : memref<16x16xf32, #tpu.memory_space<vmem_shared>> -> memref<1x16xf32, #tpu.memory_space<vmem_shared>>
        %dma_start3A_2116 = tpu.memref_squeeze %dma_start3A_2115 : memref<1x16xf32, #tpu.memory_space<vmem_shared>> -> memref<16xf32, #tpu.memory_space<vmem_shared>>
        tpu.enqueue_dma source(%dma_start3A_2116 : memref<16xf32, #tpu.memory_space<vmem_shared>>) target(%arg17 : memref<16xf32, #tpu.memory_space<vmem>>) target_semaphore(%run_scoped3A_2111 : memref<!tpu.dma_semaphore, #tpu.memory_space<semaphore_mem>>)
        %dma_wait3A = arith.constant 0 : i32
        %dma_wait3A_2117 = tpu.memref_slice %arg20[%run_scoped3A_203, %dma_wait3A] : memref<16x16xf32, #tpu.memory_space<vmem_shared>> -> memref<1x16xf32, #tpu.memory_space<vmem_shared>>
        %dma_wait3A_2118 = tpu.memref_squeeze %dma_wait3A_2117 : memref<1x16xf32, #tpu.memory_space<vmem_shared>> -> memref<16xf32, #tpu.memory_space<vmem_shared>>
        %dma_wait3A_2119 = arith.constant 0 : i32
        %dma_wait3A_2120 = tpu.memref_slice %arg20[%run_scoped3A_203, %dma_wait3A_2119] : memref<16x16xf32, #tpu.memory_space<vmem_shared>> -> memref<1x16xf32, #tpu.memory_space<vmem_shared>>
        %dma_wait3A_2121 = tpu.memref_squeeze %dma_wait3A_2120 : memref<1x16xf32, #tpu.memory_space<vmem_shared>> -> memref<16xf32, #tpu.memory_space<vmem_shared>>
        tpu.wait_dma2 semaphore(%run_scoped3A_2111 : memref<!tpu.dma_semaphore, #tpu.memory_space<semaphore_mem>>) src(%dma_wait3A_2121 : memref<16xf32, #tpu.memory_space<vmem_shared>>) dst(%arg17 : memref<16xf32, #tpu.memory_space<vmem>>)
        tpu.yield
      }) : () -> ()
      %get3A_204 = arith.constant 0 : index
      %get3A_205 = tpu.vector_load %arg17[%get3A_204] {strides = array<i32>} : memref<16xf32, #tpu.memory_space<vmem>>, vector<16xf32>,
      %iota3A_206 = tpu.iota {dimensions = array<i32: 0>} : vector<16xi32>
      %eq3A_207 = arith.constant 0 : i32
      %eq3A_208 = vector.broadcast %eq3A_207 : i32 to vector<16xi32>
      %eq3A_209 = arith.cmpi eq, %iota3A_206, %eq3A_208 : vector<16xi32>
      %broadcast_in_dim3A_210 = arith.constant 0.000000e+00 : f32
      %broadcast_in_dim3A_211 = vector.broadcast %broadcast_in_dim3A_210 : f32 to vector<16xf32>
      %select_n3A_212 = arith.select %eq3A_209, %get3A_205, %broadcast_in_dim3A_211 : vector<16xi1>, vector<16xf32>
      %reduce_sum3A_213 = arith.constant true
      %reduce_sum3A_214 = vector.broadcast %reduce_sum3A_213 : i1 to vector<16xi1>
      %reduce_sum3A_215 = tpu.scan <sum>, %select_n3A_212 masked %reduce_sum3A_214 : vector<16xf32>, vector<16xi1> -> vector<16xf32>
      %reduce_sum3A_216 = vector.extract %reduce_sum3A_215[15] : f32 from vector<16xf32>
      %iota3A_217 = tpu.iota {dimensions = array<i32: 0>} : vector<16xi32>
      %eq3A_218 = arith.constant 1 : i32
      %eq3A_219 = vector.broadcast %eq3A_218 : i32 to vector<16xi32>
      %eq3A_220 = arith.cmpi eq, %iota3A_217, %eq3A_219 : vector<16xi32>
      %broadcast_in_dim3A_221 = arith.constant 0.000000e+00 : f32
      %broadcast_in_dim3A_222 = vector.broadcast %broadcast_in_dim3A_221 : f32 to vector<16xf32>
      %select_n3A_223 = arith.select %eq3A_220, %get3A_205, %broadcast_in_dim3A_222 : vector<16xi1>, vector<16xf32>
      %reduce_sum3A_224 = arith.constant true
      %reduce_sum3A_225 = vector.broadcast %reduce_sum3A_224 : i1 to vector<16xi1>
      %reduce_sum3A_226 = tpu.scan <sum>, %select_n3A_223 masked %reduce_sum3A_225 : vector<16xf32>, vector<16xi1> -> vector<16xf32>
      %reduce_sum3A_227 = vector.extract %reduce_sum3A_226[15] : f32 from vector<16xf32>
      %eq3A_228 = arith.constant 6 : i32
      %eq3A_229 = vector.broadcast %eq3A_228 : i32 to vector<16xi32>
      %eq3A_230 = arith.cmpi eq, %iota3A_99, %eq3A_229 : vector<16xi32>
      %broadcast_in_dim3A_231 = vector.broadcast %reduce_sum3A_216 : f32 to vector<16xf32>
      %select_n3A_232 = arith.select %eq3A_230, %broadcast_in_dim3A_231, %select_n3A_202 : vector<16xi1>, vector<16xf32>
      %eq3A_233 = arith.constant 7 : i32
      %eq3A_234 = vector.broadcast %eq3A_233 : i32 to vector<16xi32>
      %eq3A_235 = arith.cmpi eq, %iota3A_99, %eq3A_234 : vector<16xi32>
      %broadcast_in_dim3A_236 = vector.broadcast %reduce_sum3A_227 : f32 to vector<16xf32>
      %select_n3A_237 = arith.select %eq3A_235, %broadcast_in_dim3A_236, %select_n3A_232 : vector<16xi1>, vector<16xf32>
      %run_scoped3A_238 = arith.constant 4 : i32
      "tpu.region"() ({
        %run_scoped3A_2111 = tpu.sem_alloc : memref<!tpu.dma_semaphore, #tpu.memory_space<semaphore_mem>>
        %dma_start3A = arith.constant 0 : i32
        %dma_start3A_2112 = tpu.memref_slice %arg20[%run_scoped3A_238, %dma_start3A] : memref<16x16xf32, #tpu.memory_space<vmem_shared>> -> memref<1x16xf32, #tpu.memory_space<vmem_shared>>
        %dma_start3A_2113 = tpu.memref_squeeze %dma_start3A_2112 : memref<1x16xf32, #tpu.memory_space<vmem_shared>> -> memref<16xf32, #tpu.memory_space<vmem_shared>>
        %dma_start3A_2114 = arith.constant 0 : i32
        %dma_start3A_2115 = tpu.memref_slice %arg20[%run_scoped3A_238, %dma_start3A_2114] : memref<16x16xf32, #tpu.memory_space<vmem_shared>> -> memref<1x16xf32, #tpu.memory_space<vmem_shared>>
        %dma_start3A_2116 = tpu.memref_squeeze %dma_start3A_2115 : memref<1x16xf32, #tpu.memory_space<vmem_shared>> -> memref<16xf32, #tpu.memory_space<vmem_shared>>
        tpu.enqueue_dma source(%dma_start3A_2116 : memref<16xf32, #tpu.memory_space<vmem_shared>>) target(%arg17 : memref<16xf32, #tpu.memory_space<vmem>>) target_semaphore(%run_scoped3A_2111 : memref<!tpu.dma_semaphore, #tpu.memory_space<semaphore_mem>>)
        %dma_wait3A = arith.constant 0 : i32
        %dma_wait3A_2117 = tpu.memref_slice %arg20[%run_scoped3A_238, %dma_wait3A] : memref<16x16xf32, #tpu.memory_space<vmem_shared>> -> memref<1x16xf32, #tpu.memory_space<vmem_shared>>
        %dma_wait3A_2118 = tpu.memref_squeeze %dma_wait3A_2117 : memref<1x16xf32, #tpu.memory_space<vmem_shared>> -> memref<16xf32, #tpu.memory_space<vmem_shared>>
        %dma_wait3A_2119 = arith.constant 0 : i32
        %dma_wait3A_2120 = tpu.memref_slice %arg20[%run_scoped3A_238, %dma_wait3A_2119] : memref<16x16xf32, #tpu.memory_space<vmem_shared>> -> memref<1x16xf32, #tpu.memory_space<vmem_shared>>
        %dma_wait3A_2121 = tpu.memref_squeeze %dma_wait3A_2120 : memref<1x16xf32, #tpu.memory_space<vmem_shared>> -> memref<16xf32, #tpu.memory_space<vmem_shared>>
        tpu.wait_dma2 semaphore(%run_scoped3A_2111 : memref<!tpu.dma_semaphore, #tpu.memory_space<semaphore_mem>>) src(%dma_wait3A_2121 : memref<16xf32, #tpu.memory_space<vmem_shared>>) dst(%arg17 : memref<16xf32, #tpu.memory_space<vmem>>)
        tpu.yield
      }) : () -> ()
      %get3A_239 = arith.constant 0 : index
      %get3A_240 = tpu.vector_load %arg17[%get3A_239] {strides = array<i32>} : memref<16xf32, #tpu.memory_space<vmem>>, vector<16xf32>,
      %iota3A_241 = tpu.iota {dimensions = array<i32: 0>} : vector<16xi32>
      %eq3A_242 = arith.constant 0 : i32
      %eq3A_243 = vector.broadcast %eq3A_242 : i32 to vector<16xi32>
      %eq3A_244 = arith.cmpi eq, %iota3A_241, %eq3A_243 : vector<16xi32>
      %broadcast_in_dim3A_245 = arith.constant 0.000000e+00 : f32
      %broadcast_in_dim3A_246 = vector.broadcast %broadcast_in_dim3A_245 : f32 to vector<16xf32>
      %select_n3A_247 = arith.select %eq3A_244, %get3A_240, %broadcast_in_dim3A_246 : vector<16xi1>, vector<16xf32>
      %reduce_sum3A_248 = arith.constant true
      %reduce_sum3A_249 = vector.broadcast %reduce_sum3A_248 : i1 to vector<16xi1>
      %reduce_sum3A_250 = tpu.scan <sum>, %select_n3A_247 masked %reduce_sum3A_249 : vector<16xf32>, vector<16xi1> -> vector<16xf32>
      %reduce_sum3A_251 = vector.extract %reduce_sum3A_250[15] : f32 from vector<16xf32>
      %iota3A_252 = tpu.iota {dimensions = array<i32: 0>} : vector<16xi32>
      %eq3A_253 = arith.constant 1 : i32
      %eq3A_254 = vector.broadcast %eq3A_253 : i32 to vector<16xi32>
      %eq3A_255 = arith.cmpi eq, %iota3A_252, %eq3A_254 : vector<16xi32>
      %broadcast_in_dim3A_256 = arith.constant 0.000000e+00 : f32
      %broadcast_in_dim3A_257 = vector.broadcast %broadcast_in_dim3A_256 : f32 to vector<16xf32>
      %select_n3A_258 = arith.select %eq3A_255, %get3A_240, %broadcast_in_dim3A_257 : vector<16xi1>, vector<16xf32>
      %reduce_sum3A_259 = arith.constant true
      %reduce_sum3A_260 = vector.broadcast %reduce_sum3A_259 : i1 to vector<16xi1>
      %reduce_sum3A_261 = tpu.scan <sum>, %select_n3A_258 masked %reduce_sum3A_260 : vector<16xf32>, vector<16xi1> -> vector<16xf32>
      %reduce_sum3A_262 = vector.extract %reduce_sum3A_261[15] : f32 from vector<16xf32>
      %eq3A_263 = arith.constant 8 : i32
      %eq3A_264 = vector.broadcast %eq3A_263 : i32 to vector<16xi32>
      %eq3A_265 = arith.cmpi eq, %iota3A_99, %eq3A_264 : vector<16xi32>
      %broadcast_in_dim3A_266 = vector.broadcast %reduce_sum3A_251 : f32 to vector<16xf32>
      %select_n3A_267 = arith.select %eq3A_265, %broadcast_in_dim3A_266, %select_n3A_237 : vector<16xi1>, vector<16xf32>
      %eq3A_268 = arith.constant 9 : i32
      %eq3A_269 = vector.broadcast %eq3A_268 : i32 to vector<16xi32>
      %eq3A_270 = arith.cmpi eq, %iota3A_99, %eq3A_269 : vector<16xi32>
      %broadcast_in_dim3A_271 = vector.broadcast %reduce_sum3A_262 : f32 to vector<16xf32>
      %select_n3A_272 = arith.select %eq3A_270, %broadcast_in_dim3A_271, %select_n3A_267 : vector<16xi1>, vector<16xf32>
      %run_scoped3A_273 = arith.constant 5 : i32
      "tpu.region"() ({
        %run_scoped3A_2111 = tpu.sem_alloc : memref<!tpu.dma_semaphore, #tpu.memory_space<semaphore_mem>>
        %dma_start3A = arith.constant 0 : i32
        %dma_start3A_2112 = tpu.memref_slice %arg20[%run_scoped3A_273, %dma_start3A] : memref<16x16xf32, #tpu.memory_space<vmem_shared>> -> memref<1x16xf32, #tpu.memory_space<vmem_shared>>
        %dma_start3A_2113 = tpu.memref_squeeze %dma_start3A_2112 : memref<1x16xf32, #tpu.memory_space<vmem_shared>> -> memref<16xf32, #tpu.memory_space<vmem_shared>>
        %dma_start3A_2114 = arith.constant 0 : i32
        %dma_start3A_2115 = tpu.memref_slice %arg20[%run_scoped3A_273, %dma_start3A_2114] : memref<16x16xf32, #tpu.memory_space<vmem_shared>> -> memref<1x16xf32, #tpu.memory_space<vmem_shared>>
        %dma_start3A_2116 = tpu.memref_squeeze %dma_start3A_2115 : memref<1x16xf32, #tpu.memory_space<vmem_shared>> -> memref<16xf32, #tpu.memory_space<vmem_shared>>
        tpu.enqueue_dma source(%dma_start3A_2116 : memref<16xf32, #tpu.memory_space<vmem_shared>>) target(%arg17 : memref<16xf32, #tpu.memory_space<vmem>>) target_semaphore(%run_scoped3A_2111 : memref<!tpu.dma_semaphore, #tpu.memory_space<semaphore_mem>>)
        %dma_wait3A = arith.constant 0 : i32
        %dma_wait3A_2117 = tpu.memref_slice %arg20[%run_scoped3A_273, %dma_wait3A] : memref<16x16xf32, #tpu.memory_space<vmem_shared>> -> memref<1x16xf32, #tpu.memory_space<vmem_shared>>
        %dma_wait3A_2118 = tpu.memref_squeeze %dma_wait3A_2117 : memref<1x16xf32, #tpu.memory_space<vmem_shared>> -> memref<16xf32, #tpu.memory_space<vmem_shared>>
        %dma_wait3A_2119 = arith.constant 0 : i32
        %dma_wait3A_2120 = tpu.memref_slice %arg20[%run_scoped3A_273, %dma_wait3A_2119] : memref<16x16xf32, #tpu.memory_space<vmem_shared>> -> memref<1x16xf32, #tpu.memory_space<vmem_shared>>
        %dma_wait3A_2121 = tpu.memref_squeeze %dma_wait3A_2120 : memref<1x16xf32, #tpu.memory_space<vmem_shared>> -> memref<16xf32, #tpu.memory_space<vmem_shared>>
        tpu.wait_dma2 semaphore(%run_scoped3A_2111 : memref<!tpu.dma_semaphore, #tpu.memory_space<semaphore_mem>>) src(%dma_wait3A_2121 : memref<16xf32, #tpu.memory_space<vmem_shared>>) dst(%arg17 : memref<16xf32, #tpu.memory_space<vmem>>)
        tpu.yield
      }) : () -> ()
      %get3A_274 = arith.constant 0 : index
      %get3A_275 = tpu.vector_load %arg17[%get3A_274] {strides = array<i32>} : memref<16xf32, #tpu.memory_space<vmem>>, vector<16xf32>,
      %iota3A_276 = tpu.iota {dimensions = array<i32: 0>} : vector<16xi32>
      %eq3A_277 = arith.constant 0 : i32
      %eq3A_278 = vector.broadcast %eq3A_277 : i32 to vector<16xi32>
      %eq3A_279 = arith.cmpi eq, %iota3A_276, %eq3A_278 : vector<16xi32>
      %broadcast_in_dim3A_280 = arith.constant 0.000000e+00 : f32
      %broadcast_in_dim3A_281 = vector.broadcast %broadcast_in_dim3A_280 : f32 to vector<16xf32>
      %select_n3A_282 = arith.select %eq3A_279, %get3A_275, %broadcast_in_dim3A_281 : vector<16xi1>, vector<16xf32>
      %reduce_sum3A_283 = arith.constant true
      %reduce_sum3A_284 = vector.broadcast %reduce_sum3A_283 : i1 to vector<16xi1>
      %reduce_sum3A_285 = tpu.scan <sum>, %select_n3A_282 masked %reduce_sum3A_284 : vector<16xf32>, vector<16xi1> -> vector<16xf32>
      %reduce_sum3A_286 = vector.extract %reduce_sum3A_285[15] : f32 from vector<16xf32>
      %iota3A_287 = tpu.iota {dimensions = array<i32: 0>} : vector<16xi32>
      %eq3A_288 = arith.constant 1 : i32
      %eq3A_289 = vector.broadcast %eq3A_288 : i32 to vector<16xi32>
      %eq3A_290 = arith.cmpi eq, %iota3A_287, %eq3A_289 : vector<16xi32>
      %broadcast_in_dim3A_291 = arith.constant 0.000000e+00 : f32
      %broadcast_in_dim3A_292 = vector.broadcast %broadcast_in_dim3A_291 : f32 to vector<16xf32>
      %select_n3A_293 = arith.select %eq3A_290, %get3A_275, %broadcast_in_dim3A_292 : vector<16xi1>, vector<16xf32>
      %reduce_sum3A_294 = arith.constant true
      %reduce_sum3A_295 = vector.broadcast %reduce_sum3A_294 : i1 to vector<16xi1>
      %reduce_sum3A_296 = tpu.scan <sum>, %select_n3A_293 masked %reduce_sum3A_295 : vector<16xf32>, vector<16xi1> -> vector<16xf32>
      %reduce_sum3A_297 = vector.extract %reduce_sum3A_296[15] : f32 from vector<16xf32>
      %eq3A_298 = arith.constant 10 : i32
      %eq3A_299 = vector.broadcast %eq3A_298 : i32 to vector<16xi32>
      %eq3A_300 = arith.cmpi eq, %iota3A_99, %eq3A_299 : vector<16xi32>
      %broadcast_in_dim3A_301 = vector.broadcast %reduce_sum3A_286 : f32 to vector<16xf32>
      %select_n3A_302 = arith.select %eq3A_300, %broadcast_in_dim3A_301, %select_n3A_272 : vector<16xi1>, vector<16xf32>
      %eq3A_303 = arith.constant 11 : i32
      %eq3A_304 = vector.broadcast %eq3A_303 : i32 to vector<16xi32>
      %eq3A_305 = arith.cmpi eq, %iota3A_99, %eq3A_304 : vector<16xi32>
      %broadcast_in_dim3A_306 = vector.broadcast %reduce_sum3A_297 : f32 to vector<16xf32>
      %select_n3A_307 = arith.select %eq3A_305, %broadcast_in_dim3A_306, %select_n3A_302 : vector<16xi1>, vector<16xf32>
      %run_scoped3A_308 = arith.constant 6 : i32
      "tpu.region"() ({
        %run_scoped3A_2111 = tpu.sem_alloc : memref<!tpu.dma_semaphore, #tpu.memory_space<semaphore_mem>>
        %dma_start3A = arith.constant 0 : i32
        %dma_start3A_2112 = tpu.memref_slice %arg20[%run_scoped3A_308, %dma_start3A] : memref<16x16xf32, #tpu.memory_space<vmem_shared>> -> memref<1x16xf32, #tpu.memory_space<vmem_shared>>
        %dma_start3A_2113 = tpu.memref_squeeze %dma_start3A_2112 : memref<1x16xf32, #tpu.memory_space<vmem_shared>> -> memref<16xf32, #tpu.memory_space<vmem_shared>>
        %dma_start3A_2114 = arith.constant 0 : i32
        %dma_start3A_2115 = tpu.memref_slice %arg20[%run_scoped3A_308, %dma_start3A_2114] : memref<16x16xf32, #tpu.memory_space<vmem_shared>> -> memref<1x16xf32, #tpu.memory_space<vmem_shared>>
        %dma_start3A_2116 = tpu.memref_squeeze %dma_start3A_2115 : memref<1x16xf32, #tpu.memory_space<vmem_shared>> -> memref<16xf32, #tpu.memory_space<vmem_shared>>
        tpu.enqueue_dma source(%dma_start3A_2116 : memref<16xf32, #tpu.memory_space<vmem_shared>>) target(%arg17 : memref<16xf32, #tpu.memory_space<vmem>>) target_semaphore(%run_scoped3A_2111 : memref<!tpu.dma_semaphore, #tpu.memory_space<semaphore_mem>>)
        %dma_wait3A = arith.constant 0 : i32
        %dma_wait3A_2117 = tpu.memref_slice %arg20[%run_scoped3A_308, %dma_wait3A] : memref<16x16xf32, #tpu.memory_space<vmem_shared>> -> memref<1x16xf32, #tpu.memory_space<vmem_shared>>
        %dma_wait3A_2118 = tpu.memref_squeeze %dma_wait3A_2117 : memref<1x16xf32, #tpu.memory_space<vmem_shared>> -> memref<16xf32, #tpu.memory_space<vmem_shared>>
        %dma_wait3A_2119 = arith.constant 0 : i32
        %dma_wait3A_2120 = tpu.memref_slice %arg20[%run_scoped3A_308, %dma_wait3A_2119] : memref<16x16xf32, #tpu.memory_space<vmem_shared>> -> memref<1x16xf32, #tpu.memory_space<vmem_shared>>
        %dma_wait3A_2121 = tpu.memref_squeeze %dma_wait3A_2120 : memref<1x16xf32, #tpu.memory_space<vmem_shared>> -> memref<16xf32, #tpu.memory_space<vmem_shared>>
        tpu.wait_dma2 semaphore(%run_scoped3A_2111 : memref<!tpu.dma_semaphore, #tpu.memory_space<semaphore_mem>>) src(%dma_wait3A_2121 : memref<16xf32, #tpu.memory_space<vmem_shared>>) dst(%arg17 : memref<16xf32, #tpu.memory_space<vmem>>)
        tpu.yield
      }) : () -> ()
      %get3A_309 = arith.constant 0 : index
      %get3A_310 = tpu.vector_load %arg17[%get3A_309] {strides = array<i32>} : memref<16xf32, #tpu.memory_space<vmem>>, vector<16xf32>,
      %iota3A_311 = tpu.iota {dimensions = array<i32: 0>} : vector<16xi32>
      %eq3A_312 = arith.constant 0 : i32
      %eq3A_313 = vector.broadcast %eq3A_312 : i32 to vector<16xi32>
      %eq3A_314 = arith.cmpi eq, %iota3A_311, %eq3A_313 : vector<16xi32>
      %broadcast_in_dim3A_315 = arith.constant 0.000000e+00 : f32
      %broadcast_in_dim3A_316 = vector.broadcast %broadcast_in_dim3A_315 : f32 to vector<16xf32>
      %select_n3A_317 = arith.select %eq3A_314, %get3A_310, %broadcast_in_dim3A_316 : vector<16xi1>, vector<16xf32>
      %reduce_sum3A_318 = arith.constant true
      %reduce_sum3A_319 = vector.broadcast %reduce_sum3A_318 : i1 to vector<16xi1>
      %reduce_sum3A_320 = tpu.scan <sum>, %select_n3A_317 masked %reduce_sum3A_319 : vector<16xf32>, vector<16xi1> -> vector<16xf32>
      %reduce_sum3A_321 = vector.extract %reduce_sum3A_320[15] : f32 from vector<16xf32>
      %iota3A_322 = tpu.iota {dimensions = array<i32: 0>} : vector<16xi32>
      %eq3A_323 = arith.constant 1 : i32
      %eq3A_324 = vector.broadcast %eq3A_323 : i32 to vector<16xi32>
      %eq3A_325 = arith.cmpi eq, %iota3A_322, %eq3A_324 : vector<16xi32>
      %broadcast_in_dim3A_326 = arith.constant 0.000000e+00 : f32
      %broadcast_in_dim3A_327 = vector.broadcast %broadcast_in_dim3A_326 : f32 to vector<16xf32>
      %select_n3A_328 = arith.select %eq3A_325, %get3A_310, %broadcast_in_dim3A_327 : vector<16xi1>, vector<16xf32>
      %reduce_sum3A_329 = arith.constant true
      %reduce_sum3A_330 = vector.broadcast %reduce_sum3A_329 : i1 to vector<16xi1>
      %reduce_sum3A_331 = tpu.scan <sum>, %select_n3A_328 masked %reduce_sum3A_330 : vector<16xf32>, vector<16xi1> -> vector<16xf32>
      %reduce_sum3A_332 = vector.extract %reduce_sum3A_331[15] : f32 from vector<16xf32>
      %eq3A_333 = arith.constant 12 : i32
      %eq3A_334 = vector.broadcast %eq3A_333 : i32 to vector<16xi32>
      %eq3A_335 = arith.cmpi eq, %iota3A_99, %eq3A_334 : vector<16xi32>
      %broadcast_in_dim3A_336 = vector.broadcast %reduce_sum3A_321 : f32 to vector<16xf32>
      %select_n3A_337 = arith.select %eq3A_335, %broadcast_in_dim3A_336, %select_n3A_307 : vector<16xi1>, vector<16xf32>
      %eq3A_338 = arith.constant 13 : i32
      %eq3A_339 = vector.broadcast %eq3A_338 : i32 to vector<16xi32>
      %eq3A_340 = arith.cmpi eq, %iota3A_99, %eq3A_339 : vector<16xi32>
      %broadcast_in_dim3A_341 = vector.broadcast %reduce_sum3A_332 : f32 to vector<16xf32>
      %select_n3A_342 = arith.select %eq3A_340, %broadcast_in_dim3A_341, %select_n3A_337 : vector<16xi1>, vector<16xf32>
      %run_scoped3A_343 = arith.constant 7 : i32
      "tpu.region"() ({
        %run_scoped3A_2111 = tpu.sem_alloc : memref<!tpu.dma_semaphore, #tpu.memory_space<semaphore_mem>>
        %dma_start3A = arith.constant 0 : i32
        %dma_start3A_2112 = tpu.memref_slice %arg20[%run_scoped3A_343, %dma_start3A] : memref<16x16xf32, #tpu.memory_space<vmem_shared>> -> memref<1x16xf32, #tpu.memory_space<vmem_shared>>
        %dma_start3A_2113 = tpu.memref_squeeze %dma_start3A_2112 : memref<1x16xf32, #tpu.memory_space<vmem_shared>> -> memref<16xf32, #tpu.memory_space<vmem_shared>>
        %dma_start3A_2114 = arith.constant 0 : i32
        %dma_start3A_2115 = tpu.memref_slice %arg20[%run_scoped3A_343, %dma_start3A_2114] : memref<16x16xf32, #tpu.memory_space<vmem_shared>> -> memref<1x16xf32, #tpu.memory_space<vmem_shared>>
        %dma_start3A_2116 = tpu.memref_squeeze %dma_start3A_2115 : memref<1x16xf32, #tpu.memory_space<vmem_shared>> -> memref<16xf32, #tpu.memory_space<vmem_shared>>
        tpu.enqueue_dma source(%dma_start3A_2116 : memref<16xf32, #tpu.memory_space<vmem_shared>>) target(%arg17 : memref<16xf32, #tpu.memory_space<vmem>>) target_semaphore(%run_scoped3A_2111 : memref<!tpu.dma_semaphore, #tpu.memory_space<semaphore_mem>>)
        %dma_wait3A = arith.constant 0 : i32
        %dma_wait3A_2117 = tpu.memref_slice %arg20[%run_scoped3A_343, %dma_wait3A] : memref<16x16xf32, #tpu.memory_space<vmem_shared>> -> memref<1x16xf32, #tpu.memory_space<vmem_shared>>
        %dma_wait3A_2118 = tpu.memref_squeeze %dma_wait3A_2117 : memref<1x16xf32, #tpu.memory_space<vmem_shared>> -> memref<16xf32, #tpu.memory_space<vmem_shared>>
        %dma_wait3A_2119 = arith.constant 0 : i32
        %dma_wait3A_2120 = tpu.memref_slice %arg20[%run_scoped3A_343, %dma_wait3A_2119] : memref<16x16xf32, #tpu.memory_space<vmem_shared>> -> memref<1x16xf32, #tpu.memory_space<vmem_shared>>
        %dma_wait3A_2121 = tpu.memref_squeeze %dma_wait3A_2120 : memref<1x16xf32, #tpu.memory_space<vmem_shared>> -> memref<16xf32, #tpu.memory_space<vmem_shared>>
        tpu.wait_dma2 semaphore(%run_scoped3A_2111 : memref<!tpu.dma_semaphore, #tpu.memory_space<semaphore_mem>>) src(%dma_wait3A_2121 : memref<16xf32, #tpu.memory_space<vmem_shared>>) dst(%arg17 : memref<16xf32, #tpu.memory_space<vmem>>)
        tpu.yield
      }) : () -> ()
      %get3A_344 = arith.constant 0 : index
      %get3A_345 = tpu.vector_load %arg17[%get3A_344] {strides = array<i32>} : memref<16xf32, #tpu.memory_space<vmem>>, vector<16xf32>,
      %iota3A_346 = tpu.iota {dimensions = array<i32: 0>} : vector<16xi32>
      %eq3A_347 = arith.constant 0 : i32
      %eq3A_348 = vector.broadcast %eq3A_347 : i32 to vector<16xi32>
      %eq3A_349 = arith.cmpi eq, %iota3A_346, %eq3A_348 : vector<16xi32>
      %broadcast_in_dim3A_350 = arith.constant 0.000000e+00 : f32
      %broadcast_in_dim3A_351 = vector.broadcast %broadcast_in_dim3A_350 : f32 to vector<16xf32>
      %select_n3A_352 = arith.select %eq3A_349, %get3A_345, %broadcast_in_dim3A_351 : vector<16xi1>, vector<16xf32>
      %reduce_sum3A_353 = arith.constant true
      %reduce_sum3A_354 = vector.broadcast %reduce_sum3A_353 : i1 to vector<16xi1>
      %reduce_sum3A_355 = tpu.scan <sum>, %select_n3A_352 masked %reduce_sum3A_354 : vector<16xf32>, vector<16xi1> -> vector<16xf32>
      %reduce_sum3A_356 = vector.extract %reduce_sum3A_355[15] : f32 from vector<16xf32>
      %iota3A_357 = tpu.iota {dimensions = array<i32: 0>} : vector<16xi32>
      %eq3A_358 = arith.constant 1 : i32
      %eq3A_359 = vector.broadcast %eq3A_358 : i32 to vector<16xi32>
      %eq3A_360 = arith.cmpi eq, %iota3A_357, %eq3A_359 : vector<16xi32>
      %broadcast_in_dim3A_361 = arith.constant 0.000000e+00 : f32
      %broadcast_in_dim3A_362 = vector.broadcast %broadcast_in_dim3A_361 : f32 to vector<16xf32>
      %select_n3A_363 = arith.select %eq3A_360, %get3A_345, %broadcast_in_dim3A_362 : vector<16xi1>, vector<16xf32>
      %reduce_sum3A_364 = arith.constant true
      %reduce_sum3A_365 = vector.broadcast %reduce_sum3A_364 : i1 to vector<16xi1>
      %reduce_sum3A_366 = tpu.scan <sum>, %select_n3A_363 masked %reduce_sum3A_365 : vector<16xf32>, vector<16xi1> -> vector<16xf32>
      %reduce_sum3A_367 = vector.extract %reduce_sum3A_366[15] : f32 from vector<16xf32>
      %eq3A_368 = arith.constant 14 : i32
      %eq3A_369 = vector.broadcast %eq3A_368 : i32 to vector<16xi32>
      %eq3A_370 = arith.cmpi eq, %iota3A_99, %eq3A_369 : vector<16xi32>
      %broadcast_in_dim3A_371 = vector.broadcast %reduce_sum3A_356 : f32 to vector<16xf32>
      %select_n3A_372 = arith.select %eq3A_370, %broadcast_in_dim3A_371, %select_n3A_342 : vector<16xi1>, vector<16xf32>
      %eq3A_373 = arith.constant 15 : i32
      %eq3A_374 = vector.broadcast %eq3A_373 : i32 to vector<16xi32>
      %eq3A_375 = arith.cmpi eq, %iota3A_99, %eq3A_374 : vector<16xi32>
      %broadcast_in_dim3A_376 = vector.broadcast %reduce_sum3A_367 : f32 to vector<16xf32>
      %select_n3A_377 = arith.select %eq3A_375, %broadcast_in_dim3A_376, %select_n3A_372 : vector<16xi1>, vector<16xf32>
      %run_scoped3A_378 = arith.constant 8 : i32
      "tpu.region"() ({
        %run_scoped3A_2111 = tpu.sem_alloc : memref<!tpu.dma_semaphore, #tpu.memory_space<semaphore_mem>>
        %dma_start3A = arith.constant 0 : i32
        %dma_start3A_2112 = tpu.memref_slice %arg20[%run_scoped3A_378, %dma_start3A] : memref<16x16xf32, #tpu.memory_space<vmem_shared>> -> memref<1x16xf32, #tpu.memory_space<vmem_shared>>
        %dma_start3A_2113 = tpu.memref_squeeze %dma_start3A_2112 : memref<1x16xf32, #tpu.memory_space<vmem_shared>> -> memref<16xf32, #tpu.memory_space<vmem_shared>>
        %dma_start3A_2114 = arith.constant 0 : i32
        %dma_start3A_2115 = tpu.memref_slice %arg20[%run_scoped3A_378, %dma_start3A_2114] : memref<16x16xf32, #tpu.memory_space<vmem_shared>> -> memref<1x16xf32, #tpu.memory_space<vmem_shared>>
        %dma_start3A_2116 = tpu.memref_squeeze %dma_start3A_2115 : memref<1x16xf32, #tpu.memory_space<vmem_shared>> -> memref<16xf32, #tpu.memory_space<vmem_shared>>
        tpu.enqueue_dma source(%dma_start3A_2116 : memref<16xf32, #tpu.memory_space<vmem_shared>>) target(%arg17 : memref<16xf32, #tpu.memory_space<vmem>>) target_semaphore(%run_scoped3A_2111 : memref<!tpu.dma_semaphore, #tpu.memory_space<semaphore_mem>>)
        %dma_wait3A = arith.constant 0 : i32
        %dma_wait3A_2117 = tpu.memref_slice %arg20[%run_scoped3A_378, %dma_wait3A] : memref<16x16xf32, #tpu.memory_space<vmem_shared>> -> memref<1x16xf32, #tpu.memory_space<vmem_shared>>
        %dma_wait3A_2118 = tpu.memref_squeeze %dma_wait3A_2117 : memref<1x16xf32, #tpu.memory_space<vmem_shared>> -> memref<16xf32, #tpu.memory_space<vmem_shared>>
        %dma_wait3A_2119 = arith.constant 0 : i32
        %dma_wait3A_2120 = tpu.memref_slice %arg20[%run_scoped3A_378, %dma_wait3A_2119] : memref<16x16xf32, #tpu.memory_space<vmem_shared>> -> memref<1x16xf32, #tpu.memory_space<vmem_shared>>
        %dma_wait3A_2121 = tpu.memref_squeeze %dma_wait3A_2120 : memref<1x16xf32, #tpu.memory_space<vmem_shared>> -> memref<16xf32, #tpu.memory_space<vmem_shared>>
        tpu.wait_dma2 semaphore(%run_scoped3A_2111 : memref<!tpu.dma_semaphore, #tpu.memory_space<semaphore_mem>>) src(%dma_wait3A_2121 : memref<16xf32, #tpu.memory_space<vmem_shared>>) dst(%arg17 : memref<16xf32, #tpu.memory_space<vmem>>)
        tpu.yield
      }) : () -> ()
      %get3A_379 = arith.constant 0 : index
      %get3A_380 = tpu.vector_load %arg17[%get3A_379] {strides = array<i32>} : memref<16xf32, #tpu.memory_space<vmem>>, vector<16xf32>,
      %iota3A_381 = tpu.iota {dimensions = array<i32: 0>} : vector<16xi32>
      %eq3A_382 = arith.constant 0 : i32
      %eq3A_383 = vector.broadcast %eq3A_382 : i32 to vector<16xi32>
      %eq3A_384 = arith.cmpi eq, %iota3A_381, %eq3A_383 : vector<16xi32>
      %broadcast_in_dim3A_385 = arith.constant 0.000000e+00 : f32
      %broadcast_in_dim3A_386 = vector.broadcast %broadcast_in_dim3A_385 : f32 to vector<16xf32>
      %select_n3A_387 = arith.select %eq3A_384, %get3A_380, %broadcast_in_dim3A_386 : vector<16xi1>, vector<16xf32>
      %reduce_sum3A_388 = arith.constant true
      %reduce_sum3A_389 = vector.broadcast %reduce_sum3A_388 : i1 to vector<16xi1>
      %reduce_sum3A_390 = tpu.scan <sum>, %select_n3A_387 masked %reduce_sum3A_389 : vector<16xf32>, vector<16xi1> -> vector<16xf32>
      %reduce_sum3A_391 = vector.extract %reduce_sum3A_390[15] : f32 from vector<16xf32>
      %iota3A_392 = tpu.iota {dimensions = array<i32: 0>} : vector<16xi32>
      %eq3A_393 = arith.constant 1 : i32
      %eq3A_394 = vector.broadcast %eq3A_393 : i32 to vector<16xi32>
      %eq3A_395 = arith.cmpi eq, %iota3A_392, %eq3A_394 : vector<16xi32>
      %broadcast_in_dim3A_396 = arith.constant 0.000000e+00 : f32
      %broadcast_in_dim3A_397 = vector.broadcast %broadcast_in_dim3A_396 : f32 to vector<16xf32>
      %select_n3A_398 = arith.select %eq3A_395, %get3A_380, %broadcast_in_dim3A_397 : vector<16xi1>, vector<16xf32>
      %reduce_sum3A_399 = arith.constant true
      %reduce_sum3A_400 = vector.broadcast %reduce_sum3A_399 : i1 to vector<16xi1>
      %reduce_sum3A_401 = tpu.scan <sum>, %select_n3A_398 masked %reduce_sum3A_400 : vector<16xf32>, vector<16xi1> -> vector<16xf32>
      %reduce_sum3A_402 = vector.extract %reduce_sum3A_401[15] : f32 from vector<16xf32>
      %eq3A_403 = arith.constant 0 : i32
      %eq3A_404 = vector.broadcast %eq3A_403 : i32 to vector<16xi32>
      %eq3A_405 = arith.cmpi eq, %iota3A_99, %eq3A_404 : vector<16xi32>
      %broadcast_in_dim3A_406 = vector.broadcast %reduce_sum3A_391 : f32 to vector<16xf32>
      %select_n3A_407 = arith.select %eq3A_405, %broadcast_in_dim3A_406, %broadcast_in_dim3A_0 : vector<16xi1>, vector<16xf32>
      %eq3A_408 = arith.constant 1 : i32
      %eq3A_409 = vector.broadcast %eq3A_408 : i32 to vector<16xi32>
      %eq3A_410 = arith.cmpi eq, %iota3A_99, %eq3A_409 : vector<16xi32>
      %broadcast_in_dim3A_411 = vector.broadcast %reduce_sum3A_402 : f32 to vector<16xf32>
      %select_n3A_412 = arith.select %eq3A_410, %broadcast_in_dim3A_411, %select_n3A_407 : vector<16xi1>, vector<16xf32>
      %run_scoped3A_413 = arith.constant 9 : i32
      "tpu.region"() ({
        %run_scoped3A_2111 = tpu.sem_alloc : memref<!tpu.dma_semaphore, #tpu.memory_space<semaphore_mem>>
        %dma_start3A = arith.constant 0 : i32
        %dma_start3A_2112 = tpu.memref_slice %arg20[%run_scoped3A_413, %dma_start3A] : memref<16x16xf32, #tpu.memory_space<vmem_shared>> -> memref<1x16xf32, #tpu.memory_space<vmem_shared>>
        %dma_start3A_2113 = tpu.memref_squeeze %dma_start3A_2112 : memref<1x16xf32, #tpu.memory_space<vmem_shared>> -> memref<16xf32, #tpu.memory_space<vmem_shared>>
        %dma_start3A_2114 = arith.constant 0 : i32
        %dma_start3A_2115 = tpu.memref_slice %arg20[%run_scoped3A_413, %dma_start3A_2114] : memref<16x16xf32, #tpu.memory_space<vmem_shared>> -> memref<1x16xf32, #tpu.memory_space<vmem_shared>>
        %dma_start3A_2116 = tpu.memref_squeeze %dma_start3A_2115 : memref<1x16xf32, #tpu.memory_space<vmem_shared>> -> memref<16xf32, #tpu.memory_space<vmem_shared>>
        tpu.enqueue_dma source(%dma_start3A_2116 : memref<16xf32, #tpu.memory_space<vmem_shared>>) target(%arg17 : memref<16xf32, #tpu.memory_space<vmem>>) target_semaphore(%run_scoped3A_2111 : memref<!tpu.dma_semaphore, #tpu.memory_space<semaphore_mem>>)
        %dma_wait3A = arith.constant 0 : i32
        %dma_wait3A_2117 = tpu.memref_slice %arg20[%run_scoped3A_413, %dma_wait3A] : memref<16x16xf32, #tpu.memory_space<vmem_shared>> -> memref<1x16xf32, #tpu.memory_space<vmem_shared>>
        %dma_wait3A_2118 = tpu.memref_squeeze %dma_wait3A_2117 : memref<1x16xf32, #tpu.memory_space<vmem_shared>> -> memref<16xf32, #tpu.memory_space<vmem_shared>>
        %dma_wait3A_2119 = arith.constant 0 : i32
        %dma_wait3A_2120 = tpu.memref_slice %arg20[%run_scoped3A_413, %dma_wait3A_2119] : memref<16x16xf32, #tpu.memory_space<vmem_shared>> -> memref<1x16xf32, #tpu.memory_space<vmem_shared>>
        %dma_wait3A_2121 = tpu.memref_squeeze %dma_wait3A_2120 : memref<1x16xf32, #tpu.memory_space<vmem_shared>> -> memref<16xf32, #tpu.memory_space<vmem_shared>>
        tpu.wait_dma2 semaphore(%run_scoped3A_2111 : memref<!tpu.dma_semaphore, #tpu.memory_space<semaphore_mem>>) src(%dma_wait3A_2121 : memref<16xf32, #tpu.memory_space<vmem_shared>>) dst(%arg17 : memref<16xf32, #tpu.memory_space<vmem>>)
        tpu.yield
      }) : () -> ()
      %get3A_414 = arith.constant 0 : index
      %get3A_415 = tpu.vector_load %arg17[%get3A_414] {strides = array<i32>} : memref<16xf32, #tpu.memory_space<vmem>>, vector<16xf32>,
      %iota3A_416 = tpu.iota {dimensions = array<i32: 0>} : vector<16xi32>
      %eq3A_417 = arith.constant 0 : i32
      %eq3A_418 = vector.broadcast %eq3A_417 : i32 to vector<16xi32>
      %eq3A_419 = arith.cmpi eq, %iota3A_416, %eq3A_418 : vector<16xi32>
      %broadcast_in_dim3A_420 = arith.constant 0.000000e+00 : f32
      %broadcast_in_dim3A_421 = vector.broadcast %broadcast_in_dim3A_420 : f32 to vector<16xf32>
      %select_n3A_422 = arith.select %eq3A_419, %get3A_415, %broadcast_in_dim3A_421 : vector<16xi1>, vector<16xf32>
      %reduce_sum3A_423 = arith.constant true
      %reduce_sum3A_424 = vector.broadcast %reduce_sum3A_423 : i1 to vector<16xi1>
      %reduce_sum3A_425 = tpu.scan <sum>, %select_n3A_422 masked %reduce_sum3A_424 : vector<16xf32>, vector<16xi1> -> vector<16xf32>
      %reduce_sum3A_426 = vector.extract %reduce_sum3A_425[15] : f32 from vector<16xf32>
      %iota3A_427 = tpu.iota {dimensions = array<i32: 0>} : vector<16xi32>
      %eq3A_428 = arith.constant 1 : i32
      %eq3A_429 = vector.broadcast %eq3A_428 : i32 to vector<16xi32>
      %eq3A_430 = arith.cmpi eq, %iota3A_427, %eq3A_429 : vector<16xi32>
      %broadcast_in_dim3A_431 = arith.constant 0.000000e+00 : f32
      %broadcast_in_dim3A_432 = vector.broadcast %broadcast_in_dim3A_431 : f32 to vector<16xf32>
      %select_n3A_433 = arith.select %eq3A_430, %get3A_415, %broadcast_in_dim3A_432 : vector<16xi1>, vector<16xf32>
      %reduce_sum3A_434 = arith.constant true
      %reduce_sum3A_435 = vector.broadcast %reduce_sum3A_434 : i1 to vector<16xi1>
      %reduce_sum3A_436 = tpu.scan <sum>, %select_n3A_433 masked %reduce_sum3A_435 : vector<16xf32>, vector<16xi1> -> vector<16xf32>
      %reduce_sum3A_437 = vector.extract %reduce_sum3A_436[15] : f32 from vector<16xf32>
      %eq3A_438 = arith.constant 2 : i32
      %eq3A_439 = vector.broadcast %eq3A_438 : i32 to vector<16xi32>
      %eq3A_440 = arith.cmpi eq, %iota3A_99, %eq3A_439 : vector<16xi32>
      %broadcast_in_dim3A_441 = vector.broadcast %reduce_sum3A_426 : f32 to vector<16xf32>
      %select_n3A_442 = arith.select %eq3A_440, %broadcast_in_dim3A_441, %select_n3A_412 : vector<16xi1>, vector<16xf32>
      %eq3A_443 = arith.constant 3 : i32
      %eq3A_444 = vector.broadcast %eq3A_443 : i32 to vector<16xi32>
      %eq3A_445 = arith.cmpi eq, %iota3A_99, %eq3A_444 : vector<16xi32>
      %broadcast_in_dim3A_446 = vector.broadcast %reduce_sum3A_437 : f32 to vector<16xf32>
      %select_n3A_447 = arith.select %eq3A_445, %broadcast_in_dim3A_446, %select_n3A_442 : vector<16xi1>, vector<16xf32>
      %run_scoped3A_448 = arith.constant 10 : i32
      "tpu.region"() ({
        %run_scoped3A_2111 = tpu.sem_alloc : memref<!tpu.dma_semaphore, #tpu.memory_space<semaphore_mem>>
        %dma_start3A = arith.constant 0 : i32
        %dma_start3A_2112 = tpu.memref_slice %arg20[%run_scoped3A_448, %dma_start3A] : memref<16x16xf32, #tpu.memory_space<vmem_shared>> -> memref<1x16xf32, #tpu.memory_space<vmem_shared>>
        %dma_start3A_2113 = tpu.memref_squeeze %dma_start3A_2112 : memref<1x16xf32, #tpu.memory_space<vmem_shared>> -> memref<16xf32, #tpu.memory_space<vmem_shared>>
        %dma_start3A_2114 = arith.constant 0 : i32
        %dma_start3A_2115 = tpu.memref_slice %arg20[%run_scoped3A_448, %dma_start3A_2114] : memref<16x16xf32, #tpu.memory_space<vmem_shared>> -> memref<1x16xf32, #tpu.memory_space<vmem_shared>>
        %dma_start3A_2116 = tpu.memref_squeeze %dma_start3A_2115 : memref<1x16xf32, #tpu.memory_space<vmem_shared>> -> memref<16xf32, #tpu.memory_space<vmem_shared>>
        tpu.enqueue_dma source(%dma_start3A_2116 : memref<16xf32, #tpu.memory_space<vmem_shared>>) target(%arg17 : memref<16xf32, #tpu.memory_space<vmem>>) target_semaphore(%run_scoped3A_2111 : memref<!tpu.dma_semaphore, #tpu.memory_space<semaphore_mem>>)
        %dma_wait3A = arith.constant 0 : i32
        %dma_wait3A_2117 = tpu.memref_slice %arg20[%run_scoped3A_448, %dma_wait3A] : memref<16x16xf32, #tpu.memory_space<vmem_shared>> -> memref<1x16xf32, #tpu.memory_space<vmem_shared>>
        %dma_wait3A_2118 = tpu.memref_squeeze %dma_wait3A_2117 : memref<1x16xf32, #tpu.memory_space<vmem_shared>> -> memref<16xf32, #tpu.memory_space<vmem_shared>>
        %dma_wait3A_2119 = arith.constant 0 : i32
        %dma_wait3A_2120 = tpu.memref_slice %arg20[%run_scoped3A_448, %dma_wait3A_2119] : memref<16x16xf32, #tpu.memory_space<vmem_shared>> -> memref<1x16xf32, #tpu.memory_space<vmem_shared>>
        %dma_wait3A_2121 = tpu.memref_squeeze %dma_wait3A_2120 : memref<1x16xf32, #tpu.memory_space<vmem_shared>> -> memref<16xf32, #tpu.memory_space<vmem_shared>>
        tpu.wait_dma2 semaphore(%run_scoped3A_2111 : memref<!tpu.dma_semaphore, #tpu.memory_space<semaphore_mem>>) src(%dma_wait3A_2121 : memref<16xf32, #tpu.memory_space<vmem_shared>>) dst(%arg17 : memref<16xf32, #tpu.memory_space<vmem>>)
        tpu.yield
      }) : () -> ()
      %get3A_449 = arith.constant 0 : index
      %get3A_450 = tpu.vector_load %arg17[%get3A_449] {strides = array<i32>} : memref<16xf32, #tpu.memory_space<vmem>>, vector<16xf32>,
      %iota3A_451 = tpu.iota {dimensions = array<i32: 0>} : vector<16xi32>
      %eq3A_452 = arith.constant 0 : i32
      %eq3A_453 = vector.broadcast %eq3A_452 : i32 to vector<16xi32>
      %eq3A_454 = arith.cmpi eq, %iota3A_451, %eq3A_453 : vector<16xi32>
      %broadcast_in_dim3A_455 = arith.constant 0.000000e+00 : f32
      %broadcast_in_dim3A_456 = vector.broadcast %broadcast_in_dim3A_455 : f32 to vector<16xf32>
      %select_n3A_457 = arith.select %eq3A_454, %get3A_450, %broadcast_in_dim3A_456 : vector<16xi1>, vector<16xf32>
      %reduce_sum3A_458 = arith.constant true
      %reduce_sum3A_459 = vector.broadcast %reduce_sum3A_458 : i1 to vector<16xi1>
      %reduce_sum3A_460 = tpu.scan <sum>, %select_n3A_457 masked %reduce_sum3A_459 : vector<16xf32>, vector<16xi1> -> vector<16xf32>
      %reduce_sum3A_461 = vector.extract %reduce_sum3A_460[15] : f32 from vector<16xf32>
      %iota3A_462 = tpu.iota {dimensions = array<i32: 0>} : vector<16xi32>
      %eq3A_463 = arith.constant 1 : i32
      %eq3A_464 = vector.broadcast %eq3A_463 : i32 to vector<16xi32>
      %eq3A_465 = arith.cmpi eq, %iota3A_462, %eq3A_464 : vector<16xi32>
      %broadcast_in_dim3A_466 = arith.constant 0.000000e+00 : f32
      %broadcast_in_dim3A_467 = vector.broadcast %broadcast_in_dim3A_466 : f32 to vector<16xf32>
      %select_n3A_468 = arith.select %eq3A_465, %get3A_450, %broadcast_in_dim3A_467 : vector<16xi1>, vector<16xf32>
      %reduce_sum3A_469 = arith.constant true
      %reduce_sum3A_470 = vector.broadcast %reduce_sum3A_469 : i1 to vector<16xi1>
      %reduce_sum3A_471 = tpu.scan <sum>, %select_n3A_468 masked %reduce_sum3A_470 : vector<16xf32>, vector<16xi1> -> vector<16xf32>
      %reduce_sum3A_472 = vector.extract %reduce_sum3A_471[15] : f32 from vector<16xf32>
      %eq3A_473 = arith.constant 4 : i32
      %eq3A_474 = vector.broadcast %eq3A_473 : i32 to vector<16xi32>
      %eq3A_475 = arith.cmpi eq, %iota3A_99, %eq3A_474 : vector<16xi32>
      %broadcast_in_dim3A_476 = vector.broadcast %reduce_sum3A_461 : f32 to vector<16xf32>
      %select_n3A_477 = arith.select %eq3A_475, %broadcast_in_dim3A_476, %select_n3A_447 : vector<16xi1>, vector<16xf32>
      %eq3A_478 = arith.constant 5 : i32
      %eq3A_479 = vector.broadcast %eq3A_478 : i32 to vector<16xi32>
      %eq3A_480 = arith.cmpi eq, %iota3A_99, %eq3A_479 : vector<16xi32>
      %broadcast_in_dim3A_481 = vector.broadcast %reduce_sum3A_472 : f32 to vector<16xf32>
      %select_n3A_482 = arith.select %eq3A_480, %broadcast_in_dim3A_481, %select_n3A_477 : vector<16xi1>, vector<16xf32>
      %run_scoped3A_483 = arith.constant 11 : i32
      "tpu.region"() ({
        %run_scoped3A_2111 = tpu.sem_alloc : memref<!tpu.dma_semaphore, #tpu.memory_space<semaphore_mem>>
        %dma_start3A = arith.constant 0 : i32
        %dma_start3A_2112 = tpu.memref_slice %arg20[%run_scoped3A_483, %dma_start3A] : memref<16x16xf32, #tpu.memory_space<vmem_shared>> -> memref<1x16xf32, #tpu.memory_space<vmem_shared>>
        %dma_start3A_2113 = tpu.memref_squeeze %dma_start3A_2112 : memref<1x16xf32, #tpu.memory_space<vmem_shared>> -> memref<16xf32, #tpu.memory_space<vmem_shared>>
        %dma_start3A_2114 = arith.constant 0 : i32
        %dma_start3A_2115 = tpu.memref_slice %arg20[%run_scoped3A_483, %dma_start3A_2114] : memref<16x16xf32, #tpu.memory_space<vmem_shared>> -> memref<1x16xf32, #tpu.memory_space<vmem_shared>>
        %dma_start3A_2116 = tpu.memref_squeeze %dma_start3A_2115 : memref<1x16xf32, #tpu.memory_space<vmem_shared>> -> memref<16xf32, #tpu.memory_space<vmem_shared>>
        tpu.enqueue_dma source(%dma_start3A_2116 : memref<16xf32, #tpu.memory_space<vmem_shared>>) target(%arg17 : memref<16xf32, #tpu.memory_space<vmem>>) target_semaphore(%run_scoped3A_2111 : memref<!tpu.dma_semaphore, #tpu.memory_space<semaphore_mem>>)
        %dma_wait3A = arith.constant 0 : i32
        %dma_wait3A_2117 = tpu.memref_slice %arg20[%run_scoped3A_483, %dma_wait3A] : memref<16x16xf32, #tpu.memory_space<vmem_shared>> -> memref<1x16xf32, #tpu.memory_space<vmem_shared>>
        %dma_wait3A_2118 = tpu.memref_squeeze %dma_wait3A_2117 : memref<1x16xf32, #tpu.memory_space<vmem_shared>> -> memref<16xf32, #tpu.memory_space<vmem_shared>>
        %dma_wait3A_2119 = arith.constant 0 : i32
        %dma_wait3A_2120 = tpu.memref_slice %arg20[%run_scoped3A_483, %dma_wait3A_2119] : memref<16x16xf32, #tpu.memory_space<vmem_shared>> -> memref<1x16xf32, #tpu.memory_space<vmem_shared>>
        %dma_wait3A_2121 = tpu.memref_squeeze %dma_wait3A_2120 : memref<1x16xf32, #tpu.memory_space<vmem_shared>> -> memref<16xf32, #tpu.memory_space<vmem_shared>>
        tpu.wait_dma2 semaphore(%run_scoped3A_2111 : memref<!tpu.dma_semaphore, #tpu.memory_space<semaphore_mem>>) src(%dma_wait3A_2121 : memref<16xf32, #tpu.memory_space<vmem_shared>>) dst(%arg17 : memref<16xf32, #tpu.memory_space<vmem>>)
        tpu.yield
      }) : () -> ()
      %get3A_484 = arith.constant 0 : index
      %get3A_485 = tpu.vector_load %arg17[%get3A_484] {strides = array<i32>} : memref<16xf32, #tpu.memory_space<vmem>>, vector<16xf32>,
      %iota3A_486 = tpu.iota {dimensions = array<i32: 0>} : vector<16xi32>
      %eq3A_487 = arith.constant 0 : i32
      %eq3A_488 = vector.broadcast %eq3A_487 : i32 to vector<16xi32>
      %eq3A_489 = arith.cmpi eq, %iota3A_486, %eq3A_488 : vector<16xi32>
      %broadcast_in_dim3A_490 = arith.constant 0.000000e+00 : f32
      %broadcast_in_dim3A_491 = vector.broadcast %broadcast_in_dim3A_490 : f32 to vector<16xf32>
      %select_n3A_492 = arith.select %eq3A_489, %get3A_485, %broadcast_in_dim3A_491 : vector<16xi1>, vector<16xf32>
      %reduce_sum3A_493 = arith.constant true
      %reduce_sum3A_494 = vector.broadcast %reduce_sum3A_493 : i1 to vector<16xi1>
      %reduce_sum3A_495 = tpu.scan <sum>, %select_n3A_492 masked %reduce_sum3A_494 : vector<16xf32>, vector<16xi1> -> vector<16xf32>
      %reduce_sum3A_496 = vector.extract %reduce_sum3A_495[15] : f32 from vector<16xf32>
      %iota3A_497 = tpu.iota {dimensions = array<i32: 0>} : vector<16xi32>
      %eq3A_498 = arith.constant 1 : i32
      %eq3A_499 = vector.broadcast %eq3A_498 : i32 to vector<16xi32>
      %eq3A_500 = arith.cmpi eq, %iota3A_497, %eq3A_499 : vector<16xi32>
      %broadcast_in_dim3A_501 = arith.constant 0.000000e+00 : f32
      %broadcast_in_dim3A_502 = vector.broadcast %broadcast_in_dim3A_501 : f32 to vector<16xf32>
      %select_n3A_503 = arith.select %eq3A_500, %get3A_485, %broadcast_in_dim3A_502 : vector<16xi1>, vector<16xf32>
      %reduce_sum3A_504 = arith.constant true
      %reduce_sum3A_505 = vector.broadcast %reduce_sum3A_504 : i1 to vector<16xi1>
      %reduce_sum3A_506 = tpu.scan <sum>, %select_n3A_503 masked %reduce_sum3A_505 : vector<16xf32>, vector<16xi1> -> vector<16xf32>
      %reduce_sum3A_507 = vector.extract %reduce_sum3A_506[15] : f32 from vector<16xf32>
      %eq3A_508 = arith.constant 6 : i32
      %eq3A_509 = vector.broadcast %eq3A_508 : i32 to vector<16xi32>
      %eq3A_510 = arith.cmpi eq, %iota3A_99, %eq3A_509 : vector<16xi32>
      %broadcast_in_dim3A_511 = vector.broadcast %reduce_sum3A_496 : f32 to vector<16xf32>
      %select_n3A_512 = arith.select %eq3A_510, %broadcast_in_dim3A_511, %select_n3A_482 : vector<16xi1>, vector<16xf32>
      %eq3A_513 = arith.constant 7 : i32
      %eq3A_514 = vector.broadcast %eq3A_513 : i32 to vector<16xi32>
      %eq3A_515 = arith.cmpi eq, %iota3A_99, %eq3A_514 : vector<16xi32>
      %broadcast_in_dim3A_516 = vector.broadcast %reduce_sum3A_507 : f32 to vector<16xf32>
      %select_n3A_517 = arith.select %eq3A_515, %broadcast_in_dim3A_516, %select_n3A_512 : vector<16xi1>, vector<16xf32>
      %run_scoped3A_518 = arith.constant 12 : i32
      "tpu.region"() ({
        %run_scoped3A_2111 = tpu.sem_alloc : memref<!tpu.dma_semaphore, #tpu.memory_space<semaphore_mem>>
        %dma_start3A = arith.constant 0 : i32
        %dma_start3A_2112 = tpu.memref_slice %arg20[%run_scoped3A_518, %dma_start3A] : memref<16x16xf32, #tpu.memory_space<vmem_shared>> -> memref<1x16xf32, #tpu.memory_space<vmem_shared>>
        %dma_start3A_2113 = tpu.memref_squeeze %dma_start3A_2112 : memref<1x16xf32, #tpu.memory_space<vmem_shared>> -> memref<16xf32, #tpu.memory_space<vmem_shared>>
        %dma_start3A_2114 = arith.constant 0 : i32
        %dma_start3A_2115 = tpu.memref_slice %arg20[%run_scoped3A_518, %dma_start3A_2114] : memref<16x16xf32, #tpu.memory_space<vmem_shared>> -> memref<1x16xf32, #tpu.memory_space<vmem_shared>>
        %dma_start3A_2116 = tpu.memref_squeeze %dma_start3A_2115 : memref<1x16xf32, #tpu.memory_space<vmem_shared>> -> memref<16xf32, #tpu.memory_space<vmem_shared>>
        tpu.enqueue_dma source(%dma_start3A_2116 : memref<16xf32, #tpu.memory_space<vmem_shared>>) target(%arg17 : memref<16xf32, #tpu.memory_space<vmem>>) target_semaphore(%run_scoped3A_2111 : memref<!tpu.dma_semaphore, #tpu.memory_space<semaphore_mem>>)
        %dma_wait3A = arith.constant 0 : i32
        %dma_wait3A_2117 = tpu.memref_slice %arg20[%run_scoped3A_518, %dma_wait3A] : memref<16x16xf32, #tpu.memory_space<vmem_shared>> -> memref<1x16xf32, #tpu.memory_space<vmem_shared>>
        %dma_wait3A_2118 = tpu.memref_squeeze %dma_wait3A_2117 : memref<1x16xf32, #tpu.memory_space<vmem_shared>> -> memref<16xf32, #tpu.memory_space<vmem_shared>>
        %dma_wait3A_2119 = arith.constant 0 : i32
        %dma_wait3A_2120 = tpu.memref_slice %arg20[%run_scoped3A_518, %dma_wait3A_2119] : memref<16x16xf32, #tpu.memory_space<vmem_shared>> -> memref<1x16xf32, #tpu.memory_space<vmem_shared>>
        %dma_wait3A_2121 = tpu.memref_squeeze %dma_wait3A_2120 : memref<1x16xf32, #tpu.memory_space<vmem_shared>> -> memref<16xf32, #tpu.memory_space<vmem_shared>>
        tpu.wait_dma2 semaphore(%run_scoped3A_2111 : memref<!tpu.dma_semaphore, #tpu.memory_space<semaphore_mem>>) src(%dma_wait3A_2121 : memref<16xf32, #tpu.memory_space<vmem_shared>>) dst(%arg17 : memref<16xf32, #tpu.memory_space<vmem>>)
        tpu.yield
      }) : () -> ()
      %get3A_519 = arith.constant 0 : index
      %get3A_520 = tpu.vector_load %arg17[%get3A_519] {strides = array<i32>} : memref<16xf32, #tpu.memory_space<vmem>>, vector<16xf32>,
      %iota3A_521 = tpu.iota {dimensions = array<i32: 0>} : vector<16xi32>
      %eq3A_522 = arith.constant 0 : i32
      %eq3A_523 = vector.broadcast %eq3A_522 : i32 to vector<16xi32>
      %eq3A_524 = arith.cmpi eq, %iota3A_521, %eq3A_523 : vector<16xi32>
      %broadcast_in_dim3A_525 = arith.constant 0.000000e+00 : f32
      %broadcast_in_dim3A_526 = vector.broadcast %broadcast_in_dim3A_525 : f32 to vector<16xf32>
      %select_n3A_527 = arith.select %eq3A_524, %get3A_520, %broadcast_in_dim3A_526 : vector<16xi1>, vector<16xf32>
      %reduce_sum3A_528 = arith.constant true
      %reduce_sum3A_529 = vector.broadcast %reduce_sum3A_528 : i1 to vector<16xi1>
      %reduce_sum3A_530 = tpu.scan <sum>, %select_n3A_527 masked %reduce_sum3A_529 : vector<16xf32>, vector<16xi1> -> vector<16xf32>
      %reduce_sum3A_531 = vector.extract %reduce_sum3A_530[15] : f32 from vector<16xf32>
      %iota3A_532 = tpu.iota {dimensions = array<i32: 0>} : vector<16xi32>
      %eq3A_533 = arith.constant 1 : i32
      %eq3A_534 = vector.broadcast %eq3A_533 : i32 to vector<16xi32>
      %eq3A_535 = arith.cmpi eq, %iota3A_532, %eq3A_534 : vector<16xi32>
      %broadcast_in_dim3A_536 = arith.constant 0.000000e+00 : f32
      %broadcast_in_dim3A_537 = vector.broadcast %broadcast_in_dim3A_536 : f32 to vector<16xf32>
      %select_n3A_538 = arith.select %eq3A_535, %get3A_520, %broadcast_in_dim3A_537 : vector<16xi1>, vector<16xf32>
      %reduce_sum3A_539 = arith.constant true
      %reduce_sum3A_540 = vector.broadcast %reduce_sum3A_539 : i1 to vector<16xi1>
      %reduce_sum3A_541 = tpu.scan <sum>, %select_n3A_538 masked %reduce_sum3A_540 : vector<16xf32>, vector<16xi1> -> vector<16xf32>
      %reduce_sum3A_542 = vector.extract %reduce_sum3A_541[15] : f32 from vector<16xf32>
      %eq3A_543 = arith.constant 8 : i32
      %eq3A_544 = vector.broadcast %eq3A_543 : i32 to vector<16xi32>
      %eq3A_545 = arith.cmpi eq, %iota3A_99, %eq3A_544 : vector<16xi32>
      %broadcast_in_dim3A_546 = vector.broadcast %reduce_sum3A_531 : f32 to vector<16xf32>
      %select_n3A_547 = arith.select %eq3A_545, %broadcast_in_dim3A_546, %select_n3A_517 : vector<16xi1>, vector<16xf32>
      %eq3A_548 = arith.constant 9 : i32
      %eq3A_549 = vector.broadcast %eq3A_548 : i32 to vector<16xi32>
      %eq3A_550 = arith.cmpi eq, %iota3A_99, %eq3A_549 : vector<16xi32>
      %broadcast_in_dim3A_551 = vector.broadcast %reduce_sum3A_542 : f32 to vector<16xf32>
      %select_n3A_552 = arith.select %eq3A_550, %broadcast_in_dim3A_551, %select_n3A_547 : vector<16xi1>, vector<16xf32>
      %run_scoped3A_553 = arith.constant 13 : i32
      "tpu.region"() ({
        %run_scoped3A_2111 = tpu.sem_alloc : memref<!tpu.dma_semaphore, #tpu.memory_space<semaphore_mem>>
        %dma_start3A = arith.constant 0 : i32
        %dma_start3A_2112 = tpu.memref_slice %arg20[%run_scoped3A_553, %dma_start3A] : memref<16x16xf32, #tpu.memory_space<vmem_shared>> -> memref<1x16xf32, #tpu.memory_space<vmem_shared>>
        %dma_start3A_2113 = tpu.memref_squeeze %dma_start3A_2112 : memref<1x16xf32, #tpu.memory_space<vmem_shared>> -> memref<16xf32, #tpu.memory_space<vmem_shared>>
        %dma_start3A_2114 = arith.constant 0 : i32
        %dma_start3A_2115 = tpu.memref_slice %arg20[%run_scoped3A_553, %dma_start3A_2114] : memref<16x16xf32, #tpu.memory_space<vmem_shared>> -> memref<1x16xf32, #tpu.memory_space<vmem_shared>>
        %dma_start3A_2116 = tpu.memref_squeeze %dma_start3A_2115 : memref<1x16xf32, #tpu.memory_space<vmem_shared>> -> memref<16xf32, #tpu.memory_space<vmem_shared>>
        tpu.enqueue_dma source(%dma_start3A_2116 : memref<16xf32, #tpu.memory_space<vmem_shared>>) target(%arg17 : memref<16xf32, #tpu.memory_space<vmem>>) target_semaphore(%run_scoped3A_2111 : memref<!tpu.dma_semaphore, #tpu.memory_space<semaphore_mem>>)
        %dma_wait3A = arith.constant 0 : i32
        %dma_wait3A_2117 = tpu.memref_slice %arg20[%run_scoped3A_553, %dma_wait3A] : memref<16x16xf32, #tpu.memory_space<vmem_shared>> -> memref<1x16xf32, #tpu.memory_space<vmem_shared>>
        %dma_wait3A_2118 = tpu.memref_squeeze %dma_wait3A_2117 : memref<1x16xf32, #tpu.memory_space<vmem_shared>> -> memref<16xf32, #tpu.memory_space<vmem_shared>>
        %dma_wait3A_2119 = arith.constant 0 : i32
        %dma_wait3A_2120 = tpu.memref_slice %arg20[%run_scoped3A_553, %dma_wait3A_2119] : memref<16x16xf32, #tpu.memory_space<vmem_shared>> -> memref<1x16xf32, #tpu.memory_space<vmem_shared>>
        %dma_wait3A_2121 = tpu.memref_squeeze %dma_wait3A_2120 : memref<1x16xf32, #tpu.memory_space<vmem_shared>> -> memref<16xf32, #tpu.memory_space<vmem_shared>>
        tpu.wait_dma2 semaphore(%run_scoped3A_2111 : memref<!tpu.dma_semaphore, #tpu.memory_space<semaphore_mem>>) src(%dma_wait3A_2121 : memref<16xf32, #tpu.memory_space<vmem_shared>>) dst(%arg17 : memref<16xf32, #tpu.memory_space<vmem>>)
        tpu.yield
      }) : () -> ()
      %get3A_554 = arith.constant 0 : index
      %get3A_555 = tpu.vector_load %arg17[%get3A_554] {strides = array<i32>} : memref<16xf32, #tpu.memory_space<vmem>>, vector<16xf32>,
      %iota3A_556 = tpu.iota {dimensions = array<i32: 0>} : vector<16xi32>
      %eq3A_557 = arith.constant 0 : i32
      %eq3A_558 = vector.broadcast %eq3A_557 : i32 to vector<16xi32>
      %eq3A_559 = arith.cmpi eq, %iota3A_556, %eq3A_558 : vector<16xi32>
      %broadcast_in_dim3A_560 = arith.constant 0.000000e+00 : f32
      %broadcast_in_dim3A_561 = vector.broadcast %broadcast_in_dim3A_560 : f32 to vector<16xf32>
      %select_n3A_562 = arith.select %eq3A_559, %get3A_555, %broadcast_in_dim3A_561 : vector<16xi1>, vector<16xf32>
      %reduce_sum3A_563 = arith.constant true
      %reduce_sum3A_564 = vector.broadcast %reduce_sum3A_563 : i1 to vector<16xi1>
      %reduce_sum3A_565 = tpu.scan <sum>, %select_n3A_562 masked %reduce_sum3A_564 : vector<16xf32>, vector<16xi1> -> vector<16xf32>
      %reduce_sum3A_566 = vector.extract %reduce_sum3A_565[15] : f32 from vector<16xf32>
      %iota3A_567 = tpu.iota {dimensions = array<i32: 0>} : vector<16xi32>
      %eq3A_568 = arith.constant 1 : i32
      %eq3A_569 = vector.broadcast %eq3A_568 : i32 to vector<16xi32>
      %eq3A_570 = arith.cmpi eq, %iota3A_567, %eq3A_569 : vector<16xi32>
      %broadcast_in_dim3A_571 = arith.constant 0.000000e+00 : f32
      %broadcast_in_dim3A_572 = vector.broadcast %broadcast_in_dim3A_571 : f32 to vector<16xf32>
      %select_n3A_573 = arith.select %eq3A_570, %get3A_555, %broadcast_in_dim3A_572 : vector<16xi1>, vector<16xf32>
      %reduce_sum3A_574 = arith.constant true
      %reduce_sum3A_575 = vector.broadcast %reduce_sum3A_574 : i1 to vector<16xi1>
      %reduce_sum3A_576 = tpu.scan <sum>, %select_n3A_573 masked %reduce_sum3A_575 : vector<16xf32>, vector<16xi1> -> vector<16xf32>
      %reduce_sum3A_577 = vector.extract %reduce_sum3A_576[15] : f32 from vector<16xf32>
      %eq3A_578 = arith.constant 10 : i32
      %eq3A_579 = vector.broadcast %eq3A_578 : i32 to vector<16xi32>
      %eq3A_580 = arith.cmpi eq, %iota3A_99, %eq3A_579 : vector<16xi32>
      %broadcast_in_dim3A_581 = vector.broadcast %reduce_sum3A_566 : f32 to vector<16xf32>
      %select_n3A_582 = arith.select %eq3A_580, %broadcast_in_dim3A_581, %select_n3A_552 : vector<16xi1>, vector<16xf32>
      %eq3A_583 = arith.constant 11 : i32
      %eq3A_584 = vector.broadcast %eq3A_583 : i32 to vector<16xi32>
      %eq3A_585 = arith.cmpi eq, %iota3A_99, %eq3A_584 : vector<16xi32>
      %broadcast_in_dim3A_586 = vector.broadcast %reduce_sum3A_577 : f32 to vector<16xf32>
      %select_n3A_587 = arith.select %eq3A_585, %broadcast_in_dim3A_586, %select_n3A_582 : vector<16xi1>, vector<16xf32>
      %run_scoped3A_588 = arith.constant 14 : i32
      "tpu.region"() ({
        %run_scoped3A_2111 = tpu.sem_alloc : memref<!tpu.dma_semaphore, #tpu.memory_space<semaphore_mem>>
        %dma_start3A = arith.constant 0 : i32
        %dma_start3A_2112 = tpu.memref_slice %arg20[%run_scoped3A_588, %dma_start3A] : memref<16x16xf32, #tpu.memory_space<vmem_shared>> -> memref<1x16xf32, #tpu.memory_space<vmem_shared>>
        %dma_start3A_2113 = tpu.memref_squeeze %dma_start3A_2112 : memref<1x16xf32, #tpu.memory_space<vmem_shared>> -> memref<16xf32, #tpu.memory_space<vmem_shared>>
        %dma_start3A_2114 = arith.constant 0 : i32
        %dma_start3A_2115 = tpu.memref_slice %arg20[%run_scoped3A_588, %dma_start3A_2114] : memref<16x16xf32, #tpu.memory_space<vmem_shared>> -> memref<1x16xf32, #tpu.memory_space<vmem_shared>>
        %dma_start3A_2116 = tpu.memref_squeeze %dma_start3A_2115 : memref<1x16xf32, #tpu.memory_space<vmem_shared>> -> memref<16xf32, #tpu.memory_space<vmem_shared>>
        tpu.enqueue_dma source(%dma_start3A_2116 : memref<16xf32, #tpu.memory_space<vmem_shared>>) target(%arg17 : memref<16xf32, #tpu.memory_space<vmem>>) target_semaphore(%run_scoped3A_2111 : memref<!tpu.dma_semaphore, #tpu.memory_space<semaphore_mem>>)
        %dma_wait3A = arith.constant 0 : i32
        %dma_wait3A_2117 = tpu.memref_slice %arg20[%run_scoped3A_588, %dma_wait3A] : memref<16x16xf32, #tpu.memory_space<vmem_shared>> -> memref<1x16xf32, #tpu.memory_space<vmem_shared>>
        %dma_wait3A_2118 = tpu.memref_squeeze %dma_wait3A_2117 : memref<1x16xf32, #tpu.memory_space<vmem_shared>> -> memref<16xf32, #tpu.memory_space<vmem_shared>>
        %dma_wait3A_2119 = arith.constant 0 : i32
        %dma_wait3A_2120 = tpu.memref_slice %arg20[%run_scoped3A_588, %dma_wait3A_2119] : memref<16x16xf32, #tpu.memory_space<vmem_shared>> -> memref<1x16xf32, #tpu.memory_space<vmem_shared>>
        %dma_wait3A_2121 = tpu.memref_squeeze %dma_wait3A_2120 : memref<1x16xf32, #tpu.memory_space<vmem_shared>> -> memref<16xf32, #tpu.memory_space<vmem_shared>>
        tpu.wait_dma2 semaphore(%run_scoped3A_2111 : memref<!tpu.dma_semaphore, #tpu.memory_space<semaphore_mem>>) src(%dma_wait3A_2121 : memref<16xf32, #tpu.memory_space<vmem_shared>>) dst(%arg17 : memref<16xf32, #tpu.memory_space<vmem>>)
        tpu.yield
      }) : () -> ()
      %get3A_589 = arith.constant 0 : index
      %get3A_590 = tpu.vector_load %arg17[%get3A_589] {strides = array<i32>} : memref<16xf32, #tpu.memory_space<vmem>>, vector<16xf32>,
      %iota3A_591 = tpu.iota {dimensions = array<i32: 0>} : vector<16xi32>
      %eq3A_592 = arith.constant 0 : i32
      %eq3A_593 = vector.broadcast %eq3A_592 : i32 to vector<16xi32>
      %eq3A_594 = arith.cmpi eq, %iota3A_591, %eq3A_593 : vector<16xi32>
      %broadcast_in_dim3A_595 = arith.constant 0.000000e+00 : f32
      %broadcast_in_dim3A_596 = vector.broadcast %broadcast_in_dim3A_595 : f32 to vector<16xf32>
      %select_n3A_597 = arith.select %eq3A_594, %get3A_590, %broadcast_in_dim3A_596 : vector<16xi1>, vector<16xf32>
      %reduce_sum3A_598 = arith.constant true
      %reduce_sum3A_599 = vector.broadcast %reduce_sum3A_598 : i1 to vector<16xi1>
      %reduce_sum3A_600 = tpu.scan <sum>, %select_n3A_597 masked %reduce_sum3A_599 : vector<16xf32>, vector<16xi1> -> vector<16xf32>
      %reduce_sum3A_601 = vector.extract %reduce_sum3A_600[15] : f32 from vector<16xf32>
      %iota3A_602 = tpu.iota {dimensions = array<i32: 0>} : vector<16xi32>
      %eq3A_603 = arith.constant 1 : i32
      %eq3A_604 = vector.broadcast %eq3A_603 : i32 to vector<16xi32>
      %eq3A_605 = arith.cmpi eq, %iota3A_602, %eq3A_604 : vector<16xi32>
      %broadcast_in_dim3A_606 = arith.constant 0.000000e+00 : f32
      %broadcast_in_dim3A_607 = vector.broadcast %broadcast_in_dim3A_606 : f32 to vector<16xf32>
      %select_n3A_608 = arith.select %eq3A_605, %get3A_590, %broadcast_in_dim3A_607 : vector<16xi1>, vector<16xf32>
      %reduce_sum3A_609 = arith.constant true
      %reduce_sum3A_610 = vector.broadcast %reduce_sum3A_609 : i1 to vector<16xi1>
      %reduce_sum3A_611 = tpu.scan <sum>, %select_n3A_608 masked %reduce_sum3A_610 : vector<16xf32>, vector<16xi1> -> vector<16xf32>
      %reduce_sum3A_612 = vector.extract %reduce_sum3A_611[15] : f32 from vector<16xf32>
      %eq3A_613 = arith.constant 12 : i32
      %eq3A_614 = vector.broadcast %eq3A_613 : i32 to vector<16xi32>
      %eq3A_615 = arith.cmpi eq, %iota3A_99, %eq3A_614 : vector<16xi32>
      %broadcast_in_dim3A_616 = vector.broadcast %reduce_sum3A_601 : f32 to vector<16xf32>
      %select_n3A_617 = arith.select %eq3A_615, %broadcast_in_dim3A_616, %select_n3A_587 : vector<16xi1>, vector<16xf32>
      %eq3A_618 = arith.constant 13 : i32
      %eq3A_619 = vector.broadcast %eq3A_618 : i32 to vector<16xi32>
      %eq3A_620 = arith.cmpi eq, %iota3A_99, %eq3A_619 : vector<16xi32>
      %broadcast_in_dim3A_621 = vector.broadcast %reduce_sum3A_612 : f32 to vector<16xf32>
      %select_n3A_622 = arith.select %eq3A_620, %broadcast_in_dim3A_621, %select_n3A_617 : vector<16xi1>, vector<16xf32>
      %run_scoped3A_623 = arith.constant 15 : i32
      "tpu.region"() ({
        %run_scoped3A_2111 = tpu.sem_alloc : memref<!tpu.dma_semaphore, #tpu.memory_space<semaphore_mem>>
        %dma_start3A = arith.constant 0 : i32
        %dma_start3A_2112 = tpu.memref_slice %arg20[%run_scoped3A_623, %dma_start3A] : memref<16x16xf32, #tpu.memory_space<vmem_shared>> -> memref<1x16xf32, #tpu.memory_space<vmem_shared>>
        %dma_start3A_2113 = tpu.memref_squeeze %dma_start3A_2112 : memref<1x16xf32, #tpu.memory_space<vmem_shared>> -> memref<16xf32, #tpu.memory_space<vmem_shared>>
        %dma_start3A_2114 = arith.constant 0 : i32
        %dma_start3A_2115 = tpu.memref_slice %arg20[%run_scoped3A_623, %dma_start3A_2114] : memref<16x16xf32, #tpu.memory_space<vmem_shared>> -> memref<1x16xf32, #tpu.memory_space<vmem_shared>>
        %dma_start3A_2116 = tpu.memref_squeeze %dma_start3A_2115 : memref<1x16xf32, #tpu.memory_space<vmem_shared>> -> memref<16xf32, #tpu.memory_space<vmem_shared>>
        tpu.enqueue_dma source(%dma_start3A_2116 : memref<16xf32, #tpu.memory_space<vmem_shared>>) target(%arg17 : memref<16xf32, #tpu.memory_space<vmem>>) target_semaphore(%run_scoped3A_2111 : memref<!tpu.dma_semaphore, #tpu.memory_space<semaphore_mem>>)
        %dma_wait3A = arith.constant 0 : i32
        %dma_wait3A_2117 = tpu.memref_slice %arg20[%run_scoped3A_623, %dma_wait3A] : memref<16x16xf32, #tpu.memory_space<vmem_shared>> -> memref<1x16xf32, #tpu.memory_space<vmem_shared>>
        %dma_wait3A_2118 = tpu.memref_squeeze %dma_wait3A_2117 : memref<1x16xf32, #tpu.memory_space<vmem_shared>> -> memref<16xf32, #tpu.memory_space<vmem_shared>>
        %dma_wait3A_2119 = arith.constant 0 : i32
        %dma_wait3A_2120 = tpu.memref_slice %arg20[%run_scoped3A_623, %dma_wait3A_2119] : memref<16x16xf32, #tpu.memory_space<vmem_shared>> -> memref<1x16xf32, #tpu.memory_space<vmem_shared>>
        %dma_wait3A_2121 = tpu.memref_squeeze %dma_wait3A_2120 : memref<1x16xf32, #tpu.memory_space<vmem_shared>> -> memref<16xf32, #tpu.memory_space<vmem_shared>>
        tpu.wait_dma2 semaphore(%run_scoped3A_2111 : memref<!tpu.dma_semaphore, #tpu.memory_space<semaphore_mem>>) src(%dma_wait3A_2121 : memref<16xf32, #tpu.memory_space<vmem_shared>>) dst(%arg17 : memref<16xf32, #tpu.memory_space<vmem>>)
        tpu.yield
      }) : () -> ()
      %get3A_624 = arith.constant 0 : index
      %get3A_625 = tpu.vector_load %arg17[%get3A_624] {strides = array<i32>} : memref<16xf32, #tpu.memory_space<vmem>>, vector<16xf32>,
      %iota3A_626 = tpu.iota {dimensions = array<i32: 0>} : vector<16xi32>
      %eq3A_627 = arith.constant 0 : i32
      %eq3A_628 = vector.broadcast %eq3A_627 : i32 to vector<16xi32>
      %eq3A_629 = arith.cmpi eq, %iota3A_626, %eq3A_628 : vector<16xi32>
      %broadcast_in_dim3A_630 = arith.constant 0.000000e+00 : f32
      %broadcast_in_dim3A_631 = vector.broadcast %broadcast_in_dim3A_630 : f32 to vector<16xf32>
      %select_n3A_632 = arith.select %eq3A_629, %get3A_625, %broadcast_in_dim3A_631 : vector<16xi1>, vector<16xf32>
      %reduce_sum3A_633 = arith.constant true
      %reduce_sum3A_634 = vector.broadcast %reduce_sum3A_633 : i1 to vector<16xi1>
      %reduce_sum3A_635 = tpu.scan <sum>, %select_n3A_632 masked %reduce_sum3A_634 : vector<16xf32>, vector<16xi1> -> vector<16xf32>
      %reduce_sum3A_636 = vector.extract %reduce_sum3A_635[15] : f32 from vector<16xf32>
      %iota3A_637 = tpu.iota {dimensions = array<i32: 0>} : vector<16xi32>
      %eq3A_638 = arith.constant 1 : i32
      %eq3A_639 = vector.broadcast %eq3A_638 : i32 to vector<16xi32>
      %eq3A_640 = arith.cmpi eq, %iota3A_637, %eq3A_639 : vector<16xi32>
      %broadcast_in_dim3A_641 = arith.constant 0.000000e+00 : f32
      %broadcast_in_dim3A_642 = vector.broadcast %broadcast_in_dim3A_641 : f32 to vector<16xf32>
      %select_n3A_643 = arith.select %eq3A_640, %get3A_625, %broadcast_in_dim3A_642 : vector<16xi1>, vector<16xf32>
      %reduce_sum3A_644 = arith.constant true
      %reduce_sum3A_645 = vector.broadcast %reduce_sum3A_644 : i1 to vector<16xi1>
      %reduce_sum3A_646 = tpu.scan <sum>, %select_n3A_643 masked %reduce_sum3A_645 : vector<16xf32>, vector<16xi1> -> vector<16xf32>
      %reduce_sum3A_647 = vector.extract %reduce_sum3A_646[15] : f32 from vector<16xf32>
      %eq3A_648 = arith.constant 14 : i32
      %eq3A_649 = vector.broadcast %eq3A_648 : i32 to vector<16xi32>
      %eq3A_650 = arith.cmpi eq, %iota3A_99, %eq3A_649 : vector<16xi32>
      %broadcast_in_dim3A_651 = vector.broadcast %reduce_sum3A_636 : f32 to vector<16xf32>
      %select_n3A_652 = arith.select %eq3A_650, %broadcast_in_dim3A_651, %select_n3A_622 : vector<16xi1>, vector<16xf32>
      %eq3A_653 = arith.constant 15 : i32
      %eq3A_654 = vector.broadcast %eq3A_653 : i32 to vector<16xi32>
      %eq3A_655 = arith.cmpi eq, %iota3A_99, %eq3A_654 : vector<16xi32>
      %broadcast_in_dim3A_656 = vector.broadcast %reduce_sum3A_647 : f32 to vector<16xf32>
      %select_n3A_657 = arith.select %eq3A_655, %broadcast_in_dim3A_656, %select_n3A_652 : vector<16xi1>, vector<16xf32>
      %run_scoped3A_658 = arith.constant 0 : i32
      "tpu.region"() ({
        %run_scoped3A_2111 = tpu.sem_alloc : memref<!tpu.dma_semaphore, #tpu.memory_space<semaphore_mem>>
        %dma_start3A = arith.constant 0 : i32
        %dma_start3A_2112 = tpu.memref_slice %arg21[%run_scoped3A_658, %dma_start3A] : memref<2x16xf32, #tpu.memory_space<vmem_shared>> -> memref<1x16xf32, #tpu.memory_space<vmem_shared>>
        %dma_start3A_2113 = tpu.memref_squeeze %dma_start3A_2112 : memref<1x16xf32, #tpu.memory_space<vmem_shared>> -> memref<16xf32, #tpu.memory_space<vmem_shared>>
        %dma_start3A_2114 = arith.constant 0 : i32
        %dma_start3A_2115 = tpu.memref_slice %arg21[%run_scoped3A_658, %dma_start3A_2114] : memref<2x16xf32, #tpu.memory_space<vmem_shared>> -> memref<1x16xf32, #tpu.memory_space<vmem_shared>>
        %dma_start3A_2116 = tpu.memref_squeeze %dma_start3A_2115 : memref<1x16xf32, #tpu.memory_space<vmem_shared>> -> memref<16xf32, #tpu.memory_space<vmem_shared>>
        tpu.enqueue_dma source(%dma_start3A_2116 : memref<16xf32, #tpu.memory_space<vmem_shared>>) target(%arg17 : memref<16xf32, #tpu.memory_space<vmem>>) target_semaphore(%run_scoped3A_2111 : memref<!tpu.dma_semaphore, #tpu.memory_space<semaphore_mem>>)
        %dma_wait3A = arith.constant 0 : i32
        %dma_wait3A_2117 = tpu.memref_slice %arg21[%run_scoped3A_658, %dma_wait3A] : memref<2x16xf32, #tpu.memory_space<vmem_shared>> -> memref<1x16xf32, #tpu.memory_space<vmem_shared>>
        %dma_wait3A_2118 = tpu.memref_squeeze %dma_wait3A_2117 : memref<1x16xf32, #tpu.memory_space<vmem_shared>> -> memref<16xf32, #tpu.memory_space<vmem_shared>>
        %dma_wait3A_2119 = arith.constant 0 : i32
        %dma_wait3A_2120 = tpu.memref_slice %arg21[%run_scoped3A_658, %dma_wait3A_2119] : memref<2x16xf32, #tpu.memory_space<vmem_shared>> -> memref<1x16xf32, #tpu.memory_space<vmem_shared>>
        %dma_wait3A_2121 = tpu.memref_squeeze %dma_wait3A_2120 : memref<1x16xf32, #tpu.memory_space<vmem_shared>> -> memref<16xf32, #tpu.memory_space<vmem_shared>>
        tpu.wait_dma2 semaphore(%run_scoped3A_2111 : memref<!tpu.dma_semaphore, #tpu.memory_space<semaphore_mem>>) src(%dma_wait3A_2121 : memref<16xf32, #tpu.memory_space<vmem_shared>>) dst(%arg17 : memref<16xf32, #tpu.memory_space<vmem>>)
        tpu.yield
      }) : () -> ()
      %get3A_659 = arith.constant 0 : index
      %get3A_660 = tpu.vector_load %arg17[%get3A_659] {strides = array<i32>} : memref<16xf32, #tpu.memory_space<vmem>>, vector<16xf32>,
      %iota3A_661 = tpu.iota {dimensions = array<i32: 0>} : vector<16xi32>
      %eq3A_662 = arith.constant 0 : i32
      %eq3A_663 = vector.broadcast %eq3A_662 : i32 to vector<16xi32>
      %eq3A_664 = arith.cmpi eq, %iota3A_661, %eq3A_663 : vector<16xi32>
      %broadcast_in_dim3A_665 = arith.constant 0.000000e+00 : f32
      %broadcast_in_dim3A_666 = vector.broadcast %broadcast_in_dim3A_665 : f32 to vector<16xf32>
      %select_n3A_667 = arith.select %eq3A_664, %get3A_660, %broadcast_in_dim3A_666 : vector<16xi1>, vector<16xf32>
      %reduce_sum3A_668 = arith.constant true
      %reduce_sum3A_669 = vector.broadcast %reduce_sum3A_668 : i1 to vector<16xi1>
      %reduce_sum3A_670 = tpu.scan <sum>, %select_n3A_667 masked %reduce_sum3A_669 : vector<16xf32>, vector<16xi1> -> vector<16xf32>
      %reduce_sum3A_671 = vector.extract %reduce_sum3A_670[15] : f32 from vector<16xf32>
      %run_scoped3A_672 = arith.constant 1 : i32
      "tpu.region"() ({
        %run_scoped3A_2111 = tpu.sem_alloc : memref<!tpu.dma_semaphore, #tpu.memory_space<semaphore_mem>>
        %dma_start3A = arith.constant 0 : i32
        %dma_start3A_2112 = tpu.memref_slice %arg21[%run_scoped3A_672, %dma_start3A] : memref<2x16xf32, #tpu.memory_space<vmem_shared>> -> memref<1x16xf32, #tpu.memory_space<vmem_shared>>
        %dma_start3A_2113 = tpu.memref_squeeze %dma_start3A_2112 : memref<1x16xf32, #tpu.memory_space<vmem_shared>> -> memref<16xf32, #tpu.memory_space<vmem_shared>>
        %dma_start3A_2114 = arith.constant 0 : i32
        %dma_start3A_2115 = tpu.memref_slice %arg21[%run_scoped3A_672, %dma_start3A_2114] : memref<2x16xf32, #tpu.memory_space<vmem_shared>> -> memref<1x16xf32, #tpu.memory_space<vmem_shared>>
        %dma_start3A_2116 = tpu.memref_squeeze %dma_start3A_2115 : memref<1x16xf32, #tpu.memory_space<vmem_shared>> -> memref<16xf32, #tpu.memory_space<vmem_shared>>
        tpu.enqueue_dma source(%dma_start3A_2116 : memref<16xf32, #tpu.memory_space<vmem_shared>>) target(%arg17 : memref<16xf32, #tpu.memory_space<vmem>>) target_semaphore(%run_scoped3A_2111 : memref<!tpu.dma_semaphore, #tpu.memory_space<semaphore_mem>>)
        %dma_wait3A = arith.constant 0 : i32
        %dma_wait3A_2117 = tpu.memref_slice %arg21[%run_scoped3A_672, %dma_wait3A] : memref<2x16xf32, #tpu.memory_space<vmem_shared>> -> memref<1x16xf32, #tpu.memory_space<vmem_shared>>
        %dma_wait3A_2118 = tpu.memref_squeeze %dma_wait3A_2117 : memref<1x16xf32, #tpu.memory_space<vmem_shared>> -> memref<16xf32, #tpu.memory_space<vmem_shared>>
        %dma_wait3A_2119 = arith.constant 0 : i32
        %dma_wait3A_2120 = tpu.memref_slice %arg21[%run_scoped3A_672, %dma_wait3A_2119] : memref<2x16xf32, #tpu.memory_space<vmem_shared>> -> memref<1x16xf32, #tpu.memory_space<vmem_shared>>
        %dma_wait3A_2121 = tpu.memref_squeeze %dma_wait3A_2120 : memref<1x16xf32, #tpu.memory_space<vmem_shared>> -> memref<16xf32, #tpu.memory_space<vmem_shared>>
        tpu.wait_dma2 semaphore(%run_scoped3A_2111 : memref<!tpu.dma_semaphore, #tpu.memory_space<semaphore_mem>>) src(%dma_wait3A_2121 : memref<16xf32, #tpu.memory_space<vmem_shared>>) dst(%arg17 : memref<16xf32, #tpu.memory_space<vmem>>)
        tpu.yield
      }) : () -> ()
      %get3A_673 = arith.constant 0 : index
      %get3A_674 = tpu.vector_load %arg17[%get3A_673] {strides = array<i32>} : memref<16xf32, #tpu.memory_space<vmem>>, vector<16xf32>,
      %iota3A_675 = tpu.iota {dimensions = array<i32: 0>} : vector<16xi32>
      %eq3A_676 = arith.constant 0 : i32
      %eq3A_677 = vector.broadcast %eq3A_676 : i32 to vector<16xi32>
      %eq3A_678 = arith.cmpi eq, %iota3A_675, %eq3A_677 : vector<16xi32>
      %broadcast_in_dim3A_679 = arith.constant 0.000000e+00 : f32
      %broadcast_in_dim3A_680 = vector.broadcast %broadcast_in_dim3A_679 : f32 to vector<16xf32>
      %select_n3A_681 = arith.select %eq3A_678, %get3A_674, %broadcast_in_dim3A_680 : vector<16xi1>, vector<16xf32>
      %reduce_sum3A_682 = arith.constant true
      %reduce_sum3A_683 = vector.broadcast %reduce_sum3A_682 : i1 to vector<16xi1>
      %reduce_sum3A_684 = tpu.scan <sum>, %select_n3A_681 masked %reduce_sum3A_683 : vector<16xf32>, vector<16xi1> -> vector<16xf32>
      %reduce_sum3A_685 = vector.extract %reduce_sum3A_684[15] : f32 from vector<16xf32>
      %sub3A = arith.constant 0.000000e+00 : f32
      %sub3A_686 = arith.subf %sub3A, %reduce_sum3A_671 : f32
      %mul3A_687 = arith.constant 8.000000e+00 : f32
      %mul3A_688 = arith.mulf %mul3A_687, %sub3A_686 : f32
      %broadcast_in_dim3A_689 = vector.broadcast %mul3A_688 : f32 to vector<16xf32>
      %neg3A = arith.constant 0.000000e+00 : f32
      %neg3A_690 = vector.broadcast %neg3A : f32 to vector<16xf32>
      %neg3A_691 = arith.subf %neg3A_690, %broadcast_in_dim3A_689 : vector<16xf32>
      %exp3A = math.exp %neg3A_691 : vector<16xf32>
      %add3A_692 = arith.constant 1.000000e+00 : f32
      %add3A_693 = vector.broadcast %add3A_692 : f32 to vector<16xf32>
      %add3A_694 = arith.addf %add3A_693, %exp3A : vector<16xf32>
      %div3A_695 = arith.constant 1.000000e+00 : f32
      %div3A_696 = vector.broadcast %div3A_695 : f32 to vector<16xf32>
      %div3A_697 = arith.divf %div3A_696, %add3A_694 : vector<16xf32>
      %sub3A_698 = arith.constant 0.000000e+00 : f32
      %sub3A_699 = arith.subf %sub3A_698, %reduce_sum3A_685 : f32
      %mul3A_700 = arith.constant 8.000000e+00 : f32
      %mul3A_701 = arith.mulf %mul3A_700, %sub3A_699 : f32
      %broadcast_in_dim3A_702 = vector.broadcast %mul3A_701 : f32 to vector<16xf32>
      %neg3A_703 = arith.constant 0.000000e+00 : f32
      %neg3A_704 = vector.broadcast %neg3A_703 : f32 to vector<16xf32>
      %neg3A_705 = arith.subf %neg3A_704, %broadcast_in_dim3A_702 : vector<16xf32>
      %exp3A_706 = math.exp %neg3A_705 : vector<16xf32>
      %add3A_707 = arith.constant 1.000000e+00 : f32
      %add3A_708 = vector.broadcast %add3A_707 : f32 to vector<16xf32>
      %add3A_709 = arith.addf %add3A_708, %exp3A_706 : vector<16xf32>
      %div3A_710 = arith.constant 1.000000e+00 : f32
      %div3A_711 = vector.broadcast %div3A_710 : f32 to vector<16xf32>
      %div3A_712 = arith.divf %div3A_711, %add3A_709 : vector<16xf32>
      %mul3A_713 = arith.mulf %div3A_697, %div3A_712 : vector<16xf32>
      %iota3A_714 = tpu.iota {dimensions = array<i32: 0>} : vector<16xi32>
      %eq3A_715 = arith.constant 0 : i32
      %eq3A_716 = vector.broadcast %eq3A_715 : i32 to vector<16xi32>
      %eq3A_717 = arith.cmpi eq, %iota3A_714, %eq3A_716 : vector<16xi32>
      %broadcast_in_dim3A_718 = arith.constant 0.000000e+00 : f32
      %broadcast_in_dim3A_719 = vector.broadcast %broadcast_in_dim3A_718 : f32 to vector<16xf32>
      %select_n3A_720 = arith.select %eq3A_717, %mul3A_713, %broadcast_in_dim3A_719 : vector<16xi1>, vector<16xf32>
      %reduce_sum3A_721 = arith.constant true
      %reduce_sum3A_722 = vector.broadcast %reduce_sum3A_721 : i1 to vector<16xi1>
      %reduce_sum3A_723 = tpu.scan <sum>, %select_n3A_720 masked %reduce_sum3A_722 : vector<16xf32>, vector<16xi1> -> vector<16xf32>
      %reduce_sum3A_724 = vector.extract %reduce_sum3A_723[15] : f32 from vector<16xf32>
      %broadcast_in_dim3A_725 = arith.constant 0 : i32
      %broadcast_in_dim3A_726 = vector.broadcast %broadcast_in_dim3A_725 : i32 to vector<16xi32>
      %broadcast_in_dim3A_727 = arith.constant 1 : i32
      %broadcast_in_dim3A_728 = vector.broadcast %broadcast_in_dim3A_727 : i32 to vector<16xi32>
      %add3A_729 = arith.constant 16 : i32
      %add3A_730 = vector.broadcast %add3A_729 : i32 to vector<16xi32>
      %add3A_731 = arith.addi %iota3A_99, %add3A_730 : vector<16xi32>
      %iota3A_732 = tpu.iota {dimensions = array<i32: 0>} : vector<16xi32>
      %eq3A_733 = arith.constant 0 : i32
      %eq3A_734 = vector.broadcast %eq3A_733 : i32 to vector<16xi32>
      %eq3A_735 = arith.cmpi eq, %iota3A_732, %eq3A_734 : vector<16xi32>
      %broadcast_in_dim3A_736 = arith.constant 0.000000e+00 : f32
      %broadcast_in_dim3A_737 = vector.broadcast %broadcast_in_dim3A_736 : f32 to vector<16xf32>
      %select_n3A_738 = arith.select %eq3A_735, %select_n3A_377, %broadcast_in_dim3A_737 : vector<16xi1>, vector<16xf32>
      %reduce_sum3A_739 = arith.constant true
      %reduce_sum3A_740 = vector.broadcast %reduce_sum3A_739 : i1 to vector<16xi1>
      %reduce_sum3A_741 = tpu.scan <sum>, %select_n3A_738 masked %reduce_sum3A_740 : vector<16xf32>, vector<16xi1> -> vector<16xf32>
      %reduce_sum3A_742 = vector.extract %reduce_sum3A_741[15] : f32 from vector<16xf32>
      %gt3A = vector.broadcast %reduce_sum3A_742 : f32 to vector<16xf32>
      %gt3A_743 = arith.cmpf ogt, %gt3A, %select_n3A_377 : vector<16xf32>
      %eq3A_744 = vector.broadcast %reduce_sum3A_742 : f32 to vector<16xf32>
      %eq3A_745 = arith.cmpf oeq, %eq3A_744, %select_n3A_377 : vector<16xf32>
      %gt3A_746 = arith.constant 0 : i32
      %gt3A_747 = vector.broadcast %gt3A_746 : i32 to vector<16xi32>
      %gt3A_748 = arith.cmpi sgt, %iota3A_99, %gt3A_747 : vector<16xi32>
      %and3A = arith.andi %eq3A_745, %gt3A_748 : vector<16xi1>
      %or3A_749 = arith.ori %gt3A_743, %and3A : vector<16xi1>
      %select_n3A_750 = arith.select %or3A_749, %broadcast_in_dim3A_728, %broadcast_in_dim3A_726 : vector<16xi1>, vector<16xi32>
      %add3A_751 = arith.addi %broadcast_in_dim3A_726, %select_n3A_750 : vector<16xi32>
      %gt3A_752 = vector.broadcast %reduce_sum3A_742 : f32 to vector<16xf32>
      %gt3A_753 = arith.cmpf ogt, %gt3A_752, %select_n3A_657 : vector<16xf32>
      %eq3A_754 = vector.broadcast %reduce_sum3A_742 : f32 to vector<16xf32>
      %eq3A_755 = arith.cmpf oeq, %eq3A_754, %select_n3A_657 : vector<16xf32>
      %gt3A_756 = arith.constant 0 : i32
      %gt3A_757 = vector.broadcast %gt3A_756 : i32 to vector<16xi32>
      %gt3A_758 = arith.cmpi sgt, %add3A_731, %gt3A_757 : vector<16xi32>
      %and3A_759 = arith.andi %eq3A_755, %gt3A_758 : vector<16xi1>
      %or3A_760 = arith.ori %gt3A_753, %and3A_759 : vector<16xi1>
      %select_n3A_761 = arith.select %or3A_760, %broadcast_in_dim3A_728, %broadcast_in_dim3A_726 : vector<16xi1>, vector<16xi32>
      %add3A_762 = arith.addi %broadcast_in_dim3A_726, %select_n3A_761 : vector<16xi32>
      %iota3A_763 = tpu.iota {dimensions = array<i32: 0>} : vector<16xi32>
      %eq3A_764 = arith.constant 1 : i32
      %eq3A_765 = vector.broadcast %eq3A_764 : i32 to vector<16xi32>
      %eq3A_766 = arith.cmpi eq, %iota3A_763, %eq3A_765 : vector<16xi32>
      %broadcast_in_dim3A_767 = arith.constant 0.000000e+00 : f32
      %broadcast_in_dim3A_768 = vector.broadcast %broadcast_in_dim3A_767 : f32 to vector<16xf32>
      %select_n3A_769 = arith.select %eq3A_766, %select_n3A_377, %broadcast_in_dim3A_768 : vector<16xi1>, vector<16xf32>
      %reduce_sum3A_770 = arith.constant true
      %reduce_sum3A_771 = vector.broadcast %reduce_sum3A_770 : i1 to vector<16xi1>
      %reduce_sum3A_772 = tpu.scan <sum>, %select_n3A_769 masked %reduce_sum3A_771 : vector<16xf32>, vector<16xi1> -> vector<16xf32>
      %reduce_sum3A_773 = vector.extract %reduce_sum3A_772[15] : f32 from vector<16xf32>
      %gt3A_774 = vector.broadcast %reduce_sum3A_773 : f32 to vector<16xf32>
      %gt3A_775 = arith.cmpf ogt, %gt3A_774, %select_n3A_377 : vector<16xf32>
      %eq3A_776 = vector.broadcast %reduce_sum3A_773 : f32 to vector<16xf32>
      %eq3A_777 = arith.cmpf oeq, %eq3A_776, %select_n3A_377 : vector<16xf32>
      %gt3A_778 = arith.constant 1 : i32
      %gt3A_779 = vector.broadcast %gt3A_778 : i32 to vector<16xi32>
      %gt3A_780 = arith.cmpi sgt, %iota3A_99, %gt3A_779 : vector<16xi32>
      %and3A_781 = arith.andi %eq3A_777, %gt3A_780 : vector<16xi1>
      %or3A_782 = arith.ori %gt3A_775, %and3A_781 : vector<16xi1>
      %select_n3A_783 = arith.select %or3A_782, %broadcast_in_dim3A_728, %broadcast_in_dim3A_726 : vector<16xi1>, vector<16xi32>
      %add3A_784 = arith.addi %add3A_751, %select_n3A_783 : vector<16xi32>
      %gt3A_785 = vector.broadcast %reduce_sum3A_773 : f32 to vector<16xf32>
      %gt3A_786 = arith.cmpf ogt, %gt3A_785, %select_n3A_657 : vector<16xf32>
      %eq3A_787 = vector.broadcast %reduce_sum3A_773 : f32 to vector<16xf32>
      %eq3A_788 = arith.cmpf oeq, %eq3A_787, %select_n3A_657 : vector<16xf32>
      %gt3A_789 = arith.constant 1 : i32
      %gt3A_790 = vector.broadcast %gt3A_789 : i32 to vector<16xi32>
      %gt3A_791 = arith.cmpi sgt, %add3A_731, %gt3A_790 : vector<16xi32>
      %and3A_792 = arith.andi %eq3A_788, %gt3A_791 : vector<16xi1>
      %or3A_793 = arith.ori %gt3A_786, %and3A_792 : vector<16xi1>
      %select_n3A_794 = arith.select %or3A_793, %broadcast_in_dim3A_728, %broadcast_in_dim3A_726 : vector<16xi1>, vector<16xi32>
      %add3A_795 = arith.addi %add3A_762, %select_n3A_794 : vector<16xi32>
      %iota3A_796 = tpu.iota {dimensions = array<i32: 0>} : vector<16xi32>
      %eq3A_797 = arith.constant 2 : i32
      %eq3A_798 = vector.broadcast %eq3A_797 : i32 to vector<16xi32>
      %eq3A_799 = arith.cmpi eq, %iota3A_796, %eq3A_798 : vector<16xi32>
      %broadcast_in_dim3A_800 = arith.constant 0.000000e+00 : f32
      %broadcast_in_dim3A_801 = vector.broadcast %broadcast_in_dim3A_800 : f32 to vector<16xf32>
      %select_n3A_802 = arith.select %eq3A_799, %select_n3A_377, %broadcast_in_dim3A_801 : vector<16xi1>, vector<16xf32>
      %reduce_sum3A_803 = arith.constant true
      %reduce_sum3A_804 = vector.broadcast %reduce_sum3A_803 : i1 to vector<16xi1>
      %reduce_sum3A_805 = tpu.scan <sum>, %select_n3A_802 masked %reduce_sum3A_804 : vector<16xf32>, vector<16xi1> -> vector<16xf32>
      %reduce_sum3A_806 = vector.extract %reduce_sum3A_805[15] : f32 from vector<16xf32>
      %gt3A_807 = vector.broadcast %reduce_sum3A_806 : f32 to vector<16xf32>
      %gt3A_808 = arith.cmpf ogt, %gt3A_807, %select_n3A_377 : vector<16xf32>
      %eq3A_809 = vector.broadcast %reduce_sum3A_806 : f32 to vector<16xf32>
      %eq3A_810 = arith.cmpf oeq, %eq3A_809, %select_n3A_377 : vector<16xf32>
      %gt3A_811 = arith.constant 2 : i32
      %gt3A_812 = vector.broadcast %gt3A_811 : i32 to vector<16xi32>
      %gt3A_813 = arith.cmpi sgt, %iota3A_99, %gt3A_812 : vector<16xi32>
      %and3A_814 = arith.andi %eq3A_810, %gt3A_813 : vector<16xi1>
      %or3A_815 = arith.ori %gt3A_808, %and3A_814 : vector<16xi1>
      %select_n3A_816 = arith.select %or3A_815, %broadcast_in_dim3A_728, %broadcast_in_dim3A_726 : vector<16xi1>, vector<16xi32>
      %add3A_817 = arith.addi %add3A_784, %select_n3A_816 : vector<16xi32>
      %gt3A_818 = vector.broadcast %reduce_sum3A_806 : f32 to vector<16xf32>
      %gt3A_819 = arith.cmpf ogt, %gt3A_818, %select_n3A_657 : vector<16xf32>
      %eq3A_820 = vector.broadcast %reduce_sum3A_806 : f32 to vector<16xf32>
      %eq3A_821 = arith.cmpf oeq, %eq3A_820, %select_n3A_657 : vector<16xf32>
      %gt3A_822 = arith.constant 2 : i32
      %gt3A_823 = vector.broadcast %gt3A_822 : i32 to vector<16xi32>
      %gt3A_824 = arith.cmpi sgt, %add3A_731, %gt3A_823 : vector<16xi32>
      %and3A_825 = arith.andi %eq3A_821, %gt3A_824 : vector<16xi1>
      %or3A_826 = arith.ori %gt3A_819, %and3A_825 : vector<16xi1>
      %select_n3A_827 = arith.select %or3A_826, %broadcast_in_dim3A_728, %broadcast_in_dim3A_726 : vector<16xi1>, vector<16xi32>
      %add3A_828 = arith.addi %add3A_795, %select_n3A_827 : vector<16xi32>
      %iota3A_829 = tpu.iota {dimensions = array<i32: 0>} : vector<16xi32>
      %eq3A_830 = arith.constant 3 : i32
      %eq3A_831 = vector.broadcast %eq3A_830 : i32 to vector<16xi32>
      %eq3A_832 = arith.cmpi eq, %iota3A_829, %eq3A_831 : vector<16xi32>
      %broadcast_in_dim3A_833 = arith.constant 0.000000e+00 : f32
      %broadcast_in_dim3A_834 = vector.broadcast %broadcast_in_dim3A_833 : f32 to vector<16xf32>
      %select_n3A_835 = arith.select %eq3A_832, %select_n3A_377, %broadcast_in_dim3A_834 : vector<16xi1>, vector<16xf32>
      %reduce_sum3A_836 = arith.constant true
      %reduce_sum3A_837 = vector.broadcast %reduce_sum3A_836 : i1 to vector<16xi1>
      %reduce_sum3A_838 = tpu.scan <sum>, %select_n3A_835 masked %reduce_sum3A_837 : vector<16xf32>, vector<16xi1> -> vector<16xf32>
      %reduce_sum3A_839 = vector.extract %reduce_sum3A_838[15] : f32 from vector<16xf32>
      %gt3A_840 = vector.broadcast %reduce_sum3A_839 : f32 to vector<16xf32>
      %gt3A_841 = arith.cmpf ogt, %gt3A_840, %select_n3A_377 : vector<16xf32>
      %eq3A_842 = vector.broadcast %reduce_sum3A_839 : f32 to vector<16xf32>
      %eq3A_843 = arith.cmpf oeq, %eq3A_842, %select_n3A_377 : vector<16xf32>
      %gt3A_844 = arith.constant 3 : i32
      %gt3A_845 = vector.broadcast %gt3A_844 : i32 to vector<16xi32>
      %gt3A_846 = arith.cmpi sgt, %iota3A_99, %gt3A_845 : vector<16xi32>
      %and3A_847 = arith.andi %eq3A_843, %gt3A_846 : vector<16xi1>
      %or3A_848 = arith.ori %gt3A_841, %and3A_847 : vector<16xi1>
      %select_n3A_849 = arith.select %or3A_848, %broadcast_in_dim3A_728, %broadcast_in_dim3A_726 : vector<16xi1>, vector<16xi32>
      %add3A_850 = arith.addi %add3A_817, %select_n3A_849 : vector<16xi32>
      %gt3A_851 = vector.broadcast %reduce_sum3A_839 : f32 to vector<16xf32>
      %gt3A_852 = arith.cmpf ogt, %gt3A_851, %select_n3A_657 : vector<16xf32>
      %eq3A_853 = vector.broadcast %reduce_sum3A_839 : f32 to vector<16xf32>
      %eq3A_854 = arith.cmpf oeq, %eq3A_853, %select_n3A_657 : vector<16xf32>
      %gt3A_855 = arith.constant 3 : i32
      %gt3A_856 = vector.broadcast %gt3A_855 : i32 to vector<16xi32>
      %gt3A_857 = arith.cmpi sgt, %add3A_731, %gt3A_856 : vector<16xi32>
      %and3A_858 = arith.andi %eq3A_854, %gt3A_857 : vector<16xi1>
      %or3A_859 = arith.ori %gt3A_852, %and3A_858 : vector<16xi1>
      %select_n3A_860 = arith.select %or3A_859, %broadcast_in_dim3A_728, %broadcast_in_dim3A_726 : vector<16xi1>, vector<16xi32>
      %add3A_861 = arith.addi %add3A_828, %select_n3A_860 : vector<16xi32>
      %iota3A_862 = tpu.iota {dimensions = array<i32: 0>} : vector<16xi32>
      %eq3A_863 = arith.constant 4 : i32
      %eq3A_864 = vector.broadcast %eq3A_863 : i32 to vector<16xi32>
      %eq3A_865 = arith.cmpi eq, %iota3A_862, %eq3A_864 : vector<16xi32>
      %broadcast_in_dim3A_866 = arith.constant 0.000000e+00 : f32
      %broadcast_in_dim3A_867 = vector.broadcast %broadcast_in_dim3A_866 : f32 to vector<16xf32>
      %select_n3A_868 = arith.select %eq3A_865, %select_n3A_377, %broadcast_in_dim3A_867 : vector<16xi1>, vector<16xf32>
      %reduce_sum3A_869 = arith.constant true
      %reduce_sum3A_870 = vector.broadcast %reduce_sum3A_869 : i1 to vector<16xi1>
      %reduce_sum3A_871 = tpu.scan <sum>, %select_n3A_868 masked %reduce_sum3A_870 : vector<16xf32>, vector<16xi1> -> vector<16xf32>
      %reduce_sum3A_872 = vector.extract %reduce_sum3A_871[15] : f32 from vector<16xf32>
      %gt3A_873 = vector.broadcast %reduce_sum3A_872 : f32 to vector<16xf32>
      %gt3A_874 = arith.cmpf ogt, %gt3A_873, %select_n3A_377 : vector<16xf32>
      %eq3A_875 = vector.broadcast %reduce_sum3A_872 : f32 to vector<16xf32>
      %eq3A_876 = arith.cmpf oeq, %eq3A_875, %select_n3A_377 : vector<16xf32>
      %gt3A_877 = arith.constant 4 : i32
      %gt3A_878 = vector.broadcast %gt3A_877 : i32 to vector<16xi32>
      %gt3A_879 = arith.cmpi sgt, %iota3A_99, %gt3A_878 : vector<16xi32>
      %and3A_880 = arith.andi %eq3A_876, %gt3A_879 : vector<16xi1>
      %or3A_881 = arith.ori %gt3A_874, %and3A_880 : vector<16xi1>
      %select_n3A_882 = arith.select %or3A_881, %broadcast_in_dim3A_728, %broadcast_in_dim3A_726 : vector<16xi1>, vector<16xi32>
      %add3A_883 = arith.addi %add3A_850, %select_n3A_882 : vector<16xi32>
      %gt3A_884 = vector.broadcast %reduce_sum3A_872 : f32 to vector<16xf32>
      %gt3A_885 = arith.cmpf ogt, %gt3A_884, %select_n3A_657 : vector<16xf32>
      %eq3A_886 = vector.broadcast %reduce_sum3A_872 : f32 to vector<16xf32>
      %eq3A_887 = arith.cmpf oeq, %eq3A_886, %select_n3A_657 : vector<16xf32>
      %gt3A_888 = arith.constant 4 : i32
      %gt3A_889 = vector.broadcast %gt3A_888 : i32 to vector<16xi32>
      %gt3A_890 = arith.cmpi sgt, %add3A_731, %gt3A_889 : vector<16xi32>
      %and3A_891 = arith.andi %eq3A_887, %gt3A_890 : vector<16xi1>
      %or3A_892 = arith.ori %gt3A_885, %and3A_891 : vector<16xi1>
      %select_n3A_893 = arith.select %or3A_892, %broadcast_in_dim3A_728, %broadcast_in_dim3A_726 : vector<16xi1>, vector<16xi32>
      %add3A_894 = arith.addi %add3A_861, %select_n3A_893 : vector<16xi32>
      %iota3A_895 = tpu.iota {dimensions = array<i32: 0>} : vector<16xi32>
      %eq3A_896 = arith.constant 5 : i32
      %eq3A_897 = vector.broadcast %eq3A_896 : i32 to vector<16xi32>
      %eq3A_898 = arith.cmpi eq, %iota3A_895, %eq3A_897 : vector<16xi32>
      %broadcast_in_dim3A_899 = arith.constant 0.000000e+00 : f32
      %broadcast_in_dim3A_900 = vector.broadcast %broadcast_in_dim3A_899 : f32 to vector<16xf32>
      %select_n3A_901 = arith.select %eq3A_898, %select_n3A_377, %broadcast_in_dim3A_900 : vector<16xi1>, vector<16xf32>
      %reduce_sum3A_902 = arith.constant true
      %reduce_sum3A_903 = vector.broadcast %reduce_sum3A_902 : i1 to vector<16xi1>
      %reduce_sum3A_904 = tpu.scan <sum>, %select_n3A_901 masked %reduce_sum3A_903 : vector<16xf32>, vector<16xi1> -> vector<16xf32>
      %reduce_sum3A_905 = vector.extract %reduce_sum3A_904[15] : f32 from vector<16xf32>
      %gt3A_906 = vector.broadcast %reduce_sum3A_905 : f32 to vector<16xf32>
      %gt3A_907 = arith.cmpf ogt, %gt3A_906, %select_n3A_377 : vector<16xf32>
      %eq3A_908 = vector.broadcast %reduce_sum3A_905 : f32 to vector<16xf32>
      %eq3A_909 = arith.cmpf oeq, %eq3A_908, %select_n3A_377 : vector<16xf32>
      %gt3A_910 = arith.constant 5 : i32
      %gt3A_911 = vector.broadcast %gt3A_910 : i32 to vector<16xi32>
      %gt3A_912 = arith.cmpi sgt, %iota3A_99, %gt3A_911 : vector<16xi32>
      %and3A_913 = arith.andi %eq3A_909, %gt3A_912 : vector<16xi1>
      %or3A_914 = arith.ori %gt3A_907, %and3A_913 : vector<16xi1>
      %select_n3A_915 = arith.select %or3A_914, %broadcast_in_dim3A_728, %broadcast_in_dim3A_726 : vector<16xi1>, vector<16xi32>
      %add3A_916 = arith.addi %add3A_883, %select_n3A_915 : vector<16xi32>
      %gt3A_917 = vector.broadcast %reduce_sum3A_905 : f32 to vector<16xf32>
      %gt3A_918 = arith.cmpf ogt, %gt3A_917, %select_n3A_657 : vector<16xf32>
      %eq3A_919 = vector.broadcast %reduce_sum3A_905 : f32 to vector<16xf32>
      %eq3A_920 = arith.cmpf oeq, %eq3A_919, %select_n3A_657 : vector<16xf32>
      %gt3A_921 = arith.constant 5 : i32
      %gt3A_922 = vector.broadcast %gt3A_921 : i32 to vector<16xi32>
      %gt3A_923 = arith.cmpi sgt, %add3A_731, %gt3A_922 : vector<16xi32>
      %and3A_924 = arith.andi %eq3A_920, %gt3A_923 : vector<16xi1>
      %or3A_925 = arith.ori %gt3A_918, %and3A_924 : vector<16xi1>
      %select_n3A_926 = arith.select %or3A_925, %broadcast_in_dim3A_728, %broadcast_in_dim3A_726 : vector<16xi1>, vector<16xi32>
      %add3A_927 = arith.addi %add3A_894, %select_n3A_926 : vector<16xi32>
      %iota3A_928 = tpu.iota {dimensions = array<i32: 0>} : vector<16xi32>
      %eq3A_929 = arith.constant 6 : i32
      %eq3A_930 = vector.broadcast %eq3A_929 : i32 to vector<16xi32>
      %eq3A_931 = arith.cmpi eq, %iota3A_928, %eq3A_930 : vector<16xi32>
      %broadcast_in_dim3A_932 = arith.constant 0.000000e+00 : f32
      %broadcast_in_dim3A_933 = vector.broadcast %broadcast_in_dim3A_932 : f32 to vector<16xf32>
      %select_n3A_934 = arith.select %eq3A_931, %select_n3A_377, %broadcast_in_dim3A_933 : vector<16xi1>, vector<16xf32>
      %reduce_sum3A_935 = arith.constant true
      %reduce_sum3A_936 = vector.broadcast %reduce_sum3A_935 : i1 to vector<16xi1>
      %reduce_sum3A_937 = tpu.scan <sum>, %select_n3A_934 masked %reduce_sum3A_936 : vector<16xf32>, vector<16xi1> -> vector<16xf32>
      %reduce_sum3A_938 = vector.extract %reduce_sum3A_937[15] : f32 from vector<16xf32>
      %gt3A_939 = vector.broadcast %reduce_sum3A_938 : f32 to vector<16xf32>
      %gt3A_940 = arith.cmpf ogt, %gt3A_939, %select_n3A_377 : vector<16xf32>
      %eq3A_941 = vector.broadcast %reduce_sum3A_938 : f32 to vector<16xf32>
      %eq3A_942 = arith.cmpf oeq, %eq3A_941, %select_n3A_377 : vector<16xf32>
      %gt3A_943 = arith.constant 6 : i32
      %gt3A_944 = vector.broadcast %gt3A_943 : i32 to vector<16xi32>
      %gt3A_945 = arith.cmpi sgt, %iota3A_99, %gt3A_944 : vector<16xi32>
      %and3A_946 = arith.andi %eq3A_942, %gt3A_945 : vector<16xi1>
      %or3A_947 = arith.ori %gt3A_940, %and3A_946 : vector<16xi1>
      %select_n3A_948 = arith.select %or3A_947, %broadcast_in_dim3A_728, %broadcast_in_dim3A_726 : vector<16xi1>, vector<16xi32>
      %add3A_949 = arith.addi %add3A_916, %select_n3A_948 : vector<16xi32>
      %gt3A_950 = vector.broadcast %reduce_sum3A_938 : f32 to vector<16xf32>
      %gt3A_951 = arith.cmpf ogt, %gt3A_950, %select_n3A_657 : vector<16xf32>
      %eq3A_952 = vector.broadcast %reduce_sum3A_938 : f32 to vector<16xf32>
      %eq3A_953 = arith.cmpf oeq, %eq3A_952, %select_n3A_657 : vector<16xf32>
      %gt3A_954 = arith.constant 6 : i32
      %gt3A_955 = vector.broadcast %gt3A_954 : i32 to vector<16xi32>
      %gt3A_956 = arith.cmpi sgt, %add3A_731, %gt3A_955 : vector<16xi32>
      %and3A_957 = arith.andi %eq3A_953, %gt3A_956 : vector<16xi1>
      %or3A_958 = arith.ori %gt3A_951, %and3A_957 : vector<16xi1>
      %select_n3A_959 = arith.select %or3A_958, %broadcast_in_dim3A_728, %broadcast_in_dim3A_726 : vector<16xi1>, vector<16xi32>
      %add3A_960 = arith.addi %add3A_927, %select_n3A_959 : vector<16xi32>
      %iota3A_961 = tpu.iota {dimensions = array<i32: 0>} : vector<16xi32>
      %eq3A_962 = arith.constant 7 : i32
      %eq3A_963 = vector.broadcast %eq3A_962 : i32 to vector<16xi32>
      %eq3A_964 = arith.cmpi eq, %iota3A_961, %eq3A_963 : vector<16xi32>
      %broadcast_in_dim3A_965 = arith.constant 0.000000e+00 : f32
      %broadcast_in_dim3A_966 = vector.broadcast %broadcast_in_dim3A_965 : f32 to vector<16xf32>
      %select_n3A_967 = arith.select %eq3A_964, %select_n3A_377, %broadcast_in_dim3A_966 : vector<16xi1>, vector<16xf32>
      %reduce_sum3A_968 = arith.constant true
      %reduce_sum3A_969 = vector.broadcast %reduce_sum3A_968 : i1 to vector<16xi1>
      %reduce_sum3A_970 = tpu.scan <sum>, %select_n3A_967 masked %reduce_sum3A_969 : vector<16xf32>, vector<16xi1> -> vector<16xf32>
      %reduce_sum3A_971 = vector.extract %reduce_sum3A_970[15] : f32 from vector<16xf32>
      %gt3A_972 = vector.broadcast %reduce_sum3A_971 : f32 to vector<16xf32>
      %gt3A_973 = arith.cmpf ogt, %gt3A_972, %select_n3A_377 : vector<16xf32>
      %eq3A_974 = vector.broadcast %reduce_sum3A_971 : f32 to vector<16xf32>
      %eq3A_975 = arith.cmpf oeq, %eq3A_974, %select_n3A_377 : vector<16xf32>
      %gt3A_976 = arith.constant 7 : i32
      %gt3A_977 = vector.broadcast %gt3A_976 : i32 to vector<16xi32>
      %gt3A_978 = arith.cmpi sgt, %iota3A_99, %gt3A_977 : vector<16xi32>
      %and3A_979 = arith.andi %eq3A_975, %gt3A_978 : vector<16xi1>
      %or3A_980 = arith.ori %gt3A_973, %and3A_979 : vector<16xi1>
      %select_n3A_981 = arith.select %or3A_980, %broadcast_in_dim3A_728, %broadcast_in_dim3A_726 : vector<16xi1>, vector<16xi32>
      %add3A_982 = arith.addi %add3A_949, %select_n3A_981 : vector<16xi32>
      %gt3A_983 = vector.broadcast %reduce_sum3A_971 : f32 to vector<16xf32>
      %gt3A_984 = arith.cmpf ogt, %gt3A_983, %select_n3A_657 : vector<16xf32>
      %eq3A_985 = vector.broadcast %reduce_sum3A_971 : f32 to vector<16xf32>
      %eq3A_986 = arith.cmpf oeq, %eq3A_985, %select_n3A_657 : vector<16xf32>
      %gt3A_987 = arith.constant 7 : i32
      %gt3A_988 = vector.broadcast %gt3A_987 : i32 to vector<16xi32>
      %gt3A_989 = arith.cmpi sgt, %add3A_731, %gt3A_988 : vector<16xi32>
      %and3A_990 = arith.andi %eq3A_986, %gt3A_989 : vector<16xi1>
      %or3A_991 = arith.ori %gt3A_984, %and3A_990 : vector<16xi1>
      %select_n3A_992 = arith.select %or3A_991, %broadcast_in_dim3A_728, %broadcast_in_dim3A_726 : vector<16xi1>, vector<16xi32>
      %add3A_993 = arith.addi %add3A_960, %select_n3A_992 : vector<16xi32>
      %iota3A_994 = tpu.iota {dimensions = array<i32: 0>} : vector<16xi32>
      %eq3A_995 = arith.constant 8 : i32
      %eq3A_996 = vector.broadcast %eq3A_995 : i32 to vector<16xi32>
      %eq3A_997 = arith.cmpi eq, %iota3A_994, %eq3A_996 : vector<16xi32>
      %broadcast_in_dim3A_998 = arith.constant 0.000000e+00 : f32
      %broadcast_in_dim3A_999 = vector.broadcast %broadcast_in_dim3A_998 : f32 to vector<16xf32>
      %select_n3A_1000 = arith.select %eq3A_997, %select_n3A_377, %broadcast_in_dim3A_999 : vector<16xi1>, vector<16xf32>
      %reduce_sum3A_1001 = arith.constant true
      %reduce_sum3A_1002 = vector.broadcast %reduce_sum3A_1001 : i1 to vector<16xi1>
      %reduce_sum3A_1003 = tpu.scan <sum>, %select_n3A_1000 masked %reduce_sum3A_1002 : vector<16xf32>, vector<16xi1> -> vector<16xf32>
      %reduce_sum3A_1004 = vector.extract %reduce_sum3A_1003[15] : f32 from vector<16xf32>
      %gt3A_1005 = vector.broadcast %reduce_sum3A_1004 : f32 to vector<16xf32>
      %gt3A_1006 = arith.cmpf ogt, %gt3A_1005, %select_n3A_377 : vector<16xf32>
      %eq3A_1007 = vector.broadcast %reduce_sum3A_1004 : f32 to vector<16xf32>
      %eq3A_1008 = arith.cmpf oeq, %eq3A_1007, %select_n3A_377 : vector<16xf32>
      %gt3A_1009 = arith.constant 8 : i32
      %gt3A_1010 = vector.broadcast %gt3A_1009 : i32 to vector<16xi32>
      %gt3A_1011 = arith.cmpi sgt, %iota3A_99, %gt3A_1010 : vector<16xi32>
      %and3A_1012 = arith.andi %eq3A_1008, %gt3A_1011 : vector<16xi1>
      %or3A_1013 = arith.ori %gt3A_1006, %and3A_1012 : vector<16xi1>
      %select_n3A_1014 = arith.select %or3A_1013, %broadcast_in_dim3A_728, %broadcast_in_dim3A_726 : vector<16xi1>, vector<16xi32>
      %add3A_1015 = arith.addi %add3A_982, %select_n3A_1014 : vector<16xi32>
      %gt3A_1016 = vector.broadcast %reduce_sum3A_1004 : f32 to vector<16xf32>
      %gt3A_1017 = arith.cmpf ogt, %gt3A_1016, %select_n3A_657 : vector<16xf32>
      %eq3A_1018 = vector.broadcast %reduce_sum3A_1004 : f32 to vector<16xf32>
      %eq3A_1019 = arith.cmpf oeq, %eq3A_1018, %select_n3A_657 : vector<16xf32>
      %gt3A_1020 = arith.constant 8 : i32
      %gt3A_1021 = vector.broadcast %gt3A_1020 : i32 to vector<16xi32>
      %gt3A_1022 = arith.cmpi sgt, %add3A_731, %gt3A_1021 : vector<16xi32>
      %and3A_1023 = arith.andi %eq3A_1019, %gt3A_1022 : vector<16xi1>
      %or3A_1024 = arith.ori %gt3A_1017, %and3A_1023 : vector<16xi1>
      %select_n3A_1025 = arith.select %or3A_1024, %broadcast_in_dim3A_728, %broadcast_in_dim3A_726 : vector<16xi1>, vector<16xi32>
      %add3A_1026 = arith.addi %add3A_993, %select_n3A_1025 : vector<16xi32>
      %iota3A_1027 = tpu.iota {dimensions = array<i32: 0>} : vector<16xi32>
      %eq3A_1028 = arith.constant 9 : i32
      %eq3A_1029 = vector.broadcast %eq3A_1028 : i32 to vector<16xi32>
      %eq3A_1030 = arith.cmpi eq, %iota3A_1027, %eq3A_1029 : vector<16xi32>
      %broadcast_in_dim3A_1031 = arith.constant 0.000000e+00 : f32
      %broadcast_in_dim3A_1032 = vector.broadcast %broadcast_in_dim3A_1031 : f32 to vector<16xf32>
      %select_n3A_1033 = arith.select %eq3A_1030, %select_n3A_377, %broadcast_in_dim3A_1032 : vector<16xi1>, vector<16xf32>
      %reduce_sum3A_1034 = arith.constant true
      %reduce_sum3A_1035 = vector.broadcast %reduce_sum3A_1034 : i1 to vector<16xi1>
      %reduce_sum3A_1036 = tpu.scan <sum>, %select_n3A_1033 masked %reduce_sum3A_1035 : vector<16xf32>, vector<16xi1> -> vector<16xf32>
      %reduce_sum3A_1037 = vector.extract %reduce_sum3A_1036[15] : f32 from vector<16xf32>
      %gt3A_1038 = vector.broadcast %reduce_sum3A_1037 : f32 to vector<16xf32>
      %gt3A_1039 = arith.cmpf ogt, %gt3A_1038, %select_n3A_377 : vector<16xf32>
      %eq3A_1040 = vector.broadcast %reduce_sum3A_1037 : f32 to vector<16xf32>
      %eq3A_1041 = arith.cmpf oeq, %eq3A_1040, %select_n3A_377 : vector<16xf32>
      %gt3A_1042 = arith.constant 9 : i32
      %gt3A_1043 = vector.broadcast %gt3A_1042 : i32 to vector<16xi32>
      %gt3A_1044 = arith.cmpi sgt, %iota3A_99, %gt3A_1043 : vector<16xi32>
      %and3A_1045 = arith.andi %eq3A_1041, %gt3A_1044 : vector<16xi1>
      %or3A_1046 = arith.ori %gt3A_1039, %and3A_1045 : vector<16xi1>
      %select_n3A_1047 = arith.select %or3A_1046, %broadcast_in_dim3A_728, %broadcast_in_dim3A_726 : vector<16xi1>, vector<16xi32>
      %add3A_1048 = arith.addi %add3A_1015, %select_n3A_1047 : vector<16xi32>
      %gt3A_1049 = vector.broadcast %reduce_sum3A_1037 : f32 to vector<16xf32>
      %gt3A_1050 = arith.cmpf ogt, %gt3A_1049, %select_n3A_657 : vector<16xf32>
      %eq3A_1051 = vector.broadcast %reduce_sum3A_1037 : f32 to vector<16xf32>
      %eq3A_1052 = arith.cmpf oeq, %eq3A_1051, %select_n3A_657 : vector<16xf32>
      %gt3A_1053 = arith.constant 9 : i32
      %gt3A_1054 = vector.broadcast %gt3A_1053 : i32 to vector<16xi32>
      %gt3A_1055 = arith.cmpi sgt, %add3A_731, %gt3A_1054 : vector<16xi32>
      %and3A_1056 = arith.andi %eq3A_1052, %gt3A_1055 : vector<16xi1>
      %or3A_1057 = arith.ori %gt3A_1050, %and3A_1056 : vector<16xi1>
      %select_n3A_1058 = arith.select %or3A_1057, %broadcast_in_dim3A_728, %broadcast_in_dim3A_726 : vector<16xi1>, vector<16xi32>
      %add3A_1059 = arith.addi %add3A_1026, %select_n3A_1058 : vector<16xi32>
      %iota3A_1060 = tpu.iota {dimensions = array<i32: 0>} : vector<16xi32>
      %eq3A_1061 = arith.constant 10 : i32
      %eq3A_1062 = vector.broadcast %eq3A_1061 : i32 to vector<16xi32>
      %eq3A_1063 = arith.cmpi eq, %iota3A_1060, %eq3A_1062 : vector<16xi32>
      %broadcast_in_dim3A_1064 = arith.constant 0.000000e+00 : f32
      %broadcast_in_dim3A_1065 = vector.broadcast %broadcast_in_dim3A_1064 : f32 to vector<16xf32>
      %select_n3A_1066 = arith.select %eq3A_1063, %select_n3A_377, %broadcast_in_dim3A_1065 : vector<16xi1>, vector<16xf32>
      %reduce_sum3A_1067 = arith.constant true
      %reduce_sum3A_1068 = vector.broadcast %reduce_sum3A_1067 : i1 to vector<16xi1>
      %reduce_sum3A_1069 = tpu.scan <sum>, %select_n3A_1066 masked %reduce_sum3A_1068 : vector<16xf32>, vector<16xi1> -> vector<16xf32>
      %reduce_sum3A_1070 = vector.extract %reduce_sum3A_1069[15] : f32 from vector<16xf32>
      %gt3A_1071 = vector.broadcast %reduce_sum3A_1070 : f32 to vector<16xf32>
      %gt3A_1072 = arith.cmpf ogt, %gt3A_1071, %select_n3A_377 : vector<16xf32>
      %eq3A_1073 = vector.broadcast %reduce_sum3A_1070 : f32 to vector<16xf32>
      %eq3A_1074 = arith.cmpf oeq, %eq3A_1073, %select_n3A_377 : vector<16xf32>
      %gt3A_1075 = arith.constant 10 : i32
      %gt3A_1076 = vector.broadcast %gt3A_1075 : i32 to vector<16xi32>
      %gt3A_1077 = arith.cmpi sgt, %iota3A_99, %gt3A_1076 : vector<16xi32>
      %and3A_1078 = arith.andi %eq3A_1074, %gt3A_1077 : vector<16xi1>
      %or3A_1079 = arith.ori %gt3A_1072, %and3A_1078 : vector<16xi1>
      %select_n3A_1080 = arith.select %or3A_1079, %broadcast_in_dim3A_728, %broadcast_in_dim3A_726 : vector<16xi1>, vector<16xi32>
      %add3A_1081 = arith.addi %add3A_1048, %select_n3A_1080 : vector<16xi32>
      %gt3A_1082 = vector.broadcast %reduce_sum3A_1070 : f32 to vector<16xf32>
      %gt3A_1083 = arith.cmpf ogt, %gt3A_1082, %select_n3A_657 : vector<16xf32>
      %eq3A_1084 = vector.broadcast %reduce_sum3A_1070 : f32 to vector<16xf32>
      %eq3A_1085 = arith.cmpf oeq, %eq3A_1084, %select_n3A_657 : vector<16xf32>
      %gt3A_1086 = arith.constant 10 : i32
      %gt3A_1087 = vector.broadcast %gt3A_1086 : i32 to vector<16xi32>
      %gt3A_1088 = arith.cmpi sgt, %add3A_731, %gt3A_1087 : vector<16xi32>
      %and3A_1089 = arith.andi %eq3A_1085, %gt3A_1088 : vector<16xi1>
      %or3A_1090 = arith.ori %gt3A_1083, %and3A_1089 : vector<16xi1>
      %select_n3A_1091 = arith.select %or3A_1090, %broadcast_in_dim3A_728, %broadcast_in_dim3A_726 : vector<16xi1>, vector<16xi32>
      %add3A_1092 = arith.addi %add3A_1059, %select_n3A_1091 : vector<16xi32>
      %iota3A_1093 = tpu.iota {dimensions = array<i32: 0>} : vector<16xi32>
      %eq3A_1094 = arith.constant 11 : i32
      %eq3A_1095 = vector.broadcast %eq3A_1094 : i32 to vector<16xi32>
      %eq3A_1096 = arith.cmpi eq, %iota3A_1093, %eq3A_1095 : vector<16xi32>
      %broadcast_in_dim3A_1097 = arith.constant 0.000000e+00 : f32
      %broadcast_in_dim3A_1098 = vector.broadcast %broadcast_in_dim3A_1097 : f32 to vector<16xf32>
      %select_n3A_1099 = arith.select %eq3A_1096, %select_n3A_377, %broadcast_in_dim3A_1098 : vector<16xi1>, vector<16xf32>
      %reduce_sum3A_1100 = arith.constant true
      %reduce_sum3A_1101 = vector.broadcast %reduce_sum3A_1100 : i1 to vector<16xi1>
      %reduce_sum3A_1102 = tpu.scan <sum>, %select_n3A_1099 masked %reduce_sum3A_1101 : vector<16xf32>, vector<16xi1> -> vector<16xf32>
      %reduce_sum3A_1103 = vector.extract %reduce_sum3A_1102[15] : f32 from vector<16xf32>
      %gt3A_1104 = vector.broadcast %reduce_sum3A_1103 : f32 to vector<16xf32>
      %gt3A_1105 = arith.cmpf ogt, %gt3A_1104, %select_n3A_377 : vector<16xf32>
      %eq3A_1106 = vector.broadcast %reduce_sum3A_1103 : f32 to vector<16xf32>
      %eq3A_1107 = arith.cmpf oeq, %eq3A_1106, %select_n3A_377 : vector<16xf32>
      %gt3A_1108 = arith.constant 11 : i32
      %gt3A_1109 = vector.broadcast %gt3A_1108 : i32 to vector<16xi32>
      %gt3A_1110 = arith.cmpi sgt, %iota3A_99, %gt3A_1109 : vector<16xi32>
      %and3A_1111 = arith.andi %eq3A_1107, %gt3A_1110 : vector<16xi1>
      %or3A_1112 = arith.ori %gt3A_1105, %and3A_1111 : vector<16xi1>
      %select_n3A_1113 = arith.select %or3A_1112, %broadcast_in_dim3A_728, %broadcast_in_dim3A_726 : vector<16xi1>, vector<16xi32>
      %add3A_1114 = arith.addi %add3A_1081, %select_n3A_1113 : vector<16xi32>
      %gt3A_1115 = vector.broadcast %reduce_sum3A_1103 : f32 to vector<16xf32>
      %gt3A_1116 = arith.cmpf ogt, %gt3A_1115, %select_n3A_657 : vector<16xf32>
      %eq3A_1117 = vector.broadcast %reduce_sum3A_1103 : f32 to vector<16xf32>
      %eq3A_1118 = arith.cmpf oeq, %eq3A_1117, %select_n3A_657 : vector<16xf32>
      %gt3A_1119 = arith.constant 11 : i32
      %gt3A_1120 = vector.broadcast %gt3A_1119 : i32 to vector<16xi32>
      %gt3A_1121 = arith.cmpi sgt, %add3A_731, %gt3A_1120 : vector<16xi32>
      %and3A_1122 = arith.andi %eq3A_1118, %gt3A_1121 : vector<16xi1>
      %or3A_1123 = arith.ori %gt3A_1116, %and3A_1122 : vector<16xi1>
      %select_n3A_1124 = arith.select %or3A_1123, %broadcast_in_dim3A_728, %broadcast_in_dim3A_726 : vector<16xi1>, vector<16xi32>
      %add3A_1125 = arith.addi %add3A_1092, %select_n3A_1124 : vector<16xi32>
      %iota3A_1126 = tpu.iota {dimensions = array<i32: 0>} : vector<16xi32>
      %eq3A_1127 = arith.constant 12 : i32
      %eq3A_1128 = vector.broadcast %eq3A_1127 : i32 to vector<16xi32>
      %eq3A_1129 = arith.cmpi eq, %iota3A_1126, %eq3A_1128 : vector<16xi32>
      %broadcast_in_dim3A_1130 = arith.constant 0.000000e+00 : f32
      %broadcast_in_dim3A_1131 = vector.broadcast %broadcast_in_dim3A_1130 : f32 to vector<16xf32>
      %select_n3A_1132 = arith.select %eq3A_1129, %select_n3A_377, %broadcast_in_dim3A_1131 : vector<16xi1>, vector<16xf32>
      %reduce_sum3A_1133 = arith.constant true
      %reduce_sum3A_1134 = vector.broadcast %reduce_sum3A_1133 : i1 to vector<16xi1>
      %reduce_sum3A_1135 = tpu.scan <sum>, %select_n3A_1132 masked %reduce_sum3A_1134 : vector<16xf32>, vector<16xi1> -> vector<16xf32>
      %reduce_sum3A_1136 = vector.extract %reduce_sum3A_1135[15] : f32 from vector<16xf32>
      %gt3A_1137 = vector.broadcast %reduce_sum3A_1136 : f32 to vector<16xf32>
      %gt3A_1138 = arith.cmpf ogt, %gt3A_1137, %select_n3A_377 : vector<16xf32>
      %eq3A_1139 = vector.broadcast %reduce_sum3A_1136 : f32 to vector<16xf32>
      %eq3A_1140 = arith.cmpf oeq, %eq3A_1139, %select_n3A_377 : vector<16xf32>
      %gt3A_1141 = arith.constant 12 : i32
      %gt3A_1142 = vector.broadcast %gt3A_1141 : i32 to vector<16xi32>
      %gt3A_1143 = arith.cmpi sgt, %iota3A_99, %gt3A_1142 : vector<16xi32>
      %and3A_1144 = arith.andi %eq3A_1140, %gt3A_1143 : vector<16xi1>
      %or3A_1145 = arith.ori %gt3A_1138, %and3A_1144 : vector<16xi1>
      %select_n3A_1146 = arith.select %or3A_1145, %broadcast_in_dim3A_728, %broadcast_in_dim3A_726 : vector<16xi1>, vector<16xi32>
      %add3A_1147 = arith.addi %add3A_1114, %select_n3A_1146 : vector<16xi32>
      %gt3A_1148 = vector.broadcast %reduce_sum3A_1136 : f32 to vector<16xf32>
      %gt3A_1149 = arith.cmpf ogt, %gt3A_1148, %select_n3A_657 : vector<16xf32>
      %eq3A_1150 = vector.broadcast %reduce_sum3A_1136 : f32 to vector<16xf32>
      %eq3A_1151 = arith.cmpf oeq, %eq3A_1150, %select_n3A_657 : vector<16xf32>
      %gt3A_1152 = arith.constant 12 : i32
      %gt3A_1153 = vector.broadcast %gt3A_1152 : i32 to vector<16xi32>
      %gt3A_1154 = arith.cmpi sgt, %add3A_731, %gt3A_1153 : vector<16xi32>
      %and3A_1155 = arith.andi %eq3A_1151, %gt3A_1154 : vector<16xi1>
      %or3A_1156 = arith.ori %gt3A_1149, %and3A_1155 : vector<16xi1>
      %select_n3A_1157 = arith.select %or3A_1156, %broadcast_in_dim3A_728, %broadcast_in_dim3A_726 : vector<16xi1>, vector<16xi32>
      %add3A_1158 = arith.addi %add3A_1125, %select_n3A_1157 : vector<16xi32>
      %iota3A_1159 = tpu.iota {dimensions = array<i32: 0>} : vector<16xi32>
      %eq3A_1160 = arith.constant 13 : i32
      %eq3A_1161 = vector.broadcast %eq3A_1160 : i32 to vector<16xi32>
      %eq3A_1162 = arith.cmpi eq, %iota3A_1159, %eq3A_1161 : vector<16xi32>
      %broadcast_in_dim3A_1163 = arith.constant 0.000000e+00 : f32
      %broadcast_in_dim3A_1164 = vector.broadcast %broadcast_in_dim3A_1163 : f32 to vector<16xf32>
      %select_n3A_1165 = arith.select %eq3A_1162, %select_n3A_377, %broadcast_in_dim3A_1164 : vector<16xi1>, vector<16xf32>
      %reduce_sum3A_1166 = arith.constant true
      %reduce_sum3A_1167 = vector.broadcast %reduce_sum3A_1166 : i1 to vector<16xi1>
      %reduce_sum3A_1168 = tpu.scan <sum>, %select_n3A_1165 masked %reduce_sum3A_1167 : vector<16xf32>, vector<16xi1> -> vector<16xf32>
      %reduce_sum3A_1169 = vector.extract %reduce_sum3A_1168[15] : f32 from vector<16xf32>
      %gt3A_1170 = vector.broadcast %reduce_sum3A_1169 : f32 to vector<16xf32>
      %gt3A_1171 = arith.cmpf ogt, %gt3A_1170, %select_n3A_377 : vector<16xf32>
      %eq3A_1172 = vector.broadcast %reduce_sum3A_1169 : f32 to vector<16xf32>
      %eq3A_1173 = arith.cmpf oeq, %eq3A_1172, %select_n3A_377 : vector<16xf32>
      %gt3A_1174 = arith.constant 13 : i32
      %gt3A_1175 = vector.broadcast %gt3A_1174 : i32 to vector<16xi32>
      %gt3A_1176 = arith.cmpi sgt, %iota3A_99, %gt3A_1175 : vector<16xi32>
      %and3A_1177 = arith.andi %eq3A_1173, %gt3A_1176 : vector<16xi1>
      %or3A_1178 = arith.ori %gt3A_1171, %and3A_1177 : vector<16xi1>
      %select_n3A_1179 = arith.select %or3A_1178, %broadcast_in_dim3A_728, %broadcast_in_dim3A_726 : vector<16xi1>, vector<16xi32>
      %add3A_1180 = arith.addi %add3A_1147, %select_n3A_1179 : vector<16xi32>
      %gt3A_1181 = vector.broadcast %reduce_sum3A_1169 : f32 to vector<16xf32>
      %gt3A_1182 = arith.cmpf ogt, %gt3A_1181, %select_n3A_657 : vector<16xf32>
      %eq3A_1183 = vector.broadcast %reduce_sum3A_1169 : f32 to vector<16xf32>
      %eq3A_1184 = arith.cmpf oeq, %eq3A_1183, %select_n3A_657 : vector<16xf32>
      %gt3A_1185 = arith.constant 13 : i32
      %gt3A_1186 = vector.broadcast %gt3A_1185 : i32 to vector<16xi32>
      %gt3A_1187 = arith.cmpi sgt, %add3A_731, %gt3A_1186 : vector<16xi32>
      %and3A_1188 = arith.andi %eq3A_1184, %gt3A_1187 : vector<16xi1>
      %or3A_1189 = arith.ori %gt3A_1182, %and3A_1188 : vector<16xi1>
      %select_n3A_1190 = arith.select %or3A_1189, %broadcast_in_dim3A_728, %broadcast_in_dim3A_726 : vector<16xi1>, vector<16xi32>
      %add3A_1191 = arith.addi %add3A_1158, %select_n3A_1190 : vector<16xi32>
      %iota3A_1192 = tpu.iota {dimensions = array<i32: 0>} : vector<16xi32>
      %eq3A_1193 = arith.constant 14 : i32
      %eq3A_1194 = vector.broadcast %eq3A_1193 : i32 to vector<16xi32>
      %eq3A_1195 = arith.cmpi eq, %iota3A_1192, %eq3A_1194 : vector<16xi32>
      %broadcast_in_dim3A_1196 = arith.constant 0.000000e+00 : f32
      %broadcast_in_dim3A_1197 = vector.broadcast %broadcast_in_dim3A_1196 : f32 to vector<16xf32>
      %select_n3A_1198 = arith.select %eq3A_1195, %select_n3A_377, %broadcast_in_dim3A_1197 : vector<16xi1>, vector<16xf32>
      %reduce_sum3A_1199 = arith.constant true
      %reduce_sum3A_1200 = vector.broadcast %reduce_sum3A_1199 : i1 to vector<16xi1>
      %reduce_sum3A_1201 = tpu.scan <sum>, %select_n3A_1198 masked %reduce_sum3A_1200 : vector<16xf32>, vector<16xi1> -> vector<16xf32>
      %reduce_sum3A_1202 = vector.extract %reduce_sum3A_1201[15] : f32 from vector<16xf32>
      %gt3A_1203 = vector.broadcast %reduce_sum3A_1202 : f32 to vector<16xf32>
      %gt3A_1204 = arith.cmpf ogt, %gt3A_1203, %select_n3A_377 : vector<16xf32>
      %eq3A_1205 = vector.broadcast %reduce_sum3A_1202 : f32 to vector<16xf32>
      %eq3A_1206 = arith.cmpf oeq, %eq3A_1205, %select_n3A_377 : vector<16xf32>
      %gt3A_1207 = arith.constant 14 : i32
      %gt3A_1208 = vector.broadcast %gt3A_1207 : i32 to vector<16xi32>
      %gt3A_1209 = arith.cmpi sgt, %iota3A_99, %gt3A_1208 : vector<16xi32>
      %and3A_1210 = arith.andi %eq3A_1206, %gt3A_1209 : vector<16xi1>
      %or3A_1211 = arith.ori %gt3A_1204, %and3A_1210 : vector<16xi1>
      %select_n3A_1212 = arith.select %or3A_1211, %broadcast_in_dim3A_728, %broadcast_in_dim3A_726 : vector<16xi1>, vector<16xi32>
      %add3A_1213 = arith.addi %add3A_1180, %select_n3A_1212 : vector<16xi32>
      %gt3A_1214 = vector.broadcast %reduce_sum3A_1202 : f32 to vector<16xf32>
      %gt3A_1215 = arith.cmpf ogt, %gt3A_1214, %select_n3A_657 : vector<16xf32>
      %eq3A_1216 = vector.broadcast %reduce_sum3A_1202 : f32 to vector<16xf32>
      %eq3A_1217 = arith.cmpf oeq, %eq3A_1216, %select_n3A_657 : vector<16xf32>
      %gt3A_1218 = arith.constant 14 : i32
      %gt3A_1219 = vector.broadcast %gt3A_1218 : i32 to vector<16xi32>
      %gt3A_1220 = arith.cmpi sgt, %add3A_731, %gt3A_1219 : vector<16xi32>
      %and3A_1221 = arith.andi %eq3A_1217, %gt3A_1220 : vector<16xi1>
      %or3A_1222 = arith.ori %gt3A_1215, %and3A_1221 : vector<16xi1>
      %select_n3A_1223 = arith.select %or3A_1222, %broadcast_in_dim3A_728, %broadcast_in_dim3A_726 : vector<16xi1>, vector<16xi32>
      %add3A_1224 = arith.addi %add3A_1191, %select_n3A_1223 : vector<16xi32>
      %iota3A_1225 = tpu.iota {dimensions = array<i32: 0>} : vector<16xi32>
      %eq3A_1226 = arith.constant 15 : i32
      %eq3A_1227 = vector.broadcast %eq3A_1226 : i32 to vector<16xi32>
      %eq3A_1228 = arith.cmpi eq, %iota3A_1225, %eq3A_1227 : vector<16xi32>
      %broadcast_in_dim3A_1229 = arith.constant 0.000000e+00 : f32
      %broadcast_in_dim3A_1230 = vector.broadcast %broadcast_in_dim3A_1229 : f32 to vector<16xf32>
      %select_n3A_1231 = arith.select %eq3A_1228, %select_n3A_377, %broadcast_in_dim3A_1230 : vector<16xi1>, vector<16xf32>
      %reduce_sum3A_1232 = arith.constant true
      %reduce_sum3A_1233 = vector.broadcast %reduce_sum3A_1232 : i1 to vector<16xi1>
      %reduce_sum3A_1234 = tpu.scan <sum>, %select_n3A_1231 masked %reduce_sum3A_1233 : vector<16xf32>, vector<16xi1> -> vector<16xf32>
      %reduce_sum3A_1235 = vector.extract %reduce_sum3A_1234[15] : f32 from vector<16xf32>
      %gt3A_1236 = vector.broadcast %reduce_sum3A_1235 : f32 to vector<16xf32>
      %gt3A_1237 = arith.cmpf ogt, %gt3A_1236, %select_n3A_377 : vector<16xf32>
      %eq3A_1238 = vector.broadcast %reduce_sum3A_1235 : f32 to vector<16xf32>
      %eq3A_1239 = arith.cmpf oeq, %eq3A_1238, %select_n3A_377 : vector<16xf32>
      %gt3A_1240 = arith.constant 15 : i32
      %gt3A_1241 = vector.broadcast %gt3A_1240 : i32 to vector<16xi32>
      %gt3A_1242 = arith.cmpi sgt, %iota3A_99, %gt3A_1241 : vector<16xi32>
      %and3A_1243 = arith.andi %eq3A_1239, %gt3A_1242 : vector<16xi1>
      %or3A_1244 = arith.ori %gt3A_1237, %and3A_1243 : vector<16xi1>
      %select_n3A_1245 = arith.select %or3A_1244, %broadcast_in_dim3A_728, %broadcast_in_dim3A_726 : vector<16xi1>, vector<16xi32>
      %add3A_1246 = arith.addi %add3A_1213, %select_n3A_1245 : vector<16xi32>
      %gt3A_1247 = vector.broadcast %reduce_sum3A_1235 : f32 to vector<16xf32>
      %gt3A_1248 = arith.cmpf ogt, %gt3A_1247, %select_n3A_657 : vector<16xf32>
      %eq3A_1249 = vector.broadcast %reduce_sum3A_1235 : f32 to vector<16xf32>
      %eq3A_1250 = arith.cmpf oeq, %eq3A_1249, %select_n3A_657 : vector<16xf32>
      %gt3A_1251 = arith.constant 15 : i32
      %gt3A_1252 = vector.broadcast %gt3A_1251 : i32 to vector<16xi32>
      %gt3A_1253 = arith.cmpi sgt, %add3A_731, %gt3A_1252 : vector<16xi32>
      %and3A_1254 = arith.andi %eq3A_1250, %gt3A_1253 : vector<16xi1>
      %or3A_1255 = arith.ori %gt3A_1248, %and3A_1254 : vector<16xi1>
      %select_n3A_1256 = arith.select %or3A_1255, %broadcast_in_dim3A_728, %broadcast_in_dim3A_726 : vector<16xi1>, vector<16xi32>
      %add3A_1257 = arith.addi %add3A_1224, %select_n3A_1256 : vector<16xi32>
      %iota3A_1258 = tpu.iota {dimensions = array<i32: 0>} : vector<16xi32>
      %eq3A_1259 = arith.constant 0 : i32
      %eq3A_1260 = vector.broadcast %eq3A_1259 : i32 to vector<16xi32>
      %eq3A_1261 = arith.cmpi eq, %iota3A_1258, %eq3A_1260 : vector<16xi32>
      %broadcast_in_dim3A_1262 = arith.constant 0.000000e+00 : f32
      %broadcast_in_dim3A_1263 = vector.broadcast %broadcast_in_dim3A_1262 : f32 to vector<16xf32>
      %select_n3A_1264 = arith.select %eq3A_1261, %select_n3A_657, %broadcast_in_dim3A_1263 : vector<16xi1>, vector<16xf32>
      %reduce_sum3A_1265 = arith.constant true
      %reduce_sum3A_1266 = vector.broadcast %reduce_sum3A_1265 : i1 to vector<16xi1>
      %reduce_sum3A_1267 = tpu.scan <sum>, %select_n3A_1264 masked %reduce_sum3A_1266 : vector<16xf32>, vector<16xi1> -> vector<16xf32>
      %reduce_sum3A_1268 = vector.extract %reduce_sum3A_1267[15] : f32 from vector<16xf32>
      %gt3A_1269 = vector.broadcast %reduce_sum3A_1268 : f32 to vector<16xf32>
      %gt3A_1270 = arith.cmpf ogt, %gt3A_1269, %select_n3A_377 : vector<16xf32>
      %eq3A_1271 = vector.broadcast %reduce_sum3A_1268 : f32 to vector<16xf32>
      %eq3A_1272 = arith.cmpf oeq, %eq3A_1271, %select_n3A_377 : vector<16xf32>
      %gt3A_1273 = arith.constant 16 : i32
      %gt3A_1274 = vector.broadcast %gt3A_1273 : i32 to vector<16xi32>
      %gt3A_1275 = arith.cmpi sgt, %iota3A_99, %gt3A_1274 : vector<16xi32>
      %and3A_1276 = arith.andi %eq3A_1272, %gt3A_1275 : vector<16xi1>
      %or3A_1277 = arith.ori %gt3A_1270, %and3A_1276 : vector<16xi1>
      %select_n3A_1278 = arith.select %or3A_1277, %broadcast_in_dim3A_728, %broadcast_in_dim3A_726 : vector<16xi1>, vector<16xi32>
      %add3A_1279 = arith.addi %add3A_1246, %select_n3A_1278 : vector<16xi32>
      %gt3A_1280 = vector.broadcast %reduce_sum3A_1268 : f32 to vector<16xf32>
      %gt3A_1281 = arith.cmpf ogt, %gt3A_1280, %select_n3A_657 : vector<16xf32>
      %eq3A_1282 = vector.broadcast %reduce_sum3A_1268 : f32 to vector<16xf32>
      %eq3A_1283 = arith.cmpf oeq, %eq3A_1282, %select_n3A_657 : vector<16xf32>
      %gt3A_1284 = arith.constant 16 : i32
      %gt3A_1285 = vector.broadcast %gt3A_1284 : i32 to vector<16xi32>
      %gt3A_1286 = arith.cmpi sgt, %add3A_731, %gt3A_1285 : vector<16xi32>
      %and3A_1287 = arith.andi %eq3A_1283, %gt3A_1286 : vector<16xi1>
      %or3A_1288 = arith.ori %gt3A_1281, %and3A_1287 : vector<16xi1>
      %select_n3A_1289 = arith.select %or3A_1288, %broadcast_in_dim3A_728, %broadcast_in_dim3A_726 : vector<16xi1>, vector<16xi32>
      %add3A_1290 = arith.addi %add3A_1257, %select_n3A_1289 : vector<16xi32>
      %iota3A_1291 = tpu.iota {dimensions = array<i32: 0>} : vector<16xi32>
      %eq3A_1292 = arith.constant 1 : i32
      %eq3A_1293 = vector.broadcast %eq3A_1292 : i32 to vector<16xi32>
      %eq3A_1294 = arith.cmpi eq, %iota3A_1291, %eq3A_1293 : vector<16xi32>
      %broadcast_in_dim3A_1295 = arith.constant 0.000000e+00 : f32
      %broadcast_in_dim3A_1296 = vector.broadcast %broadcast_in_dim3A_1295 : f32 to vector<16xf32>
      %select_n3A_1297 = arith.select %eq3A_1294, %select_n3A_657, %broadcast_in_dim3A_1296 : vector<16xi1>, vector<16xf32>
      %reduce_sum3A_1298 = arith.constant true
      %reduce_sum3A_1299 = vector.broadcast %reduce_sum3A_1298 : i1 to vector<16xi1>
      %reduce_sum3A_1300 = tpu.scan <sum>, %select_n3A_1297 masked %reduce_sum3A_1299 : vector<16xf32>, vector<16xi1> -> vector<16xf32>
      %reduce_sum3A_1301 = vector.extract %reduce_sum3A_1300[15] : f32 from vector<16xf32>
      %gt3A_1302 = vector.broadcast %reduce_sum3A_1301 : f32 to vector<16xf32>
      %gt3A_1303 = arith.cmpf ogt, %gt3A_1302, %select_n3A_377 : vector<16xf32>
      %eq3A_1304 = vector.broadcast %reduce_sum3A_1301 : f32 to vector<16xf32>
      %eq3A_1305 = arith.cmpf oeq, %eq3A_1304, %select_n3A_377 : vector<16xf32>
      %gt3A_1306 = arith.constant 17 : i32
      %gt3A_1307 = vector.broadcast %gt3A_1306 : i32 to vector<16xi32>
      %gt3A_1308 = arith.cmpi sgt, %iota3A_99, %gt3A_1307 : vector<16xi32>
      %and3A_1309 = arith.andi %eq3A_1305, %gt3A_1308 : vector<16xi1>
      %or3A_1310 = arith.ori %gt3A_1303, %and3A_1309 : vector<16xi1>
      %select_n3A_1311 = arith.select %or3A_1310, %broadcast_in_dim3A_728, %broadcast_in_dim3A_726 : vector<16xi1>, vector<16xi32>
      %add3A_1312 = arith.addi %add3A_1279, %select_n3A_1311 : vector<16xi32>
      %gt3A_1313 = vector.broadcast %reduce_sum3A_1301 : f32 to vector<16xf32>
      %gt3A_1314 = arith.cmpf ogt, %gt3A_1313, %select_n3A_657 : vector<16xf32>
      %eq3A_1315 = vector.broadcast %reduce_sum3A_1301 : f32 to vector<16xf32>
      %eq3A_1316 = arith.cmpf oeq, %eq3A_1315, %select_n3A_657 : vector<16xf32>
      %gt3A_1317 = arith.constant 17 : i32
      %gt3A_1318 = vector.broadcast %gt3A_1317 : i32 to vector<16xi32>
      %gt3A_1319 = arith.cmpi sgt, %add3A_731, %gt3A_1318 : vector<16xi32>
      %and3A_1320 = arith.andi %eq3A_1316, %gt3A_1319 : vector<16xi1>
      %or3A_1321 = arith.ori %gt3A_1314, %and3A_1320 : vector<16xi1>
      %select_n3A_1322 = arith.select %or3A_1321, %broadcast_in_dim3A_728, %broadcast_in_dim3A_726 : vector<16xi1>, vector<16xi32>
      %add3A_1323 = arith.addi %add3A_1290, %select_n3A_1322 : vector<16xi32>
      %iota3A_1324 = tpu.iota {dimensions = array<i32: 0>} : vector<16xi32>
      %eq3A_1325 = arith.constant 2 : i32
      %eq3A_1326 = vector.broadcast %eq3A_1325 : i32 to vector<16xi32>
      %eq3A_1327 = arith.cmpi eq, %iota3A_1324, %eq3A_1326 : vector<16xi32>
      %broadcast_in_dim3A_1328 = arith.constant 0.000000e+00 : f32
      %broadcast_in_dim3A_1329 = vector.broadcast %broadcast_in_dim3A_1328 : f32 to vector<16xf32>
      %select_n3A_1330 = arith.select %eq3A_1327, %select_n3A_657, %broadcast_in_dim3A_1329 : vector<16xi1>, vector<16xf32>
      %reduce_sum3A_1331 = arith.constant true
      %reduce_sum3A_1332 = vector.broadcast %reduce_sum3A_1331 : i1 to vector<16xi1>
      %reduce_sum3A_1333 = tpu.scan <sum>, %select_n3A_1330 masked %reduce_sum3A_1332 : vector<16xf32>, vector<16xi1> -> vector<16xf32>
      %reduce_sum3A_1334 = vector.extract %reduce_sum3A_1333[15] : f32 from vector<16xf32>
      %gt3A_1335 = vector.broadcast %reduce_sum3A_1334 : f32 to vector<16xf32>
      %gt3A_1336 = arith.cmpf ogt, %gt3A_1335, %select_n3A_377 : vector<16xf32>
      %eq3A_1337 = vector.broadcast %reduce_sum3A_1334 : f32 to vector<16xf32>
      %eq3A_1338 = arith.cmpf oeq, %eq3A_1337, %select_n3A_377 : vector<16xf32>
      %gt3A_1339 = arith.constant 18 : i32
      %gt3A_1340 = vector.broadcast %gt3A_1339 : i32 to vector<16xi32>
      %gt3A_1341 = arith.cmpi sgt, %iota3A_99, %gt3A_1340 : vector<16xi32>
      %and3A_1342 = arith.andi %eq3A_1338, %gt3A_1341 : vector<16xi1>
      %or3A_1343 = arith.ori %gt3A_1336, %and3A_1342 : vector<16xi1>
      %select_n3A_1344 = arith.select %or3A_1343, %broadcast_in_dim3A_728, %broadcast_in_dim3A_726 : vector<16xi1>, vector<16xi32>
      %add3A_1345 = arith.addi %add3A_1312, %select_n3A_1344 : vector<16xi32>
      %gt3A_1346 = vector.broadcast %reduce_sum3A_1334 : f32 to vector<16xf32>
      %gt3A_1347 = arith.cmpf ogt, %gt3A_1346, %select_n3A_657 : vector<16xf32>
      %eq3A_1348 = vector.broadcast %reduce_sum3A_1334 : f32 to vector<16xf32>
      %eq3A_1349 = arith.cmpf oeq, %eq3A_1348, %select_n3A_657 : vector<16xf32>
      %gt3A_1350 = arith.constant 18 : i32
      %gt3A_1351 = vector.broadcast %gt3A_1350 : i32 to vector<16xi32>
      %gt3A_1352 = arith.cmpi sgt, %add3A_731, %gt3A_1351 : vector<16xi32>
      %and3A_1353 = arith.andi %eq3A_1349, %gt3A_1352 : vector<16xi1>
      %or3A_1354 = arith.ori %gt3A_1347, %and3A_1353 : vector<16xi1>
      %select_n3A_1355 = arith.select %or3A_1354, %broadcast_in_dim3A_728, %broadcast_in_dim3A_726 : vector<16xi1>, vector<16xi32>
      %add3A_1356 = arith.addi %add3A_1323, %select_n3A_1355 : vector<16xi32>
      %iota3A_1357 = tpu.iota {dimensions = array<i32: 0>} : vector<16xi32>
      %eq3A_1358 = arith.constant 3 : i32
      %eq3A_1359 = vector.broadcast %eq3A_1358 : i32 to vector<16xi32>
      %eq3A_1360 = arith.cmpi eq, %iota3A_1357, %eq3A_1359 : vector<16xi32>
      %broadcast_in_dim3A_1361 = arith.constant 0.000000e+00 : f32
      %broadcast_in_dim3A_1362 = vector.broadcast %broadcast_in_dim3A_1361 : f32 to vector<16xf32>
      %select_n3A_1363 = arith.select %eq3A_1360, %select_n3A_657, %broadcast_in_dim3A_1362 : vector<16xi1>, vector<16xf32>
      %reduce_sum3A_1364 = arith.constant true
      %reduce_sum3A_1365 = vector.broadcast %reduce_sum3A_1364 : i1 to vector<16xi1>
      %reduce_sum3A_1366 = tpu.scan <sum>, %select_n3A_1363 masked %reduce_sum3A_1365 : vector<16xf32>, vector<16xi1> -> vector<16xf32>
      %reduce_sum3A_1367 = vector.extract %reduce_sum3A_1366[15] : f32 from vector<16xf32>
      %gt3A_1368 = vector.broadcast %reduce_sum3A_1367 : f32 to vector<16xf32>
      %gt3A_1369 = arith.cmpf ogt, %gt3A_1368, %select_n3A_377 : vector<16xf32>
      %eq3A_1370 = vector.broadcast %reduce_sum3A_1367 : f32 to vector<16xf32>
      %eq3A_1371 = arith.cmpf oeq, %eq3A_1370, %select_n3A_377 : vector<16xf32>
      %gt3A_1372 = arith.constant 19 : i32
      %gt3A_1373 = vector.broadcast %gt3A_1372 : i32 to vector<16xi32>
      %gt3A_1374 = arith.cmpi sgt, %iota3A_99, %gt3A_1373 : vector<16xi32>
      %and3A_1375 = arith.andi %eq3A_1371, %gt3A_1374 : vector<16xi1>
      %or3A_1376 = arith.ori %gt3A_1369, %and3A_1375 : vector<16xi1>
      %select_n3A_1377 = arith.select %or3A_1376, %broadcast_in_dim3A_728, %broadcast_in_dim3A_726 : vector<16xi1>, vector<16xi32>
      %add3A_1378 = arith.addi %add3A_1345, %select_n3A_1377 : vector<16xi32>
      %gt3A_1379 = vector.broadcast %reduce_sum3A_1367 : f32 to vector<16xf32>
      %gt3A_1380 = arith.cmpf ogt, %gt3A_1379, %select_n3A_657 : vector<16xf32>
      %eq3A_1381 = vector.broadcast %reduce_sum3A_1367 : f32 to vector<16xf32>
      %eq3A_1382 = arith.cmpf oeq, %eq3A_1381, %select_n3A_657 : vector<16xf32>
      %gt3A_1383 = arith.constant 19 : i32
      %gt3A_1384 = vector.broadcast %gt3A_1383 : i32 to vector<16xi32>
      %gt3A_1385 = arith.cmpi sgt, %add3A_731, %gt3A_1384 : vector<16xi32>
      %and3A_1386 = arith.andi %eq3A_1382, %gt3A_1385 : vector<16xi1>
      %or3A_1387 = arith.ori %gt3A_1380, %and3A_1386 : vector<16xi1>
      %select_n3A_1388 = arith.select %or3A_1387, %broadcast_in_dim3A_728, %broadcast_in_dim3A_726 : vector<16xi1>, vector<16xi32>
      %add3A_1389 = arith.addi %add3A_1356, %select_n3A_1388 : vector<16xi32>
      %iota3A_1390 = tpu.iota {dimensions = array<i32: 0>} : vector<16xi32>
      %eq3A_1391 = arith.constant 4 : i32
      %eq3A_1392 = vector.broadcast %eq3A_1391 : i32 to vector<16xi32>
      %eq3A_1393 = arith.cmpi eq, %iota3A_1390, %eq3A_1392 : vector<16xi32>
      %broadcast_in_dim3A_1394 = arith.constant 0.000000e+00 : f32
      %broadcast_in_dim3A_1395 = vector.broadcast %broadcast_in_dim3A_1394 : f32 to vector<16xf32>
      %select_n3A_1396 = arith.select %eq3A_1393, %select_n3A_657, %broadcast_in_dim3A_1395 : vector<16xi1>, vector<16xf32>
      %reduce_sum3A_1397 = arith.constant true
      %reduce_sum3A_1398 = vector.broadcast %reduce_sum3A_1397 : i1 to vector<16xi1>
      %reduce_sum3A_1399 = tpu.scan <sum>, %select_n3A_1396 masked %reduce_sum3A_1398 : vector<16xf32>, vector<16xi1> -> vector<16xf32>
      %reduce_sum3A_1400 = vector.extract %reduce_sum3A_1399[15] : f32 from vector<16xf32>
      %gt3A_1401 = vector.broadcast %reduce_sum3A_1400 : f32 to vector<16xf32>
      %gt3A_1402 = arith.cmpf ogt, %gt3A_1401, %select_n3A_377 : vector<16xf32>
      %eq3A_1403 = vector.broadcast %reduce_sum3A_1400 : f32 to vector<16xf32>
      %eq3A_1404 = arith.cmpf oeq, %eq3A_1403, %select_n3A_377 : vector<16xf32>
      %gt3A_1405 = arith.constant 20 : i32
      %gt3A_1406 = vector.broadcast %gt3A_1405 : i32 to vector<16xi32>
      %gt3A_1407 = arith.cmpi sgt, %iota3A_99, %gt3A_1406 : vector<16xi32>
      %and3A_1408 = arith.andi %eq3A_1404, %gt3A_1407 : vector<16xi1>
      %or3A_1409 = arith.ori %gt3A_1402, %and3A_1408 : vector<16xi1>
      %select_n3A_1410 = arith.select %or3A_1409, %broadcast_in_dim3A_728, %broadcast_in_dim3A_726 : vector<16xi1>, vector<16xi32>
      %add3A_1411 = arith.addi %add3A_1378, %select_n3A_1410 : vector<16xi32>
      %gt3A_1412 = vector.broadcast %reduce_sum3A_1400 : f32 to vector<16xf32>
      %gt3A_1413 = arith.cmpf ogt, %gt3A_1412, %select_n3A_657 : vector<16xf32>
      %eq3A_1414 = vector.broadcast %reduce_sum3A_1400 : f32 to vector<16xf32>
      %eq3A_1415 = arith.cmpf oeq, %eq3A_1414, %select_n3A_657 : vector<16xf32>
      %gt3A_1416 = arith.constant 20 : i32
      %gt3A_1417 = vector.broadcast %gt3A_1416 : i32 to vector<16xi32>
      %gt3A_1418 = arith.cmpi sgt, %add3A_731, %gt3A_1417 : vector<16xi32>
      %and3A_1419 = arith.andi %eq3A_1415, %gt3A_1418 : vector<16xi1>
      %or3A_1420 = arith.ori %gt3A_1413, %and3A_1419 : vector<16xi1>
      %select_n3A_1421 = arith.select %or3A_1420, %broadcast_in_dim3A_728, %broadcast_in_dim3A_726 : vector<16xi1>, vector<16xi32>
      %add3A_1422 = arith.addi %add3A_1389, %select_n3A_1421 : vector<16xi32>
      %iota3A_1423 = tpu.iota {dimensions = array<i32: 0>} : vector<16xi32>
      %eq3A_1424 = arith.constant 5 : i32
      %eq3A_1425 = vector.broadcast %eq3A_1424 : i32 to vector<16xi32>
      %eq3A_1426 = arith.cmpi eq, %iota3A_1423, %eq3A_1425 : vector<16xi32>
      %broadcast_in_dim3A_1427 = arith.constant 0.000000e+00 : f32
      %broadcast_in_dim3A_1428 = vector.broadcast %broadcast_in_dim3A_1427 : f32 to vector<16xf32>
      %select_n3A_1429 = arith.select %eq3A_1426, %select_n3A_657, %broadcast_in_dim3A_1428 : vector<16xi1>, vector<16xf32>
      %reduce_sum3A_1430 = arith.constant true
      %reduce_sum3A_1431 = vector.broadcast %reduce_sum3A_1430 : i1 to vector<16xi1>
      %reduce_sum3A_1432 = tpu.scan <sum>, %select_n3A_1429 masked %reduce_sum3A_1431 : vector<16xf32>, vector<16xi1> -> vector<16xf32>
      %reduce_sum3A_1433 = vector.extract %reduce_sum3A_1432[15] : f32 from vector<16xf32>
      %gt3A_1434 = vector.broadcast %reduce_sum3A_1433 : f32 to vector<16xf32>
      %gt3A_1435 = arith.cmpf ogt, %gt3A_1434, %select_n3A_377 : vector<16xf32>
      %eq3A_1436 = vector.broadcast %reduce_sum3A_1433 : f32 to vector<16xf32>
      %eq3A_1437 = arith.cmpf oeq, %eq3A_1436, %select_n3A_377 : vector<16xf32>
      %gt3A_1438 = arith.constant 21 : i32
      %gt3A_1439 = vector.broadcast %gt3A_1438 : i32 to vector<16xi32>
      %gt3A_1440 = arith.cmpi sgt, %iota3A_99, %gt3A_1439 : vector<16xi32>
      %and3A_1441 = arith.andi %eq3A_1437, %gt3A_1440 : vector<16xi1>
      %or3A_1442 = arith.ori %gt3A_1435, %and3A_1441 : vector<16xi1>
      %select_n3A_1443 = arith.select %or3A_1442, %broadcast_in_dim3A_728, %broadcast_in_dim3A_726 : vector<16xi1>, vector<16xi32>
      %add3A_1444 = arith.addi %add3A_1411, %select_n3A_1443 : vector<16xi32>
      %gt3A_1445 = vector.broadcast %reduce_sum3A_1433 : f32 to vector<16xf32>
      %gt3A_1446 = arith.cmpf ogt, %gt3A_1445, %select_n3A_657 : vector<16xf32>
      %eq3A_1447 = vector.broadcast %reduce_sum3A_1433 : f32 to vector<16xf32>
      %eq3A_1448 = arith.cmpf oeq, %eq3A_1447, %select_n3A_657 : vector<16xf32>
      %gt3A_1449 = arith.constant 21 : i32
      %gt3A_1450 = vector.broadcast %gt3A_1449 : i32 to vector<16xi32>
      %gt3A_1451 = arith.cmpi sgt, %add3A_731, %gt3A_1450 : vector<16xi32>
      %and3A_1452 = arith.andi %eq3A_1448, %gt3A_1451 : vector<16xi1>
      %or3A_1453 = arith.ori %gt3A_1446, %and3A_1452 : vector<16xi1>
      %select_n3A_1454 = arith.select %or3A_1453, %broadcast_in_dim3A_728, %broadcast_in_dim3A_726 : vector<16xi1>, vector<16xi32>
      %add3A_1455 = arith.addi %add3A_1422, %select_n3A_1454 : vector<16xi32>
      %iota3A_1456 = tpu.iota {dimensions = array<i32: 0>} : vector<16xi32>
      %eq3A_1457 = arith.constant 6 : i32
      %eq3A_1458 = vector.broadcast %eq3A_1457 : i32 to vector<16xi32>
      %eq3A_1459 = arith.cmpi eq, %iota3A_1456, %eq3A_1458 : vector<16xi32>
      %broadcast_in_dim3A_1460 = arith.constant 0.000000e+00 : f32
      %broadcast_in_dim3A_1461 = vector.broadcast %broadcast_in_dim3A_1460 : f32 to vector<16xf32>
      %select_n3A_1462 = arith.select %eq3A_1459, %select_n3A_657, %broadcast_in_dim3A_1461 : vector<16xi1>, vector<16xf32>
      %reduce_sum3A_1463 = arith.constant true
      %reduce_sum3A_1464 = vector.broadcast %reduce_sum3A_1463 : i1 to vector<16xi1>
      %reduce_sum3A_1465 = tpu.scan <sum>, %select_n3A_1462 masked %reduce_sum3A_1464 : vector<16xf32>, vector<16xi1> -> vector<16xf32>
      %reduce_sum3A_1466 = vector.extract %reduce_sum3A_1465[15] : f32 from vector<16xf32>
      %gt3A_1467 = vector.broadcast %reduce_sum3A_1466 : f32 to vector<16xf32>
      %gt3A_1468 = arith.cmpf ogt, %gt3A_1467, %select_n3A_377 : vector<16xf32>
      %eq3A_1469 = vector.broadcast %reduce_sum3A_1466 : f32 to vector<16xf32>
      %eq3A_1470 = arith.cmpf oeq, %eq3A_1469, %select_n3A_377 : vector<16xf32>
      %gt3A_1471 = arith.constant 22 : i32
      %gt3A_1472 = vector.broadcast %gt3A_1471 : i32 to vector<16xi32>
      %gt3A_1473 = arith.cmpi sgt, %iota3A_99, %gt3A_1472 : vector<16xi32>
      %and3A_1474 = arith.andi %eq3A_1470, %gt3A_1473 : vector<16xi1>
      %or3A_1475 = arith.ori %gt3A_1468, %and3A_1474 : vector<16xi1>
      %select_n3A_1476 = arith.select %or3A_1475, %broadcast_in_dim3A_728, %broadcast_in_dim3A_726 : vector<16xi1>, vector<16xi32>
      %add3A_1477 = arith.addi %add3A_1444, %select_n3A_1476 : vector<16xi32>
      %gt3A_1478 = vector.broadcast %reduce_sum3A_1466 : f32 to vector<16xf32>
      %gt3A_1479 = arith.cmpf ogt, %gt3A_1478, %select_n3A_657 : vector<16xf32>
      %eq3A_1480 = vector.broadcast %reduce_sum3A_1466 : f32 to vector<16xf32>
      %eq3A_1481 = arith.cmpf oeq, %eq3A_1480, %select_n3A_657 : vector<16xf32>
      %gt3A_1482 = arith.constant 22 : i32
      %gt3A_1483 = vector.broadcast %gt3A_1482 : i32 to vector<16xi32>
      %gt3A_1484 = arith.cmpi sgt, %add3A_731, %gt3A_1483 : vector<16xi32>
      %and3A_1485 = arith.andi %eq3A_1481, %gt3A_1484 : vector<16xi1>
      %or3A_1486 = arith.ori %gt3A_1479, %and3A_1485 : vector<16xi1>
      %select_n3A_1487 = arith.select %or3A_1486, %broadcast_in_dim3A_728, %broadcast_in_dim3A_726 : vector<16xi1>, vector<16xi32>
      %add3A_1488 = arith.addi %add3A_1455, %select_n3A_1487 : vector<16xi32>
      %iota3A_1489 = tpu.iota {dimensions = array<i32: 0>} : vector<16xi32>
      %eq3A_1490 = arith.constant 7 : i32
      %eq3A_1491 = vector.broadcast %eq3A_1490 : i32 to vector<16xi32>
      %eq3A_1492 = arith.cmpi eq, %iota3A_1489, %eq3A_1491 : vector<16xi32>
      %broadcast_in_dim3A_1493 = arith.constant 0.000000e+00 : f32
      %broadcast_in_dim3A_1494 = vector.broadcast %broadcast_in_dim3A_1493 : f32 to vector<16xf32>
      %select_n3A_1495 = arith.select %eq3A_1492, %select_n3A_657, %broadcast_in_dim3A_1494 : vector<16xi1>, vector<16xf32>
      %reduce_sum3A_1496 = arith.constant true
      %reduce_sum3A_1497 = vector.broadcast %reduce_sum3A_1496 : i1 to vector<16xi1>
      %reduce_sum3A_1498 = tpu.scan <sum>, %select_n3A_1495 masked %reduce_sum3A_1497 : vector<16xf32>, vector<16xi1> -> vector<16xf32>
      %reduce_sum3A_1499 = vector.extract %reduce_sum3A_1498[15] : f32 from vector<16xf32>
      %gt3A_1500 = vector.broadcast %reduce_sum3A_1499 : f32 to vector<16xf32>
      %gt3A_1501 = arith.cmpf ogt, %gt3A_1500, %select_n3A_377 : vector<16xf32>
      %eq3A_1502 = vector.broadcast %reduce_sum3A_1499 : f32 to vector<16xf32>
      %eq3A_1503 = arith.cmpf oeq, %eq3A_1502, %select_n3A_377 : vector<16xf32>
      %gt3A_1504 = arith.constant 23 : i32
      %gt3A_1505 = vector.broadcast %gt3A_1504 : i32 to vector<16xi32>
      %gt3A_1506 = arith.cmpi sgt, %iota3A_99, %gt3A_1505 : vector<16xi32>
      %and3A_1507 = arith.andi %eq3A_1503, %gt3A_1506 : vector<16xi1>
      %or3A_1508 = arith.ori %gt3A_1501, %and3A_1507 : vector<16xi1>
      %select_n3A_1509 = arith.select %or3A_1508, %broadcast_in_dim3A_728, %broadcast_in_dim3A_726 : vector<16xi1>, vector<16xi32>
      %add3A_1510 = arith.addi %add3A_1477, %select_n3A_1509 : vector<16xi32>
      %gt3A_1511 = vector.broadcast %reduce_sum3A_1499 : f32 to vector<16xf32>
      %gt3A_1512 = arith.cmpf ogt, %gt3A_1511, %select_n3A_657 : vector<16xf32>
      %eq3A_1513 = vector.broadcast %reduce_sum3A_1499 : f32 to vector<16xf32>
      %eq3A_1514 = arith.cmpf oeq, %eq3A_1513, %select_n3A_657 : vector<16xf32>
      %gt3A_1515 = arith.constant 23 : i32
      %gt3A_1516 = vector.broadcast %gt3A_1515 : i32 to vector<16xi32>
      %gt3A_1517 = arith.cmpi sgt, %add3A_731, %gt3A_1516 : vector<16xi32>
      %and3A_1518 = arith.andi %eq3A_1514, %gt3A_1517 : vector<16xi1>
      %or3A_1519 = arith.ori %gt3A_1512, %and3A_1518 : vector<16xi1>
      %select_n3A_1520 = arith.select %or3A_1519, %broadcast_in_dim3A_728, %broadcast_in_dim3A_726 : vector<16xi1>, vector<16xi32>
      %add3A_1521 = arith.addi %add3A_1488, %select_n3A_1520 : vector<16xi32>
      %iota3A_1522 = tpu.iota {dimensions = array<i32: 0>} : vector<16xi32>
      %eq3A_1523 = arith.constant 8 : i32
      %eq3A_1524 = vector.broadcast %eq3A_1523 : i32 to vector<16xi32>
      %eq3A_1525 = arith.cmpi eq, %iota3A_1522, %eq3A_1524 : vector<16xi32>
      %broadcast_in_dim3A_1526 = arith.constant 0.000000e+00 : f32
      %broadcast_in_dim3A_1527 = vector.broadcast %broadcast_in_dim3A_1526 : f32 to vector<16xf32>
      %select_n3A_1528 = arith.select %eq3A_1525, %select_n3A_657, %broadcast_in_dim3A_1527 : vector<16xi1>, vector<16xf32>
      %reduce_sum3A_1529 = arith.constant true
      %reduce_sum3A_1530 = vector.broadcast %reduce_sum3A_1529 : i1 to vector<16xi1>
      %reduce_sum3A_1531 = tpu.scan <sum>, %select_n3A_1528 masked %reduce_sum3A_1530 : vector<16xf32>, vector<16xi1> -> vector<16xf32>
      %reduce_sum3A_1532 = vector.extract %reduce_sum3A_1531[15] : f32 from vector<16xf32>
      %gt3A_1533 = vector.broadcast %reduce_sum3A_1532 : f32 to vector<16xf32>
      %gt3A_1534 = arith.cmpf ogt, %gt3A_1533, %select_n3A_377 : vector<16xf32>
      %eq3A_1535 = vector.broadcast %reduce_sum3A_1532 : f32 to vector<16xf32>
      %eq3A_1536 = arith.cmpf oeq, %eq3A_1535, %select_n3A_377 : vector<16xf32>
      %gt3A_1537 = arith.constant 24 : i32
      %gt3A_1538 = vector.broadcast %gt3A_1537 : i32 to vector<16xi32>
      %gt3A_1539 = arith.cmpi sgt, %iota3A_99, %gt3A_1538 : vector<16xi32>
      %and3A_1540 = arith.andi %eq3A_1536, %gt3A_1539 : vector<16xi1>
      %or3A_1541 = arith.ori %gt3A_1534, %and3A_1540 : vector<16xi1>
      %select_n3A_1542 = arith.select %or3A_1541, %broadcast_in_dim3A_728, %broadcast_in_dim3A_726 : vector<16xi1>, vector<16xi32>
      %add3A_1543 = arith.addi %add3A_1510, %select_n3A_1542 : vector<16xi32>
      %gt3A_1544 = vector.broadcast %reduce_sum3A_1532 : f32 to vector<16xf32>
      %gt3A_1545 = arith.cmpf ogt, %gt3A_1544, %select_n3A_657 : vector<16xf32>
      %eq3A_1546 = vector.broadcast %reduce_sum3A_1532 : f32 to vector<16xf32>
      %eq3A_1547 = arith.cmpf oeq, %eq3A_1546, %select_n3A_657 : vector<16xf32>
      %gt3A_1548 = arith.constant 24 : i32
      %gt3A_1549 = vector.broadcast %gt3A_1548 : i32 to vector<16xi32>
      %gt3A_1550 = arith.cmpi sgt, %add3A_731, %gt3A_1549 : vector<16xi32>
      %and3A_1551 = arith.andi %eq3A_1547, %gt3A_1550 : vector<16xi1>
      %or3A_1552 = arith.ori %gt3A_1545, %and3A_1551 : vector<16xi1>
      %select_n3A_1553 = arith.select %or3A_1552, %broadcast_in_dim3A_728, %broadcast_in_dim3A_726 : vector<16xi1>, vector<16xi32>
      %add3A_1554 = arith.addi %add3A_1521, %select_n3A_1553 : vector<16xi32>
      %iota3A_1555 = tpu.iota {dimensions = array<i32: 0>} : vector<16xi32>
      %eq3A_1556 = arith.constant 9 : i32
      %eq3A_1557 = vector.broadcast %eq3A_1556 : i32 to vector<16xi32>
      %eq3A_1558 = arith.cmpi eq, %iota3A_1555, %eq3A_1557 : vector<16xi32>
      %broadcast_in_dim3A_1559 = arith.constant 0.000000e+00 : f32
      %broadcast_in_dim3A_1560 = vector.broadcast %broadcast_in_dim3A_1559 : f32 to vector<16xf32>
      %select_n3A_1561 = arith.select %eq3A_1558, %select_n3A_657, %broadcast_in_dim3A_1560 : vector<16xi1>, vector<16xf32>
      %reduce_sum3A_1562 = arith.constant true
      %reduce_sum3A_1563 = vector.broadcast %reduce_sum3A_1562 : i1 to vector<16xi1>
      %reduce_sum3A_1564 = tpu.scan <sum>, %select_n3A_1561 masked %reduce_sum3A_1563 : vector<16xf32>, vector<16xi1> -> vector<16xf32>
      %reduce_sum3A_1565 = vector.extract %reduce_sum3A_1564[15] : f32 from vector<16xf32>
      %gt3A_1566 = vector.broadcast %reduce_sum3A_1565 : f32 to vector<16xf32>
      %gt3A_1567 = arith.cmpf ogt, %gt3A_1566, %select_n3A_377 : vector<16xf32>
      %eq3A_1568 = vector.broadcast %reduce_sum3A_1565 : f32 to vector<16xf32>
      %eq3A_1569 = arith.cmpf oeq, %eq3A_1568, %select_n3A_377 : vector<16xf32>
      %gt3A_1570 = arith.constant 25 : i32
      %gt3A_1571 = vector.broadcast %gt3A_1570 : i32 to vector<16xi32>
      %gt3A_1572 = arith.cmpi sgt, %iota3A_99, %gt3A_1571 : vector<16xi32>
      %and3A_1573 = arith.andi %eq3A_1569, %gt3A_1572 : vector<16xi1>
      %or3A_1574 = arith.ori %gt3A_1567, %and3A_1573 : vector<16xi1>
      %select_n3A_1575 = arith.select %or3A_1574, %broadcast_in_dim3A_728, %broadcast_in_dim3A_726 : vector<16xi1>, vector<16xi32>
      %add3A_1576 = arith.addi %add3A_1543, %select_n3A_1575 : vector<16xi32>
      %gt3A_1577 = vector.broadcast %reduce_sum3A_1565 : f32 to vector<16xf32>
      %gt3A_1578 = arith.cmpf ogt, %gt3A_1577, %select_n3A_657 : vector<16xf32>
      %eq3A_1579 = vector.broadcast %reduce_sum3A_1565 : f32 to vector<16xf32>
      %eq3A_1580 = arith.cmpf oeq, %eq3A_1579, %select_n3A_657 : vector<16xf32>
      %gt3A_1581 = arith.constant 25 : i32
      %gt3A_1582 = vector.broadcast %gt3A_1581 : i32 to vector<16xi32>
      %gt3A_1583 = arith.cmpi sgt, %add3A_731, %gt3A_1582 : vector<16xi32>
      %and3A_1584 = arith.andi %eq3A_1580, %gt3A_1583 : vector<16xi1>
      %or3A_1585 = arith.ori %gt3A_1578, %and3A_1584 : vector<16xi1>
      %select_n3A_1586 = arith.select %or3A_1585, %broadcast_in_dim3A_728, %broadcast_in_dim3A_726 : vector<16xi1>, vector<16xi32>
      %add3A_1587 = arith.addi %add3A_1554, %select_n3A_1586 : vector<16xi32>
      %iota3A_1588 = tpu.iota {dimensions = array<i32: 0>} : vector<16xi32>
      %eq3A_1589 = arith.constant 10 : i32
      %eq3A_1590 = vector.broadcast %eq3A_1589 : i32 to vector<16xi32>
      %eq3A_1591 = arith.cmpi eq, %iota3A_1588, %eq3A_1590 : vector<16xi32>
      %broadcast_in_dim3A_1592 = arith.constant 0.000000e+00 : f32
      %broadcast_in_dim3A_1593 = vector.broadcast %broadcast_in_dim3A_1592 : f32 to vector<16xf32>
      %select_n3A_1594 = arith.select %eq3A_1591, %select_n3A_657, %broadcast_in_dim3A_1593 : vector<16xi1>, vector<16xf32>
      %reduce_sum3A_1595 = arith.constant true
      %reduce_sum3A_1596 = vector.broadcast %reduce_sum3A_1595 : i1 to vector<16xi1>
      %reduce_sum3A_1597 = tpu.scan <sum>, %select_n3A_1594 masked %reduce_sum3A_1596 : vector<16xf32>, vector<16xi1> -> vector<16xf32>
      %reduce_sum3A_1598 = vector.extract %reduce_sum3A_1597[15] : f32 from vector<16xf32>
      %gt3A_1599 = vector.broadcast %reduce_sum3A_1598 : f32 to vector<16xf32>
      %gt3A_1600 = arith.cmpf ogt, %gt3A_1599, %select_n3A_377 : vector<16xf32>
      %eq3A_1601 = vector.broadcast %reduce_sum3A_1598 : f32 to vector<16xf32>
      %eq3A_1602 = arith.cmpf oeq, %eq3A_1601, %select_n3A_377 : vector<16xf32>
      %gt3A_1603 = arith.constant 26 : i32
      %gt3A_1604 = vector.broadcast %gt3A_1603 : i32 to vector<16xi32>
      %gt3A_1605 = arith.cmpi sgt, %iota3A_99, %gt3A_1604 : vector<16xi32>
      %and3A_1606 = arith.andi %eq3A_1602, %gt3A_1605 : vector<16xi1>
      %or3A_1607 = arith.ori %gt3A_1600, %and3A_1606 : vector<16xi1>
      %select_n3A_1608 = arith.select %or3A_1607, %broadcast_in_dim3A_728, %broadcast_in_dim3A_726 : vector<16xi1>, vector<16xi32>
      %add3A_1609 = arith.addi %add3A_1576, %select_n3A_1608 : vector<16xi32>
      %gt3A_1610 = vector.broadcast %reduce_sum3A_1598 : f32 to vector<16xf32>
      %gt3A_1611 = arith.cmpf ogt, %gt3A_1610, %select_n3A_657 : vector<16xf32>
      %eq3A_1612 = vector.broadcast %reduce_sum3A_1598 : f32 to vector<16xf32>
      %eq3A_1613 = arith.cmpf oeq, %eq3A_1612, %select_n3A_657 : vector<16xf32>
      %gt3A_1614 = arith.constant 26 : i32
      %gt3A_1615 = vector.broadcast %gt3A_1614 : i32 to vector<16xi32>
      %gt3A_1616 = arith.cmpi sgt, %add3A_731, %gt3A_1615 : vector<16xi32>
      %and3A_1617 = arith.andi %eq3A_1613, %gt3A_1616 : vector<16xi1>
      %or3A_1618 = arith.ori %gt3A_1611, %and3A_1617 : vector<16xi1>
      %select_n3A_1619 = arith.select %or3A_1618, %broadcast_in_dim3A_728, %broadcast_in_dim3A_726 : vector<16xi1>, vector<16xi32>
      %add3A_1620 = arith.addi %add3A_1587, %select_n3A_1619 : vector<16xi32>
      %iota3A_1621 = tpu.iota {dimensions = array<i32: 0>} : vector<16xi32>
      %eq3A_1622 = arith.constant 11 : i32
      %eq3A_1623 = vector.broadcast %eq3A_1622 : i32 to vector<16xi32>
      %eq3A_1624 = arith.cmpi eq, %iota3A_1621, %eq3A_1623 : vector<16xi32>
      %broadcast_in_dim3A_1625 = arith.constant 0.000000e+00 : f32
      %broadcast_in_dim3A_1626 = vector.broadcast %broadcast_in_dim3A_1625 : f32 to vector<16xf32>
      %select_n3A_1627 = arith.select %eq3A_1624, %select_n3A_657, %broadcast_in_dim3A_1626 : vector<16xi1>, vector<16xf32>
      %reduce_sum3A_1628 = arith.constant true
      %reduce_sum3A_1629 = vector.broadcast %reduce_sum3A_1628 : i1 to vector<16xi1>
      %reduce_sum3A_1630 = tpu.scan <sum>, %select_n3A_1627 masked %reduce_sum3A_1629 : vector<16xf32>, vector<16xi1> -> vector<16xf32>
      %reduce_sum3A_1631 = vector.extract %reduce_sum3A_1630[15] : f32 from vector<16xf32>
      %gt3A_1632 = vector.broadcast %reduce_sum3A_1631 : f32 to vector<16xf32>
      %gt3A_1633 = arith.cmpf ogt, %gt3A_1632, %select_n3A_377 : vector<16xf32>
      %eq3A_1634 = vector.broadcast %reduce_sum3A_1631 : f32 to vector<16xf32>
      %eq3A_1635 = arith.cmpf oeq, %eq3A_1634, %select_n3A_377 : vector<16xf32>
      %gt3A_1636 = arith.constant 27 : i32
      %gt3A_1637 = vector.broadcast %gt3A_1636 : i32 to vector<16xi32>
      %gt3A_1638 = arith.cmpi sgt, %iota3A_99, %gt3A_1637 : vector<16xi32>
      %and3A_1639 = arith.andi %eq3A_1635, %gt3A_1638 : vector<16xi1>
      %or3A_1640 = arith.ori %gt3A_1633, %and3A_1639 : vector<16xi1>
      %select_n3A_1641 = arith.select %or3A_1640, %broadcast_in_dim3A_728, %broadcast_in_dim3A_726 : vector<16xi1>, vector<16xi32>
      %add3A_1642 = arith.addi %add3A_1609, %select_n3A_1641 : vector<16xi32>
      %gt3A_1643 = vector.broadcast %reduce_sum3A_1631 : f32 to vector<16xf32>
      %gt3A_1644 = arith.cmpf ogt, %gt3A_1643, %select_n3A_657 : vector<16xf32>
      %eq3A_1645 = vector.broadcast %reduce_sum3A_1631 : f32 to vector<16xf32>
      %eq3A_1646 = arith.cmpf oeq, %eq3A_1645, %select_n3A_657 : vector<16xf32>
      %gt3A_1647 = arith.constant 27 : i32
      %gt3A_1648 = vector.broadcast %gt3A_1647 : i32 to vector<16xi32>
      %gt3A_1649 = arith.cmpi sgt, %add3A_731, %gt3A_1648 : vector<16xi32>
      %and3A_1650 = arith.andi %eq3A_1646, %gt3A_1649 : vector<16xi1>
      %or3A_1651 = arith.ori %gt3A_1644, %and3A_1650 : vector<16xi1>
      %select_n3A_1652 = arith.select %or3A_1651, %broadcast_in_dim3A_728, %broadcast_in_dim3A_726 : vector<16xi1>, vector<16xi32>
      %add3A_1653 = arith.addi %add3A_1620, %select_n3A_1652 : vector<16xi32>
      %iota3A_1654 = tpu.iota {dimensions = array<i32: 0>} : vector<16xi32>
      %eq3A_1655 = arith.constant 12 : i32
      %eq3A_1656 = vector.broadcast %eq3A_1655 : i32 to vector<16xi32>
      %eq3A_1657 = arith.cmpi eq, %iota3A_1654, %eq3A_1656 : vector<16xi32>
      %broadcast_in_dim3A_1658 = arith.constant 0.000000e+00 : f32
      %broadcast_in_dim3A_1659 = vector.broadcast %broadcast_in_dim3A_1658 : f32 to vector<16xf32>
      %select_n3A_1660 = arith.select %eq3A_1657, %select_n3A_657, %broadcast_in_dim3A_1659 : vector<16xi1>, vector<16xf32>
      %reduce_sum3A_1661 = arith.constant true
      %reduce_sum3A_1662 = vector.broadcast %reduce_sum3A_1661 : i1 to vector<16xi1>
      %reduce_sum3A_1663 = tpu.scan <sum>, %select_n3A_1660 masked %reduce_sum3A_1662 : vector<16xf32>, vector<16xi1> -> vector<16xf32>
      %reduce_sum3A_1664 = vector.extract %reduce_sum3A_1663[15] : f32 from vector<16xf32>
      %gt3A_1665 = vector.broadcast %reduce_sum3A_1664 : f32 to vector<16xf32>
      %gt3A_1666 = arith.cmpf ogt, %gt3A_1665, %select_n3A_377 : vector<16xf32>
      %eq3A_1667 = vector.broadcast %reduce_sum3A_1664 : f32 to vector<16xf32>
      %eq3A_1668 = arith.cmpf oeq, %eq3A_1667, %select_n3A_377 : vector<16xf32>
      %gt3A_1669 = arith.constant 28 : i32
      %gt3A_1670 = vector.broadcast %gt3A_1669 : i32 to vector<16xi32>
      %gt3A_1671 = arith.cmpi sgt, %iota3A_99, %gt3A_1670 : vector<16xi32>
      %and3A_1672 = arith.andi %eq3A_1668, %gt3A_1671 : vector<16xi1>
      %or3A_1673 = arith.ori %gt3A_1666, %and3A_1672 : vector<16xi1>
      %select_n3A_1674 = arith.select %or3A_1673, %broadcast_in_dim3A_728, %broadcast_in_dim3A_726 : vector<16xi1>, vector<16xi32>
      %add3A_1675 = arith.addi %add3A_1642, %select_n3A_1674 : vector<16xi32>
      %gt3A_1676 = vector.broadcast %reduce_sum3A_1664 : f32 to vector<16xf32>
      %gt3A_1677 = arith.cmpf ogt, %gt3A_1676, %select_n3A_657 : vector<16xf32>
      %eq3A_1678 = vector.broadcast %reduce_sum3A_1664 : f32 to vector<16xf32>
      %eq3A_1679 = arith.cmpf oeq, %eq3A_1678, %select_n3A_657 : vector<16xf32>
      %gt3A_1680 = arith.constant 28 : i32
      %gt3A_1681 = vector.broadcast %gt3A_1680 : i32 to vector<16xi32>
      %gt3A_1682 = arith.cmpi sgt, %add3A_731, %gt3A_1681 : vector<16xi32>
      %and3A_1683 = arith.andi %eq3A_1679, %gt3A_1682 : vector<16xi1>
      %or3A_1684 = arith.ori %gt3A_1677, %and3A_1683 : vector<16xi1>
      %select_n3A_1685 = arith.select %or3A_1684, %broadcast_in_dim3A_728, %broadcast_in_dim3A_726 : vector<16xi1>, vector<16xi32>
      %add3A_1686 = arith.addi %add3A_1653, %select_n3A_1685 : vector<16xi32>
      %iota3A_1687 = tpu.iota {dimensions = array<i32: 0>} : vector<16xi32>
      %eq3A_1688 = arith.constant 13 : i32
      %eq3A_1689 = vector.broadcast %eq3A_1688 : i32 to vector<16xi32>
      %eq3A_1690 = arith.cmpi eq, %iota3A_1687, %eq3A_1689 : vector<16xi32>
      %broadcast_in_dim3A_1691 = arith.constant 0.000000e+00 : f32
      %broadcast_in_dim3A_1692 = vector.broadcast %broadcast_in_dim3A_1691 : f32 to vector<16xf32>
      %select_n3A_1693 = arith.select %eq3A_1690, %select_n3A_657, %broadcast_in_dim3A_1692 : vector<16xi1>, vector<16xf32>
      %reduce_sum3A_1694 = arith.constant true
      %reduce_sum3A_1695 = vector.broadcast %reduce_sum3A_1694 : i1 to vector<16xi1>
      %reduce_sum3A_1696 = tpu.scan <sum>, %select_n3A_1693 masked %reduce_sum3A_1695 : vector<16xf32>, vector<16xi1> -> vector<16xf32>
      %reduce_sum3A_1697 = vector.extract %reduce_sum3A_1696[15] : f32 from vector<16xf32>
      %gt3A_1698 = vector.broadcast %reduce_sum3A_1697 : f32 to vector<16xf32>
      %gt3A_1699 = arith.cmpf ogt, %gt3A_1698, %select_n3A_377 : vector<16xf32>
      %eq3A_1700 = vector.broadcast %reduce_sum3A_1697 : f32 to vector<16xf32>
      %eq3A_1701 = arith.cmpf oeq, %eq3A_1700, %select_n3A_377 : vector<16xf32>
      %gt3A_1702 = arith.constant 29 : i32
      %gt3A_1703 = vector.broadcast %gt3A_1702 : i32 to vector<16xi32>
      %gt3A_1704 = arith.cmpi sgt, %iota3A_99, %gt3A_1703 : vector<16xi32>
      %and3A_1705 = arith.andi %eq3A_1701, %gt3A_1704 : vector<16xi1>
      %or3A_1706 = arith.ori %gt3A_1699, %and3A_1705 : vector<16xi1>
      %select_n3A_1707 = arith.select %or3A_1706, %broadcast_in_dim3A_728, %broadcast_in_dim3A_726 : vector<16xi1>, vector<16xi32>
      %add3A_1708 = arith.addi %add3A_1675, %select_n3A_1707 : vector<16xi32>
      %gt3A_1709 = vector.broadcast %reduce_sum3A_1697 : f32 to vector<16xf32>
      %gt3A_1710 = arith.cmpf ogt, %gt3A_1709, %select_n3A_657 : vector<16xf32>
      %eq3A_1711 = vector.broadcast %reduce_sum3A_1697 : f32 to vector<16xf32>
      %eq3A_1712 = arith.cmpf oeq, %eq3A_1711, %select_n3A_657 : vector<16xf32>
      %gt3A_1713 = arith.constant 29 : i32
      %gt3A_1714 = vector.broadcast %gt3A_1713 : i32 to vector<16xi32>
      %gt3A_1715 = arith.cmpi sgt, %add3A_731, %gt3A_1714 : vector<16xi32>
      %and3A_1716 = arith.andi %eq3A_1712, %gt3A_1715 : vector<16xi1>
      %or3A_1717 = arith.ori %gt3A_1710, %and3A_1716 : vector<16xi1>
      %select_n3A_1718 = arith.select %or3A_1717, %broadcast_in_dim3A_728, %broadcast_in_dim3A_726 : vector<16xi1>, vector<16xi32>
      %add3A_1719 = arith.addi %add3A_1686, %select_n3A_1718 : vector<16xi32>
      %iota3A_1720 = tpu.iota {dimensions = array<i32: 0>} : vector<16xi32>
      %eq3A_1721 = arith.constant 14 : i32
      %eq3A_1722 = vector.broadcast %eq3A_1721 : i32 to vector<16xi32>
      %eq3A_1723 = arith.cmpi eq, %iota3A_1720, %eq3A_1722 : vector<16xi32>
      %broadcast_in_dim3A_1724 = arith.constant 0.000000e+00 : f32
      %broadcast_in_dim3A_1725 = vector.broadcast %broadcast_in_dim3A_1724 : f32 to vector<16xf32>
      %select_n3A_1726 = arith.select %eq3A_1723, %select_n3A_657, %broadcast_in_dim3A_1725 : vector<16xi1>, vector<16xf32>
      %reduce_sum3A_1727 = arith.constant true
      %reduce_sum3A_1728 = vector.broadcast %reduce_sum3A_1727 : i1 to vector<16xi1>
      %reduce_sum3A_1729 = tpu.scan <sum>, %select_n3A_1726 masked %reduce_sum3A_1728 : vector<16xf32>, vector<16xi1> -> vector<16xf32>
      %reduce_sum3A_1730 = vector.extract %reduce_sum3A_1729[15] : f32 from vector<16xf32>
      %gt3A_1731 = vector.broadcast %reduce_sum3A_1730 : f32 to vector<16xf32>
      %gt3A_1732 = arith.cmpf ogt, %gt3A_1731, %select_n3A_377 : vector<16xf32>
      %eq3A_1733 = vector.broadcast %reduce_sum3A_1730 : f32 to vector<16xf32>
      %eq3A_1734 = arith.cmpf oeq, %eq3A_1733, %select_n3A_377 : vector<16xf32>
      %gt3A_1735 = arith.constant 30 : i32
      %gt3A_1736 = vector.broadcast %gt3A_1735 : i32 to vector<16xi32>
      %gt3A_1737 = arith.cmpi sgt, %iota3A_99, %gt3A_1736 : vector<16xi32>
      %and3A_1738 = arith.andi %eq3A_1734, %gt3A_1737 : vector<16xi1>
      %or3A_1739 = arith.ori %gt3A_1732, %and3A_1738 : vector<16xi1>
      %select_n3A_1740 = arith.select %or3A_1739, %broadcast_in_dim3A_728, %broadcast_in_dim3A_726 : vector<16xi1>, vector<16xi32>
      %add3A_1741 = arith.addi %add3A_1708, %select_n3A_1740 : vector<16xi32>
      %gt3A_1742 = vector.broadcast %reduce_sum3A_1730 : f32 to vector<16xf32>
      %gt3A_1743 = arith.cmpf ogt, %gt3A_1742, %select_n3A_657 : vector<16xf32>
      %eq3A_1744 = vector.broadcast %reduce_sum3A_1730 : f32 to vector<16xf32>
      %eq3A_1745 = arith.cmpf oeq, %eq3A_1744, %select_n3A_657 : vector<16xf32>
      %gt3A_1746 = arith.constant 30 : i32
      %gt3A_1747 = vector.broadcast %gt3A_1746 : i32 to vector<16xi32>
      %gt3A_1748 = arith.cmpi sgt, %add3A_731, %gt3A_1747 : vector<16xi32>
      %and3A_1749 = arith.andi %eq3A_1745, %gt3A_1748 : vector<16xi1>
      %or3A_1750 = arith.ori %gt3A_1743, %and3A_1749 : vector<16xi1>
      %select_n3A_1751 = arith.select %or3A_1750, %broadcast_in_dim3A_728, %broadcast_in_dim3A_726 : vector<16xi1>, vector<16xi32>
      %add3A_1752 = arith.addi %add3A_1719, %select_n3A_1751 : vector<16xi32>
      %iota3A_1753 = tpu.iota {dimensions = array<i32: 0>} : vector<16xi32>
      %eq3A_1754 = arith.constant 15 : i32
      %eq3A_1755 = vector.broadcast %eq3A_1754 : i32 to vector<16xi32>
      %eq3A_1756 = arith.cmpi eq, %iota3A_1753, %eq3A_1755 : vector<16xi32>
      %broadcast_in_dim3A_1757 = arith.constant 0.000000e+00 : f32
      %broadcast_in_dim3A_1758 = vector.broadcast %broadcast_in_dim3A_1757 : f32 to vector<16xf32>
      %select_n3A_1759 = arith.select %eq3A_1756, %select_n3A_657, %broadcast_in_dim3A_1758 : vector<16xi1>, vector<16xf32>
      %reduce_sum3A_1760 = arith.constant true
      %reduce_sum3A_1761 = vector.broadcast %reduce_sum3A_1760 : i1 to vector<16xi1>
      %reduce_sum3A_1762 = tpu.scan <sum>, %select_n3A_1759 masked %reduce_sum3A_1761 : vector<16xf32>, vector<16xi1> -> vector<16xf32>
      %reduce_sum3A_1763 = vector.extract %reduce_sum3A_1762[15] : f32 from vector<16xf32>
      %gt3A_1764 = vector.broadcast %reduce_sum3A_1763 : f32 to vector<16xf32>
      %gt3A_1765 = arith.cmpf ogt, %gt3A_1764, %select_n3A_377 : vector<16xf32>
      %eq3A_1766 = vector.broadcast %reduce_sum3A_1763 : f32 to vector<16xf32>
      %eq3A_1767 = arith.cmpf oeq, %eq3A_1766, %select_n3A_377 : vector<16xf32>
      %gt3A_1768 = arith.constant 31 : i32
      %gt3A_1769 = vector.broadcast %gt3A_1768 : i32 to vector<16xi32>
      %gt3A_1770 = arith.cmpi sgt, %iota3A_99, %gt3A_1769 : vector<16xi32>
      %and3A_1771 = arith.andi %eq3A_1767, %gt3A_1770 : vector<16xi1>
      %or3A_1772 = arith.ori %gt3A_1765, %and3A_1771 : vector<16xi1>
      %select_n3A_1773 = arith.select %or3A_1772, %broadcast_in_dim3A_728, %broadcast_in_dim3A_726 : vector<16xi1>, vector<16xi32>
      %add3A_1774 = arith.addi %add3A_1741, %select_n3A_1773 : vector<16xi32>
      %gt3A_1775 = vector.broadcast %reduce_sum3A_1763 : f32 to vector<16xf32>
      %gt3A_1776 = arith.cmpf ogt, %gt3A_1775, %select_n3A_657 : vector<16xf32>
      %eq3A_1777 = vector.broadcast %reduce_sum3A_1763 : f32 to vector<16xf32>
      %eq3A_1778 = arith.cmpf oeq, %eq3A_1777, %select_n3A_657 : vector<16xf32>
      %gt3A_1779 = arith.constant 31 : i32
      %gt3A_1780 = vector.broadcast %gt3A_1779 : i32 to vector<16xi32>
      %gt3A_1781 = arith.cmpi sgt, %add3A_731, %gt3A_1780 : vector<16xi32>
      %and3A_1782 = arith.andi %eq3A_1778, %gt3A_1781 : vector<16xi1>
      %or3A_1783 = arith.ori %gt3A_1776, %and3A_1782 : vector<16xi1>
      %select_n3A_1784 = arith.select %or3A_1783, %broadcast_in_dim3A_728, %broadcast_in_dim3A_726 : vector<16xi1>, vector<16xi32>
      %add3A_1785 = arith.addi %add3A_1752, %select_n3A_1784 : vector<16xi32>
      %eq3A_1786 = arith.constant 0 : i32
      %eq3A_1787 = vector.broadcast %eq3A_1786 : i32 to vector<16xi32>
      %eq3A_1788 = arith.cmpi eq, %add3A_1774, %eq3A_1787 : vector<16xi32>
      %eq3A_1789 = arith.constant 0 : i32
      %eq3A_1790 = vector.broadcast %eq3A_1789 : i32 to vector<16xi32>
      %eq3A_1791 = arith.cmpi eq, %add3A_1785, %eq3A_1790 : vector<16xi32>
      %select_n3A_1792 = arith.select %eq3A_1788, %iota3A_99, %broadcast_in_dim3A_726 : vector<16xi1>, vector<16xi32>
      %reduce_sum3A_1793 = arith.constant true
      %reduce_sum3A_1794 = vector.broadcast %reduce_sum3A_1793 : i1 to vector<16xi1>
      %reduce_sum3A_1795 = tpu.scan <sum>, %select_n3A_1792 masked %reduce_sum3A_1794 : vector<16xi32>, vector<16xi1> -> vector<16xi32>
      %reduce_sum3A_1796 = vector.extract %reduce_sum3A_1795[15] : i32 from vector<16xi32>
      %select_n3A_1797 = arith.select %eq3A_1791, %add3A_731, %broadcast_in_dim3A_726 : vector<16xi1>, vector<16xi32>
      %reduce_sum3A_1798 = arith.constant true
      %reduce_sum3A_1799 = vector.broadcast %reduce_sum3A_1798 : i1 to vector<16xi1>
      %reduce_sum3A_1800 = tpu.scan <sum>, %select_n3A_1797 masked %reduce_sum3A_1799 : vector<16xi32>, vector<16xi1> -> vector<16xi32>
      %reduce_sum3A_1801 = vector.extract %reduce_sum3A_1800[15] : i32 from vector<16xi32>
      %add3A_1802 = arith.addi %reduce_sum3A_1796, %reduce_sum3A_1801 : i32
      %select_n3A_1803 = arith.select %eq3A_1788, %select_n3A_377, %broadcast_in_dim3A_0 : vector<16xi1>, vector<16xf32>
      %reduce_sum3A_1804 = arith.constant true
      %reduce_sum3A_1805 = vector.broadcast %reduce_sum3A_1804 : i1 to vector<16xi1>
      %reduce_sum3A_1806 = tpu.scan <sum>, %select_n3A_1803 masked %reduce_sum3A_1805 : vector<16xf32>, vector<16xi1> -> vector<16xf32>
      %reduce_sum3A_1807 = vector.extract %reduce_sum3A_1806[15] : f32 from vector<16xf32>
      %select_n3A_1808 = arith.select %eq3A_1791, %select_n3A_657, %broadcast_in_dim3A_0 : vector<16xi1>, vector<16xf32>
      %reduce_sum3A_1809 = arith.constant true
      %reduce_sum3A_1810 = vector.broadcast %reduce_sum3A_1809 : i1 to vector<16xi1>
      %reduce_sum3A_1811 = tpu.scan <sum>, %select_n3A_1808 masked %reduce_sum3A_1810 : vector<16xf32>, vector<16xi1> -> vector<16xf32>
      %reduce_sum3A_1812 = vector.extract %reduce_sum3A_1811[15] : f32 from vector<16xf32>
      %add3A_1813 = arith.addf %reduce_sum3A_1807, %reduce_sum3A_1812 : f32
      %mul3A_1814 = arith.constant 5.000000e-01 : f32
      %mul3A_1815 = arith.mulf %mul3A_1814, %reduce_sum3A_724 : f32
      %gt3A_1816 = arith.constant 0.000000e+00 : f32
      %gt3A_1817 = arith.cmpf ogt, %add3A_1813, %gt3A_1816 : f32
      %jit3A = arith.constant 1.000000e+00 : f32
      %jit3A_1818 = arith.constant 0.000000e+00 : f32
      %select_n3A_1819 = arith.select %gt3A_1817, %jit3A, %jit3A_1818 : f32
      %mul3A_1820 = arith.mulf %mul3A_1815, %select_n3A_1819 : f32
      %eq3A_1821 = arith.constant 0 : i32
      %eq3A_1822 = vector.broadcast %eq3A_1821 : i32 to vector<16xi32>
      %eq3A_1823 = arith.cmpi eq, %iota3A_99, %eq3A_1822 : vector<16xi32>
      %broadcast_in_dim3A_1824 = vector.broadcast %add3A_1802 : i32 to vector<16xi32>
      %select_n3A_1825 = arith.select %eq3A_1823, %broadcast_in_dim3A_1824, %broadcast_in_dim3A_726 : vector<16xi1>, vector<16xi32>
      %eq3A_1826 = arith.constant 0 : i32
      %eq3A_1827 = vector.broadcast %eq3A_1826 : i32 to vector<16xi32>
      %eq3A_1828 = arith.cmpi eq, %iota3A_99, %eq3A_1827 : vector<16xi32>
      %broadcast_in_dim3A_1829 = vector.broadcast %mul3A_1820 : f32 to vector<16xf32>
      %select_n3A_1830 = arith.select %eq3A_1828, %broadcast_in_dim3A_1829, %broadcast_in_dim3A_0 : vector<16xi1>, vector<16xf32>
      %eq3A_1831 = arith.constant 1 : i32
      %eq3A_1832 = vector.broadcast %eq3A_1831 : i32 to vector<16xi32>
      %eq3A_1833 = arith.cmpi eq, %add3A_1774, %eq3A_1832 : vector<16xi32>
      %eq3A_1834 = arith.constant 1 : i32
      %eq3A_1835 = vector.broadcast %eq3A_1834 : i32 to vector<16xi32>
      %eq3A_1836 = arith.cmpi eq, %add3A_1785, %eq3A_1835 : vector<16xi32>
      %select_n3A_1837 = arith.select %eq3A_1833, %iota3A_99, %broadcast_in_dim3A_726 : vector<16xi1>, vector<16xi32>
      %reduce_sum3A_1838 = arith.constant true
      %reduce_sum3A_1839 = vector.broadcast %reduce_sum3A_1838 : i1 to vector<16xi1>
      %reduce_sum3A_1840 = tpu.scan <sum>, %select_n3A_1837 masked %reduce_sum3A_1839 : vector<16xi32>, vector<16xi1> -> vector<16xi32>
      %reduce_sum3A_1841 = vector.extract %reduce_sum3A_1840[15] : i32 from vector<16xi32>
      %select_n3A_1842 = arith.select %eq3A_1836, %add3A_731, %broadcast_in_dim3A_726 : vector<16xi1>, vector<16xi32>
      %reduce_sum3A_1843 = arith.constant true
      %reduce_sum3A_1844 = vector.broadcast %reduce_sum3A_1843 : i1 to vector<16xi1>
      %reduce_sum3A_1845 = tpu.scan <sum>, %select_n3A_1842 masked %reduce_sum3A_1844 : vector<16xi32>, vector<16xi1> -> vector<16xi32>
      %reduce_sum3A_1846 = vector.extract %reduce_sum3A_1845[15] : i32 from vector<16xi32>
      %add3A_1847 = arith.addi %reduce_sum3A_1841, %reduce_sum3A_1846 : i32
      %select_n3A_1848 = arith.select %eq3A_1833, %select_n3A_377, %broadcast_in_dim3A_0 : vector<16xi1>, vector<16xf32>
      %reduce_sum3A_1849 = arith.constant true
      %reduce_sum3A_1850 = vector.broadcast %reduce_sum3A_1849 : i1 to vector<16xi1>
      %reduce_sum3A_1851 = tpu.scan <sum>, %select_n3A_1848 masked %reduce_sum3A_1850 : vector<16xf32>, vector<16xi1> -> vector<16xf32>
      %reduce_sum3A_1852 = vector.extract %reduce_sum3A_1851[15] : f32 from vector<16xf32>
      %select_n3A_1853 = arith.select %eq3A_1836, %select_n3A_657, %broadcast_in_dim3A_0 : vector<16xi1>, vector<16xf32>
      %reduce_sum3A_1854 = arith.constant true
      %reduce_sum3A_1855 = vector.broadcast %reduce_sum3A_1854 : i1 to vector<16xi1>
      %reduce_sum3A_1856 = tpu.scan <sum>, %select_n3A_1853 masked %reduce_sum3A_1855 : vector<16xf32>, vector<16xi1> -> vector<16xf32>
      %reduce_sum3A_1857 = vector.extract %reduce_sum3A_1856[15] : f32 from vector<16xf32>
      %add3A_1858 = arith.addf %reduce_sum3A_1852, %reduce_sum3A_1857 : f32
      %mul3A_1859 = arith.constant 5.000000e-01 : f32
      %mul3A_1860 = arith.mulf %mul3A_1859, %reduce_sum3A_724 : f32
      %gt3A_1861 = arith.constant 0.000000e+00 : f32
      %gt3A_1862 = arith.cmpf ogt, %add3A_1858, %gt3A_1861 : f32
      %jit3A_1863 = arith.constant 1.000000e+00 : f32
      %jit3A_1864 = arith.constant 0.000000e+00 : f32
      %select_n3A_1865 = arith.select %gt3A_1862, %jit3A_1863, %jit3A_1864 : f32
      %mul3A_1866 = arith.mulf %mul3A_1860, %select_n3A_1865 : f32
      %eq3A_1867 = arith.constant 1 : i32
      %eq3A_1868 = vector.broadcast %eq3A_1867 : i32 to vector<16xi32>
      %eq3A_1869 = arith.cmpi eq, %iota3A_99, %eq3A_1868 : vector<16xi32>
      %broadcast_in_dim3A_1870 = vector.broadcast %add3A_1847 : i32 to vector<16xi32>
      %select_n3A_1871 = arith.select %eq3A_1869, %broadcast_in_dim3A_1870, %select_n3A_1825 : vector<16xi1>, vector<16xi32>
      %eq3A_1872 = arith.constant 1 : i32
      %eq3A_1873 = vector.broadcast %eq3A_1872 : i32 to vector<16xi32>
      %eq3A_1874 = arith.cmpi eq, %iota3A_99, %eq3A_1873 : vector<16xi32>
      %broadcast_in_dim3A_1875 = vector.broadcast %mul3A_1866 : f32 to vector<16xf32>
      %select_n3A_1876 = arith.select %eq3A_1874, %broadcast_in_dim3A_1875, %select_n3A_1830 : vector<16xi1>, vector<16xf32>
      %eq3A_1877 = arith.constant 2 : i32
      %eq3A_1878 = vector.broadcast %eq3A_1877 : i32 to vector<16xi32>
      %eq3A_1879 = arith.cmpi eq, %add3A_1774, %eq3A_1878 : vector<16xi32>
      %eq3A_1880 = arith.constant 2 : i32
      %eq3A_1881 = vector.broadcast %eq3A_1880 : i32 to vector<16xi32>
      %eq3A_1882 = arith.cmpi eq, %add3A_1785, %eq3A_1881 : vector<16xi32>
      %select_n3A_1883 = arith.select %eq3A_1879, %iota3A_99, %broadcast_in_dim3A_726 : vector<16xi1>, vector<16xi32>
      %reduce_sum3A_1884 = arith.constant true
      %reduce_sum3A_1885 = vector.broadcast %reduce_sum3A_1884 : i1 to vector<16xi1>
      %reduce_sum3A_1886 = tpu.scan <sum>, %select_n3A_1883 masked %reduce_sum3A_1885 : vector<16xi32>, vector<16xi1> -> vector<16xi32>
      %reduce_sum3A_1887 = vector.extract %reduce_sum3A_1886[15] : i32 from vector<16xi32>
      %select_n3A_1888 = arith.select %eq3A_1882, %add3A_731, %broadcast_in_dim3A_726 : vector<16xi1>, vector<16xi32>
      %reduce_sum3A_1889 = arith.constant true
      %reduce_sum3A_1890 = vector.broadcast %reduce_sum3A_1889 : i1 to vector<16xi1>
      %reduce_sum3A_1891 = tpu.scan <sum>, %select_n3A_1888 masked %reduce_sum3A_1890 : vector<16xi32>, vector<16xi1> -> vector<16xi32>
      %reduce_sum3A_1892 = vector.extract %reduce_sum3A_1891[15] : i32 from vector<16xi32>
      %add3A_1893 = arith.addi %reduce_sum3A_1887, %reduce_sum3A_1892 : i32
      %select_n3A_1894 = arith.select %eq3A_1879, %select_n3A_377, %broadcast_in_dim3A_0 : vector<16xi1>, vector<16xf32>
      %reduce_sum3A_1895 = arith.constant true
      %reduce_sum3A_1896 = vector.broadcast %reduce_sum3A_1895 : i1 to vector<16xi1>
      %reduce_sum3A_1897 = tpu.scan <sum>, %select_n3A_1894 masked %reduce_sum3A_1896 : vector<16xf32>, vector<16xi1> -> vector<16xf32>
      %reduce_sum3A_1898 = vector.extract %reduce_sum3A_1897[15] : f32 from vector<16xf32>
      %select_n3A_1899 = arith.select %eq3A_1882, %select_n3A_657, %broadcast_in_dim3A_0 : vector<16xi1>, vector<16xf32>
      %reduce_sum3A_1900 = arith.constant true
      %reduce_sum3A_1901 = vector.broadcast %reduce_sum3A_1900 : i1 to vector<16xi1>
      %reduce_sum3A_1902 = tpu.scan <sum>, %select_n3A_1899 masked %reduce_sum3A_1901 : vector<16xf32>, vector<16xi1> -> vector<16xf32>
      %reduce_sum3A_1903 = vector.extract %reduce_sum3A_1902[15] : f32 from vector<16xf32>
      %add3A_1904 = arith.addf %reduce_sum3A_1898, %reduce_sum3A_1903 : f32
      %mul3A_1905 = arith.constant 5.000000e-01 : f32
      %mul3A_1906 = arith.mulf %mul3A_1905, %reduce_sum3A_724 : f32
      %gt3A_1907 = arith.constant 0.000000e+00 : f32
      %gt3A_1908 = arith.cmpf ogt, %add3A_1904, %gt3A_1907 : f32
      %jit3A_1909 = arith.constant 1.000000e+00 : f32
      %jit3A_1910 = arith.constant 0.000000e+00 : f32
      %select_n3A_1911 = arith.select %gt3A_1908, %jit3A_1909, %jit3A_1910 : f32
      %mul3A_1912 = arith.mulf %mul3A_1906, %select_n3A_1911 : f32
      %eq3A_1913 = arith.constant 2 : i32
      %eq3A_1914 = vector.broadcast %eq3A_1913 : i32 to vector<16xi32>
      %eq3A_1915 = arith.cmpi eq, %iota3A_99, %eq3A_1914 : vector<16xi32>
      %broadcast_in_dim3A_1916 = vector.broadcast %add3A_1893 : i32 to vector<16xi32>
      %select_n3A_1917 = arith.select %eq3A_1915, %broadcast_in_dim3A_1916, %select_n3A_1871 : vector<16xi1>, vector<16xi32>
      %eq3A_1918 = arith.constant 2 : i32
      %eq3A_1919 = vector.broadcast %eq3A_1918 : i32 to vector<16xi32>
      %eq3A_1920 = arith.cmpi eq, %iota3A_99, %eq3A_1919 : vector<16xi32>
      %broadcast_in_dim3A_1921 = vector.broadcast %mul3A_1912 : f32 to vector<16xf32>
      %select_n3A_1922 = arith.select %eq3A_1920, %broadcast_in_dim3A_1921, %select_n3A_1876 : vector<16xi1>, vector<16xf32>
      %eq3A_1923 = arith.constant 3 : i32
      %eq3A_1924 = vector.broadcast %eq3A_1923 : i32 to vector<16xi32>
      %eq3A_1925 = arith.cmpi eq, %add3A_1774, %eq3A_1924 : vector<16xi32>
      %eq3A_1926 = arith.constant 3 : i32
      %eq3A_1927 = vector.broadcast %eq3A_1926 : i32 to vector<16xi32>
      %eq3A_1928 = arith.cmpi eq, %add3A_1785, %eq3A_1927 : vector<16xi32>
      %select_n3A_1929 = arith.select %eq3A_1925, %iota3A_99, %broadcast_in_dim3A_726 : vector<16xi1>, vector<16xi32>
      %reduce_sum3A_1930 = arith.constant true
      %reduce_sum3A_1931 = vector.broadcast %reduce_sum3A_1930 : i1 to vector<16xi1>
      %reduce_sum3A_1932 = tpu.scan <sum>, %select_n3A_1929 masked %reduce_sum3A_1931 : vector<16xi32>, vector<16xi1> -> vector<16xi32>
      %reduce_sum3A_1933 = vector.extract %reduce_sum3A_1932[15] : i32 from vector<16xi32>
      %select_n3A_1934 = arith.select %eq3A_1928, %add3A_731, %broadcast_in_dim3A_726 : vector<16xi1>, vector<16xi32>
      %reduce_sum3A_1935 = arith.constant true
      %reduce_sum3A_1936 = vector.broadcast %reduce_sum3A_1935 : i1 to vector<16xi1>
      %reduce_sum3A_1937 = tpu.scan <sum>, %select_n3A_1934 masked %reduce_sum3A_1936 : vector<16xi32>, vector<16xi1> -> vector<16xi32>
      %reduce_sum3A_1938 = vector.extract %reduce_sum3A_1937[15] : i32 from vector<16xi32>
      %add3A_1939 = arith.addi %reduce_sum3A_1933, %reduce_sum3A_1938 : i32
      %select_n3A_1940 = arith.select %eq3A_1925, %select_n3A_377, %broadcast_in_dim3A_0 : vector<16xi1>, vector<16xf32>
      %reduce_sum3A_1941 = arith.constant true
      %reduce_sum3A_1942 = vector.broadcast %reduce_sum3A_1941 : i1 to vector<16xi1>
      %reduce_sum3A_1943 = tpu.scan <sum>, %select_n3A_1940 masked %reduce_sum3A_1942 : vector<16xf32>, vector<16xi1> -> vector<16xf32>
      %reduce_sum3A_1944 = vector.extract %reduce_sum3A_1943[15] : f32 from vector<16xf32>
      %select_n3A_1945 = arith.select %eq3A_1928, %select_n3A_657, %broadcast_in_dim3A_0 : vector<16xi1>, vector<16xf32>
      %reduce_sum3A_1946 = arith.constant true
      %reduce_sum3A_1947 = vector.broadcast %reduce_sum3A_1946 : i1 to vector<16xi1>
      %reduce_sum3A_1948 = tpu.scan <sum>, %select_n3A_1945 masked %reduce_sum3A_1947 : vector<16xf32>, vector<16xi1> -> vector<16xf32>
      %reduce_sum3A_1949 = vector.extract %reduce_sum3A_1948[15] : f32 from vector<16xf32>
      %add3A_1950 = arith.addf %reduce_sum3A_1944, %reduce_sum3A_1949 : f32
      %mul3A_1951 = arith.constant 5.000000e-01 : f32
      %mul3A_1952 = arith.mulf %mul3A_1951, %reduce_sum3A_724 : f32
      %gt3A_1953 = arith.constant 0.000000e+00 : f32
      %gt3A_1954 = arith.cmpf ogt, %add3A_1950, %gt3A_1953 : f32
      %jit3A_1955 = arith.constant 1.000000e+00 : f32
      %jit3A_1956 = arith.constant 0.000000e+00 : f32
      %select_n3A_1957 = arith.select %gt3A_1954, %jit3A_1955, %jit3A_1956 : f32
      %mul3A_1958 = arith.mulf %mul3A_1952, %select_n3A_1957 : f32
      %eq3A_1959 = arith.constant 3 : i32
      %eq3A_1960 = vector.broadcast %eq3A_1959 : i32 to vector<16xi32>
      %eq3A_1961 = arith.cmpi eq, %iota3A_99, %eq3A_1960 : vector<16xi32>
      %broadcast_in_dim3A_1962 = vector.broadcast %add3A_1939 : i32 to vector<16xi32>
      %select_n3A_1963 = arith.select %eq3A_1961, %broadcast_in_dim3A_1962, %select_n3A_1917 : vector<16xi1>, vector<16xi32>
      %eq3A_1964 = arith.constant 3 : i32
      %eq3A_1965 = vector.broadcast %eq3A_1964 : i32 to vector<16xi32>
      %eq3A_1966 = arith.cmpi eq, %iota3A_99, %eq3A_1965 : vector<16xi32>
      %broadcast_in_dim3A_1967 = vector.broadcast %mul3A_1958 : f32 to vector<16xf32>
      %select_n3A_1968 = arith.select %eq3A_1966, %broadcast_in_dim3A_1967, %select_n3A_1922 : vector<16xi1>, vector<16xf32>
      %eq3A_1969 = arith.constant 4 : i32
      %eq3A_1970 = vector.broadcast %eq3A_1969 : i32 to vector<16xi32>
      %eq3A_1971 = arith.cmpi eq, %add3A_1774, %eq3A_1970 : vector<16xi32>
      %eq3A_1972 = arith.constant 4 : i32
      %eq3A_1973 = vector.broadcast %eq3A_1972 : i32 to vector<16xi32>
      %eq3A_1974 = arith.cmpi eq, %add3A_1785, %eq3A_1973 : vector<16xi32>
      %select_n3A_1975 = arith.select %eq3A_1971, %iota3A_99, %broadcast_in_dim3A_726 : vector<16xi1>, vector<16xi32>
      %reduce_sum3A_1976 = arith.constant true
      %reduce_sum3A_1977 = vector.broadcast %reduce_sum3A_1976 : i1 to vector<16xi1>
      %reduce_sum3A_1978 = tpu.scan <sum>, %select_n3A_1975 masked %reduce_sum3A_1977 : vector<16xi32>, vector<16xi1> -> vector<16xi32>
      %reduce_sum3A_1979 = vector.extract %reduce_sum3A_1978[15] : i32 from vector<16xi32>
      %select_n3A_1980 = arith.select %eq3A_1974, %add3A_731, %broadcast_in_dim3A_726 : vector<16xi1>, vector<16xi32>
      %reduce_sum3A_1981 = arith.constant true
      %reduce_sum3A_1982 = vector.broadcast %reduce_sum3A_1981 : i1 to vector<16xi1>
      %reduce_sum3A_1983 = tpu.scan <sum>, %select_n3A_1980 masked %reduce_sum3A_1982 : vector<16xi32>, vector<16xi1> -> vector<16xi32>
      %reduce_sum3A_1984 = vector.extract %reduce_sum3A_1983[15] : i32 from vector<16xi32>
      %add3A_1985 = arith.addi %reduce_sum3A_1979, %reduce_sum3A_1984 : i32
      %select_n3A_1986 = arith.select %eq3A_1971, %select_n3A_377, %broadcast_in_dim3A_0 : vector<16xi1>, vector<16xf32>
      %reduce_sum3A_1987 = arith.constant true
      %reduce_sum3A_1988 = vector.broadcast %reduce_sum3A_1987 : i1 to vector<16xi1>
      %reduce_sum3A_1989 = tpu.scan <sum>, %select_n3A_1986 masked %reduce_sum3A_1988 : vector<16xf32>, vector<16xi1> -> vector<16xf32>
      %reduce_sum3A_1990 = vector.extract %reduce_sum3A_1989[15] : f32 from vector<16xf32>
      %select_n3A_1991 = arith.select %eq3A_1974, %select_n3A_657, %broadcast_in_dim3A_0 : vector<16xi1>, vector<16xf32>
      %reduce_sum3A_1992 = arith.constant true
      %reduce_sum3A_1993 = vector.broadcast %reduce_sum3A_1992 : i1 to vector<16xi1>
      %reduce_sum3A_1994 = tpu.scan <sum>, %select_n3A_1991 masked %reduce_sum3A_1993 : vector<16xf32>, vector<16xi1> -> vector<16xf32>
      %reduce_sum3A_1995 = vector.extract %reduce_sum3A_1994[15] : f32 from vector<16xf32>
      %add3A_1996 = arith.addf %reduce_sum3A_1990, %reduce_sum3A_1995 : f32
      %mul3A_1997 = arith.constant 5.000000e-01 : f32
      %mul3A_1998 = arith.mulf %mul3A_1997, %reduce_sum3A_724 : f32
      %gt3A_1999 = arith.constant 0.000000e+00 : f32
      %gt3A_2000 = arith.cmpf ogt, %add3A_1996, %gt3A_1999 : f32
      %jit3A_2001 = arith.constant 1.000000e+00 : f32
      %jit3A_2002 = arith.constant 0.000000e+00 : f32
      %select_n3A_2003 = arith.select %gt3A_2000, %jit3A_2001, %jit3A_2002 : f32
      %mul3A_2004 = arith.mulf %mul3A_1998, %select_n3A_2003 : f32
      %eq3A_2005 = arith.constant 4 : i32
      %eq3A_2006 = vector.broadcast %eq3A_2005 : i32 to vector<16xi32>
      %eq3A_2007 = arith.cmpi eq, %iota3A_99, %eq3A_2006 : vector<16xi32>
      %broadcast_in_dim3A_2008 = vector.broadcast %add3A_1985 : i32 to vector<16xi32>
      %select_n3A_2009 = arith.select %eq3A_2007, %broadcast_in_dim3A_2008, %select_n3A_1963 : vector<16xi1>, vector<16xi32>
      %eq3A_2010 = arith.constant 4 : i32
      %eq3A_2011 = vector.broadcast %eq3A_2010 : i32 to vector<16xi32>
      %eq3A_2012 = arith.cmpi eq, %iota3A_99, %eq3A_2011 : vector<16xi32>
      %broadcast_in_dim3A_2013 = vector.broadcast %mul3A_2004 : f32 to vector<16xf32>
      %select_n3A_2014 = arith.select %eq3A_2012, %broadcast_in_dim3A_2013, %select_n3A_1968 : vector<16xi1>, vector<16xf32>
      %eq3A_2015 = arith.constant 5 : i32
      %eq3A_2016 = vector.broadcast %eq3A_2015 : i32 to vector<16xi32>
      %eq3A_2017 = arith.cmpi eq, %add3A_1774, %eq3A_2016 : vector<16xi32>
      %eq3A_2018 = arith.constant 5 : i32
      %eq3A_2019 = vector.broadcast %eq3A_2018 : i32 to vector<16xi32>
      %eq3A_2020 = arith.cmpi eq, %add3A_1785, %eq3A_2019 : vector<16xi32>
      %select_n3A_2021 = arith.select %eq3A_2017, %iota3A_99, %broadcast_in_dim3A_726 : vector<16xi1>, vector<16xi32>
      %reduce_sum3A_2022 = arith.constant true
      %reduce_sum3A_2023 = vector.broadcast %reduce_sum3A_2022 : i1 to vector<16xi1>
      %reduce_sum3A_2024 = tpu.scan <sum>, %select_n3A_2021 masked %reduce_sum3A_2023 : vector<16xi32>, vector<16xi1> -> vector<16xi32>
      %reduce_sum3A_2025 = vector.extract %reduce_sum3A_2024[15] : i32 from vector<16xi32>
      %select_n3A_2026 = arith.select %eq3A_2020, %add3A_731, %broadcast_in_dim3A_726 : vector<16xi1>, vector<16xi32>
      %reduce_sum3A_2027 = arith.constant true
      %reduce_sum3A_2028 = vector.broadcast %reduce_sum3A_2027 : i1 to vector<16xi1>
      %reduce_sum3A_2029 = tpu.scan <sum>, %select_n3A_2026 masked %reduce_sum3A_2028 : vector<16xi32>, vector<16xi1> -> vector<16xi32>
      %reduce_sum3A_2030 = vector.extract %reduce_sum3A_2029[15] : i32 from vector<16xi32>
      %add3A_2031 = arith.addi %reduce_sum3A_2025, %reduce_sum3A_2030 : i32
      %select_n3A_2032 = arith.select %eq3A_2017, %select_n3A_377, %broadcast_in_dim3A_0 : vector<16xi1>, vector<16xf32>
      %reduce_sum3A_2033 = arith.constant true
      %reduce_sum3A_2034 = vector.broadcast %reduce_sum3A_2033 : i1 to vector<16xi1>
      %reduce_sum3A_2035 = tpu.scan <sum>, %select_n3A_2032 masked %reduce_sum3A_2034 : vector<16xf32>, vector<16xi1> -> vector<16xf32>
      %reduce_sum3A_2036 = vector.extract %reduce_sum3A_2035[15] : f32 from vector<16xf32>
      %select_n3A_2037 = arith.select %eq3A_2020, %select_n3A_657, %broadcast_in_dim3A_0 : vector<16xi1>, vector<16xf32>
      %reduce_sum3A_2038 = arith.constant true
      %reduce_sum3A_2039 = vector.broadcast %reduce_sum3A_2038 : i1 to vector<16xi1>
      %reduce_sum3A_2040 = tpu.scan <sum>, %select_n3A_2037 masked %reduce_sum3A_2039 : vector<16xf32>, vector<16xi1> -> vector<16xf32>
      %reduce_sum3A_2041 = vector.extract %reduce_sum3A_2040[15] : f32 from vector<16xf32>
      %add3A_2042 = arith.addf %reduce_sum3A_2036, %reduce_sum3A_2041 : f32
      %mul3A_2043 = arith.constant 5.000000e-01 : f32
      %mul3A_2044 = arith.mulf %mul3A_2043, %reduce_sum3A_724 : f32
      %gt3A_2045 = arith.constant 0.000000e+00 : f32
      %gt3A_2046 = arith.cmpf ogt, %add3A_2042, %gt3A_2045 : f32
      %jit3A_2047 = arith.constant 1.000000e+00 : f32
      %jit3A_2048 = arith.constant 0.000000e+00 : f32
      %select_n3A_2049 = arith.select %gt3A_2046, %jit3A_2047, %jit3A_2048 : f32
      %mul3A_2050 = arith.mulf %mul3A_2044, %select_n3A_2049 : f32
      %eq3A_2051 = arith.constant 5 : i32
      %eq3A_2052 = vector.broadcast %eq3A_2051 : i32 to vector<16xi32>
      %eq3A_2053 = arith.cmpi eq, %iota3A_99, %eq3A_2052 : vector<16xi32>
      %broadcast_in_dim3A_2054 = vector.broadcast %add3A_2031 : i32 to vector<16xi32>
      %select_n3A_2055 = arith.select %eq3A_2053, %broadcast_in_dim3A_2054, %select_n3A_2009 : vector<16xi1>, vector<16xi32>
      %eq3A_2056 = arith.constant 5 : i32
      %eq3A_2057 = vector.broadcast %eq3A_2056 : i32 to vector<16xi32>
      %eq3A_2058 = arith.cmpi eq, %iota3A_99, %eq3A_2057 : vector<16xi32>
      %broadcast_in_dim3A_2059 = vector.broadcast %mul3A_2050 : f32 to vector<16xf32>
      %select_n3A_2060 = arith.select %eq3A_2058, %broadcast_in_dim3A_2059, %select_n3A_2014 : vector<16xi1>, vector<16xf32>
      %eq3A_2061 = arith.constant 6 : i32
      %eq3A_2062 = vector.broadcast %eq3A_2061 : i32 to vector<16xi32>
      %eq3A_2063 = arith.cmpi eq, %add3A_1774, %eq3A_2062 : vector<16xi32>
      %eq3A_2064 = arith.constant 6 : i32
      %eq3A_2065 = vector.broadcast %eq3A_2064 : i32 to vector<16xi32>
      %eq3A_2066 = arith.cmpi eq, %add3A_1785, %eq3A_2065 : vector<16xi32>
      %select_n3A_2067 = arith.select %eq3A_2063, %iota3A_99, %broadcast_in_dim3A_726 : vector<16xi1>, vector<16xi32>
      %reduce_sum3A_2068 = arith.constant true
      %reduce_sum3A_2069 = vector.broadcast %reduce_sum3A_2068 : i1 to vector<16xi1>
      %reduce_sum3A_2070 = tpu.scan <sum>, %select_n3A_2067 masked %reduce_sum3A_2069 : vector<16xi32>, vector<16xi1> -> vector<16xi32>
      %reduce_sum3A_2071 = vector.extract %reduce_sum3A_2070[15] : i32 from vector<16xi32>
      %select_n3A_2072 = arith.select %eq3A_2066, %add3A_731, %broadcast_in_dim3A_726 : vector<16xi1>, vector<16xi32>
      %reduce_sum3A_2073 = arith.constant true
      %reduce_sum3A_2074 = vector.broadcast %reduce_sum3A_2073 : i1 to vector<16xi1>
      %reduce_sum3A_2075 = tpu.scan <sum>, %select_n3A_2072 masked %reduce_sum3A_2074 : vector<16xi32>, vector<16xi1> -> vector<16xi32>
      %reduce_sum3A_2076 = vector.extract %reduce_sum3A_2075[15] : i32 from vector<16xi32>
      %add3A_2077 = arith.addi %reduce_sum3A_2071, %reduce_sum3A_2076 : i32
      %select_n3A_2078 = arith.select %eq3A_2063, %select_n3A_377, %broadcast_in_dim3A_0 : vector<16xi1>, vector<16xf32>
      %reduce_sum3A_2079 = arith.constant true
      %reduce_sum3A_2080 = vector.broadcast %reduce_sum3A_2079 : i1 to vector<16xi1>
      %reduce_sum3A_2081 = tpu.scan <sum>, %select_n3A_2078 masked %reduce_sum3A_2080 : vector<16xf32>, vector<16xi1> -> vector<16xf32>
      %reduce_sum3A_2082 = vector.extract %reduce_sum3A_2081[15] : f32 from vector<16xf32>
      %select_n3A_2083 = arith.select %eq3A_2066, %select_n3A_657, %broadcast_in_dim3A_0 : vector<16xi1>, vector<16xf32>
      %reduce_sum3A_2084 = arith.constant true
      %reduce_sum3A_2085 = vector.broadcast %reduce_sum3A_2084 : i1 to vector<16xi1>
      %reduce_sum3A_2086 = tpu.scan <sum>, %select_n3A_2083 masked %reduce_sum3A_2085 : vector<16xf32>, vector<16xi1> -> vector<16xf32>
      %reduce_sum3A_2087 = vector.extract %reduce_sum3A_2086[15] : f32 from vector<16xf32>
      %add3A_2088 = arith.addf %reduce_sum3A_2082, %reduce_sum3A_2087 : f32
      %mul3A_2089 = arith.constant 5.000000e-01 : f32
      %mul3A_2090 = arith.mulf %mul3A_2089, %reduce_sum3A_724 : f32
      %gt3A_2091 = arith.constant 0.000000e+00 : f32
      %gt3A_2092 = arith.cmpf ogt, %add3A_2088, %gt3A_2091 : f32
      %jit3A_2093 = arith.constant 1.000000e+00 : f32
      %jit3A_2094 = arith.constant 0.000000e+00 : f32
      %select_n3A_2095 = arith.select %gt3A_2092, %jit3A_2093, %jit3A_2094 : f32
      %mul3A_2096 = arith.mulf %mul3A_2090, %select_n3A_2095 : f32
      %eq3A_2097 = arith.constant 6 : i32
      %eq3A_2098 = vector.broadcast %eq3A_2097 : i32 to vector<16xi32>
      %eq3A_2099 = arith.cmpi eq, %iota3A_99, %eq3A_2098 : vector<16xi32>
      %broadcast_in_dim3A_2100 = vector.broadcast %add3A_2077 : i32 to vector<16xi32>
      %select_n3A_2101 = arith.select %eq3A_2099, %broadcast_in_dim3A_2100, %select_n3A_2055 : vector<16xi1>, vector<16xi32>
      %eq3A_2102 = arith.constant 6 : i32
      %eq3A_2103 = vector.broadcast %eq3A_2102 : i32 to vector<16xi32>
      %eq3A_2104 = arith.cmpi eq, %iota3A_99, %eq3A_2103 : vector<16xi32>
      %broadcast_in_dim3A_2105 = vector.broadcast %mul3A_2096 : f32 to vector<16xf32>
      %select_n3A_2106 = arith.select %eq3A_2104, %broadcast_in_dim3A_2105, %select_n3A_2060 : vector<16xi1>, vector<16xf32>
      %swap3A_2107 = arith.constant 0 : index
      %swap3A_2108 = tpu.vector_load %arg18[%swap3A_2107] {strides = array<i32>} : memref<16xi32, #tpu.memory_space<vmem>>, vector<16xi32>,
      tpu.vector_store %arg18[%swap3A_2107], %select_n3A_2101 {strides = array<i32>} : memref<16xi32, #tpu.memory_space<vmem>>, vector<16xi32>,
      "tpu.region"() ({
        %run_scoped3A_2111 = tpu.sem_alloc : memref<!tpu.dma_semaphore, #tpu.memory_space<semaphore_mem>>
        %dma_start3A = arith.constant 0 : i32
        %dma_start3A_2112 = tpu.memref_slice %arg8[%arg0, %dma_start3A] : memref<2x16xi32, #tpu.memory_space<hbm>> -> memref<1x16xi32, #tpu.memory_space<hbm>>
        %dma_start3A_2113 = tpu.memref_squeeze %dma_start3A_2112 : memref<1x16xi32, #tpu.memory_space<hbm>> -> memref<16xi32, #tpu.memory_space<hbm>>
        %dma_start3A_2114 = arith.constant 0 : i32
        %dma_start3A_2115 = tpu.memref_slice %arg8[%arg0, %dma_start3A_2114] : memref<2x16xi32, #tpu.memory_space<hbm>> -> memref<1x16xi32, #tpu.memory_space<hbm>>
        %dma_start3A_2116 = tpu.memref_squeeze %dma_start3A_2115 : memref<1x16xi32, #tpu.memory_space<hbm>> -> memref<16xi32, #tpu.memory_space<hbm>>
        tpu.enqueue_dma source(%arg18 : memref<16xi32, #tpu.memory_space<vmem>>) target(%dma_start3A_2116 : memref<16xi32, #tpu.memory_space<hbm>>) target_semaphore(%run_scoped3A_2111 : memref<!tpu.dma_semaphore, #tpu.memory_space<semaphore_mem>>)
        %dma_wait3A = arith.constant 0 : i32
        %dma_wait3A_2117 = tpu.memref_slice %arg8[%arg0, %dma_wait3A] : memref<2x16xi32, #tpu.memory_space<hbm>> -> memref<1x16xi32, #tpu.memory_space<hbm>>
        %dma_wait3A_2118 = tpu.memref_squeeze %dma_wait3A_2117 : memref<1x16xi32, #tpu.memory_space<hbm>> -> memref<16xi32, #tpu.memory_space<hbm>>
        %dma_wait3A_2119 = arith.constant 0 : i32
        %dma_wait3A_2120 = tpu.memref_slice %arg8[%arg0, %dma_wait3A_2119] : memref<2x16xi32, #tpu.memory_space<hbm>> -> memref<1x16xi32, #tpu.memory_space<hbm>>
        %dma_wait3A_2121 = tpu.memref_squeeze %dma_wait3A_2120 : memref<1x16xi32, #tpu.memory_space<hbm>> -> memref<16xi32, #tpu.memory_space<hbm>>
        tpu.wait_dma2 semaphore(%run_scoped3A_2111 : memref<!tpu.dma_semaphore, #tpu.memory_space<semaphore_mem>>) src(%arg18 : memref<16xi32, #tpu.memory_space<vmem>>) dst(%dma_wait3A_2121 : memref<16xi32, #tpu.memory_space<hbm>>)
        tpu.yield
      }) : () -> ()
      %swap3A_2109 = arith.constant 0 : index
      %swap3A_2110 = tpu.vector_load %arg17[%swap3A_2109] {strides = array<i32>} : memref<16xf32, #tpu.memory_space<vmem>>, vector<16xf32>,
      tpu.vector_store %arg17[%swap3A_2109], %select_n3A_2106 {strides = array<i32>} : memref<16xf32, #tpu.memory_space<vmem>>, vector<16xf32>,
      "tpu.region"() ({
        %run_scoped3A_2111 = tpu.sem_alloc : memref<!tpu.dma_semaphore, #tpu.memory_space<semaphore_mem>>
        %dma_start3A = arith.constant 0 : i32
        %dma_start3A_2112 = tpu.memref_slice %arg9[%arg0, %dma_start3A] : memref<2x16xf32, #tpu.memory_space<hbm>> -> memref<1x16xf32, #tpu.memory_space<hbm>>
        %dma_start3A_2113 = tpu.memref_squeeze %dma_start3A_2112 : memref<1x16xf32, #tpu.memory_space<hbm>> -> memref<16xf32, #tpu.memory_space<hbm>>
        %dma_start3A_2114 = arith.constant 0 : i32
        %dma_start3A_2115 = tpu.memref_slice %arg9[%arg0, %dma_start3A_2114] : memref<2x16xf32, #tpu.memory_space<hbm>> -> memref<1x16xf32, #tpu.memory_space<hbm>>
        %dma_start3A_2116 = tpu.memref_squeeze %dma_start3A_2115 : memref<1x16xf32, #tpu.memory_space<hbm>> -> memref<16xf32, #tpu.memory_space<hbm>>
        tpu.enqueue_dma source(%arg17 : memref<16xf32, #tpu.memory_space<vmem>>) target(%dma_start3A_2116 : memref<16xf32, #tpu.memory_space<hbm>>) target_semaphore(%run_scoped3A_2111 : memref<!tpu.dma_semaphore, #tpu.memory_space<semaphore_mem>>)
        %dma_wait3A = arith.constant 0 : i32
        %dma_wait3A_2117 = tpu.memref_slice %arg9[%arg0, %dma_wait3A] : memref<2x16xf32, #tpu.memory_space<hbm>> -> memref<1x16xf32, #tpu.memory_space<hbm>>
        %dma_wait3A_2118 = tpu.memref_squeeze %dma_wait3A_2117 : memref<1x16xf32, #tpu.memory_space<hbm>> -> memref<16xf32, #tpu.memory_space<hbm>>
        %dma_wait3A_2119 = arith.constant 0 : i32
        %dma_wait3A_2120 = tpu.memref_slice %arg9[%arg0, %dma_wait3A_2119] : memref<2x16xf32, #tpu.memory_space<hbm>> -> memref<1x16xf32, #tpu.memory_space<hbm>>
        %dma_wait3A_2121 = tpu.memref_squeeze %dma_wait3A_2120 : memref<1x16xf32, #tpu.memory_space<hbm>> -> memref<16xf32, #tpu.memory_space<hbm>>
        tpu.wait_dma2 semaphore(%run_scoped3A_2111 : memref<!tpu.dma_semaphore, #tpu.memory_space<semaphore_mem>>) src(%arg17 : memref<16xf32, #tpu.memory_space<vmem>>) dst(%dma_wait3A_2121 : memref<16xf32, #tpu.memory_space<hbm>>)
        tpu.yield
      }) : () -> ()
    } else {
    }
    return
  }
}

module attributes {stable_mosaic.version = 14 : i64} {
  func.func @_upd(%arg0: i32, %arg1: i32, %arg2: memref<2x16xi32, #tpu.memory_space<smem>>, %arg3: memref<2x16xf32, #tpu.memory_space<smem>>, %arg4: memref<1x1x2048x128xf32, #tpu.memory_space<vmem>>, %arg5: memref<1x1x2048xf32, #tpu.memory_space<vmem>>, %arg6: memref<1x32x8x128xf32, #tpu.memory_space<vmem>>, %arg7: memref<1x32x8x128xf32, #tpu.memory_space<vmem>>) attributes {dimension_semantics = [#tpu.dimension_semantics<arbitrary>, #tpu.dimension_semantics<arbitrary>], iteration_bounds = array<i64: 2, 7>, scalar_prefetch = 2 : i64, scratch_operands = 0 : i64, tpu.core_type = #tpu.core_type<tc>, window_params = [{transform_indices = @transform_0, window_bounds = array<i64: 1, 1, 2048, 128>}, {transform_indices = @transform_1, window_bounds = array<i64: 1, 1, 2048>}, {transform_indices = @transform_2, window_bounds = array<i64: 1, 32, 8, 128>}, {transform_indices = @transform_3, window_bounds = array<i64: 1, 32, 8, 128>}]} {
    %eq3A = arith.constant 0 : i32
    %eq3A_0 = arith.cmpi eq, %arg1, %eq3A : i32
    %convert_element_type3A = arith.extui %eq3A_0 : i1 to i32
    %cond3A = arith.constant 0 : i32
    %cond3A_1 = arith.cmpi ne, %convert_element_type3A, %cond3A : i32
    scf.if %cond3A_1 {
      %get3A_32 = arith.constant 0 : index
      %get3A_33 = arith.constant 0 : index
      %get3A_34 = arith.constant 0 : index
      %get3A_35 = arith.constant 0 : index
      %get3A_36 = vector.load %arg6[%get3A_32, %get3A_33, %get3A_34, %get3A_35] : memref<1x32x8x128xf32, #tpu.memory_space<vmem>>, vector<1x32x8x128xf32>
      %swap3A_37 = arith.constant 0 : index
      %swap3A_38 = arith.constant 0 : index
      %swap3A_39 = arith.constant 0 : index
      %swap3A_40 = arith.constant 0 : index
      %swap3A_41 = vector.load %arg7[%swap3A_37, %swap3A_38, %swap3A_39, %swap3A_40] : memref<1x32x8x128xf32, #tpu.memory_space<vmem>>, vector<1x32x8x128xf32>
      tpu.vector_store %arg7[%swap3A_37, %swap3A_38, %swap3A_39, %swap3A_40], %get3A_36 {strides = array<i32>} : memref<1x32x8x128xf32, #tpu.memory_space<vmem>>, vector<1x32x8x128xf32>,
    } else {
    }
    %get3A = arith.constant 0 : index
    %get3A_2 = arith.constant 0 : index
    %get3A_3 = arith.constant 0 : index
    %get3A_4 = vector.load %arg5[%get3A, %get3A_2, %get3A_3] : memref<1x1x2048xf32, #tpu.memory_space<vmem>>, vector<1x1x2048xf32>
    %get3A_5 = vector.shape_cast %get3A_4 : vector<1x1x2048xf32> to vector<1x2048xf32>
    %get3A_6 = arith.constant 0 : index
    %get3A_7 = arith.constant 0 : index
    %get3A_8 = arith.constant 0 : index
    %get3A_9 = arith.constant 0 : index
    %get3A_10 = vector.load %arg4[%get3A_6, %get3A_7, %get3A_8, %get3A_9] : memref<1x1x2048x128xf32, #tpu.memory_space<vmem>>, vector<1x1x2048x128xf32>
    %get3A_11 = vector.shape_cast %get3A_10 : vector<1x1x2048x128xf32> to vector<2048x128xf32>
    %dot_general3A = arith.constant dense<0.000000e+00> : vector<1x128xf32>
    %dot_general3A_12 = tpu.matmul %get3A_5, %get3A_11, %dot_general3A {dimension_numbers = #tpu.dot_dimension_numbers<[1], [0], [0], [1], [0, 0, 1, 1], [], []>, transpose_lhs_hint = false} : vector<1x2048xf32>, vector<2048x128xf32>, vector<1x128xf32> -> vector<1x128xf32>
    %get3A_13 = arith.index_cast %arg0 : i32 to index
    %get3A_14 = arith.index_cast %arg1 : i32 to index
    %get3A_15 = memref.load %arg3[%get3A_13, %get3A_14] : memref<2x16xf32, #tpu.memory_space<smem>>
    %get3A_16 = arith.index_cast %arg0 : i32 to index
    %get3A_17 = arith.index_cast %arg1 : i32 to index
    %get3A_18 = memref.load %arg2[%get3A_16, %get3A_17] : memref<2x16xi32, #tpu.memory_space<smem>>
    %get3A_19 = arith.constant 0 : index
    %get3A_20 = arith.index_cast %get3A_18 : i32 to index
    %get3A_21 = arith.constant 7 : index
    %get3A_22 = arith.constant 0 : index
    %get3A_23 = vector.load %arg7[%get3A_19, %get3A_20, %get3A_21, %get3A_22] : memref<1x32x8x128xf32, #tpu.memory_space<vmem>>, vector<1x1x1x128xf32>
    %get3A_24 = vector.shape_cast %get3A_23 : vector<1x1x1x128xf32> to vector<1x128xf32>
    %mul3A = vector.broadcast %get3A_15 : f32 to vector<1x128xf32>
    %mul3A_25 = arith.mulf %mul3A, %dot_general3A_12 : vector<1x128xf32>
    %add3A = arith.addf %get3A_24, %mul3A_25 : vector<1x128xf32>
    %swap3A = arith.constant 0 : index
    %swap3A_26 = arith.index_cast %get3A_18 : i32 to index
    %swap3A_27 = arith.constant 7 : index
    %swap3A_28 = arith.constant 0 : index
    %swap3A_29 = vector.load %arg7[%swap3A, %swap3A_26, %swap3A_27, %swap3A_28] : memref<1x32x8x128xf32, #tpu.memory_space<vmem>>, vector<1x1x1x128xf32>
    %swap3A_30 = vector.shape_cast %swap3A_29 : vector<1x1x1x128xf32> to vector<1x128xf32>
    %swap3A_31 = vector.shape_cast %add3A : vector<1x128xf32> to vector<1x1x1x128xf32>
    tpu.vector_store %arg7[%swap3A, %swap3A_26, %swap3A_27, %swap3A_28], %swap3A_31 {strides = array<i32>} : memref<1x32x8x128xf32, #tpu.memory_space<vmem>>, vector<1x1x1x128xf32>,
    return
  }
  func.func @transform_0(%arg0: i32, %arg1: i32, %arg2: memref<2x16xi32, #tpu.memory_space<smem>>, %arg3: memref<2x16xf32, #tpu.memory_space<smem>>) -> (i32, i32, i32, i32) {
    %get3A = arith.index_cast %arg0 : i32 to index
    %get3A_0 = arith.index_cast %arg1 : i32 to index
    %get3A_1 = memref.load %arg2[%get3A, %get3A_0] : memref<2x16xi32, #tpu.memory_space<smem>>
    %c0_i32 = arith.constant 0 : i32
    %c0_i32_2 = arith.constant 0 : i32
    %c0_i32_3 = arith.constant 0 : i32
    return %arg0, %get3A_1, %c0_i32, %c0_i32_2 : i32, i32, i32, i32
  }
  func.func @transform_1(%arg0: i32, %arg1: i32, %arg2: memref<2x16xi32, #tpu.memory_space<smem>>, %arg3: memref<2x16xf32, #tpu.memory_space<smem>>) -> (i32, i32, i32) {
    %c0_i32 = arith.constant 0 : i32
    %c0_i32_0 = arith.constant 0 : i32
    %c0_i32_1 = arith.constant 0 : i32
    return %arg0, %c0_i32, %c0_i32_0 : i32, i32, i32
  }
  func.func @transform_2(%arg0: i32, %arg1: i32, %arg2: memref<2x16xi32, #tpu.memory_space<smem>>, %arg3: memref<2x16xf32, #tpu.memory_space<smem>>) -> (i32, i32, i32, i32) {
    %c0_i32 = arith.constant 0 : i32
    %c255_i32 = arith.constant 255 : i32
    %c0_i32_0 = arith.constant 0 : i32
    %c0_i32_1 = arith.constant 0 : i32
    return %arg0, %c0_i32, %c255_i32, %c0_i32_0 : i32, i32, i32, i32
  }
  func.func @transform_3(%arg0: i32, %arg1: i32, %arg2: memref<2x16xi32, #tpu.memory_space<smem>>, %arg3: memref<2x16xf32, #tpu.memory_space<smem>>) -> (i32, i32, i32, i32) {
    %c0_i32 = arith.constant 0 : i32
    %c255_i32 = arith.constant 255 : i32
    %c0_i32_0 = arith.constant 0 : i32
    %c0_i32_1 = arith.constant 0 : i32
    return %arg0, %c0_i32, %c255_i32, %c0_i32_0 : i32, i32, i32, i32
  }
}

module attributes {stable_mosaic.version = 14 : i64} {
  func.func @_copy(%arg0: i32, %arg1: memref<16384x128xf32, #tpu.memory_space<vmem>>, %arg2: memref<16384x128xf32, #tpu.memory_space<vmem>>) attributes {dimension_semantics = [#tpu.dimension_semantics<arbitrary>], iteration_bounds = array<i64: 8>, scalar_prefetch = 0 : i64, scratch_operands = 0 : i64, tpu.core_type = #tpu.core_type<tc>, window_params = [{transform_indices = @transform_0, window_bounds = array<i64: 16384, 128>}, {transform_indices = @transform_1, window_bounds = array<i64: 16384, 128>}]} {
    %get3A = arith.constant 0 : index
    %get3A_0 = arith.constant 0 : index
    %get3A_1 = vector.load %arg1[%get3A, %get3A_0] : memref<16384x128xf32, #tpu.memory_space<vmem>>, vector<16384x128xf32>
    %swap3A = arith.constant 0 : index
    %swap3A_2 = arith.constant 0 : index
    %swap3A_3 = vector.load %arg2[%swap3A, %swap3A_2] : memref<16384x128xf32, #tpu.memory_space<vmem>>, vector<16384x128xf32>
    tpu.vector_store %arg2[%swap3A, %swap3A_2], %get3A_1 {strides = array<i32>} : memref<16384x128xf32, #tpu.memory_space<vmem>>, vector<16384x128xf32>,
    return
  }
  func.func @transform_0(%arg0: i32) -> (i32, i32) {
    %c0_i32 = arith.constant 0 : i32
    %c0_i32_0 = arith.constant 0 : i32
    return %arg0, %c0_i32 : i32, i32
  }
  func.func @transform_1(%arg0: i32) -> (i32, i32) {
    %c0_i32 = arith.constant 0 : i32
    %c0_i32_0 = arith.constant 0 : i32
    return %arg0, %c0_i32 : i32, i32
  }
}

</mosaic_0001>

<sc_bundles>
// kernel: kernel.5.cloned.1.call-start
scs
__scs_entry_jumppad:
0x0: {  	(pc) =	sbr.rel $0x88, $3  }
0x1: {  	(tag) =	ssettag $0x0;
	lr =	simm.s32 $0x1  }
0x2: {  	[smem:$0x3F9A] =	sst lr;
	_ =	strace $0xD0000000  }
0x3: {  	_ = 	snop  }
0x4: {  	_ = 	snop  }
0x5: {  	_ = 	snop  }
0x6: {  	_ = 	snop  }
0x7: {  	_ = 	snop  }
__scs_overlays_trampoline_lowered:
0x8: {  	[smem:$0x3FA9] =	sst s0  }
0x9: {  	[smem:$0x3FAA] =	sst s1  }
0xa: {  	[smem:$0x3FAB] =	sst s2  }
0xb: {  	[smem:$0x3FAC] =	sst s3  }
0xc: {  	[smem:$0x3FAD] =	sst s4  }
0xd: {  	[smem:$0x3FAE] =	sst s5  }
0xe: {  	[smem:$0x3FAF] =	sst s6  }
0xf: {  	[smem:$0x3FB0] =	sst s7  }
0x10: {  	[smem:$0x3FB1] =	sst s8  }
0x11: {  	[smem:$0x3FB2] =	sst s9;
	s0 =	simm.s32 @!p0 $0x0  }
0x12: {  	s1 =	sld [smem:$0x3F98];
	s0 =	simm.s32 @p0 $0x1  }
0x13: {  	[smem:$0x3FB3] =	sst s0;
	s0 =	simm.s32 @!p1 $0x0  }
0x14: {  	s2 =	sld [smem:$0x3F97];
	s0 =	simm.s32 @p1 $0x1  }
0x15: {  	[smem:$0x3FB4] =	sst s0;
	s0 =	simm.s32 @!p2 $0x0  }
0x16: {  	s3 =	sld [smem:$0x3FDB];
	s0 =	simm.s32 @p2 $0x1  }
0x17: {  	s4 =	simm.s32 $0x1BF5;
	[smem:$0x3FB6] =	sst s0  }
0x18: {  	s0 =	sld [smem:$0x3F99];
	_ =	swait.ge [sflag:s4], $0x0  }
0x19: {  	s7 =	sld [smem:$0x3F9A]  }
0x1a: {  	s8 =	sadd.s32 $0xFFFFE003, lr  }
0x1b: {  	s9 =	sadd.s32 $0xFFFFFEF7, lr;
	s5 =	simm.s32 $0xFFFFFFFF;
	p2 =	slt.u32 s8, $0xFFFFF086  }
0x1c: {  	p1 =	slt.u32 s9, $0xF7A;
	s5 =	simm.s32 @!p2 $0x0  }
0x1d: {  	s5 =	simm.s32 @p1 $0x1;
	p0 =	seq.s32 s7, s2  }
0x1e: {  	s7 =	smul.u32 @!p0 $0xF7A, s2;
	p2 =	seq.s32 @!p0 s5, $0x0  }
0x1f: {  	s9 =	smul.u32 $0xF7A, s1;
	s8 =	simm.s32 @!p0 $0x1BF5;
	p2 =	por !p2, p0  }
0x20: {  	[sflag:s8] =	ssyncset.s32 @!p0 $0xFFFFF086;
	s6 =	sadd.s32 @!p0 s3, s7;
	s7 =	simm.s32 @!p0 $0x108  }
0x21: {  	s3 =	sadd.s32 s3, s9;
	s6 =	sadd.s32 @!p0 $0x88, s6;
	s7 =	simm.s32 @p2 $0x1082  }
0x22: {  	[simem:s7], [sflag:s8] =	dma.local @!p0 [hbm:s6], $0xF7A  }
0x23: {  	s9 =	sor.u32 $0xD0000000, s2;
	s6 =	simm.s32 $0x108;
	_ =	swait.ge @!p0 [sflag:s8], $0x0  }
0x24: {  	s3 =	sadd.s32 $0x88, s3;
	s6 =	simm.s32 @!p1 $0x1082;
	[sflag:s4] =	ssyncset.s32 $0xFFFFF086  }
0x25: {  	[simem:s6], [sflag:s4] =	dma.local [hbm:s3], $0xF7A  }
0x26: {  	[smem:$0x3F9A] =	sst s1;
	(tag) =	ssettag s2;
	_ =	strace s9  }
0x27: {  	s1 =	sld [smem:$0x3FAA]  }
0x28: {  	s2 =	sld [smem:$0x3FAB]  }
0x29: {  	s4 =	sld [smem:$0x3FAD]  }
0x2a: {  	p0 =	seq.s32 s5, $0x0;
	s5 =	sld [smem:$0x3FAE]  }
0x2b: {  	s6 =	sld [smem:$0x3FAF]  }
0x2c: {  	s7 =	sld [smem:$0x3FB0]  }
0x2d: {  	s3 =	simm.s32 $0x108;
	s8 =	sld [smem:$0x3FB1]  }
0x2e: {  	s3 =	simm.s32 @!p0 $0x1082;
	s9 =	sld [smem:$0x3FB2]  }
0x2f: {  	lr =	sadd.s32 s0, s3;
	s0 =	sld [smem:$0x3FA9]  }
0x30: {  	s3 =	sld [smem:$0x3FAC]  }
0x31: {  	[smem:$0x3FB5] =	sst s10  }
0x32: {  	s10 =	sld [smem:$0x3FB3];
	_ =	sdelay $0x3  }
0x33: {  	p0 =	seq.s32 s10, $0x1;
	s10 =	sld [smem:$0x3FB5];
	_ =	sdelay $0x3  }
0x34: {  	[smem:$0x3FB5] =	sst s10  }
0x35: {  	s10 =	sld [smem:$0x3FB4];
	_ =	sdelay $0x3  }
0x36: {  	p1 =	seq.s32 s10, $0x1;
	s10 =	sld [smem:$0x3FB5];
	_ =	sdelay $0x3  }
0x37: {  	[smem:$0x3FB5] =	sst s10  }
0x38: {  	s10 =	sld [smem:$0x3FB6]  }
0x39: {  	_ = 	snop;
	(pc) =	sbr.ind lr, $3  }
0x3a: {  	_ = 	snop  }
0x3b: {  	_ = 	snop  }
0x3c: {  	p2 =	seq.s32 s10, $0x1;
	s10 =	sld [smem:$0x3FB5]  }
0x3d: {  	_ =	shalt  }
0x3e: {  	_ =	shalt  }
0x3f: {  	_ =	shalt  }
0x40: {  	_ =	shalt  }
0x41: {  	_ =	shalt  }
0x42: {  	_ =	shalt  }
0x43: {  	_ =	shalt  }
0x44: {  	_ =	shalt  }
0x45: {  	_ =	shalt  }
0x46: {  	_ =	shalt  }
0x47: {  	_ =	shalt  }
0x48: {  	_ =	shalt  }
0x49: {  	_ =	shalt  }
0x4a: {  	_ =	shalt  }
0x4b: {  	_ =	shalt  }
0x4c: {  	_ =	shalt  }
0x4d: {  	_ =	shalt  }
0x4e: {  	_ =	shalt  }
0x4f: {  	_ =	shalt  }
0x50: {  	_ =	shalt  }
0x51: {  	_ =	shalt  }
0x52: {  	_ =	shalt  }
0x53: {  	_ =	shalt  }
0x54: {  	_ =	shalt  }
0x55: {  	_ =	shalt  }
0x56: {  	_ =	shalt  }
0x57: {  	_ =	shalt  }
0x58: {  	_ =	shalt  }
0x59: {  	_ =	shalt  }
0x5a: {  	_ =	shalt  }
0x5b: {  	_ =	shalt  }
0x5c: {  	_ =	shalt  }
0x5d: {  	_ =	shalt  }
0x5e: {  	_ =	shalt  }
0x5f: {  	_ =	shalt  }
0x60: {  	_ =	shalt  }
0x61: {  	_ =	shalt  }
0x62: {  	_ =	shalt  }
0x63: {  	_ =	shalt  }
0x64: {  	_ =	shalt  }
0x65: {  	_ =	shalt  }
0x66: {  	_ =	shalt  }
0x67: {  	_ =	shalt  }
0x68: {  	_ =	shalt  }
0x69: {  	_ =	shalt  }
0x6a: {  	_ =	shalt  }
0x6b: {  	_ =	shalt  }
0x6c: {  	_ =	shalt  }
0x6d: {  	_ =	shalt  }
0x6e: {  	_ =	shalt  }
0x6f: {  	_ =	shalt  }
0x70: {  	_ =	shalt  }
0x71: {  	_ =	shalt  }
0x72: {  	_ =	shalt  }
0x73: {  	_ =	shalt  }
0x74: {  	_ =	shalt  }
0x75: {  	_ =	shalt  }
0x76: {  	_ =	shalt  }
0x77: {  	_ =	shalt  }
0x78: {  	_ =	shalt  }
0x79: {  	_ =	shalt  }
0x7a: {  	_ =	shalt  }
0x7b: {  	_ =	shalt  }
0x7c: {  	_ =	shalt  }
0x7d: {  	_ =	shalt  }
0x7e: {  	_ =	shalt  }
0x7f: {  	_ =	shalt  }
0x80: {  	_ =	shalt  }
0x81: {  	_ =	shalt  }
0x82: {  	_ =	shalt  }
0x83: {  	_ =	shalt  }
0x84: {  	_ =	shalt  }
0x85: {  	_ =	shalt  }
0x86: {  	_ =	shalt  }
0x87: {  	_ =	shalt  }
.Lfunc_end0:
.L_simem_size_0:
called_computation_lowered:
.L_overlay_start_0:
0x88: {  	s2 =	sld [smem:$0x3FD9]  }
0x89: {  	s3 =	sld [smem:$0x3FFE];
	_ =	sdelay $0x1  }
0x8a: {  	s1 =	srdreg.scid  }
0x8b: {  	s0 =	sand.u32 $0x1, s1  }
0x8c: {  	s17 =	sshll.u32 s0, $0xA;
	s2 =	sadd.s32 s3, s2  }
0x8d: {  	s2 =	sadd.s32 s2, s17  }
0x8e: {  	[smem:$0x3FC1] =	sst s2  }
0x8f: {  	_ = 	snop  }
0x90: {  	s2 =	sld [smem:$0x3FC7]  }
0x91: {  	s18 =	sld [smem:$0x3FC6]  }
0x92: {  	s4 =	sld [smem:$0x3FC5]  }
0x93: {  	s5 =	sld [smem:$0x3FC4];
	(tm) =	ssettm $0x1  }
0x94: {  	s6 =	sld [smem:$0x3FFB];
	_ =	sdelay $0x3  }
0x95: {  	_ =	strace s6  }
0x96: {  	s6 =	sld [smem:$0x3FFC];
	_ =	sdelay $0x3  }
0x97: {  	_ =	strace s6  }
0x98: {  	s6 =	sld [smem:$0x3FFD];
	_ =	sdelay $0x3  }
0x99: {  	_ =	strace s6  }
0x9a: {  	_ =	strace $0x8FFFFFFF  }
0x9b: {  	s19 =	sld [smem:$0x3FDB];
	_ =	sdelay $0x1  }
0x9c: {  	s7 =	simm.s32 $_scs_section_size  }
0x9d: {  	s8 =	simm.s32 $_size__tile_overlayer_lowered;
	s9 =	simm.s32 $_tile_overlayer_lowered  }
0x9e: {  	s22 =	simm.s32 $0x1BFF;
	s21 =	sshll.u32 s9, $0x1;
	s6 =	sadd.s32 s7, s19  }
0x9f: {  	s10 =	simm.s32 $0x0;
	s20 =	sshll.u32 s8, $0x1;
	s8 =	sadd.s32 s21, s6  }
0xa0: {  	[timem:s10], [sflag:s22] =	dma.local [hbm:s8], s20  }
0xa1: {  	_ =	swait.ge [sflag:s22], s20  }
0xa2: {  	s7 =	ssub.s32 $0x0, s20;
	[sflag:s22] =	ssyncset.done $0x0  }
0xa3: {  	[sflag:s22] =	ssyncadd.s32 s7;
	_ =	sdelay $0x1  }
0xa4: {  	s23 =	simm.s32 $0x1B8B  }
0xa5: {  	_ =	swait.ge [sflag:s23], $0x1  }
0xa6: {  	[sflag:s23] =	ssyncset.done $0x0  }
0xa7: {  	s25 =	simm.s32 $0x1B8E;
	s24 =	sld [smem:$0x3FFE];
	[sflag:s23] =	ssyncadd.s32 $0xFFFFFFFF  }
0xa8: {  	s26 =	simm.s32 $execute0_lowered;
	[smem:$0x3FD2] =	sst s25  }
0xa9: {  	s8 =	sshll.u32 s26, $0x1;
	_ =	strace $0x80000046;
	[dreg:$0x1] =	wrdreg $0xFFFFFFFF  }
0xaa: {  	s28 =	simm.s32 $_size_execute0_lowered;
	s6 =	sadd.s32 s6, s8;
	[dreg:$0x0] =	wrdreg $0x0  }
0xab: {  	s8 =	sshll.u32 s28, $0x1;
	[dreg:$0x2] =	wrdreg s6  }
0xac: {  	[dreg:$0x3] =	wrdreg s8  }
0xad: {  	[dreg:$0x4] =	wrdreg $0xC0  }
0xae: {  	_ =	task [dreg:s10], $0x5FFFF  }
0xaf: {  	[dreg:$0x1] =	wrdreg $0xFFFFFFFF  }
0xb0: {  	[dreg:$0x0] =	wrdreg $0x60  }
0xb1: {  	[dreg:$0x2] =	wrdreg s2  }
0xb2: {  	[dreg:$0x3] =	wrdreg s18  }
0xb3: {  	[dreg:$0x4] =	wrdreg s4  }
0xb4: {  	[dreg:$0x5] =	wrdreg s5  }
0xb5: {  	[dreg:$0x6] =	wrdreg s24  }
0xb6: {  	[dreg:$0x7] =	wrdreg $0x39800  }
0xb7: {  	[dreg:$0x8] =	wrdreg $0x39900  }
0xb8: {  	[dreg:$0x9] =	wrdreg $0x39000  }
0xb9: {  	[dreg:$0xa] =	wrdreg $0x9  }
0xba: {  	_ =	task.clear_ibuf [dreg:s10], $0xBFFFF;
	_ =	strace $0x90000046  }
0xbb: {  	s29 =	simm.s32 $0x9;
	_ =	strace $0x80000048  }
0xbc: {  	_ =	swait.ge [sflag:s29], $0x1  }
0xbd: {  	[sflag:s29] =	ssyncadd.s32 $0xFFFFFFFF  }
0xbe: {  	_ =	strace $0x90000048  }
0xbf: {  	_ =	sfence  }
0xc0: {  	s30 =	sld [smem:$0x0];
	_ =	sdelay $0x2  }
0xc1: {  	s31 =	sshll.u32 s1, $0xD;
	s1 =	sshrl.u32 s1, $0x2  }
0xc2: {  	s3 =	sand.u32 $0x4000, s31;
	s1 =	sadd.s32 s1, s30  }
0xc3: {  	s0 =	sor.u32 s3, s0;
	s1 =	sshll.u32 s1, $0x11  }
0xc4: {  	s0 =	sor.u32 s1, s0  }
0xc5: {  	s0 =	sadd.s32 $0x8F2B, s0  }
0xc6: {  	[sflag:s0] =	ssyncadd.remote.s32 $0x1  }
0xc7: {  	_ =	sfence.sel $0xFFFF  }
0xc8: {  	[dreg:$0x0] =	wrdreg $0xFFFFFFFF;
	(pc) =	sbr.abs _section_cstart, $3  }
0xc9: {  	[dreg:$0x1] =	wrdreg $0xFFFFFFFF  }
0xca: {  	_ =	task.clear_ibuf [dreg:s10], $0x2FFFF;
	_ =	strace $0x9FFFFFFF  }
0xcb: {  	(tm) =	ssettm $0x7FFFFFFF  }
tec
execute0_lowered:
.L_overlay_start_1:
0x0: {  	(tag) =	ssettag $0x1  }
0x1: {  	s4 =	rddreg [dreg:$0x0]  }
0x2: {  	s5 =	rddreg [dreg:$0x1]  }
0x3: {  	s8 =	rddreg [dreg:$0x2]  }
0x4: {  	s9 =	rddreg [dreg:$0x3]  }
0x5: {  	s0 =	rddreg [dreg:$0x4]  }
0x6: {  	s1 =	rddreg [dreg:$0x5]  }
0x7: {  	s3 =	rddreg [dreg:$0x6]  }
0x8: {  	s26 =	rddreg [dreg:$0x7];
	s6 =	simm.s32 $0x0;
	vm1 =	vmmov $0x3;
	v0 =	vimm.s32 $0x0  }
0x9: {  	[smem:$0x7FF] =	sst s6;
	v0 =	vsel vm1, $0xFFFFFFFF, v0  }
0xa: {  	s2 =	srdreg.scid;
	s14 =	stileid.u32;
	vm1 =	vmmov $0x7;
	_ =	strace $0x80000047;
	[tilespmem:$0x1FF10] =	vst v0;
	v0 =	vimm.s32 $0x0  }
0xb: {  	s10 =	sand.u32 $0x1, s2;
	s28 =	sshll.u32 s14, $0x9;
	s29 =	sshll.u32 s14, $0x5;
	v0 =	vsel vm1, $0xFFFFFFFF, v0  }
0xc: {  	s15 =	sadd.s32 $0xFFFFFFFF, s14;
	p1 =	seq.s32 s14, $0x1;
	s16 =	sadd.s32 $0x280, s1;
	vm1 =	vmmov $0xf;
	[tilespmem:$0x1FF20] =	vst v0;
	v0 =	vimm.s32 $0x0  }
0xd: {  	s17 =	sadd.s32 $0x300, s1;
	s18 =	sadd.s32 $0x380, s1;
	[dreg:$0x12] =	wrdreg s16;
	v0 =	vsel vm1, $0xFFFFFFFF, v0  }
0xe: {  	s19 =	sadd.s32 $0x400, s1;
	p0 =	sne.s32 s14, $0x0;
	[dreg:$0x13] =	wrdreg s17;
	vm1 =	vmmov $0x1f;
	[tilespmem:$0x1FF30] =	vst v0;
	v0 =	vimm.s32 $0x0  }
0xf: {  	s20 =	sadd.s32 $0x480, s1;
	s22 =	sadd.s32 $0x500, s1;
	[dreg:$0x14] =	wrdreg s18;
	v0 =	vsel vm1, $0xFFFFFFFF, v0  }
0x10: {  	s11 =	sshll.u32 s10, $0x4;
	s23 =	ssub.s32 $0x2, s10;
	[dreg:$0x15] =	wrdreg s19;
	vm1 =	vmmov $0x3f;
	[tilespmem:$0x1FF40] =	vst v0;
	v0 =	vimm.s32 $0x0  }
0x11: {  	s10 =	sshll.u32 s10, $0xD;
	s12 =	sand.u32 $0x1800, s28;
	[dreg:$0x16] =	wrdreg s20;
	v0 =	vsel vm1, $0xFFFFFFFF, v0  }
0x12: {  	[dreg:$0x19] =	wrdreg s22;
	s16 =	simm.s32 $0x3800;
	s17 =	simm.s32 $0x0;
	vm1 =	vmmov $0x7f;
	[tilespmem:$0x1FF50] =	vst v0;
	v0 =	vimm.s32 $0x0  }
0x13: {  	s24 =	sadd.s32 s11, s0;
	s25 =	sshrl.u32 s23, $0x1;
	s4 =	sadd.s32 s4, s11;
	v0 =	vsel vm1, $0xFFFFFFFF, v0  }
0x14: {  	s6 =	sadd.s32 s5, s11;
	s10 =	sor.u32 s10, s12;
	s5 =	sand.u32 $0x60, s29;
	vm1 =	vmmov $0xff;
	[tilespmem:$0x1FF60] =	vst v0;
	v0 =	vimm.s32 $0x0  }
0x15: {  	s12 =	sadd.s32 $0x180, s1;
	s29 =	sadd.s32 $0x700, s1;
	[dreg:$0x9] =	wrdreg s4;
	v0 =	vsel vm1, $0xFFFFFFFF, v0  }
0x16: {  	s0 =	ssub.s32 s23, s25;
	s7 =	sadd.s32 $0xC00, s24;
	[dreg:$0x10] =	wrdreg s12;
	vm1 =	vmmov $0x1ff;
	[tilespmem:$0x1FF70] =	vst v0;
	v0 =	vimm.s32 $0x0  }
0x17: {  	s13 =	sadd.s32 $0xE00, s24;
	s4 =	sshrl.u32 s28, $0x2;
	[dreg:$0xa] =	wrdreg s6;
	v0 =	vsel vm1, $0xFFFFFFFF, v0  }
0x18: {  	s5 =	sor.u32 s5, s10;
	s10 =	sadd.s32 $0x80, s1;
	[dreg:$0x1d] =	wrdreg s29;
	vm1 =	vmmov $0x3ff;
	[tilespmem:$0x1FF80] =	vst v0;
	v0 =	vimm.s32 $0x0  }
0x19: {  	s21 =	sadd.s32 $0x1000, s24;
	s2 =	sadd.s32 $0x1200, s24;
	[dreg:$0xb] =	wrdreg s13;
	v0 =	vsel vm1, $0xFFFFFFFF, v0  }
0x1a: {  	s23 =	sadd.s32 $0x580, s1;
	s24 =	sadd.s32 $0x600, s1;
	[dreg:$0xe] =	wrdreg s10;
	vm1 =	vmmov $0x7ff;
	[tilespmem:$0x1FF90] =	vst v0;
	v0 =	vimm.s32 $0x0  }
0x1b: {  	s28 =	sadd.s32 $0x680, s1;
	s12 =	simm.s32 $0x3000;
	[dreg:$0x17] =	wrdreg s21;
	v0 =	vsel vm1, $0xFFFFFFFF, v0  }
0x1c: {  	s30 =	sadd.s32 s4, s3;
	s9 =	sadd.s32 s9, s5;
	[dreg:$0x18] =	wrdreg s2;
	vm1 =	vmmov $0xfff;
	[tilespmem:$0x1FFA0] =	vst v0;
	v0 =	vimm.s32 $0x0  }
0x1d: {  	s5 =	sadd.s32 s8, s11;
	s25 =	sadd.s32 s4, s1;
	[dreg:$0x1a] =	wrdreg s23;
	v0 =	vsel vm1, $0xFFFFFFFF, v0  }
0x1e: {  	s11 =	sadd.s32 $0x100, s1;
	s13 =	sadd.s32 $0x200, s1;
	[dreg:$0x1b] =	wrdreg s24;
	vm1 =	vmmov $0x1fff;
	[tilespmem:$0x1FFB0] =	vst v0;
	v0 =	vimm.s32 $0x0  }
0x1f: {  	v3 =	vimm.s32 $0x0;
	s14 =	smax.u32 s0, $0x1;
	[dreg:$0x1c] =	wrdreg s28;
	s4 =	simm.s32 $0x100;
	v0 =	vsel vm1, $0xFFFFFFFF, v0;
	vm1 =	vmmov $0x3fff  }
0x20: {  	s31 =	sadd.s32 $0xFFFFFF80, s30;
	s8 =	sadd.s32 $0x10, s9;
	[dreg:$0xf] =	wrdreg s11;
	v3 =	vsel vm1, $0xFFFFFFFF, v3  }
.Ltmp0:
0x21: {  	[dreg:$0x11] =	wrdreg s13;
	s5 =	smov.u32 @p1 s6;
	vm1 =	vmmov $0x7fff;
	[tilespmem:$0x1FFD0] =	vst v3;
	v3 =	vimm.s32 $0x0;
	(pc) =	sbr.rel .LBB2_1-.Ltmp0, $4  }
0x22: {  	p1 =	sgt.u32 s15, $0x1;
	s30 =	sadd.s32 $0x780, s1;
	[dreg:$0xd] =	wrdreg s31;
	v3 =	vsel vm1, $0xFFFFFFFF, v3  }
0x23: {  	vm0 =	vmmov $0x1;
	s11 =	simm.s32 $0x80;
	s13 =	simm.s32 $0x400;
	[dreg:$0xc] =	wrdreg s5;
	[tilespmem:$0x1FFE0] =	vst v3;
	v3 =	vimm.s32 $0x0  }
0x24: {  	vm2 =	vcmask $0x300;
	vm3 =	vcmask $0x704;
	s15 =	simm.s32 $0x2800;
	[dreg:$0x1e] =	wrdreg s30;
	s31 =	sadd.s32 $0x80, s3;
	[tilespmem:$0x1FFC0] =	vst v0;
	v3 =	vsel vm0, $0xFFFFFFFF, v3  }
0x25: {  	v1 =	vlaneseq.u32;
	v2 =	vimm.f32 $0.0e+00;
	s5 =	simm.s32 $0x1;
	s3 =	simm.s32 $0x1000;
	[dreg:$0x1f] =	wrdreg s31;
	v0 =	vimm.s32 $0x0;
	[tilespmem:$0x1FFF0] =	vst v3  }
.LBB2_30:
0x26: {  	s17 =	sadd.s32 $0x1, s17  }
0x27: {  	p2 =	sne.s32 s17, s14  }
.Ltmp1:
0x28: {  	_ = 	snop;
	(pc) =	sbr.rel @!p2 .LBB2_31-.Ltmp1, $1  }
0x29: {  	_ =	sdelay $0x3  }
.LBB2_1:
.Ltmp2:
0x2a: {  	(pc) =	sbr.rel @!p0 .LBB2_2-.Ltmp2, $1  }
0x2b: {  	_ =	sdelay $0x3  }
.Ltmp3:
0x2c: {  	(pc) =	sbr.rel @p1 .LBB2_23-.Ltmp3, $1  }
0x2d: {  	_ =	sdelay $0x3  }
0x2e: {  	s0 =	simm.s32 $0x0;
	s1 =	rddreg [dreg:$0xc]  }
0x2f: {  	[tilespmem:s0], [sflag:$0x1] =	stream.strided.gather [hbm4b:s1+s11], $0x800, s4, s11, $0x38;
	[tilespmem:$0x3998] =	vst v63  }
0x30: {  	_ =	swait.ge [sflag:s5], $0x800  }
0x31: {  	[sflag:s5] =	ssyncset.done $0x0  }
0x32: {  	s0 =	simm.s32 $0x0;
	[sflag:s5] =	ssyncadd.s32 $0xFFFFF800  }
0x33: {  	v5 =	vld [tilespmem:s0+$0x0]  }
0x34: {  	v3 =	vimm.f32 $0.0e+00;
	s2 =	simm.s32 $0x40;
	v4 =	vimm.f32 $0.0e+00  }
.LBB2_13:
0x35: {  	p2 =	sne.s32 s2, $0x1FC0  }
.Ltmp4:
0x36: {  	_ = 	snop;
	(pc) =	sbr.rel @p2 .LBB2_13-.Ltmp4, $4  }
0x37: {  	_ = 	snop  }
0x38: {  	s18 =	sshra.s32 s2, $0x2;
	s2 =	sadd.s32 $0x40, s2;
	v3 =	vadd.f32 v5, v3;
	v6 =	vmul.f32 v5, v5  }
0x39: {  	v5 =	vld [tilespmem:s18+$0x0]  }
0x3a: {  	v4 =	vadd.f32 v6, v4  }
0x3b: {  	_ =	sdelay $0x2  }
0x3c: {  	v6 =	vmul.f32 v5, v5  }
0x3d: {  	v3 =	vadd.f32 v5, v3  }
0x3e: {  	s2 =	simm.s32 $0x40;
	v7 =	vld [tilespmem:s0+$0x0];
	v5 =	vimm.f32 $3.000000010e+38;
	v4 =	vadd.f32 v6, v4;
	v6 =	vimm.f32 $-3.000000010e+38  }
.LBB2_15:
0x3f: {  	p2 =	sne.s32 s2, $0x1FC0  }
.Ltmp5:
0x40: {  	_ = 	snop;
	(pc) =	sbr.rel @p2 .LBB2_15-.Ltmp5, $3  }
0x41: {  	_ =	sdelay $0x1  }
0x42: {  	s0 =	sshra.s32 s2, $0x2;
	s2 =	sadd.s32 $0x40, s2;
	v5 =	vmin.f32 v5, v7;
	v6 =	vmax.f32 v6, v7  }
0x43: {  	v7 =	vld [tilespmem:s0+$0x0]  }
0x44: {  	_ =	sdelay $0x3  }
0x45: {  	v5 =	vmin.f32 v5, v7  }
0x46: {  	v6 =	vmax.f32 v6, v7;
	(xrf0) =	vmin.scan.msk.f32 $0xffff, v5  }
0x47: {  	(xrf0) =	vmax.scan.msk.f32 $0xffff, v6;
	_ =	sdelay $0x4  }
0x48: {  	v5, _, _ =	vpop (xrf0)  }
0x49: {  	(v2sf) =	vpush v5, $0xF;
	v5, _, _ =	vpop (xrf0)  }
0x4a: {  	(v2sf) =	vpush v5, $0xF;
	_ =	sdelay $0xd  }
0x4b: {  	s18 =	spop (v2sf)  }
0x4c: {  	s0 =	spop (v2sf)  }
0x4d: {  	s2 =	sadd.f32 $1.000000000e+00, s0;
	s0 =	simm.s32 $0x0  }
.LBB2_17:
0x4e: {  	s20 =	simm.s32 $0x0  }
0x4f: {  	s19 =	sadd.f32 s2, s18;
	v6 =	vld [tilespmem:s20+$0x0];
	_ =	sdelay $0x1  }
0x50: {  	v9 =	vld [tilespmem:s20+$0x10];
	s19 =	smul.f32 $5.000000000e-01, s19;
	_ =	sdelay $0x1  }
0x51: {  	v7 =	vld [tilespmem:s20+$0x20];
	v5 =	vmov s19  }
0x52: {  	vm1 =	vge.f32 v6, v5  }
0x53: {  	v8 =	vimm.f32 $0.0e+00;
	v6 =	vld [tilespmem:s20+$0x30];
	v10 =	vsel vm1, $0x3F800000, v2  }
0x54: {  	s21 =	simm.s32 $0x200;
	s20 =	simm.s32 $0x40;
	vm1 =	vge.f32 v9, v5;
	v8 =	vadd.f32 v10, v8  }
.LBB2_18:
0x55: {  	p2 =	sne.s32 s21, $0x1F00;
	v9 =	vld [tilespmem:s20+$0x0];
	v10 =	vsel vm1, $0x3F800000, v2  }
0x56: {  	v8 =	vadd.f32 v10, v8;
	vm1 =	vge.f32 v7, v5  }
0x57: {  	v10 =	vld [tilespmem:s20+$0x10];
	v7 =	vsel vm1, $0x3F800000, v2  }
.Ltmp6:
0x58: {  	v8 =	vadd.f32 v7, v8;
	vm1 =	vge.f32 v6, v5;
	(pc) =	sbr.rel @p2 .LBB2_18-.Ltmp6, $4  }
0x59: {  	v7 =	vld [tilespmem:s20+$0x20];
	v6 =	vsel vm1, $0x3F800000, v2  }
0x5a: {  	vm1 =	vge.f32 v9, v5;
	v8 =	vadd.f32 v6, v8  }
0x5b: {  	v9 =	vsel vm1, $0x3F800000, v2;
	v6 =	vld [tilespmem:s20+$0x30]  }
0x5c: {  	s20 =	sshra.s32 s21, $0x2;
	s21 =	sadd.s32 $0x100, s21;
	v8 =	vadd.f32 v9, v8;
	vm1 =	vge.f32 v10, v5  }
0x5d: {  	v9 =	vld [tilespmem:s20+$0x0];
	v10 =	vsel vm1, $0x3F800000, v2  }
0x5e: {  	v8 =	vadd.f32 v10, v8;
	vm1 =	vge.f32 v7, v5  }
0x5f: {  	v7 =	vld [tilespmem:s20+$0x10];
	v61 =	vsel vm1, $0x3F800000, v2  }
0x60: {  	v8 =	vadd.f32 v61, v8;
	vm1 =	vge.f32 v6, v5  }
0x61: {  	v6 =	vld [tilespmem:s20+$0x20];
	v62 =	vsel vm1, $0x3F800000, v2  }
0x62: {  	vm1 =	vge.f32 v9, v5;
	v8 =	vadd.f32 v62, v8  }
0x63: {  	v63 =	vld [tilespmem:s20+$0x30];
	v9 =	vsel vm1, $0x3F800000, v2  }
0x64: {  	vm1 =	vge.f32 v7, v5;
	v8 =	vadd.f32 v9, v8  }
0x65: {  	v7 =	vsel vm1, $0x3F800000, v2  }
0x66: {  	vm1 =	vge.f32 v6, v5;
	v7 =	vadd.f32 v7, v8  }
0x67: {  	v6 =	vsel vm1, $0x3F800000, v2  }
0x68: {  	vm1 =	vge.f32 v63, v5;
	v6 =	vadd.f32 v6, v7  }
0x69: {  	v5 =	vsel vm1, $0x3F800000, v2  }
0x6a: {  	v5 =	vadd.f32 v5, v6;
	_ =	sdelay $0x1  }
0x6b: {  	(xrf2) =	vadd.scan.msk.f32 $0xffff, v5;
	_ =	sdelay $0x9  }
0x6c: {  	v5, _, _ =	vpop (xrf2)  }
0x6d: {  	(v2sf) =	vpush v5, $0xF;
	_ =	sdelay $0xe  }
0x6e: {  	s31 =	spop (v2sf)  }
0x6f: {  	p2 =	sge.f32 s31, $4.100000000e+02  }
0x70: {  	s0 =	sadd.s32 $0x1, s0  }
0x71: {  	s18 =	smov.u32 @p2 s19;
	s19 =	smov.u32 @p2 s2;
	p2 =	seq.s32 s0, $0x18  }
.Ltmp7:
0x72: {  	_ = 	snop;
	(pc) =	sbr.rel @!p2 .LBB2_17-.Ltmp7, $2  }
0x73: {  	_ =	sdelay $0x2  }
0x74: {  	s2 =	smov.u32 s19  }
0x75: {  	s2 =	simm.s32 $0x0  }
0x76: {  	v8 =	vld [tilespmem:s2+$0x0]  }
0x77: {  	v6 =	vmov s18;
	v5 =	vimm.f32 $0.0e+00;
	s0 =	simm.s32 $0x40;
	v7 =	vimm.f32 $0.0e+00  }
.LBB2_21:
0x78: {  	p2 =	sne.s32 s0, $0x1FC0  }
.Ltmp8:
0x79: {  	_ = 	snop;
	(pc) =	sbr.rel @p2 .LBB2_21-.Ltmp8, $4  }
0x7a: {  	_ = 	snop  }
0x7b: {  	s2 =	sshra.s32 s0, $0x2;
	s0 =	sadd.s32 $0x40, s0;
	vm1 =	vgt.f32 v8, v6  }
0x7c: {  	v9 =	vnsel vm1, $0x0, v8;
	v8 =	vld [tilespmem:s2+$0x0];
	v10 =	vsel vm1, $0x3F800000, v2  }
0x7d: {  	v5 =	vadd.f32 v9, v5;
	v7 =	vadd.f32 v10, v7  }
0x7e: {  	(xrf2) =	vadd.scan.msk.f32 $0xffff, v3  }
0x7f: {  	(xrf2) =	vadd.scan.msk.f32 $0xffff, v4;
	_ =	sdelay $0x8  }
0x80: {  	v3, _, _ =	vpop (xrf2)  }
0x81: {  	(v2sf) =	vpush v3, $0xF;
	v3, _, _ =	vpop (xrf2)  }
0x82: {  	(v2sf) =	vpush v3, $0xF;
	_ =	sdelay $0xd  }
0x83: {  	s0 =	spop (v2sf)  }
0x84: {  	s0 =	smul.f32 $4.882812500e-04, s0;
	s2 =	spop (v2sf)  }
0x85: {  	s2 =	smul.f32 $4.882812500e-04, s2  }
0x86: {  	s19 =	smul.f32 s0, s0;
	_ =	sdelay $0x1  }
0x87: {  	s2 =	ssub.f32 s2, s19;
	_ =	sdelay $0x1  }
0x88: {  	s2 =	smax.f32 s2, $0.0e+00  }
0x89: {  	v3 =	vmov s2  }
0x8a: {  	v3 =	vmax.f32 v3, $1.000000000e-30  }
0x8b: {  	v59 =	vshra.s32 v3, $0x1;
	v3 =	vmul.f32 $5.000000000e-01, v3  }
0x8c: {  	v4 =	vsub.s32 $0x5F3759DF, v59  }
0x8d: {  	v9 =	vmul.f32 v4, v3;
	_ =	sdelay $0x1  }
0x8e: {  	v9 =	vmul.f32 v4, v9;
	_ =	sdelay $0x1  }
0x8f: {  	v9 =	vsub.f32 $1.500000000e+00, v9;
	_ =	sdelay $0x1  }
0x90: {  	v4 =	vmul.f32 v4, v9;
	_ =	sdelay $0x1  }
0x91: {  	v9 =	vmul.f32 v4, v3;
	_ =	sdelay $0x1  }
0x92: {  	v9 =	vmul.f32 v9, v4;
	_ =	sdelay $0x1  }
0x93: {  	v9 =	vsub.f32 $1.500000000e+00, v9;
	_ =	sdelay $0x1  }
0x94: {  	v4 =	vmul.f32 v9, v4;
	_ =	sdelay $0x1  }
0x95: {  	v9 =	vmul.f32 v4, v3;
	_ =	sdelay $0x1  }
0x96: {  	v9 =	vmul.f32 v9, v4;
	_ =	sdelay $0x1  }
0x97: {  	v9 =	vsub.f32 $1.500000000e+00, v9;
	_ =	sdelay $0x1  }
0x98: {  	v4 =	vmul.f32 v9, v4;
	_ =	sdelay $0x1  }
0x99: {  	v3 =	vmul.f32 v4, v3;
	_ =	sdelay $0x1  }
0x9a: {  	v3 =	vmul.f32 v3, v4;
	_ =	sdelay $0x1  }
0x9b: {  	v3 =	vsub.f32 $1.500000000e+00, v3;
	_ =	sdelay $0x1  }
0x9c: {  	v3 =	vmul.f32 v3, v4;
	_ =	sdelay $0x1  }
0x9d: {  	v3 =	vmul.f32 s2, v3;
	_ =	sdelay $0x1  }
0x9e: {  	v3 =	vnsel vm0, $0x0, v3  }
0x9f: {  	(xrf2) =	vadd.scan.msk.f32 $0xffff, v3;
	_ =	sdelay $0x9  }
0xa0: {  	v3, _, _ =	vpop (xrf2)  }
0xa1: {  	(v2sf) =	vpush v3, $0xF;
	_ =	sdelay $0xe  }
0xa2: {  	vm1 =	vgt.f32 v8, v6;
	s24 =	spop (v2sf)  }
0xa3: {  	v3 =	vnsel vm1, $0x0, v8;
	s2 =	sadd.f32 $9.999999970e-07, s24  }
0xa4: {  	v60 =	vsel vm1, $0x3F800000, v2;
	v3 =	vadd.f32 v3, v5  }
0xa5: {  	v4 =	vadd.f32 v60, v7;
	v61 =	vmov s2  }
0xa6: {  	(xrf2) =	vadd.scan.msk.f32 $0xffff, v3;
	(erf) = vrcp.f32 v61  }
0xa7: {  	(xrf2) =	vadd.scan.msk.f32 $0xffff, v4;
	_ =	sdelay $0x7  }
0xa8: {  	v3 =	vpop (erf)  }
0xa9: {  	v62, _, _ =	vpop (xrf2);
	v3 =	vnsel vm0, $0x0, v3  }
0xaa: {  	(v2sf) =	vpush v62, $0xF;
	v63, _, _ =	vpop (xrf2);
	(xrf2) =	vadd.scan.msk.f32 $0xffff, v3  }
0xab: {  	(v2sf) =	vpush v63, $0xF;
	_ =	sdelay $0x8  }
0xac: {  	v3, _, _ =	vpop (xrf2)  }
0xad: {  	(v2sf) =	vpush v3, $0xF;
	_ =	sdelay $0x3  }
0xae: {  	s28 =	spop (v2sf)  }
0xaf: {  	s29 =	spop (v2sf)  }
0xb0: {  	s19 =	ssub.f32 $4.100000000e+02, s29;
	_ =	sdelay $0x1  }
0xb1: {  	s18 =	smul.f32 s19, s18;
	_ =	sdelay $0x1  }
0xb2: {  	s2 =	sadd.f32 s18, s28;
	_ =	sdelay $0x1  }
0xb3: {  	s2 =	smul.f32 $2.439024390e-03, s2;
	_ =	sdelay $0x1  }
0xb4: {  	s0 =	ssub.f32 s2, s0  }
0xb5: {  	s30 =	spop (v2sf)  }
0xb6: {  	s0 =	smul.f32 s0, s30;
	_ =	sdelay $0x1  }
0xb7: {  	v3 =	vmov s0  }
0xb8: {  	s31 =	rddreg [dreg:$0xd];
	[tilespmem:$0x3800] =	vst v3  }
0xb9: {  	[spmem:s31] =	stream.linear.scatter [tilespmem:s16], [sflag:$0x1], $0x80, $0x38;
	[tilespmem:$0x3998] =	vst v63  }
0xba: {  	_ =	swait.ge [sflag:s5], $0x80  }
0xbb: {  	[sflag:s5] =	ssyncset.done $0x0  }
0xbc: {  	[sflag:s5] =	ssyncadd.s32 $0xFFFFFF80  }
.LBB2_23:
.Ltmp9:
0xbd: {  	[bflag:$0x0] =	sbarrier.arrive $0xFFFF;
	(pc) =	sbr.rel .LBB2_24-.Ltmp9, $4  }
0xbe: {  	[tilespmem:s3], [sflag:$0x1] =	stream.strided.gather [hbm4b:s7+s11], $0x800, s4, s11, $0x38;
	[tilespmem:$0x3998] =	vst v63  }
0xbf: {  	_ =	swait.ge [sflag:s5], $0x800  }
0xc0: {  	[sflag:s5] =	ssyncset.done $0x0  }
0xc1: {  	[sflag:s5] =	ssyncadd.s32 $0xFFFFF800  }
.LBB2_2:
0xc2: {  	s0 =	simm.s32 $0x0;
	s1 =	rddreg [dreg:$0x9]  }
0xc3: {  	[tilespmem:s0], [sflag:$0x1] =	stream.strided.gather [hbm4b:s1+s11], $0x800, s4, s11, $0x38;
	[tilespmem:$0x3998] =	vst v63  }
0xc4: {  	_ =	swait.ge [sflag:s5], $0x800  }
0xc5: {  	[sflag:s5] =	ssyncset.done $0x0  }
0xc6: {  	s31 =	simm.s32 $0x800;
	s30 =	rddreg [dreg:$0xa];
	[sflag:s5] =	ssyncadd.s32 $0xFFFFF800  }
0xc7: {  	[tilespmem:s31], [sflag:$0x1] =	stream.strided.gather [hbm4b:s30+s11], $0x800, s4, s11, $0x38;
	[tilespmem:$0x3998] =	vst v63  }
0xc8: {  	_ =	swait.ge [sflag:s5], $0x800  }
0xc9: {  	[sflag:s5] =	ssyncset.done $0x0  }
0xca: {  	[sflag:s5] =	ssyncadd.s32 $0xFFFFF800  }
0xcb: {  	[tilespmem:s3], [sflag:$0x1] =	stream.strided.gather [hbm4b:s7+s11], $0x800, s4, s11, $0x38;
	[tilespmem:$0x3998] =	vst v63  }
0xcc: {  	_ =	swait.ge [sflag:s5], $0x800  }
0xcd: {  	[sflag:s5] =	ssyncset.done $0x0  }
0xce: {  	s0 =	simm.s32 $0x0;
	[sflag:s5] =	ssyncadd.s32 $0xFFFFF800  }
0xcf: {  	v6 =	vld [tilespmem:s0+$0x0]  }
0xd0: {  	v3 =	vimm.f32 $0.0e+00;
	s2 =	simm.s32 $0x40;
	v4 =	vimm.f32 $0.0e+00;
	v5 =	vimm.f32 $0.0e+00  }
.LBB2_3:
0xd1: {  	p2 =	sne.s32 s2, $0x1FC0  }
.Ltmp10:
0xd2: {  	_ = 	snop;
	(pc) =	sbr.rel @p2 .LBB2_3-.Ltmp10, $4  }
0xd3: {  	_ = 	snop  }
0xd4: {  	s18 =	sshra.s32 s2, $0x2;
	s2 =	sadd.s32 $0x40, s2;
	v4 =	vadd.f32 v6, v4;
	v7 =	vmul.f32 v6, v6  }
0xd5: {  	v6 =	vld [tilespmem:s18+$0x0]  }
0xd6: {  	v5 =	vadd.f32 v7, v5  }
0xd7: {  	_ =	sdelay $0x2  }
0xd8: {  	v7 =	vmul.f32 v6, v6;
	_ =	sdelay $0x1  }
0xd9: {  	v7 =	vadd.f32 v7, v5;
	v5 =	vld [tilespmem:s0+$0x800]  }
0xda: {  	s2 =	simm.s32 $0x40;
	v6 =	vadd.f32 v6, v4;
	v4 =	vimm.f32 $0.0e+00  }
.LBB2_5:
0xdb: {  	p2 =	sne.s32 s2, $0x1FC0  }
.Ltmp11:
0xdc: {  	_ = 	snop;
	(pc) =	sbr.rel @p2 .LBB2_5-.Ltmp11, $4  }
0xdd: {  	_ = 	snop  }
0xde: {  	s0 =	sshra.s32 s2, $0x2;
	s2 =	sadd.s32 $0x40, s2;
	v3 =	vadd.f32 v5, v3;
	v8 =	vmul.f32 v5, v5  }
0xdf: {  	v5 =	vld [tilespmem:s0+$0x800]  }
0xe0: {  	v4 =	vadd.f32 v8, v4  }
0xe1: {  	(xrf2) =	vadd.scan.msk.f32 $0xffff, v6  }
0xe2: {  	(xrf2) =	vadd.scan.msk.f32 $0xffff, v7;
	_ =	sdelay $0x8  }
0xe3: {  	v6, _, _ =	vpop (xrf2)  }
0xe4: {  	(v2sf) =	vpush v6, $0xF;
	v6, _, _ =	vpop (xrf2)  }
0xe5: {  	(v2sf) =	vpush v6, $0xF;
	_ =	sdelay $0xd  }
0xe6: {  	s0 =	spop (v2sf)  }
0xe7: {  	s0 =	smul.f32 $4.882812500e-04, s0;
	s2 =	spop (v2sf)  }
0xe8: {  	s2 =	smul.f32 $4.882812500e-04, s2  }
0xe9: {  	s18 =	smul.f32 s0, s0;
	_ =	sdelay $0x1  }
0xea: {  	s2 =	ssub.f32 s2, s18;
	_ =	sdelay $0x1  }
0xeb: {  	s2 =	smax.f32 s2, $0.0e+00  }
0xec: {  	v6 =	vmov s2  }
0xed: {  	v6 =	vmax.f32 v6, $1.000000000e-30  }
0xee: {  	v7 =	vshra.s32 v6, $0x1;
	v6 =	vmul.f32 $5.000000000e-01, v6  }
0xef: {  	v7 =	vsub.s32 $0x5F3759DF, v7  }
0xf0: {  	v8 =	vmul.f32 v7, v6;
	_ =	sdelay $0x1  }
0xf1: {  	v8 =	vmul.f32 v7, v8;
	_ =	sdelay $0x1  }
0xf2: {  	v8 =	vsub.f32 $1.500000000e+00, v8;
	_ =	sdelay $0x1  }
0xf3: {  	v7 =	vmul.f32 v7, v8;
	_ =	sdelay $0x1  }
0xf4: {  	v8 =	vmul.f32 v7, v6;
	_ =	sdelay $0x1  }
0xf5: {  	v8 =	vmul.f32 v8, v7;
	_ =	sdelay $0x1  }
0xf6: {  	v8 =	vsub.f32 $1.500000000e+00, v8;
	_ =	sdelay $0x1  }
0xf7: {  	v7 =	vmul.f32 v8, v7;
	_ =	sdelay $0x1  }
0xf8: {  	v8 =	vmul.f32 v7, v6;
	_ =	sdelay $0x1  }
0xf9: {  	v8 =	vmul.f32 v8, v7;
	_ =	sdelay $0x1  }
0xfa: {  	v8 =	vsub.f32 $1.500000000e+00, v8;
	_ =	sdelay $0x1  }
0xfb: {  	v7 =	vmul.f32 v8, v7;
	_ =	sdelay $0x1  }
0xfc: {  	v6 =	vmul.f32 v7, v6;
	_ =	sdelay $0x1  }
0xfd: {  	v6 =	vmul.f32 v6, v7;
	_ =	sdelay $0x1  }
0xfe: {  	v6 =	vsub.f32 $1.500000000e+00, v6;
	_ =	sdelay $0x1  }
0xff: {  	v6 =	vmul.f32 v6, v7;
	_ =	sdelay $0x1  }
0x100: {  	v6 =	vmul.f32 s2, v6  }
0x101: {  	v7 =	vmul.f32 v5, v5  }
0x102: {  	v3 =	vadd.f32 v5, v3;
	v5 =	vnsel vm0, $0x0, v6  }
0x103: {  	v4 =	vadd.f32 v7, v4;
	(xrf2) =	vadd.scan.msk.f32 $0xffff, v5  }
0x104: {  	(xrf2) =	vadd.scan.msk.f32 $0xffff, v3  }
0x105: {  	(xrf2) =	vadd.scan.msk.f32 $0xffff, v4;
	_ =	sdelay $0x7  }
0x106: {  	v3, _, _ =	vpop (xrf2)  }
0x107: {  	v4, _, _ =	vpop (xrf2);
	(v2sf) =	vpush v3, $0xF  }
0x108: {  	(v2sf) =	vpush v4, $0xF;
	v3, _, _ =	vpop (xrf2)  }
0x109: {  	(v2sf) =	vpush v3, $0xF;
	_ =	sdelay $0xc  }
0x10a: {  	s29 =	spop (v2sf)  }
0x10b: {  	s30 =	spop (v2sf)  }
0x10c: {  	s2 =	smul.f32 $4.882812500e-04, s30;
	s19 =	spop (v2sf)  }
0x10d: {  	s19 =	smul.f32 $4.882812500e-04, s19  }
0x10e: {  	s20 =	smul.f32 s2, s2;
	_ =	sdelay $0x1  }
0x10f: {  	s19 =	ssub.f32 s19, s20;
	_ =	sdelay $0x1  }
0x110: {  	s19 =	smax.f32 s19, $0.0e+00  }
0x111: {  	v3 =	vmov s19  }
0x112: {  	v3 =	vmax.f32 v3, $1.000000000e-30  }
0x113: {  	v4 =	vshra.s32 v3, $0x1;
	v3 =	vmul.f32 $5.000000000e-01, v3  }
0x114: {  	v4 =	vsub.s32 $0x5F3759DF, v4  }
0x115: {  	v5 =	vmul.f32 v4, v3;
	_ =	sdelay $0x1  }
0x116: {  	v5 =	vmul.f32 v4, v5;
	_ =	sdelay $0x1  }
0x117: {  	v5 =	vsub.f32 $1.500000000e+00, v5;
	_ =	sdelay $0x1  }
0x118: {  	v4 =	vmul.f32 v4, v5;
	_ =	sdelay $0x1  }
0x119: {  	v5 =	vmul.f32 v4, v3;
	_ =	sdelay $0x1  }
0x11a: {  	v5 =	vmul.f32 v5, v4;
	_ =	sdelay $0x1  }
0x11b: {  	v5 =	vsub.f32 $1.500000000e+00, v5;
	_ =	sdelay $0x1  }
0x11c: {  	v4 =	vmul.f32 v5, v4;
	_ =	sdelay $0x1  }
0x11d: {  	v5 =	vmul.f32 v4, v3;
	_ =	sdelay $0x1  }
0x11e: {  	v5 =	vmul.f32 v5, v4;
	_ =	sdelay $0x1  }
0x11f: {  	v5 =	vsub.f32 $1.500000000e+00, v5;
	_ =	sdelay $0x1  }
0x120: {  	v4 =	vmul.f32 v5, v4;
	_ =	sdelay $0x1  }
0x121: {  	v3 =	vmul.f32 v4, v3;
	_ =	sdelay $0x1  }
0x122: {  	v3 =	vmul.f32 v3, v4;
	_ =	sdelay $0x1  }
0x123: {  	v3 =	vsub.f32 $1.500000000e+00, v3;
	_ =	sdelay $0x1  }
0x124: {  	v3 =	vmul.f32 v3, v4;
	_ =	sdelay $0x1  }
0x125: {  	v3 =	vmul.f32 s19, v3;
	_ =	sdelay $0x1  }
0x126: {  	v3 =	vnsel vm0, $0x0, v3  }
0x127: {  	(xrf2) =	vadd.scan.msk.f32 $0xffff, v3;
	_ =	sdelay $0x4  }
0x128: {  	s18 =	sadd.f32 $9.999999970e-07, s29;
	_ =	sdelay $0x1  }
0x129: {  	v4 =	vmov s18  }
0x12a: {  	(erf) = vrcp.f32 v4;
	_ =	sdelay $0x1  }
0x12b: {  	v3, _, _ =	vpop (xrf2)  }
0x12c: {  	(v2sf) =	vpush v3, $0xF;
	_ =	sdelay $0x5  }
0x12d: {  	v3 =	vpop (erf)  }
0x12e: {  	v3 =	vnsel vm0, $0x0, v3  }
0x12f: {  	(xrf2) =	vadd.scan.msk.f32 $0xffff, v3;
	_ =	sdelay $0x4  }
0x130: {  	s23 =	simm.s32 $0x0  }
0x131: {  	v3 =	vld [tilespmem:s23+$0x0]  }
0x132: {  	s31 =	spop (v2sf)  }
0x133: {  	s18 =	sadd.f32 $9.999999970e-07, s31;
	_ =	sdelay $0x1  }
0x134: {  	s22 =	simm.s32 $0x10;
	v7 =	vmov s0;
	v5, _, _ =	vpop (xrf2);
	v4 =	vmov s18  }
0x135: {  	s21 =	simm.s32 $0x20;
	v3 =	vsub.f32 v3, v7;
	v6 =	vbroadcast v5, $0xF;
	(erf) = vrcp.f32 v4;
	v4 =	vld [tilespmem:s22+$0x0]  }
0x136: {  	v5 =	vld [tilespmem:s21+$0x0]  }
0x137: {  	v3 =	vmul.f32 v3, v6;
	_ =	sdelay $0x1  }
0x138: {  	v3 =	vsub.f32 $0.0e+00, v3  }
0x139: {  	v4 =	vsub.f32 v4, v7  }
0x13a: {  	v5 =	vsub.f32 v5, v7;
	v3 =	vmul.f32 $1.442695020e+00, v3  }
0x13b: {  	s20 =	simm.s32 $0x30;
	v4 =	vmul.f32 v4, v6  }
0x13c: {  	(erf) = vpow2.f32 v3;
	v3 =	vmul.f32 v5, v6;
	v5 =	vld [tilespmem:s20+$0x0]  }
0x13d: {  	v8 =	vpop (erf);
	v4 =	vsub.f32 $0.0e+00, v4  }
0x13e: {  	v8 =	vnsel vm0, $0x0, v8  }
0x13f: {  	(xrf2) =	vadd.scan.msk.f32 $0xffff, v8;
	v4 =	vmul.f32 $1.442695020e+00, v4;
	_ =	sdelay $0x1  }
0x140: {  	v3 =	vsub.f32 $0.0e+00, v3;
	(erf) = vpow2.f32 v4;
	v4 =	vsub.f32 v5, v7;
	_ =	sdelay $0x1  }
0x141: {  	v3 =	vmul.f32 $1.442695020e+00, v3;
	_ =	sdelay $0x1  }
0x142: {  	s18 =	simm.s32 $0x40;
	(erf) = vpow2.f32 v3;
	v3 =	vmul.f32 v4, v6;
	v4 =	vpop (erf)  }
0x143: {  	v5 =	vld [tilespmem:s18+$0x0];
	v10 =	vadd.f32 $1.000000000e+00, v4;
	_ =	sdelay $0x1  }
0x144: {  	v8 =	vld [tilespmem:s23+$0x800];
	v11 =	vsub.f32 $0.0e+00, v3;
	(erf) = vrcp.f32 v10  }
0x145: {  	v9, _, _ =	vpop (xrf2)  }
0x146: {  	v11 =	vmul.f32 $1.442695020e+00, v11;
	v3 =	vbroadcast v9, $0xF;
	v9 =	vpop (erf)  }
0x147: {  	s19 =	simm.s32 $0x50;
	v5 =	vsub.f32 v5, v7;
	v9 =	vadd.f32 $1.000000000e+00, v9  }
0x148: {  	v4 =	vmov s2;
	v10 =	vld [tilespmem:s19+$0x0];
	(erf) = vpow2.f32 v11  }
0x149: {  	v14 =	vsub.f32 v8, v4;
	v12 =	vmul.f32 v5, v6;
	(erf) = vrcp.f32 v9  }
0x14a: {  	v8 =	vld [tilespmem:s22+$0x800]  }
0x14b: {  	s0 =	simm.s32 $0x180;
	v5 =	vimm.f32 $0.0e+00;
	v13 =	vsub.f32 $0.0e+00, v12;
	v11 =	vpop (erf);
	v12 =	vmul.f32 v14, v3;
	v9 =	vld [tilespmem:s23+$0x1000]  }
.LBB2_7:
0x14c: {  	s2 =	sshra.s32 s0, $0x2  }
0x14d: {  	v14 =	vsub.f32 v10, v7;
	v13 =	vmul.f32 $1.442695020e+00, v13;
	v12 =	vmax.f32 v12, $0.0e+00;
	v15 =	vpop (erf);
	s24 =	smov.u32 s20;
	s20 =	smov.u32 s18;
	p2 =	sne.s32 s0, $0x1FC0  }
.Ltmp12:
0x14e: {  	s0 =	sadd.s32 $0x40, s0;
	v11 =	vadd.f32 $1.000000000e+00, v11;
	v10 =	vld [tilespmem:s2+$0x0];
	v12 =	vmul.f32 v15, v12;
	(pc) =	sbr.rel @p2 .LBB2_7-.Ltmp12, $4  }
0x14f: {  	s18 =	smov.u32 s19;
	s19 =	smov.u32 s2;
	v14 =	vmul.f32 v14, v6;
	(erf) = vpow2.f32 v13;
	v15 =	vsub.f32 v8, v4  }
0x150: {  	v8 =	vld [tilespmem:s21+$0x800];
	(erf) = vrcp.f32 v11;
	v16 =	vmul.f32 v12, v9  }
0x151: {  	v13 =	vsub.f32 $0.0e+00, v14;
	v12 =	vmul.f32 v15, v3;
	v9 =	vld [tilespmem:s22+$0x1000]  }
0x152: {  	v11 =	vpop (erf);
	[tilespmem:s23+$0x1800] =	vst v16;
	v5 =	vadd.f32 v16, v5;
	s23 =	smov.u32 s22;
	s22 =	smov.u32 s21;
	s21 =	smov.u32 s24  }
0x153: {  	v7 =	vsub.f32 v10, v7;
	_ =	sdelay $0x1  }
0x154: {  	v6 =	vmul.f32 v7, v6  }
0x155: {  	v41 =	vmul.f32 $1.442695020e+00, v13  }
0x156: {  	v42 =	vmax.f32 v12, $0.0e+00;
	v43 =	vpop (erf);
	v7 =	vadd.f32 $1.000000000e+00, v11;
	v6 =	vsub.f32 $0.0e+00, v6  }
0x157: {  	v44 =	vmul.f32 v43, v42;
	(erf) = vpow2.f32 v41  }
0x158: {  	v45 =	vld [tilespmem:s21+$0x800];
	(erf) = vrcp.f32 v7;
	v6 =	vmul.f32 $1.442695020e+00, v6  }
0x159: {  	v7 =	vsub.f32 v8, v4  }
0x15a: {  	v46 =	vmul.f32 v44, v9  }
0x15b: {  	v7 =	vmul.f32 v7, v3;
	(erf) = vpow2.f32 v6  }
0x15c: {  	v47 =	vld [tilespmem:s22+$0x1000];
	v6 =	vpop (erf)  }
0x15d: {  	[tilespmem:s23+$0x1800] =	vst v46;
	v11 =	vsub.f32 v45, v4;
	v7 =	vmax.f32 v7, $0.0e+00;
	v48 =	vpop (erf);
	v6 =	vadd.f32 $1.000000000e+00, v6  }
0x15e: {  	v49 =	vld [tilespmem:s20+$0x800];
	v7 =	vmul.f32 v48, v7  }
0x15f: {  	v50 =	vld [tilespmem:s21+$0x1000];
	(erf) = vrcp.f32 v6;
	v6 =	vmul.f32 v11, v3  }
0x160: {  	v51 =	vpop (erf)  }
0x161: {  	v52 =	vpop (erf);
	v7 =	vmul.f32 v7, v47;
	v6 =	vmax.f32 v6, $0.0e+00  }
0x162: {  	v6 =	vmul.f32 v52, v6  }
0x163: {  	v53 =	vadd.f32 $1.000000000e+00, v51;
	[tilespmem:s22+$0x1800] =	vst v7  }
0x164: {  	v10 =	vsub.f32 v49, v4;
	v54 =	vld [tilespmem:s18+$0x800];
	v55 =	vpop (erf);
	v6 =	vmul.f32 v6, v50  }
0x165: {  	(erf) = vrcp.f32 v53;
	v11 =	vadd.f32 $1.000000000e+00, v55  }
0x166: {  	v10 =	vmul.f32 v10, v3;
	v56 =	vld [tilespmem:s20+$0x1000];
	[tilespmem:s21+$0x1800] =	vst v6  }
0x167: {  	(erf) = vrcp.f32 v11;
	v57 =	vld [tilespmem:s19+$0x800]  }
0x168: {  	v10 =	vmax.f32 v10, $0.0e+00;
	v58 =	vpop (erf)  }
0x169: {  	v59 =	vsub.f32 v54, v4;
	v10 =	vmul.f32 v58, v10;
	_ =	sdelay $0x1  }
0x16a: {  	v5 =	vadd.f32 v46, v5;
	v61 =	vmul.f32 v59, v3;
	v60 =	vmul.f32 v10, v56  }
0x16b: {  	v62 =	vld [tilespmem:s18+$0x1000];
	v4 =	vsub.f32 v57, v4  }
0x16c: {  	v5 =	vadd.f32 v7, v5;
	v7 =	vmax.f32 v61, $0.0e+00;
	[tilespmem:s20+$0x1800] =	vst v60  }
0x16d: {  	v63 =	vpop (erf);
	v3 =	vmul.f32 v4, v3;
	v4 =	vld [tilespmem:s19+$0x1000]  }
0x16e: {  	v5 =	vadd.f32 v6, v5;
	v6 =	vmul.f32 v63, v7  }
0x16f: {  	v7 =	vpop (erf);
	v3 =	vmax.f32 v3, $0.0e+00  }
0x170: {  	v5 =	vadd.f32 v60, v5;
	v6 =	vmul.f32 v6, v62;
	v3 =	vmul.f32 v7, v3;
	_ =	sdelay $0x1  }
0x171: {  	v5 =	vadd.f32 v6, v5;
	v3 =	vmul.f32 v3, v4;
	_ =	sdelay $0x1  }
0x172: {  	v4 =	vadd.f32 v3, v5;
	_ =	sdelay $0x1  }
0x173: {  	(xrf2) =	vadd.scan.msk.f32 $0xffff, v4;
	_ =	sdelay $0x9  }
0x174: {  	v4, _, _ =	vpop (xrf2)  }
0x175: {  	(v2sf) =	vpush v4, $0xF;
	_ =	sdelay $0xe  }
0x176: {  	s0 =	spop (v2sf)  }
0x177: {  	s0 =	sadd.f32 $9.999999970e-07, s0;
	_ =	sdelay $0x1  }
0x178: {  	v4 =	vmov s0  }
0x179: {  	(erf) = vrcp.f32 v4;
	_ =	sdelay $0x8  }
0x17a: {  	v4 =	vpop (erf)  }
0x17b: {  	v4 =	vnsel vm0, $0x0, v4  }
0x17c: {  	(xrf2) =	vadd.scan.msk.f32 $0xffff, v4;
	_ =	sdelay $0x7  }
0x17d: {  	[tilespmem:s18+$0x1800] =	vst v6  }
0x17e: {  	[tilespmem:s19+$0x1800] =	vst v3;
	s0 =	simm.s32 $0x0  }
0x17f: {  	v4 =	vld [tilespmem:s0+$0x1800];
	v3, _, _ =	vpop (xrf2)  }
0x180: {  	s2 =	simm.s32 $0x40;
	v3 =	vbroadcast v3, $0xF  }
.LBB2_9:
0x181: {  	p2 =	sne.s32 s2, $0x1FC0  }
.Ltmp13:
0x182: {  	_ = 	snop;
	(pc) =	sbr.rel @p2 .LBB2_9-.Ltmp13, $4  }
0x183: {  	_ = 	snop  }
0x184: {  	s18 =	sshra.s32 s2, $0x2;
	s2 =	sadd.s32 $0x40, s2;
	v5 =	vmul.f32 v4, v3  }
0x185: {  	v4 =	vld [tilespmem:s18+$0x1800]  }
0x186: {  	[tilespmem:s0+$0x2000] =	vst v5;
	s0 =	smov.u32 s18  }
0x187: {  	_ =	sdelay $0x2  }
0x188: {  	v3 =	vmul.f32 v4, v3;
	_ =	sdelay $0x1  }
0x189: {  	s30 =	rddreg [dreg:$0xb];
	s1 =	simm.s32 $0x2000;
	[tilespmem:s0+$0x2000] =	vst v3  }
0x18a: {  	[hbm4b:s30+s11] =	stream.strided.scatter [tilespmem:s1], [sflag:$0x1], $0x800, s4, s11, $0x38;
	[tilespmem:$0x3998] =	vst v63  }
0x18b: {  	_ =	swait.ge [sflag:s5], $0x800  }
0x18c: {  	[sflag:s5] =	ssyncset.done $0x0  }
0x18d: {  	s31 =	simm.s32 $0x1800;
	[sflag:s5] =	ssyncadd.s32 $0xFFFFF800  }
0x18e: {  	[spmem:s26] =	stream.linear.scatter [tilespmem:s31], [sflag:$0x1], $0x800, $0x38;
	[tilespmem:$0x3998] =	vst v63  }
0x18f: {  	_ =	swait.ge [sflag:s5], $0x800  }
0x190: {  	[sflag:s5] =	ssyncset.done $0x0  }
0x191: {  	[sflag:s5] =	ssyncadd.s32 $0xFFFFF800  }
0x192: {  	[bflag:$0x0] =	sbarrier.arrive $0xFFFF  }
.LBB2_24:
0x193: {  	[tilespmem:s12], [sflag:$0x1] =	stream.linear.gather [spmem:s26], $0x800, $0x38;
	[tilespmem:$0x3998] =	vst v63  }
0x194: {  	_ =	swait.ge [sflag:s5], $0x800  }
0x195: {  	[sflag:s5] =	ssyncset.done $0x0  }
0x196: {  	[sflag:s5] =	ssyncadd.s32 $0xFFFFF800  }
0x197: {  	[tilespmem:s15], [sflag:$0x1] =	stream.strided.gather [hbm4b:s9+s11], $0x800, s13, s11, $0x38;
	[tilespmem:$0x3998] =	vst v63  }
0x198: {  	_ =	swait.ge [sflag:s5], $0x800  }
0x199: {  	[sflag:s5] =	ssyncset.done $0x0  }
0x19a: {  	s2 =	simm.s32 $0x0;
	[sflag:s5] =	ssyncadd.s32 $0xFFFFF800  }
0x19b: {  	v4 =	vld [tilespmem:s2+$0x2800]  }
0x19c: {  	v5 =	vld [tilespmem:s2+$0x1000]  }
0x19d: {  	v7 =	vld [tilespmem:s2+$0x3000]  }
0x19e: {  	v3 =	vimm.f32 $0.0e+00;
	s0 =	simm.s32 $0x40;
	v6 =	vimm.f32 $0.0e+00  }
.LBB2_25:
0x19f: {  	p2 =	sne.s32 s0, $0x1FC0  }
.Ltmp14:
0x1a0: {  	s2 =	sshra.s32 s0, $0x2;
	v8 =	vmov v4;
	(pc) =	sbr.rel @p2 .LBB2_25-.Ltmp14, $4  }
0x1a1: {  	s0 =	sadd.s32 $0x40, s0;
	v4 =	vld [tilespmem:s2+$0x2800];
	v9 =	vmul.f32 v5, v8  }
0x1a2: {  	v5 =	vld [tilespmem:s2+$0x1000];
	v8 =	vmul.f32 v7, v8  }
0x1a3: {  	v7 =	vld [tilespmem:s2+$0x3000];
	v3 =	vadd.f32 v9, v3  }
0x1a4: {  	v6 =	vadd.f32 v8, v6  }
0x1a5: {  	[tilespmem:s15], [sflag:$0x1] =	stream.strided.gather [hbm4b:s8+s11], $0x800, s13, s11, $0x38;
	[tilespmem:$0x3998] =	vst v63  }
0x1a6: {  	_ =	swait.ge [sflag:s5], $0x800  }
0x1a7: {  	[sflag:s5] =	ssyncset.done $0x0  }
0x1a8: {  	s2 =	simm.s32 $0x0;
	v5 =	vmul.f32 v5, v4;
	[sflag:s5] =	ssyncadd.s32 $0xFFFFF800  }
0x1a9: {  	v7 =	vmul.f32 v7, v4;
	v4 =	vld [tilespmem:s2+$0x2800]  }
0x1aa: {  	v8 =	vadd.f32 v5, v3;
	v5 =	vld [tilespmem:s2+$0x1000]  }
0x1ab: {  	v9 =	vadd.f32 v7, v6;
	v7 =	vld [tilespmem:s2+$0x3000]  }
0x1ac: {  	s0 =	simm.s32 $0x40;
	v3 =	vimm.f32 $0.0e+00;
	v6 =	vimm.f32 $0.0e+00  }
.LBB2_27:
0x1ad: {  	p2 =	sne.s32 s0, $0x1FC0  }
.Ltmp15:
0x1ae: {  	s2 =	sshra.s32 s0, $0x2;
	v10 =	vmov v4;
	(pc) =	sbr.rel @p2 .LBB2_27-.Ltmp15, $4  }
0x1af: {  	s0 =	sadd.s32 $0x40, s0;
	v4 =	vld [tilespmem:s2+$0x2800];
	v11 =	vmul.f32 v5, v10  }
0x1b0: {  	v5 =	vld [tilespmem:s2+$0x1000];
	v10 =	vmul.f32 v7, v10  }
0x1b1: {  	v7 =	vld [tilespmem:s2+$0x3000];
	v3 =	vadd.f32 v11, v3  }
0x1b2: {  	v6 =	vadd.f32 v10, v6  }
0x1b3: {  	(xrf2) =	vadd.scan.msk.f32 $0xffff, v9  }
0x1b4: {  	(xrf2) =	vadd.scan.msk.f32 $0xffff, v8;
	_ =	sdelay $0x8  }
0x1b5: {  	v58, _, _ =	vpop (xrf2)  }
0x1b6: {  	(v2sf) =	vpush v58, $0xF;
	v59, _, _ =	vpop (xrf2)  }
0x1b7: {  	(v2sf) =	vpush v59, $0xF;
	_ =	sdelay $0xd  }
0x1b8: {  	s0 =	spop (v2sf)  }
0x1b9: {  	s2 =	spop (v2sf)  }
0x1ba: {  	s2 =	sadd.f32 $9.999999970e-07, s2;
	_ =	sdelay $0x1  }
0x1bb: {  	v60 =	vmov s2  }
0x1bc: {  	(erf) = vrcp.f32 v60;
	_ =	sdelay $0x7  }
0x1bd: {  	v7 =	vmul.f32 v7, v4  }
0x1be: {  	v61 =	vmul.f32 v5, v4;
	v62 =	vpop (erf)  }
0x1bf: {  	v6 =	vadd.f32 v7, v6;
	v5 =	vnsel vm0, $0x0, v62  }
0x1c0: {  	v3 =	vadd.f32 v61, v3;
	(xrf2) =	vadd.scan.msk.f32 $0xffff, v5  }
0x1c1: {  	(xrf2) =	vadd.scan.msk.f32 $0xffff, v6  }
0x1c2: {  	(xrf2) =	vadd.scan.msk.f32 $0xffff, v3;
	_ =	sdelay $0x7  }
0x1c3: {  	v3, _, _ =	vpop (xrf2)  }
0x1c4: {  	v63, _, _ =	vpop (xrf2);
	(v2sf) =	vpush v3, $0xF  }
0x1c5: {  	(v2sf) =	vpush v63, $0xF;
	v3, _, _ =	vpop (xrf2)  }
0x1c6: {  	(v2sf) =	vpush v3, $0xF;
	_ =	sdelay $0xc  }
0x1c7: {  	s30 =	spop (v2sf)  }
0x1c8: {  	s18 =	spop (v2sf)  }
0x1c9: {  	s19 =	spop (v2sf)  }
0x1ca: {  	s19 =	sadd.f32 $9.999999970e-07, s19;
	_ =	sdelay $0x1  }
0x1cb: {  	v3 =	vmov s19  }
0x1cc: {  	(erf) = vrcp.f32 v3;
	_ =	sdelay $0x8  }
0x1cd: {  	v3 =	vpop (erf)  }
0x1ce: {  	v3 =	vnsel vm0, $0x0, v3  }
0x1cf: {  	(xrf2) =	vadd.scan.msk.f32 $0xffff, v3;
	_ =	sdelay $0x9  }
0x1d0: {  	v3, _, _ =	vpop (xrf2)  }
0x1d1: {  	(v2sf) =	vpush v3, $0xF;
	_ =	sdelay $0xd  }
0x1d2: {  	s0 =	smul.f32 s30, s0  }
0x1d3: {  	s31 =	spop (v2sf)  }
0x1d4: {  	v3 =	vmov s0;
	s2 =	smul.f32 s31, s18  }
0x1d5: {  	v3 =	vnsel vm2, $0x0, v3  }
0x1d6: {  	v3 =	vsel vm3, s2, v3  }
0x1d7: {  	[tilespmem:$0x3800] =	vst v3  }
0x1d8: {  	[spmem:s25] =	stream.linear.scatter [tilespmem:s16], [sflag:$0x1], $0x80, $0x38;
	[tilespmem:$0x3998] =	vst v63  }
.Ltmp16:
0x1d9: {  	_ =	swait.ge [sflag:s5], $0x80;
	(pc) =	sbr.rel @p0 .LBB2_30-.Ltmp16, $3  }
0x1da: {  	[sflag:s5] =	ssyncset.done $0x0  }
0x1db: {  	[sflag:s5] =	ssyncadd.s32 $0xFFFFFF80  }
0x1dc: {  	[bflag:$0x0] =	sbarrier.arrive $0xFFFF;
	_ =	sdelay $0x1  }
0x1dd: {  	s0 =	rddreg [dreg:$0x5]  }
0x1de: {  	[tilespmem:s16], [sflag:$0x1] =	stream.linear.gather [spmem:s0], $0x80, $0x38;
	[tilespmem:$0x3998] =	vst v63  }
0x1df: {  	_ =	swait.ge [sflag:s5], $0x80  }
0x1e0: {  	[sflag:s5] =	ssyncset.done $0x0  }
0x1e1: {  	[sflag:s5] =	ssyncadd.s32 $0xFFFFFF80  }
0x1e2: {  	v3 =	vld [tilespmem:$0x3800];
	_ =	sdelay $0x4  }
0x1e3: {  	vm5 =	vcmask $0x308;
	v4 =	vnsel vm0, $0x0, v3  }
0x1e4: {  	v3 =	vsel vm5, $0x0, v3;
	(xrf2) =	vadd.scan.msk.f32 $0xffff, v4  }
0x1e5: {  	(xrf2) =	vadd.scan.msk.f32 $0xffff, v3;
	_ =	sdelay $0x8  }
0x1e6: {  	s18 =	rddreg [dreg:$0xe];
	v3, _, _ =	vpop (xrf2)  }
0x1e7: {  	[tilespmem:s16], [sflag:$0x1] =	stream.linear.gather [spmem:s18], $0x80, $0x38;
	v56, _, _ =	vpop (xrf2);
	[tilespmem:$0x3998] =	vst v63  }
0x1e8: {  	_ =	swait.ge [sflag:s5], $0x80  }
0x1e9: {  	[sflag:s5] =	ssyncset.done $0x0  }
0x1ea: {  	[sflag:s5] =	ssyncadd.s32 $0xFFFFFF80  }
0x1eb: {  	v5 =	vld [tilespmem:$0x3800];
	_ =	sdelay $0x4  }
0x1ec: {  	v6 =	vnsel vm0, $0x0, v5  }
0x1ed: {  	v5 =	vsel vm5, $0x0, v5;
	(xrf2) =	vadd.scan.msk.f32 $0xffff, v6  }
0x1ee: {  	(xrf2) =	vadd.scan.msk.f32 $0xffff, v5;
	_ =	sdelay $0x8  }
0x1ef: {  	s19 =	rddreg [dreg:$0xf];
	v6, _, _ =	vpop (xrf2)  }
0x1f0: {  	[tilespmem:s16], [sflag:$0x1] =	stream.linear.gather [spmem:s19], $0x80, $0x38;
	v5, _, _ =	vpop (xrf2);
	[tilespmem:$0x3998] =	vst v63  }
0x1f1: {  	_ =	swait.ge [sflag:s5], $0x80  }
0x1f2: {  	[sflag:s5] =	ssyncset.done $0x0  }
0x1f3: {  	[sflag:s5] =	ssyncadd.s32 $0xFFFFFF80  }
0x1f4: {  	v7 =	vld [tilespmem:$0x3800];
	_ =	sdelay $0x4  }
0x1f5: {  	v8 =	vnsel vm0, $0x0, v7  }
0x1f6: {  	v7 =	vsel vm5, $0x0, v7;
	(xrf2) =	vadd.scan.msk.f32 $0xffff, v8  }
0x1f7: {  	(xrf2) =	vadd.scan.msk.f32 $0xffff, v7;
	_ =	sdelay $0x8  }
0x1f8: {  	s20 =	rddreg [dreg:$0x10];
	v9, _, _ =	vpop (xrf2)  }
0x1f9: {  	[tilespmem:s16], [sflag:$0x1] =	stream.linear.gather [spmem:s20], $0x80, $0x38;
	v57, _, _ =	vpop (xrf2);
	[tilespmem:$0x3998] =	vst v63  }
0x1fa: {  	_ =	swait.ge [sflag:s5], $0x80  }
0x1fb: {  	[sflag:s5] =	ssyncset.done $0x0  }
0x1fc: {  	[sflag:s5] =	ssyncadd.s32 $0xFFFFFF80  }
0x1fd: {  	v58 =	vld [tilespmem:$0x3800];
	_ =	sdelay $0x4  }
0x1fe: {  	v10 =	vnsel vm0, $0x0, v58  }
0x1ff: {  	v7 =	vsel vm5, $0x0, v58;
	(xrf2) =	vadd.scan.msk.f32 $0xffff, v10  }
0x200: {  	(xrf2) =	vadd.scan.msk.f32 $0xffff, v7;
	_ =	sdelay $0x8  }
0x201: {  	s21 =	rddreg [dreg:$0x11];
	v11, _, _ =	vpop (xrf2)  }
0x202: {  	[tilespmem:s16], [sflag:$0x1] =	stream.linear.gather [spmem:s21], $0x80, $0x38;
	v59, _, _ =	vpop (xrf2);
	[tilespmem:$0x3998] =	vst v63  }
0x203: {  	_ =	swait.ge [sflag:s5], $0x80  }
0x204: {  	[sflag:s5] =	ssyncset.done $0x0  }
0x205: {  	[sflag:s5] =	ssyncadd.s32 $0xFFFFFF80  }
0x206: {  	v60 =	vld [tilespmem:$0x3800];
	_ =	sdelay $0x4  }
0x207: {  	v12 =	vnsel vm0, $0x0, v60  }
0x208: {  	v7 =	vsel vm5, $0x0, v60;
	(xrf2) =	vadd.scan.msk.f32 $0xffff, v12  }
0x209: {  	(xrf2) =	vadd.scan.msk.f32 $0xffff, v7;
	_ =	sdelay $0x8  }
0x20a: {  	s22 =	rddreg [dreg:$0x12];
	v13, _, _ =	vpop (xrf2)  }
0x20b: {  	[tilespmem:s16], [sflag:$0x1] =	stream.linear.gather [spmem:s22], $0x80, $0x38;
	v61, _, _ =	vpop (xrf2);
	[tilespmem:$0x3998] =	vst v63  }
0x20c: {  	_ =	swait.ge [sflag:s5], $0x80  }
0x20d: {  	[sflag:s5] =	ssyncset.done $0x0  }
0x20e: {  	[sflag:s5] =	ssyncadd.s32 $0xFFFFFF80  }
0x20f: {  	v62 =	vld [tilespmem:$0x3800];
	_ =	sdelay $0x4  }
0x210: {  	v14 =	vnsel vm0, $0x0, v62  }
0x211: {  	v7 =	vsel vm5, $0x0, v62;
	(xrf2) =	vadd.scan.msk.f32 $0xffff, v14  }
0x212: {  	(xrf2) =	vadd.scan.msk.f32 $0xffff, v7;
	_ =	sdelay $0x8  }
0x213: {  	s23 =	rddreg [dreg:$0x13];
	v15, _, _ =	vpop (xrf2)  }
0x214: {  	[tilespmem:s16], [sflag:$0x1] =	stream.linear.gather [spmem:s23], $0x80, $0x38;
	v63, _, _ =	vpop (xrf2);
	[tilespmem:$0x3998] =	vst v63  }
0x215: {  	_ =	swait.ge [sflag:s5], $0x80  }
0x216: {  	[sflag:s5] =	ssyncset.done $0x0  }
0x217: {  	[sflag:s5] =	ssyncadd.s32 $0xFFFFFF80  }
0x218: {  	v34 =	vld [tilespmem:$0x3800];
	_ =	sdelay $0x4  }
0x219: {  	v16 =	vnsel vm0, $0x0, v34  }
0x21a: {  	v7 =	vsel vm5, $0x0, v34;
	(xrf2) =	vadd.scan.msk.f32 $0xffff, v16  }
0x21b: {  	(xrf2) =	vadd.scan.msk.f32 $0xffff, v7;
	_ =	sdelay $0x8  }
0x21c: {  	s24 =	rddreg [dreg:$0x14];
	v16, _, _ =	vpop (xrf2)  }
0x21d: {  	[tilespmem:s16], [sflag:$0x1] =	stream.linear.gather [spmem:s24], $0x80, $0x38;
	v17, _, _ =	vpop (xrf2);
	[tilespmem:$0x3998] =	vst v63  }
0x21e: {  	_ =	swait.ge [sflag:s5], $0x80  }
0x21f: {  	[sflag:s5] =	ssyncset.done $0x0  }
0x220: {  	[sflag:s5] =	ssyncadd.s32 $0xFFFFFF80  }
0x221: {  	v35 =	vld [tilespmem:$0x3800];
	_ =	sdelay $0x4  }
0x222: {  	v18 =	vnsel vm0, $0x0, v35  }
0x223: {  	v7 =	vsel vm5, $0x0, v35;
	(xrf2) =	vadd.scan.msk.f32 $0xffff, v18  }
0x224: {  	(xrf2) =	vadd.scan.msk.f32 $0xffff, v7;
	_ =	sdelay $0x8  }
0x225: {  	s28 =	rddreg [dreg:$0x15];
	v18, _, _ =	vpop (xrf2)  }
0x226: {  	[tilespmem:s16], [sflag:$0x1] =	stream.linear.gather [spmem:s28], $0x80, $0x38;
	v7, _, _ =	vpop (xrf2);
	[tilespmem:$0x3998] =	vst v63  }
0x227: {  	_ =	swait.ge [sflag:s5], $0x80  }
0x228: {  	[sflag:s5] =	ssyncset.done $0x0  }
0x229: {  	[sflag:s5] =	ssyncadd.s32 $0xFFFFFF80  }
0x22a: {  	v19 =	vld [tilespmem:$0x3800];
	_ =	sdelay $0x4  }
0x22b: {  	v20 =	vnsel vm0, $0x0, v19  }
0x22c: {  	v19 =	vsel vm5, $0x0, v19;
	(xrf2) =	vadd.scan.msk.f32 $0xffff, v20  }
0x22d: {  	(xrf2) =	vadd.scan.msk.f32 $0xffff, v19;
	_ =	sdelay $0x8  }
0x22e: {  	s29 =	rddreg [dreg:$0x16];
	v19, _, _ =	vpop (xrf2)  }
0x22f: {  	[tilespmem:s16], [sflag:$0x1] =	stream.linear.gather [spmem:s29], $0x80, $0x38;
	v36, _, _ =	vpop (xrf2);
	[tilespmem:$0x3998] =	vst v63  }
0x230: {  	_ =	swait.ge [sflag:s5], $0x80  }
0x231: {  	[sflag:s5] =	ssyncset.done $0x0  }
0x232: {  	[sflag:s5] =	ssyncadd.s32 $0xFFFFFF80  }
0x233: {  	v21 =	vld [tilespmem:$0x3800];
	_ =	sdelay $0x4  }
0x234: {  	v22 =	vnsel vm0, $0x0, v21  }
0x235: {  	v21 =	vsel vm5, $0x0, v21;
	(xrf2) =	vadd.scan.msk.f32 $0xffff, v22  }
0x236: {  	(xrf2) =	vadd.scan.msk.f32 $0xffff, v21;
	_ =	sdelay $0x8  }
0x237: {  	s30 =	rddreg [dreg:$0x19];
	v37, _, _ =	vpop (xrf2)  }
0x238: {  	[tilespmem:s16], [sflag:$0x1] =	stream.linear.gather [spmem:s30], $0x80, $0x38;
	v38, _, _ =	vpop (xrf2);
	[tilespmem:$0x3998] =	vst v63  }
0x239: {  	_ =	swait.ge [sflag:s5], $0x80  }
0x23a: {  	[sflag:s5] =	ssyncset.done $0x0  }
0x23b: {  	[sflag:s5] =	ssyncadd.s32 $0xFFFFFF80  }
0x23c: {  	v23 =	vld [tilespmem:$0x3800];
	_ =	sdelay $0x4  }
0x23d: {  	v24 =	vnsel vm0, $0x0, v23  }
0x23e: {  	v23 =	vsel vm5, $0x0, v23;
	(xrf2) =	vadd.scan.msk.f32 $0xffff, v24  }
0x23f: {  	(xrf2) =	vadd.scan.msk.f32 $0xffff, v23;
	_ =	sdelay $0x8  }
0x240: {  	s31 =	rddreg [dreg:$0x1a];
	v39, _, _ =	vpop (xrf2)  }
0x241: {  	[tilespmem:s16], [sflag:$0x1] =	stream.linear.gather [spmem:s31], $0x80, $0x38;
	v40, _, _ =	vpop (xrf2);
	[tilespmem:$0x3998] =	vst v63  }
0x242: {  	_ =	swait.ge [sflag:s5], $0x80  }
0x243: {  	[sflag:s5] =	ssyncset.done $0x0  }
0x244: {  	[sflag:s5] =	ssyncadd.s32 $0xFFFFFF80  }
0x245: {  	v25 =	vld [tilespmem:$0x3800];
	_ =	sdelay $0x4  }
0x246: {  	v26 =	vnsel vm0, $0x0, v25  }
0x247: {  	v25 =	vsel vm5, $0x0, v25;
	(xrf2) =	vadd.scan.msk.f32 $0xffff, v26  }
0x248: {  	(xrf2) =	vadd.scan.msk.f32 $0xffff, v25;
	_ =	sdelay $0x8  }
0x249: {  	s1 =	rddreg [dreg:$0x1b];
	v41, _, _ =	vpop (xrf2)  }
0x24a: {  	[tilespmem:s16], [sflag:$0x1] =	stream.linear.gather [spmem:s1], $0x80, $0x38;
	v42, _, _ =	vpop (xrf2);
	[tilespmem:$0x3998] =	vst v63  }
0x24b: {  	_ =	swait.ge [sflag:s5], $0x80  }
0x24c: {  	[sflag:s5] =	ssyncset.done $0x0  }
0x24d: {  	[sflag:s5] =	ssyncadd.s32 $0xFFFFFF80  }
0x24e: {  	v27 =	vld [tilespmem:$0x3800];
	_ =	sdelay $0x4  }
0x24f: {  	v28 =	vnsel vm0, $0x0, v27  }
0x250: {  	v27 =	vsel vm5, $0x0, v27;
	(xrf2) =	vadd.scan.msk.f32 $0xffff, v28  }
0x251: {  	(xrf2) =	vadd.scan.msk.f32 $0xffff, v27;
	_ =	sdelay $0x8  }
0x252: {  	s2 =	rddreg [dreg:$0x1c];
	v43, _, _ =	vpop (xrf2)  }
0x253: {  	[tilespmem:s16], [sflag:$0x1] =	stream.linear.gather [spmem:s2], $0x80, $0x38;
	v28, _, _ =	vpop (xrf2);
	[tilespmem:$0x3998] =	vst v63  }
0x254: {  	_ =	swait.ge [sflag:s5], $0x80  }
0x255: {  	[sflag:s5] =	ssyncset.done $0x0  }
0x256: {  	[sflag:s5] =	ssyncadd.s32 $0xFFFFFF80  }
0x257: {  	v29 =	vld [tilespmem:$0x3800];
	_ =	sdelay $0x4  }
0x258: {  	v30 =	vnsel vm0, $0x0, v29  }
0x259: {  	v29 =	vsel vm5, $0x0, v29;
	(xrf2) =	vadd.scan.msk.f32 $0xffff, v30  }
0x25a: {  	(xrf2) =	vadd.scan.msk.f32 $0xffff, v29;
	_ =	sdelay $0x8  }
0x25b: {  	s3 =	rddreg [dreg:$0x1d];
	v29, _, _ =	vpop (xrf2)  }
0x25c: {  	[tilespmem:s16], [sflag:$0x1] =	stream.linear.gather [spmem:s3], $0x80, $0x38;
	v30, _, _ =	vpop (xrf2);
	[tilespmem:$0x3998] =	vst v63  }
0x25d: {  	_ =	swait.ge [sflag:s5], $0x80  }
0x25e: {  	[sflag:s5] =	ssyncset.done $0x0  }
0x25f: {  	[sflag:s5] =	ssyncadd.s32 $0xFFFFFF80  }
0x260: {  	v31 =	vld [tilespmem:$0x3800];
	_ =	sdelay $0x4  }
0x261: {  	v32 =	vnsel vm0, $0x0, v31  }
0x262: {  	v31 =	vsel vm5, $0x0, v31;
	(xrf2) =	vadd.scan.msk.f32 $0xffff, v32  }
0x263: {  	(xrf2) =	vadd.scan.msk.f32 $0xffff, v31;
	_ =	sdelay $0x8  }
0x264: {  	s6 =	rddreg [dreg:$0x1e];
	v31, _, _ =	vpop (xrf2)  }
0x265: {  	[tilespmem:s16], [sflag:$0x1] =	stream.linear.gather [spmem:s6], $0x80, $0x38;
	v32, _, _ =	vpop (xrf2);
	[tilespmem:$0x3998] =	vst v63  }
0x266: {  	_ =	swait.ge [sflag:s5], $0x80  }
0x267: {  	[sflag:s5] =	ssyncset.done $0x0  }
0x268: {  	[sflag:s5] =	ssyncadd.s32 $0xFFFFFF80  }
0x269: {  	v33 =	vld [tilespmem:$0x3800];
	_ =	sdelay $0x4  }
0x26a: {  	v34 =	vnsel vm0, $0x0, v33  }
0x26b: {  	v33 =	vsel vm5, $0x0, v33;
	(xrf2) =	vadd.scan.msk.f32 $0xffff, v34  }
0x26c: {  	v45 =	vld [tilespmem:$0x1FF10];
	(xrf2) =	vadd.scan.msk.f32 $0xffff, v33  }
0x26d: {  	v3 =	vbroadcast v3, $0xF;
	v4 =	vbroadcast v56, $0xF;
	v47 =	vld [tilespmem:$0x1FF20]  }
0x26e: {  	v6 =	vbroadcast v6, $0xF;
	v44 =	vbroadcast v5, $0xF;
	v49 =	vld [tilespmem:$0x1FF30]  }
0x26f: {  	v46 =	vbroadcast v9, $0xF;
	v48 =	vbroadcast v57, $0xF;
	v51 =	vld [tilespmem:$0x1FF40]  }
0x270: {  	v50 =	vbroadcast v11, $0xF;
	v52 =	vbroadcast v59, $0xF;
	v53 =	vld [tilespmem:$0x1FF50]  }
0x271: {  	vm15 =	vcmask $0x70C;
	v54 =	vbroadcast v13, $0xF;
	v56 =	vbroadcast v61, $0xF;
	v55 =	vld [tilespmem:$0x1FF60]  }
0x272: {  	v3 =	vsel vm0, v3, v4;
	v58 =	vbroadcast v15, $0xF;
	v60 =	vbroadcast v63, $0xF;
	v57 =	vld [tilespmem:$0x1FF70]  }
0x273: {  	v63 =	vbroadcast v16, $0xF;
	v13 =	vbroadcast v17, $0xF;
	v59 =	vld [tilespmem:$0x1FF80];
	vm1 =	vnez.u8 v45  }
0x274: {  	v15 =	vbroadcast v18, $0xF;
	v62 =	vld [tilespmem:$0x1FF90];
	vm2 =	vnez.u8 v47;
	v3 =	vsel vm1, v3, v6  }
0x275: {  	v19 =	vbroadcast v19, $0xF;
	v12 =	vld [tilespmem:$0x1FFA0];
	s10 =	rddreg [dreg:$0x6];
	vm3 =	vnez.u8 v49;
	v3 =	vsel vm2, v3, v44;
	v61, _, _ =	vpop (xrf2)  }
0x276: {  	v35 =	vbroadcast v37, $0xF;
	[tilespmem:s16], [sflag:$0x1] =	stream.linear.gather [spmem:s10], $0x80, $0x38;
	vm4 =	vnez.u8 v51;
	v3 =	vsel vm3, v3, v46;
	v6, _, _ =	vpop (xrf2);
	[tilespmem:$0x3998] =	vst v63  }
0x277: {  	v37 =	vbroadcast v39, $0xF;
	vm6 =	vnez.u8 v53;
	v3 =	vsel vm4, v3, v48;
	_ =	swait.ge [sflag:s5], $0x80  }
0x278: {  	v43 =	vbroadcast v43, $0xF;
	vm7 =	vnez.u8 v55;
	v3 =	vsel vm6, v3, v50;
	v14 =	vld [tilespmem:$0x1FFB0]  }
0x279: {  	vm8 =	vnez.u8 v57;
	vm9 =	vnez.u8 v59;
	v3 =	vsel vm7, v3, v52;
	v16 =	vld [tilespmem:$0x1FFC0]  }
0x27a: {  	vm10 =	vnez.u8 v62;
	vm11 =	vnez.u8 v12;
	v3 =	vsel vm8, v3, v54;
	v17 =	vld [tilespmem:$0x1FFD0]  }
0x27b: {  	v45 =	vbroadcast v29, $0xF;
	v51 =	vbroadcast v32, $0xF;
	v3 =	vsel vm9, v3, v56;
	v18 =	vld [tilespmem:$0x1FFE0]  }
0x27c: {  	v33 =	vbroadcast v36, $0xF;
	v36 =	vbroadcast v38, $0xF;
	v3 =	vsel vm10, v3, v58  }
0x27d: {  	v38 =	vbroadcast v40, $0xF;
	v3 =	vsel vm11, v3, v60;
	vm12 =	vnez.u8 v14  }
0x27e: {  	v4 =	vsel vm0, v19, v33;
	vm13 =	vnez.u8 v16;
	v3 =	vsel vm12, v3, v63  }
0x27f: {  	v4 =	vsel vm1, v4, v35;
	[sflag:s5] =	ssyncset.done $0x0;
	vm14 =	vnez.u8 v17;
	v3 =	vsel vm13, v3, v13  }
0x280: {  	v4 =	vsel vm2, v4, v36;
	s12 =	rddreg [dreg:$0x1f];
	[sflag:s5] =	ssyncadd.s32 $0xFFFFFF80;
	vm5 =	vnez.u8 v18;
	v3 =	vsel vm14, v3, v15  }
0x281: {  	v40 =	vbroadcast v41, $0xF;
	v4 =	vsel vm3, v4, v37;
	v5 =	vld [tilespmem:$0x3800];
	[tilespmem:s16], [sflag:$0x1] =	stream.linear.gather [spmem:s12], $0x80, $0x38;
	v3 =	vsel vm5, v3, v7  }
0x282: {  	v41 =	vbroadcast v42, $0xF;
	v4 =	vsel vm4, v4, v38;
	_ =	swait.ge [sflag:s5], $0x80;
	v34 =	vnsel vm0, $0x0, v3  }
0x283: {  	v44 =	vbroadcast v28, $0xF;
	vm1 =	vcmask $0x308;
	v4 =	vsel vm6, v4, v40;
	(xrf2) =	vadd.scan.msk.f32 $0xffff, v34  }
0x284: {  	v46 =	vbroadcast v30, $0xF;
	v4 =	vsel vm7, v4, v41;
	v39 =	vsel vm1, $0x0, v3  }
0x285: {  	v4 =	vsel vm8, v4, v43;
	vm8 =	vcmask $0xB10;
	v42 =	vsel vm15, $0x0, v3;
	(xrf2) =	vadd.scan.msk.f32 $0xffff, v39  }
0x286: {  	v48 =	vbroadcast v31, $0xF;
	v4 =	vsel vm9, v4, v44;
	v47 =	vsel vm8, $0x0, v3;
	(xrf2) =	vadd.scan.msk.f32 $0xffff, v42  }
0x287: {  	vm6 =	vcmask $0x3F10;
	vm9 =	vcmask $0xF14;
	v4 =	vsel vm10, v4, v45;
	(xrf2) =	vadd.scan.msk.f32 $0xffff, v47  }
0x288: {  	vm7 =	vcmask $0x3F18;
	v4 =	vsel vm11, v4, v46;
	v52 =	vsel vm9, $0x0, v3  }
0x289: {  	v8 =	vbroadcast v61, $0xF;
	vm11 =	vcmask $0x1318;
	v4 =	vsel vm12, v4, v48;
	(xrf2) =	vadd.scan.msk.f32 $0xffff, v52  }
0x28a: {  	vm10 =	vcmask $0x3F04;
	v4 =	vsel vm13, v4, v51;
	v55 =	vsel vm11, $0x0, v3  }
0x28b: {  	vm12 =	vcmask $0x171C;
	vm13 =	vcmask $0x2B30;
	v4 =	vsel vm14, v4, v8;
	(xrf2) =	vadd.scan.msk.f32 $0xffff, v55  }
0x28c: {  	vm14 =	vcmask $0x3F08;
	v4 =	vsel vm5, v4, v6;
	v56 =	vsel vm12, $0x0, v3  }
0x28d: {  	vm15 =	vcmask $0x3F0C;
	vm9 =	vcmask $0x2328;
	vm8 =	vcmask $0x3F1C;
	(xrf2) =	vadd.scan.msk.f32 $0xffff, v56;
	v49, _, _ =	vpop (xrf2)  }
0x28e: {  	v29 =	vsel vm13, $0x0, v3;
	vm11 =	vcmask $0x3F20;
	v50 =	vbroadcast v49, $0xF  }
0x28f: {  	v41 =	vnsel vm0, $0x0, v4;
	v23 =	vsel vm9, $0x0, v3;
	v39 =	vsel vm5, $0x0, v7;
	v53, _, _ =	vpop (xrf2)  }
0x290: {  	vm5 =	vcmask $0x3F3C;
	v10 =	vbroadcast v53, $0xF;
	v54, _, _ =	vpop (xrf2);
	vm1 =	veq.f32 v50, v3  }
0x291: {  	vm2 =	vgt.f32 v50, v3;
	v11 =	vbroadcast v54, $0xF;
	v57, _, _ =	vpop (xrf2);
	vm1 =	vmand vm1, vm10  }
0x292: {  	vm3 =	vge.f32 v10, v4;
	v59 =	vbroadcast v57, $0xF;
	vm10 =	vcmask $0x3F14  }
0x293: {  	v62, _, _ =	vpop (xrf2);
	v57 =	vsel vm12, $0x0, v4;
	vm1 =	vmor vm2, vm1;
	vm2 =	veq.f32 v10, v3  }
0x294: {  	vm4 =	vgt.f32 v11, v3;
	v58 =	vsel vm3, $0x1, v0;
	v63 =	vbroadcast v62, $0xF  }
0x295: {  	v20, _, _ =	vpop (xrf2);
	v62 =	vsel vm9, $0x0, v4;
	v8 =	vsel vm1, $0x1, v0;
	vm1 =	vge.f32 v50, v4  }
0x296: {  	vm2 =	vmand vm2, vm14;
	vm14 =	vcmask $0x1B20;
	v22 =	vbroadcast v20, $0xF  }
0x297: {  	v25, _, _ =	vpop (xrf2);
	v9 =	vsel vm1, $0x1, v0;
	vm1 =	vgt.f32 v10, v3;
	v60 =	vsel vm14, $0x0, v3  }
0x298: {  	v17 =	vbroadcast v25, $0xF;
	vm1 =	vmor vm1, vm2;
	vm2 =	veq.f32 v11, v3  }
0x299: {  	v12 =	vadd.s32 v58, v9;
	vm2 =	vmand vm2, vm15;
	v10 =	vsel vm1, $0x1, v0  }
0x29a: {  	vm1 =	vge.f32 v11, v4;
	vm15 =	vcmask $0x3F2C;
	vm2 =	vmor vm4, vm2  }
0x29b: {  	v61 =	vsel vm1, $0x1, v0;
	vm1 =	vgt.f32 v59, v3;
	vm4 =	vcmask $0x3338  }
0x29c: {  	(xrf2) =	vadd.scan.msk.f32 $0xffff, v60;
	v9 =	vsel vm2, $0x1, v0;
	vm2 =	veq.f32 v59, v3;
	v12 =	vadd.s32 v61, v12  }
0x29d: {  	v34 =	vsel vm4, $0x0, v3;
	vm4 =	vcmask $0x373C;
	vm2 =	vmand vm2, vm6  }
0x29e: {  	vm6 =	vcmask $0x1F24;
	v36 =	vsel vm4, $0x0, v3;
	vm4 =	vcmask $0x1318  }
0x29f: {  	vm1 =	vmor vm1, vm2;
	vm2 =	vge.f32 v59, v4;
	v21 =	vsel vm6, $0x0, v3  }
0x2a0: {  	v54 =	vsel vm4, $0x0, v4;
	v59 =	vsel vm14, $0x0, v4;
	v60 =	vsel vm6, $0x0, v4  }
0x2a1: {  	vm14 =	vcmask $0x3F08;
	v11 =	vsel vm1, $0x1, v0;
	vm1 =	veq.f32 v63, v3  }
0x2a2: {  	v19 =	vsel vm2, $0x1, v0;
	vm2 =	vgt.f32 v63, v3;
	vm1 =	vmand vm1, vm10  }
0x2a3: {  	(xrf2) =	vadd.scan.msk.f32 $0xffff, v21;
	v14 =	vadd.s32 v19, v12;
	vm1 =	vmor vm2, vm1;
	vm2 =	vge.f32 v63, v4  }
0x2a4: {  	v12 =	vsel vm1, $0x1, v0;
	v24 =	vsel vm2, $0x1, v0;
	vm1 =	veq.f32 v22, v3  }
0x2a5: {  	(xrf2) =	vadd.scan.msk.f32 $0xffff, v23;
	vm2 =	vgt.f32 v22, v3;
	vm1 =	vmand vm1, vm7;
	v14 =	vadd.s32 v24, v14  }
0x2a6: {  	v27, _, _ =	vpop (xrf2);
	vm7 =	vcmask $0x3F24;
	vm1 =	vmor vm2, vm1;
	vm2 =	vge.f32 v22, v4  }
0x2a7: {  	v16 =	vbroadcast v27, $0xF;
	v13 =	vsel vm1, $0x1, v0;
	vm1 =	veq.f32 v17, v3  }
0x2a8: {  	v26 =	vsel vm2, $0x1, v0;
	vm2 =	vgt.f32 v17, v3;
	vm1 =	vmand vm1, vm8  }
0x2a9: {  	vm8 =	vcmask $0x272C;
	v15 =	vadd.s32 v26, v14;
	vm3 =	vge.f32 v16, v4  }
0x2aa: {  	v28 =	vsel vm8, $0x0, v3;
	vm1 =	vmor vm2, vm1;
	vm2 =	vge.f32 v17, v4  }
0x2ab: {  	v31 =	vsel vm3, $0x1, v0;
	(xrf2) =	vadd.scan.msk.f32 $0xffff, v28;
	v14 =	vsel vm1, $0x1, v0;
	vm1 =	veq.f32 v16, v3  }
0x2ac: {  	v17 =	vsel vm2, $0x1, v0;
	vm2 =	vgt.f32 v16, v3;
	vm1 =	vmand vm1, vm11;
	(xrf2) =	vadd.scan.msk.f32 $0xffff, v29  }
0x2ad: {  	v17 =	vadd.s32 v17, v15;
	v30, _, _ =	vpop (xrf2);
	vm11 =	vcmask $0x3F28;
	vm1 =	vmor vm2, vm1  }
0x2ae: {  	v16 =	vbroadcast v30, $0xF;
	v17 =	vadd.s32 v31, v17;
	v30 =	vimm.s32 $0x0  }
0x2af: {  	v32, _, _ =	vpop (xrf2);
	v31 =	vimm.s32 $0x0;
	v15 =	vsel vm1, $0x1, v0;
	vm1 =	vcmask $0x2F34  }
0x2b0: {  	v18 =	vbroadcast v32, $0xF;
	v33 =	vsel vm1, $0x0, v3;
	vm2 =	veq.f32 v16, v3  }
0x2b1: {  	vm1 =	vgt.f32 v16, v3;
	vm3 =	vge.f32 v16, v4;
	(xrf2) =	vadd.scan.msk.f32 $0xffff, v33;
	vm2 =	vmand vm2, vm7  }
0x2b2: {  	v35 =	vsel vm3, $0x1, v0;
	vm1 =	vmor vm1, vm2;
	vm2 =	veq.f32 v18, v3  }
0x2b3: {  	vm3 =	vgt.f32 v18, v3;
	(xrf2) =	vadd.scan.msk.f32 $0xffff, v34;
	v17 =	vadd.s32 v35, v17;
	vm2 =	vmand vm2, vm11  }
0x2b4: {  	v34 =	vsel vm8, $0x0, v4;
	v16 =	vsel vm1, $0x1, v0;
	(xrf2) =	vadd.scan.msk.f32 $0xffff, v36;
	vm1 =	vmor vm3, vm2  }
0x2b5: {  	vm2 =	vge.f32 v18, v4;
	(xrf2) =	vadd.scan.msk.f32 $0xffff, v39;
	vm3 =	vcmask $0x308;
	v39 =	vsel vm13, $0x0, v4;
	v37, _, _ =	vpop (xrf2)  }
0x2b6: {  	v7 =	vsel vm1, $0x1, v0;
	v40 =	vsel vm2, $0x1, v0;
	v38 =	vbroadcast v37, $0xF;
	v42, _, _ =	vpop (xrf2)  }
0x2b7: {  	v43 =	vsel vm3, $0x0, v4;
	v17 =	vadd.s32 v40, v17;
	v44 =	vbroadcast v42, $0xF  }
0x2b8: {  	(xrf2) =	vadd.scan.msk.f32 $0xffff, v41;
	vm1 =	vgt.f32 v38, v3;
	vm2 =	veq.f32 v38, v3;
	vm3 =	vge.f32 v38, v4  }
0x2b9: {  	(xrf2) =	vadd.scan.msk.f32 $0xffff, v43;
	vm2 =	vmand vm2, vm15;
	v45 =	vsel vm3, $0x1, v0;
	vm3 =	vcmask $0x3F30  }
0x2ba: {  	vm7 =	vmor vm1, vm2;
	v21 =	vadd.s32 v45, v17;
	vm2 =	vcmask $0x70C  }
0x2bb: {  	vm1 =	veq.f32 v44, v3;
	v46, _, _ =	vpop (xrf2);
	v47 =	vsel vm2, $0x0, v4;
	vm2 =	vgt.f32 v44, v3  }
0x2bc: {  	vm1 =	vmand vm1, vm3;
	v48 =	vbroadcast v46, $0xF;
	vm3 =	vcmask $0xF14  }
0x2bd: {  	v49, _, _ =	vpop (xrf2);
	vm11 =	vmor vm2, vm1;
	vm1 =	vge.f32 v44, v4;
	vm2 =	vcmask $0xB10  }
0x2be: {  	v23 =	vbroadcast v49, $0xF;
	v51 =	vsel vm3, $0x0, v4;
	vm3 =	vcmask $0x3F34  }
0x2bf: {  	(xrf2) =	vadd.scan.msk.f32 $0xffff, v47;
	v53, _, _ =	vpop (xrf2);
	v47 =	vsel vm7, $0x1, v0;
	v50 =	vsel vm2, $0x0, v4;
	vm2 =	veq.f32 v48, v3  }
0x2c0: {  	v52 =	vsel vm1, $0x1, v0;
	vm1 =	vgt.f32 v48, v3;
	v25 =	vbroadcast v53, $0xF;
	v55, _, _ =	vpop (xrf2)  }
0x2c1: {  	vm2 =	vmand vm2, vm3;
	vm3 =	veq.f32 v23, v3;
	v63 =	vbroadcast v55, $0xF  }
0x2c2: {  	(xrf2) =	vadd.scan.msk.f32 $0xffff, v50;
	v56, _, _ =	vpop (xrf2);
	v21 =	vadd.s32 v52, v21;
	vm4 =	vmor vm1, vm2;
	vm2 =	vcmask $0x3F38  }
0x2c3: {  	(xrf2) =	vadd.scan.msk.f32 $0xffff, v51;
	vm1 =	vgt.f32 v23, v3;
	v18 =	vbroadcast v56, $0xF;
	v58, _, _ =	vpop (xrf2);
	vm2 =	vmand vm3, vm2  }
0x2c4: {  	(xrf2) =	vadd.scan.msk.f32 $0xffff, v54;
	vm3 =	vgt.f32 v25, v3;
	v17 =	vbroadcast v58, $0xF;
	v54 =	vsel vm11, $0x1, v0  }
0x2c5: {  	v56 =	vsel vm4, $0x1, v0;
	vm2 =	vmor vm1, vm2;
	vm1 =	veq.f32 v25, v3  }
0x2c6: {  	vm4 =	vge.f32 v25, v4;
	vm11 =	vcmask $0x3F34;
	(xrf2) =	vadd.scan.msk.f32 $0xffff, v57;
	vm1 =	vmand vm1, vm5  }
0x2c7: {  	vm5 =	vcmask $0x3F04;
	vm12 =	vmor vm3, vm1;
	vm3 =	veq.f32 v18, v4  }
0x2c8: {  	v58 =	vsel vm4, $0x1, v0;
	(xrf2) =	vadd.scan.msk.f32 $0xffff, v59;
	vm1 =	vgt.f32 v18, v4;
	vm3 =	vmand vm3, vm5  }
0x2c9: {  	vm6 =	veq.f32 v17, v4;
	v57 =	vsel vm2, $0x1, v0;
	vm1 =	vmor vm1, vm3  }
0x2ca: {  	vm6 =	vmand vm6, vm14;
	vm5 =	vgt.f32 v17, v4;
	v61, _, _ =	vpop (xrf2);
	v20 =	vsel vm1, $0xFFFFFFFF, v30  }
0x2cb: {  	(xrf2) =	vadd.scan.msk.f32 $0xffff, v60;
	vm1 =	vmor vm5, vm6;
	vm5 =	vcmask $0x3F0C;
	v19 =	vbroadcast v61, $0xF  }
0x2cc: {  	[tilespmem:$0x1FEF0] =	vst v20;
	v20 =	vsel vm1, $0xFFFFFFFF, v31;
	v32, _, _ =	vpop (xrf2);
	(xrf2) =	vadd.scan.msk.f32 $0xffff, v62;
	v62 =	vsel vm12, $0x1, v0  }
0x2cd: {  	vm12 =	vge.f32 v63, v4;
	vm1 =	veq.f32 v19, v4;
	v26 =	vbroadcast v32, $0xF;
	v33, _, _ =	vpop (xrf2)  }
0x2ce: {  	vm3 =	vgt.f32 v19, v4;
	vm1 =	vmand vm1, vm5;
	v29 =	vbroadcast v33, $0xF  }
0x2cf: {  	v35, _, _ =	vpop (xrf2);
	vm5 =	vcmask $0x3F10;
	vm8 =	vmor vm3, vm1;
	vm3 =	veq.f32 v26, v4  }
0x2d0: {  	vm1 =	vgt.f32 v26, v4;
	v28 =	vbroadcast v35, $0xF;
	v36, _, _ =	vpop (xrf2);
	vm3 =	vmand vm3, vm5  }
0x2d1: {  	vm5 =	veq.f32 v29, v4;
	v37 =	vbroadcast v36, $0xF;
	v36 =	vsel vm8, $0x1, v0  }
0x2d2: {  	(xrf2) =	vadd.scan.msk.f32 $0xffff, v34;
	v38, _, _ =	vpop (xrf2);
	vm9 =	vmor vm1, vm3;
	vm1 =	vgt.f32 v29, v4;
	vm3 =	vmand vm5, vm10  }
0x2d3: {  	vm5 =	vcmask $0x3F18;
	v40 =	vbroadcast v38, $0xF;
	vm10 =	vmor vm1, vm3  }
0x2d4: {  	vm1 =	veq.f32 v28, v4;
	vm3 =	vgt.f32 v28, v4;
	v38 =	vsel vm9, $0x1, v0  }
0x2d5: {  	(xrf2) =	vadd.scan.msk.f32 $0xffff, v39;
	vm1 =	vmand vm1, vm5;
	vm5 =	vcmask $0x3F1C;
	v39 =	vsel vm10, $0x1, v0  }
0x2d6: {  	vm13 =	vmor vm3, vm1;
	vm1 =	veq.f32 v37, v4;
	v41, _, _ =	vpop (xrf2);
	vm3 =	vgt.f32 v37, v4  }
0x2d7: {  	[tilespmem:$0x1FF00] =	vst v20;
	vm1 =	vmand vm1, vm5;
	v20 =	vbroadcast v41, $0xF;
	vm5 =	vcmask $0x3F20  }
0x2d8: {  	vm14 =	vmor vm3, vm1;
	vm1 =	vgt.f32 v40, v4;
	vm3 =	veq.f32 v40, v4;
	v42, _, _ =	vpop (xrf2)  }
0x2d9: {  	vm3 =	vmand vm3, vm5;
	vm5 =	veq.f32 v20, v4;
	v31 =	vbroadcast v42, $0xF  }
0x2da: {  	vm6 =	vmor vm1, vm3;
	vm1 =	vgt.f32 v20, v4;
	vm3 =	vcmask $0x3F24  }
0x2db: {  	vm3 =	vmand vm5, vm3;
	vm0 =	veq.f32 v31, v4;
	vm5 =	vcmask $0x2F34  }
0x2dc: {  	v43, _, _ =	vpop (xrf2);
	v44 =	vsel vm5, $0x0, v4;
	vm5 =	vmor vm1, vm3;
	vm3 =	vcmask $0x3F28  }
0x2dd: {  	v33 =	vbroadcast v43, $0xF;
	vm1 =	vgt.f32 v31, v4;
	vm0 =	vmand vm0, vm3  }
0x2de: {  	v42 =	vsel vm14, $0x1, v0;
	vm3 =	vmor vm1, vm0;
	vm1 =	vcmask $0x3338  }
0x2df: {  	v43 =	vsel vm6, $0x1, v0;
	vm0 =	veq.f32 v33, v4;
	v45 =	vsel vm1, $0x0, v4  }
0x2e0: {  	v51 =	vld [tilespmem:$0x1FFE0];
	vm0 =	vmand vm0, vm15;
	vm15 =	vgt.f32 v63, v3;
	vm1 =	vgt.f32 v33, v4  }
0x2e1: {  	v34 =	vld [tilespmem:$0x1FEF0];
	v63 =	vsel vm12, $0x1, v0;
	vm12 =	vgt.f32 v17, v3;
	vm1 =	vmor vm1, vm0  }
0x2e2: {  	(xrf2) =	vadd.scan.msk.f32 $0xffff, v44;
	v46 =	vsel vm15, $0x1, v0;
	vm0 =	vge.f32 v48, v4;
	vm15 =	vcmask $0x373C  }
0x2e3: {  	(xrf2) =	vadd.scan.msk.f32 $0xffff, v45;
	v48, _, _ =	vpop (xrf2);
	v24 =	vsel vm12, $0x1, v0;
	vm12 =	vgt.f32 v29, v3;
	v45 =	vsel vm5, $0x1, v0  }
0x2e4: {  	vm5 =	vgt.f32 v31, v3;
	v10 =	vadd.s32 v46, v10;
	v22 =	vbroadcast v48, $0xF  }
0x2e5: {  	v49 =	vsel vm15, $0x0, v4;
	v50 =	vsel vm0, $0x1, v0;
	vm0 =	vge.f32 v23, v4  }
0x2e6: {  	vm15 =	vnez.u8 v51;
	v27 =	vsel vm12, $0x1, v0;
	vm12 =	vnez.u8 v34  }
0x2e7: {  	v46 =	vsel vm5, $0x1, v0;
	v8 =	vadd.s32 v8, v10;
	v6 =	vsel vm15, $0x0, v6  }
0x2e8: {  	v52 =	vsel vm0, $0x1, v0;
	vm15 =	vcmask $0x3F30;
	v53 =	vadd.s32 v50, v21  }
0x2e9: {  	(xrf2) =	vadd.scan.msk.f32 $0xffff, v49;
	v49 =	vsel vm1, $0x1, v0;
	v8 =	vadd.s32 v9, v8;
	vm0 =	veq.f32 v22, v4  }
0x2ea: {  	(xrf2) =	vadd.scan.msk.f32 $0xffff, v6;
	v6 =	vadd.s32 v52, v53;
	vm1 =	vgt.f32 v22, v3;
	v8 =	vadd.s32 v11, v8  }
0x2eb: {  	vm0 =	vmand vm0, vm15;
	vm15 =	vgt.f32 v22, v4;
	v8 =	vadd.s32 v12, v8  }
0x2ec: {  	v6 =	vadd.s32 v58, v6;
	v50 =	vsel vm1, $0x1, v0;
	v8 =	vadd.s32 v13, v8;
	v55, _, _ =	vpop (xrf2)  }
0x2ed: {  	vm0 =	vmor vm15, vm0;
	v8 =	vadd.s32 v14, v8;
	v10 =	vbroadcast v55, $0xF  }
0x2ee: {  	vm15 =	vcmask $0x3F38;
	v6 =	vadd.s32 v63, v6;
	v8 =	vadd.s32 v15, v8  }
0x2ef: {  	v51 =	vsel vm0, $0x1, v0;
	v8 =	vadd.s32 v16, v8;
	vm2 =	veq.f32 v10, v4  }
0x2f0: {  	v59, _, _ =	vpop (xrf2);
	vm4 =	vgt.f32 v10, v4;
	v7 =	vadd.s32 v7, v8;
	vm0 =	vgt.f32 v10, v3  }
0x2f1: {  	v14 =	vbroadcast v59, $0xF;
	vm2 =	vmand vm2, vm11;
	v7 =	vadd.s32 v47, v7  }
0x2f2: {  	v47 =	vsel vm3, $0x1, v0;
	vm3 =	vgt.f32 v33, v3;
	v10 =	vsel vm0, $0x1, v0  }
0x2f3: {  	vm2 =	vmor vm4, vm2;
	v7 =	vadd.s32 v54, v7;
	v48 =	vsel vm3, $0x1, v0  }
0x2f4: {  	v60, _, _ =	vpop (xrf2);
	vm4 =	veq.f32 v14, v4;
	vm7 =	vgt.f32 v14, v4;
	v7 =	vadd.s32 v56, v7  }
0x2f5: {  	v61, _, _ =	vpop (xrf2);
	vm0 =	vgt.f32 v14, v3;
	v8 =	vbroadcast v60, $0xF;
	v52 =	vsel vm2, $0x1, v0  }
0x2f6: {  	vm2 =	vcmask $0x3F3C;
	vm4 =	vmand vm4, vm15;
	v9 =	vbroadcast v61, $0xF  }
0x2f7: {  	vm15 =	vgt.f32 v18, v3;
	v7 =	vadd.s32 v57, v7;
	v53 =	vsel vm0, $0x1, v0  }
0x2f8: {  	v35 =	vld [tilespmem:$0x1FF00];
	vm4 =	vmor vm7, vm4;
	v21 =	vsel vm15, $0x1, v0;
	v7 =	vadd.s32 v62, v7  }
0x2f9: {  	vm15 =	vgt.f32 v19, v3;
	vm0 =	vgt.f32 v8, v3;
	vm1 =	veq.f32 v8, v4  }
0x2fa: {  	vm11 =	vgt.f32 v9, v3;
	v25 =	vsel vm15, $0x1, v0;
	vm15 =	vgt.f32 v28, v3  }
0x2fb: {  	v23 =	vsel vm11, $0x1, v0;
	vm11 =	vgt.f32 v26, v3;
	v29 =	vsel vm15, $0x1, v0  }
0x2fc: {  	v7 =	vadd.s32 v23, v7;
	v26 =	vsel vm11, $0x1, v0;
	vm11 =	vgt.f32 v9, v4  }
0x2fd: {  	vm15 =	vnez.u8 v35;
	v7 =	vadd.s32 v21, v7;
	v9 =	vsel vm11, $0x1, v0  }
0x2fe: {  	vm11 =	vgt.f32 v37, v3;
	v6 =	vadd.s32 v9, v6;
	v9 =	vsel vm12, $0x1, v0  }
0x2ff: {  	v7 =	vadd.s32 v24, v7;
	v6 =	vadd.s32 v9, v6;
	v9 =	vsel vm15, $0x1, v0  }
0x300: {  	v37 =	vsel vm11, $0x1, v0;
	v7 =	vadd.s32 v25, v7;
	v6 =	vadd.s32 v9, v6  }
0x301: {  	vm12 =	vgt.f32 v40, v3;
	v7 =	vadd.s32 v26, v7;
	v6 =	vadd.s32 v36, v6  }
0x302: {  	v40 =	vsel vm13, $0x1, v0;
	v7 =	vadd.s32 v27, v7;
	v6 =	vadd.s32 v38, v6  }
0x303: {  	vm13 =	vgt.f32 v20, v3;
	v7 =	vadd.s32 v29, v7;
	v6 =	vadd.s32 v39, v6  }
0x304: {  	v41 =	vsel vm12, $0x1, v0;
	v7 =	vadd.s32 v37, v7;
	v6 =	vadd.s32 v40, v6  }
0x305: {  	v44 =	vsel vm13, $0x1, v0;
	v7 =	vadd.s32 v41, v7;
	v6 =	vadd.s32 v42, v6  }
0x306: {  	v54 =	vsel vm4, $0x1, v0;
	v7 =	vadd.s32 v44, v7;
	v6 =	vadd.s32 v43, v6  }
0x307: {  	v57 =	vld [tilespmem:$0x1FFF0];
	v55 =	vsel vm0, $0x1, v0;
	v7 =	vadd.s32 v46, v7;
	v6 =	vadd.s32 v45, v6  }
0x308: {  	vm0 =	vgt.f32 v8, v4;
	v7 =	vadd.s32 v48, v7;
	v6 =	vadd.s32 v47, v6  }
0x309: {  	vm1 =	vmand vm1, vm2;
	v7 =	vadd.s32 v50, v7;
	v6 =	vadd.s32 v49, v6  }
0x30a: {  	vm0 =	vmor vm0, vm1;
	v7 =	vadd.s32 v10, v7;
	v6 =	vadd.s32 v51, v6  }
0x30b: {  	v56 =	vsel vm0, $0x1, v0;
	v7 =	vadd.s32 v53, v7;
	v6 =	vadd.s32 v52, v6  }
0x30c: {  	vm15 =	vnez.u8 v57;
	v7 =	vadd.s32 v55, v7;
	v6 =	vadd.s32 v54, v6  }
0x30d: {  	v5 =	vnsel vm15, $0x0, v5;
	vm4 =	veq.s32 v7, $0x0;
	v6 =	vadd.s32 v56, v6  }
0x30e: {  	v59 =	vor.u32 $0x10, v1;
	(xrf2) =	vadd.scan.msk.f32 $0xffff, v5;
	v58 =	vnsel vm4, $0x0, v1;
	vm6 =	veq.s32 v6, $0x0  }
0x30f: {  	vm1 =	veq.s32 v7, $0x1;
	(xrf0) =	vadd.scan.msk.s32 $0xffff, v58;
	v60 =	vnsel vm6, $0x0, v59  }
0x310: {  	v61 =	vnsel vm1, $0x0, v1;
	vm7 =	veq.s32 v6, $0x1;
	(xrf0) =	vadd.scan.msk.s32 $0xffff, v60  }
0x311: {  	vm2 =	veq.s32 v7, $0x2;
	v62 =	vnsel vm7, $0x0, v59;
	(xrf0) =	vadd.scan.msk.s32 $0xffff, v61  }
0x312: {  	v63 =	vnsel vm2, $0x0, v1;
	vm5 =	veq.s32 v6, $0x2;
	(xrf0) =	vadd.scan.msk.s32 $0xffff, v62  }
0x313: {  	vm3 =	veq.s32 v7, $0x3;
	v12 =	vnsel vm5, $0x0, v59;
	(xrf0) =	vadd.scan.msk.s32 $0xffff, v63  }
0x314: {  	v13 =	vnsel vm3, $0x0, v1;
	vm8 =	veq.s32 v6, $0x3;
	(xrf0) =	vadd.scan.msk.s32 $0xffff, v12  }
0x315: {  	vm9 =	veq.s32 v7, $0x4;
	v14 =	vnsel vm8, $0x0, v59;
	v15, _, _ =	vpop (xrf0);
	(xrf0) =	vadd.scan.msk.s32 $0xffff, v13  }
0x316: {  	v16 =	vnsel vm9, $0x0, v1;
	vm10 =	veq.s32 v6, $0x4;
	(v2sf) =	vpush v15, $0xF;
	(xrf0) =	vadd.scan.msk.s32 $0xffff, v14;
	v17, _, _ =	vpop (xrf0)  }
0x317: {  	vm11 =	veq.s32 v7, $0x5;
	v18 =	vnsel vm10, $0x0, v59;
	(xrf0) =	vadd.scan.msk.s32 $0xffff, v16;
	(v2sf) =	vpush v17, $0xF;
	v19, _, _ =	vpop (xrf0)  }
0x318: {  	v20 =	vnsel vm11, $0x0, v1;
	vm12 =	veq.s32 v6, $0x5;
	(xrf0) =	vadd.scan.msk.s32 $0xffff, v18;
	(v2sf) =	vpush v19, $0xF;
	v21, _, _ =	vpop (xrf0)  }
0x319: {  	vm13 =	veq.s32 v7, $0x6;
	v23 =	vnsel vm12, $0x0, v59;
	(xrf0) =	vadd.scan.msk.s32 $0xffff, v20;
	(v2sf) =	vpush v21, $0xF;
	v22, _, _ =	vpop (xrf0)  }
0x31a: {  	v25 =	vnsel vm13, $0x0, v1;
	vm14 =	veq.s32 v6, $0x6;
	(v2sf) =	vpush v22, $0xF;
	v24, _, _ =	vpop (xrf0);
	(xrf0) =	vadd.scan.msk.s32 $0xffff, v23  }
0x31b: {  	v6 =	vnsel vm14, $0x0, v59;
	(v2sf) =	vpush v24, $0xF;
	(xrf0) =	vadd.scan.msk.s32 $0xffff, v25;
	v26, _, _ =	vpop (xrf0)  }
0x31c: {  	(v2sf) =	vpush v26, $0xF;
	v27, _, _ =	vpop (xrf0);
	(xrf0) =	vadd.scan.msk.s32 $0xffff, v6  }
0x31d: {  	v28, _, _ =	vpop (xrf0);
	(v2sf) =	vpush v27, $0xF  }
0x31e: {  	[sflag:s5] =	ssyncset.done $0x0;
	v29, _, _ =	vpop (xrf0);
	(v2sf) =	vpush v28, $0xF  }
0x31f: {  	[sflag:s5] =	ssyncadd.s32 $0xFFFFFF80;
	v30, _, _ =	vpop (xrf0);
	(v2sf) =	vpush v29, $0xF  }
0x320: {  	v32 =	vld [tilespmem:$0x3800];
	v31, _, _ =	vpop (xrf0);
	(v2sf) =	vpush v30, $0xF  }
0x321: {  	(v2sf) =	vpush v31, $0xF;
	v33, _, _ =	vpop (xrf0)  }
0x322: {  	(v2sf) =	vpush v33, $0xF;
	v34, _, _ =	vpop (xrf0)  }
0x323: {  	v35, _, _ =	vpop (xrf2);
	(v2sf) =	vpush v34, $0xF  }
0x324: {  	(v2sf) =	vpush v35, $0xF  }
0x325: {  	v36 =	vnsel vm15, $0x0, v32;
	s0 =	spop (v2sf)  }
0x326: {  	(xrf2) =	vadd.scan.msk.f32 $0xffff, v36;
	s2 =	spop (v2sf)  }
0x327: {  	s30 =	spop (v2sf)  }
0x328: {  	s31 =	spop (v2sf)  }
0x329: {  	s12 =	smov.u32 s7;
	s7 =	smov.u32 s26;
	s26 =	spop (v2sf)  }
0x32a: {  	s29 =	spop (v2sf)  }
0x32b: {  	s24 =	spop (v2sf)  }
0x32c: {  	s28 =	spop (v2sf)  }
0x32d: {  	s22 =	spop (v2sf)  }
0x32e: {  	s23 =	spop (v2sf)  }
0x32f: {  	s20 =	spop (v2sf)  }
0x330: {  	v5, _, _ =	vpop (xrf2);
	s21 =	spop (v2sf)  }
0x331: {  	(v2sf) =	vpush v5, $0xF;
	s18 =	spop (v2sf)  }
0x332: {  	s19 =	spop (v2sf)  }
0x333: {  	s6 =	spop (v2sf)  }
0x334: {  	s6 =	ssub.f32 $0.0e+00, s6;
	_ =	sdelay $0x1  }
0x335: {  	s6 =	smul.f32 $8.000000000e+00, s6;
	_ =	sdelay $0x1  }
0x336: {  	v37 =	vmov s6  }
0x337: {  	v5 =	vsub.f32 $0.0e+00, v37;
	_ =	sdelay $0x1  }
0x338: {  	v5 =	vmul.f32 $1.442695020e+00, v5;
	_ =	sdelay $0x1  }
0x339: {  	v5 =	vbroadcast v5, $0x0;
	_ =	sdelay $0x1  }
0x33a: {  	(erf) = vpow2.f32 v5  }
0x33b: {  	s13 =	spop (v2sf)  }
0x33c: {  	s6 =	ssub.f32 $0.0e+00, s13;
	_ =	sdelay $0x1  }
0x33d: {  	s6 =	smul.f32 $8.000000000e+00, s6;
	_ =	sdelay $0x1  }
0x33e: {  	v38 =	vmov s6  }
0x33f: {  	v5 =	vsub.f32 $0.0e+00, v38;
	_ =	sdelay $0x1  }
0x340: {  	v5 =	vmul.f32 $1.442695020e+00, v5;
	v39 =	vpop (erf)  }
0x341: {  	v6 =	vadd.f32 $1.000000000e+00, v39  }
0x342: {  	v5 =	vbroadcast v5, $0x0  }
0x343: {  	(erf) = vrcp.f32 v6  }
0x344: {  	(erf) = vpow2.f32 v5;
	_ =	sdelay $0x7  }
0x345: {  	v40 =	vpop (erf)  }
0x346: {  	v41 =	vpop (erf)  }
0x347: {  	v6 =	vadd.f32 $1.000000000e+00, v41;
	_ =	sdelay $0x1  }
0x348: {  	(erf) = vrcp.f32 v6;
	_ =	sdelay $0x8  }
0x349: {  	v6 =	vpop (erf)  }
0x34a: {  	v5 =	vmul.f32 v6, v40;
	_ =	sdelay $0x1  }
0x34b: {  	v5 =	vnsel vm15, $0x0, v5  }
0x34c: {  	v42 =	vnsel vm4, $0x0, v3;
	(xrf2) =	vadd.scan.msk.f32 $0xffff, v5  }
0x34d: {  	v43 =	vnsel vm6, $0x0, v4;
	(xrf2) =	vadd.scan.msk.f32 $0xffff, v42  }
0x34e: {  	v44 =	vnsel vm1, $0x0, v3;
	(xrf2) =	vadd.scan.msk.f32 $0xffff, v43  }
0x34f: {  	v45 =	vnsel vm7, $0x0, v4;
	(xrf2) =	vadd.scan.msk.f32 $0xffff, v44  }
0x350: {  	v46 =	vnsel vm2, $0x0, v3;
	(xrf2) =	vadd.scan.msk.f32 $0xffff, v45  }
0x351: {  	v47 =	vnsel vm5, $0x0, v4;
	(xrf2) =	vadd.scan.msk.f32 $0xffff, v46  }
0x352: {  	v48 =	vnsel vm3, $0x0, v3;
	(xrf2) =	vadd.scan.msk.f32 $0xffff, v47  }
0x353: {  	v49 =	vnsel vm8, $0x0, v4;
	(xrf2) =	vadd.scan.msk.f32 $0xffff, v48  }
0x354: {  	v50 =	vnsel vm9, $0x0, v3;
	(xrf2) =	vadd.scan.msk.f32 $0xffff, v49  }
0x355: {  	(xrf2) =	vadd.scan.msk.f32 $0xffff, v50  }
0x356: {  	v51 =	vnsel vm10, $0x0, v4;
	v52, _, _ =	vpop (xrf2)  }
0x357: {  	(xrf2) =	vadd.scan.msk.f32 $0xffff, v51;
	(v2sf) =	vpush v52, $0xF;
	v53, _, _ =	vpop (xrf2)  }
0x358: {  	v54 =	vnsel vm11, $0x0, v3;
	(v2sf) =	vpush v53, $0xF;
	v55, _, _ =	vpop (xrf2)  }
0x359: {  	v3 =	vnsel vm13, $0x0, v3;
	(xrf2) =	vadd.scan.msk.f32 $0xffff, v54;
	(v2sf) =	vpush v55, $0xF;
	v56, _, _ =	vpop (xrf2)  }
0x35a: {  	v57 =	vnsel vm12, $0x0, v4;
	(v2sf) =	vpush v56, $0xF;
	v58, _, _ =	vpop (xrf2)  }
0x35b: {  	(xrf2) =	vadd.scan.msk.f32 $0xffff, v57;
	(v2sf) =	vpush v58, $0xF;
	v59, _, _ =	vpop (xrf2)  }
0x35c: {  	v4 =	vnsel vm14, $0x0, v4;
	(xrf2) =	vadd.scan.msk.f32 $0xffff, v3;
	(v2sf) =	vpush v59, $0xF;
	v3, _, _ =	vpop (xrf2)  }
0x35d: {  	(xrf2) =	vadd.scan.msk.f32 $0xffff, v4;
	(v2sf) =	vpush v3, $0xF;
	v3, _, _ =	vpop (xrf2)  }
0x35e: {  	v60, _, _ =	vpop (xrf2);
	(v2sf) =	vpush v3, $0xF  }
0x35f: {  	v3, _, _ =	vpop (xrf2);
	(v2sf) =	vpush v60, $0xF  }
0x360: {  	(v2sf) =	vpush v3, $0xF  }
0x361: {  	v61, _, _ =	vpop (xrf2)  }
0x362: {  	(v2sf) =	vpush v61, $0xF  }
0x363: {  	v3, _, _ =	vpop (xrf2)  }
0x364: {  	(v2sf) =	vpush v3, $0xF  }
0x365: {  	v3, _, _ =	vpop (xrf2)  }
0x366: {  	v62, _, _ =	vpop (xrf2);
	s6 =	spop (v2sf);
	(v2sf) =	vpush v3, $0xF  }
0x367: {  	v3, _, _ =	vpop (xrf2);
	s1 =	spop (v2sf);
	(v2sf) =	vpush v62, $0xF  }
0x368: {  	s13 =	smov.u32 s8;
	s8 =	spop (v2sf);
	(v2sf) =	vpush v3, $0xF  }
0x369: {  	s10 =	spop (v2sf)  }
0x36a: {  	s0 =	sadd.s32 s0, s2;
	s1 =	sadd.f32 s8, s1;
	s3 =	spop (v2sf)  }
0x36b: {  	s30 =	sadd.s32 s30, s31;
	s8 =	spop (v2sf);
	s3 =	sadd.f32 s3, s10  }
0x36c: {  	s26 =	sadd.s32 s26, s29;
	p2 =	sgt.f32 s1, $0.0e+00;
	s10 =	spop (v2sf)  }
0x36d: {  	s24 =	sadd.s32 s24, s28;
	s1 =	spop (v2sf);
	p3 =	sgt.f32 s3, $0.0e+00  }
0x36e: {  	s29 =	sadd.s32 s22, s23;
	s8 =	sadd.f32 s10, s8;
	s3 =	spop (v2sf)  }
0x36f: {  	vm2 =	vcmask $0x300;
	s20 =	sadd.s32 s20, s21;
	s6 =	smul.f32 $5.000000000e-01, s6;
	v3 =	vmov s0;
	s2 =	spop (v2sf)  }
0x370: {  	vm3 =	vcmask $0x704;
	v3 =	vnsel vm2, $0x0, v3;
	s1 =	sadd.f32 s3, s1;
	s3 =	simm.f32 $1.000000000e+00;
	p4 =	sgt.f32 s8, $0.0e+00  }
0x371: {  	vm1 =	vcmask $0xB08;
	v3 =	vsel vm3, s30, v3;
	s8 =	simm.f32 $1.000000000e+00;
	s10 =	spop (v2sf);
	s3 =	simm.s32 @!p2 $0x0  }
0x372: {  	vm4 =	vcmask $0xF0C;
	v3 =	vsel vm1, s26, v3;
	s8 =	simm.s32 @!p3 $0x0;
	p2 =	sgt.f32 s1, $0.0e+00;
	s2 =	sadd.f32 s10, s2  }
0x373: {  	vm5 =	vcmask $0x1310;
	v3 =	vsel vm4, s24, v3;
	s1 =	spop (v2sf);
	s10 =	simm.f32 $1.000000000e+00;
	s3 =	smul.f32 s3, s6  }
0x374: {  	vm14 =	vcmask $0x1714;
	v3 =	vsel vm5, s29, v3;
	s8 =	smul.f32 s8, s6;
	s10 =	simm.s32 @!p4 $0x0;
	p3 =	sgt.f32 s2, $0.0e+00  }
0x375: {  	vm0 =	vmmov vm15;
	s18 =	sadd.s32 s18, s19;
	vm15 =	vcmask $0x1B18;
	v3 =	vsel vm14, s20, v3;
	s10 =	smul.f32 s10, s6;
	s28 =	spop (v2sf)  }
0x376: {  	s24 =	simm.s32 $0x0;
	v3 =	vsel vm15, s18, v3;
	s31 =	spop (v2sf);
	s0 =	sadd.f32 s28, s1  }
0x377: {  	s29 =	simm.s32 $0x3880;
	[tilespmem:$0x3880] =	vst v3;
	s28 =	rddreg [dreg:$0x17];
	s21 =	spop (v2sf)  }
0x378: {  	[hbm4b:s28+s24] =	stream.linear.scatter [tilespmem:s29], [sflag:$0x1], $0x80, $0x38;
	[tilespmem:$0x3998] =	vst v63  }
0x379: {  	v63 =	vmov s3;
	s2 =	simm.f32 $1.000000000e+00;
	s1 =	sadd.f32 s21, s31;
	s21 =	simm.f32 $1.000000000e+00  }
0x37a: {  	v4 =	vnsel vm2, $0x0, v63;
	s2 =	simm.s32 @!p3 $0x0;
	s21 =	simm.s32 @!p2 $0x0;
	p2 =	sgt.f32 s0, $0.0e+00  }
0x37b: {  	v4 =	vsel vm3, s8, v4;
	s23 =	smul.f32 s21, s6;
	p3 =	sgt.f32 s1, $0.0e+00;
	s1 =	simm.f32 $1.000000000e+00  }
0x37c: {  	s3 =	simm.f32 $1.000000000e+00;
	s2 =	smul.f32 s2, s6;
	v4 =	vsel vm1, s10, v4;
	s1 =	simm.s32 @!p2 $0x0  }
0x37d: {  	s1 =	smul.f32 s1, s6;
	s3 =	simm.s32 @!p3 $0x0;
	v3 =	vsel vm4, s23, v4  }
0x37e: {  	_ =	swait.ge [sflag:s5], $0x80;
	s30 =	smul.f32 s3, s6;
	v3 =	vsel vm5, s2, v3  }
0x37f: {  	[sflag:s5] =	ssyncset.done $0x0;
	v3 =	vsel vm14, s1, v3  }
0x380: {  	[sflag:s5] =	ssyncadd.s32 $0xFFFFFF80;
	v3 =	vsel vm15, s30, v3  }
.Ltmp17:
0x381: {  	s31 =	rddreg [dreg:$0x18];
	[tilespmem:$0x3800] =	vst v3;
	(pc) =	sbr.rel .LBB2_30-.Ltmp17, $4  }
0x382: {  	[hbm4b:s31+s24] =	stream.linear.scatter [tilespmem:s16], [sflag:$0x1], $0x80, $0x38;
	[tilespmem:$0x3998] =	vst v63  }
0x383: {  	s26 =	smov.u32 s7;
	s7 =	smov.u32 s12;
	_ =	swait.ge [sflag:s5], $0x80  }
0x384: {  	s12 =	simm.s32 $0x3000;
	s8 =	smov.u32 s13;
	[sflag:s5] =	ssyncset.done $0x0  }
0x385: {  	s13 =	simm.s32 $0x400;
	s3 =	simm.s32 $0x1000;
	[sflag:s5] =	ssyncadd.s32 $0xFFFFFF80  }
.LBB2_31:
0x386: {  	_ =	sfence.sel $0x180000  }
0x387: {  	[bflag:$0x0] =	sbarrier.arrive $0xFFFF  }
0x388: {  	_ =	strace $0x90000047  }
0x389: {  	[bflag:$0x2] =	sbarrier.arrive $0xFFFF  }
0x38a: {  	s0 =	rddreg [dreg:$0x8]  }
0x38b: {  	s0 =	sadd.s32 @!p0 $0x100000, s0  }
0x38c: {  	[sflag:s0] =	ssyncadd.tile.s32 @!p0 $0x1;
	_ =	shalt  }
.Lfunc_end2:
_tile_overlayer_lowered:
.L_overlay_start_2:
0x38d: {  	(tag) =	ssettag $0x2  }
0x38e: {  	s0 =	rddreg [dreg:$0x0];
	s2 =	stileid.u32  }
0x38f: {  	s1 =	rddreg [dreg:$0x1];
	p0 =	sne.s32 s2, $0x0  }
0x390: {  	s3 =	rddreg [dreg:$0x2];
	[bflag:$0x3] =	sbarrier.arrive $0xFFFF;
	s2 =	simm.s32 @!p0 $0x1C01  }
0x391: {  	[timem:s3], [sflag:s2] =	dma.local @!p0 [hbm:s0], s1  }
0x392: {  	s0 =	simm.s32 @!p0 $0x1  }
0x393: {  	_ =	swait.ge @!p0 [sflag:s0], s1  }
0x394: {  	s1 =	ssub.s32 @!p0 $0x0, s1;
	[sflag:s0] =	ssyncset.done @!p0 $0x0  }
0x395: {  	[sflag:s0] =	ssyncadd.s32 @!p0 s1  }
0x396: {  	[bflag:$0x3] =	sbarrier.arrive $0xFFFF  }
0x397: {  	_ =	shalt  }

</sc_bundles>
